<compile_context>
chip_gen: v7x
topology: tpu7x:2x2x1
jax: 0.10.2.dev20260603
libtpu: 0.0.44.dev20260713+nightly
codegen_flags: <defaults>
</compile_context>

<pallas_src>
import functools

import jax
import jax.numpy as jnp
from jax import lax
from jax.experimental import pallas as pl
from jax.experimental.pallas import tpu as pltpu
from jax.experimental.pallas import tpu_sc as plsc

B = 256
MARGIN = 0.2
EPS = 1e-8
BIG = 1e30

NC = 2
NS = 16
NW = NC * NS
L = 16
NCHUNK = B // L
APW = B // NW
PMAX = B


def _dist_kernel(x_ref, d_ref):
    x = x_ref[:, :]
    g = lax.dot_general(x, x, (((1,), (1,)), ((), ())),
                        preferred_element_type=jnp.float32)
    r = jnp.sum(x * x, axis=1)
    sq = r[:, None] + r[None, :] - 2.0 * g
    d_ref[:, :] = jnp.sqrt(jnp.maximum(sq, 1e-12))


_compute_dists = pl.pallas_call(
    _dist_kernel,
    out_shape=jax.ShapeDtypeStruct((B, B), jnp.float32),
)


@functools.partial(
    pl.kernel,
    out_type=(
        jax.ShapeDtypeStruct((B, PMAX), jnp.float32),
        jax.ShapeDtypeStruct((B,), jnp.int32),
    ),
    mesh=plsc.VectorSubcoreMesh(core_axis_name="c", subcore_axis_name="s"),
    scratch_types=[
        pltpu.VMEM((APW, B), jnp.float32),
        pltpu.VMEM((B,), jnp.int32),
        pltpu.VMEM((APW, PMAX), jnp.float32),
        pltpu.VMEM((APW,), jnp.int32),
    ],
    compiler_params=pltpu.CompilerParams(needs_layout_passes=False),
)
def _compact_sc(d_hbm, y_hbm, p_hbm, cnt_hbm, d_v, y_v, p_v, c_v):
    wid = lax.axis_index("s") * NC + lax.axis_index("c")
    base = wid * APW
    pltpu.sync_copy(y_hbm, y_v)
    pltpu.sync_copy(d_hbm.at[pl.ds(base, APW)], d_v)

    lane_iota = lax.iota(jnp.int32, L)
    zero_i = jnp.zeros((L,), jnp.int32)
    base_splat = zero_i + base
    lane0 = lane_iota == 0
    ya = [plsc.load_gather(y_v, [base_splat + i]) for i in range(APW)]

    pbases = [zero_i] * APW
    for j in range(NCHUNK):
        yj = y_v[pl.ds(j * L, L)]
        idxj = lane_iota + (j * L)
        for i in range(APW):
            dj = d_v[i, pl.ds(j * L, L)]
            posm = (yj == ya[i]) & (idxj != base_splat + i)
            dest = pbases[i] + plsc.cumsum(posm.astype(jnp.int32)) - 1
            dest = jnp.where(posm, dest, 0)
            plsc.store_scatter(p_v, [zero_i + i, dest], dj, mask=posm)
            pbases[i] = pbases[i] + plsc.all_reduce_population_count(posm)

    for i in range(APW):
        plsc.store_scatter(c_v, [zero_i + i], pbases[i], mask=lane0)

    pltpu.sync_copy(p_v, p_hbm.at[pl.ds(base, APW)])
    pltpu.sync_copy(c_v, cnt_hbm.at[pl.ds(base, APW)])


def _hinge_kernel(d_ref, p_ref, ycol_ref, yrow_ref, cntrow_ref, out_ref,
                  pt_ref):
    dmat = d_ref[:, :]
    same = ycol_ref[:, :] == yrow_ref[:, :]
    dneg = jnp.where(same, jnp.float32(BIG), dmat)

    cnt_row = cntrow_ref[:, :]
    slot_iota = lax.broadcasted_iota(jnp.int32, (B, PMAX), 1)
    cnt_col = jnp.transpose(cnt_row)
    p_clean = jnp.where(slot_iota < cnt_col, p_ref[:, :], jnp.float32(-BIG))

    a_i = lax.broadcasted_iota(jnp.int32, (B, B), 0)
    a_j = lax.broadcasted_iota(jnp.int32, (B, B), 1)
    eye = (a_i == a_j).astype(jnp.float32)
    pt_ref[:, :] = lax.dot_general(p_clean, eye, (((0,), (0,)), ((), ())),
                                   preferred_element_type=jnp.float32)

    hinge_c = jnp.float32(MARGIN - EPS)
    maxp = jnp.max(cnt_row)

    def body(t, acc):
        dp = pt_ref[pl.ds(t, 1), :]
        return acc + jnp.maximum(dp + hinge_c - dneg, 0.0)

    acc = lax.fori_loop(0, maxp, body, jnp.zeros((B, B), jnp.float32))

    npos = cnt_row.astype(jnp.float32)
    s = jnp.sum(acc) + jnp.float32(EPS) * jnp.sum(npos * (255.0 - npos))
    out_ref[0, 0] = s


_tc_hinge = pl.pallas_call(
    _hinge_kernel,
    out_specs=pl.BlockSpec(memory_space=pltpu.SMEM),
    out_shape=jax.ShapeDtypeStruct((1, 1), jnp.float32),
    scratch_shapes=[pltpu.VMEM((PMAX, B), jnp.float32)],
)


def kernel(x, y):
    d = _compute_dists(x)
    p, cnt = _compact_sc(d, y)
    s = _tc_hinge(d, p, y.reshape(B, 1), y.reshape(1, B), cnt.reshape(1, B))
    return s[0, 0]

# --- scband reference (transcript-rebuilt; emitter-appended) ---
"""Pipeline reference for scband-triplet-loss-14233521619194 (READ-ONLY COPY).

The authoritative reference and input builder live on the scoring server;
editing this copy changes nothing except your own understanding.
"""

import jax, jax.numpy as jnp
import numpy as np

MARGIN = 0.2

def setup_inputs(seed: int = 0) -> dict:
    key = jax.random.key(seed)
    kx, ky = jax.random.split(key)
    x = jax.random.normal(kx, (256, 128), dtype=jnp.float32)
    y = jax.random.randint(ky, (256,), 0, 16, dtype=jnp.int32)
    return {"x": x, "y": y}

def reference(x, y):
    # Euclidean pdist -> squareform dense distance matrix
    diffs = x[:, None, :] - x[None, :, :]
    sq = jnp.sum(diffs * diffs, axis=-1)
    # safe sqrt (diagonal is exactly 0; max guard keeps grads finite, matches pdist values)
    D = jnp.sqrt(jnp.maximum(sq, 1e-12))
    B = x.shape[0]
    same = y[:, None] == y[None, :]
    eye = jnp.eye(B, dtype=bool)
    # valid (anchor, positive): same label, anchor != positive
    pos_mask = same & (~eye)
    # valid (anchor, negative): different label
    neg_mask = ~same
    # T[a, p, n] = D[a, p] - D[a, n] + margin, enumerating all triplets like the python loops
    T = D[:, :, None] - D[:, None, :] + MARGIN
    mask = pos_mask[:, :, None] & neg_mask[:, None, :]
    loss = jnp.sum(jnp.where(mask, jnp.clip(T, 1e-08, None), 0.0))
    return loss

if __name__ == "__main__":
    import jax
    _d = setup_inputs()
    print(jax.jit(kernel)(*tuple(_d.values())))

</pallas_src>

<mosaic_0001>
#map = affine_map<(d0, d1) -> (0, 0)>
#map1 = affine_map<(d0, d1) -> (0)>
module attributes {stable_mosaic.version = 14 : i64} {
  func.func @_compact_sc(%arg0: i32, %arg1: i32, %arg2: memref<256x256xf32, #tpu.memory_space<hbm>>, %arg3: memref<256xi32, #tpu.memory_space<hbm>>, %arg4: memref<256x256xf32, #tpu.memory_space<hbm>>, %arg5: memref<256xi32, #tpu.memory_space<hbm>>, %arg6: memref<8x256xf32, #tpu.memory_space<vmem>>, %arg7: memref<256xi32, #tpu.memory_space<vmem>>, %arg8: memref<8x256xf32, #tpu.memory_space<vmem>>, %arg9: memref<8xi32, #tpu.memory_space<vmem>>) attributes {dimension_semantics = [#tpu.dimension_semantics<core_parallel>, #tpu.dimension_semantics<subcore_parallel>], iteration_bounds = array<i64: 2, 16>, scalar_prefetch = 0 : i64, scratch_operands = 4 : i64, tpu.core_type = #tpu.core_type<sc_vector_subcore>, window_params = [{transform_indices = #map}, {transform_indices = #map1}, {transform_indices = #map}, {transform_indices = #map1}]} {
    %mul3A = arith.constant 2 : i32
    %mul3A_0 = arith.muli %arg1, %mul3A : i32
    %add3A = arith.addi %mul3A_0, %arg0 : i32
    %mul3A_1 = arith.constant 8 : i32
    %mul3A_2 = arith.muli %add3A, %mul3A_1 : i32
    "tpu.region"() ({
      %run_scoped3A = tpu.sem_alloc : memref<!tpu.dma_semaphore, #tpu.memory_space<semaphore_mem>>
      tpu.enqueue_dma source(%arg3 : memref<256xi32, #tpu.memory_space<hbm>>) target(%arg7 : memref<256xi32, #tpu.memory_space<vmem>>) target_semaphore(%run_scoped3A : memref<!tpu.dma_semaphore, #tpu.memory_space<semaphore_mem>>)
      tpu.wait_dma2 semaphore(%run_scoped3A : memref<!tpu.dma_semaphore, #tpu.memory_space<semaphore_mem>>) src(%arg3 : memref<256xi32, #tpu.memory_space<hbm>>) dst(%arg7 : memref<256xi32, #tpu.memory_space<vmem>>)
      tpu.yield
    }) : () -> ()
    "tpu.region"() ({
      %run_scoped3A = tpu.sem_alloc : memref<!tpu.dma_semaphore, #tpu.memory_space<semaphore_mem>>
      %dma_start3A = arith.constant 0 : i32
      %dma_start3A_3462 = tpu.memref_slice %arg2[%mul3A_2, %dma_start3A] : memref<256x256xf32, #tpu.memory_space<hbm>> -> memref<8x256xf32, #tpu.memory_space<hbm>>
      %dma_start3A_3463 = arith.constant 0 : i32
      %dma_start3A_3464 = tpu.memref_slice %arg2[%mul3A_2, %dma_start3A_3463] : memref<256x256xf32, #tpu.memory_space<hbm>> -> memref<8x256xf32, #tpu.memory_space<hbm>>
      tpu.enqueue_dma source(%dma_start3A_3464 : memref<8x256xf32, #tpu.memory_space<hbm>>) target(%arg6 : memref<8x256xf32, #tpu.memory_space<vmem>>) target_semaphore(%run_scoped3A : memref<!tpu.dma_semaphore, #tpu.memory_space<semaphore_mem>>)
      %dma_wait3A = arith.constant 0 : i32
      %dma_wait3A_3465 = tpu.memref_slice %arg2[%mul3A_2, %dma_wait3A] : memref<256x256xf32, #tpu.memory_space<hbm>> -> memref<8x256xf32, #tpu.memory_space<hbm>>
      %dma_wait3A_3466 = arith.constant 0 : i32
      %dma_wait3A_3467 = tpu.memref_slice %arg2[%mul3A_2, %dma_wait3A_3466] : memref<256x256xf32, #tpu.memory_space<hbm>> -> memref<8x256xf32, #tpu.memory_space<hbm>>
      tpu.wait_dma2 semaphore(%run_scoped3A : memref<!tpu.dma_semaphore, #tpu.memory_space<semaphore_mem>>) src(%dma_wait3A_3467 : memref<8x256xf32, #tpu.memory_space<hbm>>) dst(%arg6 : memref<8x256xf32, #tpu.memory_space<vmem>>)
      tpu.yield
    }) : () -> ()
    %iota3A = tpu.iota {dimensions = array<i32: 0>} : vector<16xi32>
    %broadcast_in_dim3A = arith.constant 0 : i32
    %broadcast_in_dim3A_3 = vector.broadcast %broadcast_in_dim3A : i32 to vector<16xi32>
    %add3A_4 = vector.broadcast %mul3A_2 : i32 to vector<16xi32>
    %add3A_5 = arith.addi %broadcast_in_dim3A_3, %add3A_4 : vector<16xi32>
    %eq3A = arith.constant 0 : i32
    %eq3A_6 = vector.broadcast %eq3A : i32 to vector<16xi32>
    %eq3A_7 = arith.cmpi eq, %iota3A, %eq3A_6 : vector<16xi32>
    %add3A_8 = arith.constant 0 : i32
    %add3A_9 = vector.broadcast %add3A_8 : i32 to vector<16xi32>
    %add3A_10 = arith.addi %add3A_5, %add3A_9 : vector<16xi32>
    %gather3A = tpu.vector_load_idx %arg7[%add3A_10] : memref<256xi32, #tpu.memory_space<vmem>>[vector<16xi32>], vector<16xi32>,
    %add3A_11 = arith.constant 1 : i32
    %add3A_12 = vector.broadcast %add3A_11 : i32 to vector<16xi32>
    %add3A_13 = arith.addi %add3A_5, %add3A_12 : vector<16xi32>
    %gather3A_14 = tpu.vector_load_idx %arg7[%add3A_13] : memref<256xi32, #tpu.memory_space<vmem>>[vector<16xi32>], vector<16xi32>,
    %add3A_15 = arith.constant 2 : i32
    %add3A_16 = vector.broadcast %add3A_15 : i32 to vector<16xi32>
    %add3A_17 = arith.addi %add3A_5, %add3A_16 : vector<16xi32>
    %gather3A_18 = tpu.vector_load_idx %arg7[%add3A_17] : memref<256xi32, #tpu.memory_space<vmem>>[vector<16xi32>], vector<16xi32>,
    %add3A_19 = arith.constant 3 : i32
    %add3A_20 = vector.broadcast %add3A_19 : i32 to vector<16xi32>
    %add3A_21 = arith.addi %add3A_5, %add3A_20 : vector<16xi32>
    %gather3A_22 = tpu.vector_load_idx %arg7[%add3A_21] : memref<256xi32, #tpu.memory_space<vmem>>[vector<16xi32>], vector<16xi32>,
    %add3A_23 = arith.constant 4 : i32
    %add3A_24 = vector.broadcast %add3A_23 : i32 to vector<16xi32>
    %add3A_25 = arith.addi %add3A_5, %add3A_24 : vector<16xi32>
    %gather3A_26 = tpu.vector_load_idx %arg7[%add3A_25] : memref<256xi32, #tpu.memory_space<vmem>>[vector<16xi32>], vector<16xi32>,
    %add3A_27 = arith.constant 5 : i32
    %add3A_28 = vector.broadcast %add3A_27 : i32 to vector<16xi32>
    %add3A_29 = arith.addi %add3A_5, %add3A_28 : vector<16xi32>
    %gather3A_30 = tpu.vector_load_idx %arg7[%add3A_29] : memref<256xi32, #tpu.memory_space<vmem>>[vector<16xi32>], vector<16xi32>,
    %add3A_31 = arith.constant 6 : i32
    %add3A_32 = vector.broadcast %add3A_31 : i32 to vector<16xi32>
    %add3A_33 = arith.addi %add3A_5, %add3A_32 : vector<16xi32>
    %gather3A_34 = tpu.vector_load_idx %arg7[%add3A_33] : memref<256xi32, #tpu.memory_space<vmem>>[vector<16xi32>], vector<16xi32>,
    %add3A_35 = arith.constant 7 : i32
    %add3A_36 = vector.broadcast %add3A_35 : i32 to vector<16xi32>
    %add3A_37 = arith.addi %add3A_5, %add3A_36 : vector<16xi32>
    %gather3A_38 = tpu.vector_load_idx %arg7[%add3A_37] : memref<256xi32, #tpu.memory_space<vmem>>[vector<16xi32>], vector<16xi32>,
    %get3A = arith.constant 0 : index
    %get3A_39 = tpu.vector_load %arg7[%get3A] {strides = array<i32>} : memref<256xi32, #tpu.memory_space<vmem>>, vector<16xi32>,
    %add3A_40 = arith.constant 0 : i32
    %add3A_41 = vector.broadcast %add3A_40 : i32 to vector<16xi32>
    %add3A_42 = arith.addi %iota3A, %add3A_41 : vector<16xi32>
    %get3A_43 = arith.constant 0 : i32
    %get3A_44 = arith.index_cast %get3A_43 : i32 to index
    %get3A_45 = arith.constant 0 : index
    %get3A_46 = tpu.vector_load %arg6[%get3A_44, %get3A_45] {strides = array<i32>} : memref<8x256xf32, #tpu.memory_space<vmem>>, vector<16xf32>,
    %eq3A_47 = arith.cmpi eq, %get3A_39, %gather3A : vector<16xi32>
    %add3A_48 = arith.constant 0 : i32
    %add3A_49 = vector.broadcast %add3A_48 : i32 to vector<16xi32>
    %add3A_50 = arith.addi %add3A_5, %add3A_49 : vector<16xi32>
    %ne3A = arith.cmpi ne, %add3A_42, %add3A_50 : vector<16xi32>
    %and3A = arith.andi %eq3A_47, %ne3A : vector<16xi1>
    %convert_element_type3A = arith.extui %and3A : vector<16xi1> to vector<16xi32>
    %broadcast_in_dim3A_51 = arith.constant true
    %broadcast_in_dim3A_52 = vector.broadcast %broadcast_in_dim3A_51 : i1 to vector<16xi1>
    %masked_cumsum3A = tpu.scan <sum>, %convert_element_type3A masked %broadcast_in_dim3A_52 : vector<16xi32>, vector<16xi1> -> vector<16xi32>
    %add3A_53 = arith.addi %broadcast_in_dim3A_3, %masked_cumsum3A : vector<16xi32>
    %sub3A = arith.constant 1 : i32
    %sub3A_54 = vector.broadcast %sub3A : i32 to vector<16xi32>
    %sub3A_55 = arith.subi %add3A_53, %sub3A_54 : vector<16xi32>
    %jit3A = arith.constant 0 : i32
    %broadcast_in_dim3A_56 = vector.broadcast %jit3A : i32 to vector<16xi32>
    %select_n3A = arith.select %and3A, %sub3A_55, %broadcast_in_dim3A_56 : vector<16xi1>, vector<16xi32>
    %add3A_57 = arith.constant 0 : i32
    %add3A_58 = vector.broadcast %add3A_57 : i32 to vector<16xi32>
    %add3A_59 = arith.addi %broadcast_in_dim3A_3, %add3A_58 : vector<16xi32>
    tpu.vector_store_idx %arg8[%add3A_59, %select_n3A], %get3A_46 masked %and3A : memref<8x256xf32, #tpu.memory_space<vmem>>[vector<16xi32>, vector<16xi32>], vector<16xf32>, vector<16xi1>
    %all_reduce_population_count3A = tpu.all_reduce %and3A {dim = 0 : i64, kind = #tpu.reduction_kind<sum>} : vector<16xi1> -> vector<16xi32>
    %add3A_60 = arith.addi %broadcast_in_dim3A_3, %all_reduce_population_count3A : vector<16xi32>
    %get3A_61 = arith.constant 1 : i32
    %get3A_62 = arith.index_cast %get3A_61 : i32 to index
    %get3A_63 = arith.constant 0 : index
    %get3A_64 = tpu.vector_load %arg6[%get3A_62, %get3A_63] {strides = array<i32>} : memref<8x256xf32, #tpu.memory_space<vmem>>, vector<16xf32>,
    %eq3A_65 = arith.cmpi eq, %get3A_39, %gather3A_14 : vector<16xi32>
    %add3A_66 = arith.constant 1 : i32
    %add3A_67 = vector.broadcast %add3A_66 : i32 to vector<16xi32>
    %add3A_68 = arith.addi %add3A_5, %add3A_67 : vector<16xi32>
    %ne3A_69 = arith.cmpi ne, %add3A_42, %add3A_68 : vector<16xi32>
    %and3A_70 = arith.andi %eq3A_65, %ne3A_69 : vector<16xi1>
    %convert_element_type3A_71 = arith.extui %and3A_70 : vector<16xi1> to vector<16xi32>
    %broadcast_in_dim3A_72 = arith.constant true
    %broadcast_in_dim3A_73 = vector.broadcast %broadcast_in_dim3A_72 : i1 to vector<16xi1>
    %masked_cumsum3A_74 = tpu.scan <sum>, %convert_element_type3A_71 masked %broadcast_in_dim3A_73 : vector<16xi32>, vector<16xi1> -> vector<16xi32>
    %add3A_75 = arith.addi %broadcast_in_dim3A_3, %masked_cumsum3A_74 : vector<16xi32>
    %sub3A_76 = arith.constant 1 : i32
    %sub3A_77 = vector.broadcast %sub3A_76 : i32 to vector<16xi32>
    %sub3A_78 = arith.subi %add3A_75, %sub3A_77 : vector<16xi32>
    %jit3A_79 = arith.constant 0 : i32
    %broadcast_in_dim3A_80 = vector.broadcast %jit3A_79 : i32 to vector<16xi32>
    %select_n3A_81 = arith.select %and3A_70, %sub3A_78, %broadcast_in_dim3A_80 : vector<16xi1>, vector<16xi32>
    %add3A_82 = arith.constant 1 : i32
    %add3A_83 = vector.broadcast %add3A_82 : i32 to vector<16xi32>
    %add3A_84 = arith.addi %broadcast_in_dim3A_3, %add3A_83 : vector<16xi32>
    tpu.vector_store_idx %arg8[%add3A_84, %select_n3A_81], %get3A_64 masked %and3A_70 : memref<8x256xf32, #tpu.memory_space<vmem>>[vector<16xi32>, vector<16xi32>], vector<16xf32>, vector<16xi1>
    %all_reduce_population_count3A_85 = tpu.all_reduce %and3A_70 {dim = 0 : i64, kind = #tpu.reduction_kind<sum>} : vector<16xi1> -> vector<16xi32>
    %add3A_86 = arith.addi %broadcast_in_dim3A_3, %all_reduce_population_count3A_85 : vector<16xi32>
    %get3A_87 = arith.constant 2 : i32
    %get3A_88 = arith.index_cast %get3A_87 : i32 to index
    %get3A_89 = arith.constant 0 : index
    %get3A_90 = tpu.vector_load %arg6[%get3A_88, %get3A_89] {strides = array<i32>} : memref<8x256xf32, #tpu.memory_space<vmem>>, vector<16xf32>,
    %eq3A_91 = arith.cmpi eq, %get3A_39, %gather3A_18 : vector<16xi32>
    %add3A_92 = arith.constant 2 : i32
    %add3A_93 = vector.broadcast %add3A_92 : i32 to vector<16xi32>
    %add3A_94 = arith.addi %add3A_5, %add3A_93 : vector<16xi32>
    %ne3A_95 = arith.cmpi ne, %add3A_42, %add3A_94 : vector<16xi32>
    %and3A_96 = arith.andi %eq3A_91, %ne3A_95 : vector<16xi1>
    %convert_element_type3A_97 = arith.extui %and3A_96 : vector<16xi1> to vector<16xi32>
    %broadcast_in_dim3A_98 = arith.constant true
    %broadcast_in_dim3A_99 = vector.broadcast %broadcast_in_dim3A_98 : i1 to vector<16xi1>
    %masked_cumsum3A_100 = tpu.scan <sum>, %convert_element_type3A_97 masked %broadcast_in_dim3A_99 : vector<16xi32>, vector<16xi1> -> vector<16xi32>
    %add3A_101 = arith.addi %broadcast_in_dim3A_3, %masked_cumsum3A_100 : vector<16xi32>
    %sub3A_102 = arith.constant 1 : i32
    %sub3A_103 = vector.broadcast %sub3A_102 : i32 to vector<16xi32>
    %sub3A_104 = arith.subi %add3A_101, %sub3A_103 : vector<16xi32>
    %jit3A_105 = arith.constant 0 : i32
    %broadcast_in_dim3A_106 = vector.broadcast %jit3A_105 : i32 to vector<16xi32>
    %select_n3A_107 = arith.select %and3A_96, %sub3A_104, %broadcast_in_dim3A_106 : vector<16xi1>, vector<16xi32>
    %add3A_108 = arith.constant 2 : i32
    %add3A_109 = vector.broadcast %add3A_108 : i32 to vector<16xi32>
    %add3A_110 = arith.addi %broadcast_in_dim3A_3, %add3A_109 : vector<16xi32>
    tpu.vector_store_idx %arg8[%add3A_110, %select_n3A_107], %get3A_90 masked %and3A_96 : memref<8x256xf32, #tpu.memory_space<vmem>>[vector<16xi32>, vector<16xi32>], vector<16xf32>, vector<16xi1>
    %all_reduce_population_count3A_111 = tpu.all_reduce %and3A_96 {dim = 0 : i64, kind = #tpu.reduction_kind<sum>} : vector<16xi1> -> vector<16xi32>
    %add3A_112 = arith.addi %broadcast_in_dim3A_3, %all_reduce_population_count3A_111 : vector<16xi32>
    %get3A_113 = arith.constant 3 : i32
    %get3A_114 = arith.index_cast %get3A_113 : i32 to index
    %get3A_115 = arith.constant 0 : index
    %get3A_116 = tpu.vector_load %arg6[%get3A_114, %get3A_115] {strides = array<i32>} : memref<8x256xf32, #tpu.memory_space<vmem>>, vector<16xf32>,
    %eq3A_117 = arith.cmpi eq, %get3A_39, %gather3A_22 : vector<16xi32>
    %add3A_118 = arith.constant 3 : i32
    %add3A_119 = vector.broadcast %add3A_118 : i32 to vector<16xi32>
    %add3A_120 = arith.addi %add3A_5, %add3A_119 : vector<16xi32>
    %ne3A_121 = arith.cmpi ne, %add3A_42, %add3A_120 : vector<16xi32>
    %and3A_122 = arith.andi %eq3A_117, %ne3A_121 : vector<16xi1>
    %convert_element_type3A_123 = arith.extui %and3A_122 : vector<16xi1> to vector<16xi32>
    %broadcast_in_dim3A_124 = arith.constant true
    %broadcast_in_dim3A_125 = vector.broadcast %broadcast_in_dim3A_124 : i1 to vector<16xi1>
    %masked_cumsum3A_126 = tpu.scan <sum>, %convert_element_type3A_123 masked %broadcast_in_dim3A_125 : vector<16xi32>, vector<16xi1> -> vector<16xi32>
    %add3A_127 = arith.addi %broadcast_in_dim3A_3, %masked_cumsum3A_126 : vector<16xi32>
    %sub3A_128 = arith.constant 1 : i32
    %sub3A_129 = vector.broadcast %sub3A_128 : i32 to vector<16xi32>
    %sub3A_130 = arith.subi %add3A_127, %sub3A_129 : vector<16xi32>
    %jit3A_131 = arith.constant 0 : i32
    %broadcast_in_dim3A_132 = vector.broadcast %jit3A_131 : i32 to vector<16xi32>
    %select_n3A_133 = arith.select %and3A_122, %sub3A_130, %broadcast_in_dim3A_132 : vector<16xi1>, vector<16xi32>
    %add3A_134 = arith.constant 3 : i32
    %add3A_135 = vector.broadcast %add3A_134 : i32 to vector<16xi32>
    %add3A_136 = arith.addi %broadcast_in_dim3A_3, %add3A_135 : vector<16xi32>
    tpu.vector_store_idx %arg8[%add3A_136, %select_n3A_133], %get3A_116 masked %and3A_122 : memref<8x256xf32, #tpu.memory_space<vmem>>[vector<16xi32>, vector<16xi32>], vector<16xf32>, vector<16xi1>
    %all_reduce_population_count3A_137 = tpu.all_reduce %and3A_122 {dim = 0 : i64, kind = #tpu.reduction_kind<sum>} : vector<16xi1> -> vector<16xi32>
    %add3A_138 = arith.addi %broadcast_in_dim3A_3, %all_reduce_population_count3A_137 : vector<16xi32>
    %get3A_139 = arith.constant 4 : i32
    %get3A_140 = arith.index_cast %get3A_139 : i32 to index
    %get3A_141 = arith.constant 0 : index
    %get3A_142 = tpu.vector_load %arg6[%get3A_140, %get3A_141] {strides = array<i32>} : memref<8x256xf32, #tpu.memory_space<vmem>>, vector<16xf32>,
    %eq3A_143 = arith.cmpi eq, %get3A_39, %gather3A_26 : vector<16xi32>
    %add3A_144 = arith.constant 4 : i32
    %add3A_145 = vector.broadcast %add3A_144 : i32 to vector<16xi32>
    %add3A_146 = arith.addi %add3A_5, %add3A_145 : vector<16xi32>
    %ne3A_147 = arith.cmpi ne, %add3A_42, %add3A_146 : vector<16xi32>
    %and3A_148 = arith.andi %eq3A_143, %ne3A_147 : vector<16xi1>
    %convert_element_type3A_149 = arith.extui %and3A_148 : vector<16xi1> to vector<16xi32>
    %broadcast_in_dim3A_150 = arith.constant true
    %broadcast_in_dim3A_151 = vector.broadcast %broadcast_in_dim3A_150 : i1 to vector<16xi1>
    %masked_cumsum3A_152 = tpu.scan <sum>, %convert_element_type3A_149 masked %broadcast_in_dim3A_151 : vector<16xi32>, vector<16xi1> -> vector<16xi32>
    %add3A_153 = arith.addi %broadcast_in_dim3A_3, %masked_cumsum3A_152 : vector<16xi32>
    %sub3A_154 = arith.constant 1 : i32
    %sub3A_155 = vector.broadcast %sub3A_154 : i32 to vector<16xi32>
    %sub3A_156 = arith.subi %add3A_153, %sub3A_155 : vector<16xi32>
    %jit3A_157 = arith.constant 0 : i32
    %broadcast_in_dim3A_158 = vector.broadcast %jit3A_157 : i32 to vector<16xi32>
    %select_n3A_159 = arith.select %and3A_148, %sub3A_156, %broadcast_in_dim3A_158 : vector<16xi1>, vector<16xi32>
    %add3A_160 = arith.constant 4 : i32
    %add3A_161 = vector.broadcast %add3A_160 : i32 to vector<16xi32>
    %add3A_162 = arith.addi %broadcast_in_dim3A_3, %add3A_161 : vector<16xi32>
    tpu.vector_store_idx %arg8[%add3A_162, %select_n3A_159], %get3A_142 masked %and3A_148 : memref<8x256xf32, #tpu.memory_space<vmem>>[vector<16xi32>, vector<16xi32>], vector<16xf32>, vector<16xi1>
    %all_reduce_population_count3A_163 = tpu.all_reduce %and3A_148 {dim = 0 : i64, kind = #tpu.reduction_kind<sum>} : vector<16xi1> -> vector<16xi32>
    %add3A_164 = arith.addi %broadcast_in_dim3A_3, %all_reduce_population_count3A_163 : vector<16xi32>
    %get3A_165 = arith.constant 5 : i32
    %get3A_166 = arith.index_cast %get3A_165 : i32 to index
    %get3A_167 = arith.constant 0 : index
    %get3A_168 = tpu.vector_load %arg6[%get3A_166, %get3A_167] {strides = array<i32>} : memref<8x256xf32, #tpu.memory_space<vmem>>, vector<16xf32>,
    %eq3A_169 = arith.cmpi eq, %get3A_39, %gather3A_30 : vector<16xi32>
    %add3A_170 = arith.constant 5 : i32
    %add3A_171 = vector.broadcast %add3A_170 : i32 to vector<16xi32>
    %add3A_172 = arith.addi %add3A_5, %add3A_171 : vector<16xi32>
    %ne3A_173 = arith.cmpi ne, %add3A_42, %add3A_172 : vector<16xi32>
    %and3A_174 = arith.andi %eq3A_169, %ne3A_173 : vector<16xi1>
    %convert_element_type3A_175 = arith.extui %and3A_174 : vector<16xi1> to vector<16xi32>
    %broadcast_in_dim3A_176 = arith.constant true
    %broadcast_in_dim3A_177 = vector.broadcast %broadcast_in_dim3A_176 : i1 to vector<16xi1>
    %masked_cumsum3A_178 = tpu.scan <sum>, %convert_element_type3A_175 masked %broadcast_in_dim3A_177 : vector<16xi32>, vector<16xi1> -> vector<16xi32>
    %add3A_179 = arith.addi %broadcast_in_dim3A_3, %masked_cumsum3A_178 : vector<16xi32>
    %sub3A_180 = arith.constant 1 : i32
    %sub3A_181 = vector.broadcast %sub3A_180 : i32 to vector<16xi32>
    %sub3A_182 = arith.subi %add3A_179, %sub3A_181 : vector<16xi32>
    %jit3A_183 = arith.constant 0 : i32
    %broadcast_in_dim3A_184 = vector.broadcast %jit3A_183 : i32 to vector<16xi32>
    %select_n3A_185 = arith.select %and3A_174, %sub3A_182, %broadcast_in_dim3A_184 : vector<16xi1>, vector<16xi32>
    %add3A_186 = arith.constant 5 : i32
    %add3A_187 = vector.broadcast %add3A_186 : i32 to vector<16xi32>
    %add3A_188 = arith.addi %broadcast_in_dim3A_3, %add3A_187 : vector<16xi32>
    tpu.vector_store_idx %arg8[%add3A_188, %select_n3A_185], %get3A_168 masked %and3A_174 : memref<8x256xf32, #tpu.memory_space<vmem>>[vector<16xi32>, vector<16xi32>], vector<16xf32>, vector<16xi1>
    %all_reduce_population_count3A_189 = tpu.all_reduce %and3A_174 {dim = 0 : i64, kind = #tpu.reduction_kind<sum>} : vector<16xi1> -> vector<16xi32>
    %add3A_190 = arith.addi %broadcast_in_dim3A_3, %all_reduce_population_count3A_189 : vector<16xi32>
    %get3A_191 = arith.constant 6 : i32
    %get3A_192 = arith.index_cast %get3A_191 : i32 to index
    %get3A_193 = arith.constant 0 : index
    %get3A_194 = tpu.vector_load %arg6[%get3A_192, %get3A_193] {strides = array<i32>} : memref<8x256xf32, #tpu.memory_space<vmem>>, vector<16xf32>,
    %eq3A_195 = arith.cmpi eq, %get3A_39, %gather3A_34 : vector<16xi32>
    %add3A_196 = arith.constant 6 : i32
    %add3A_197 = vector.broadcast %add3A_196 : i32 to vector<16xi32>
    %add3A_198 = arith.addi %add3A_5, %add3A_197 : vector<16xi32>
    %ne3A_199 = arith.cmpi ne, %add3A_42, %add3A_198 : vector<16xi32>
    %and3A_200 = arith.andi %eq3A_195, %ne3A_199 : vector<16xi1>
    %convert_element_type3A_201 = arith.extui %and3A_200 : vector<16xi1> to vector<16xi32>
    %broadcast_in_dim3A_202 = arith.constant true
    %broadcast_in_dim3A_203 = vector.broadcast %broadcast_in_dim3A_202 : i1 to vector<16xi1>
    %masked_cumsum3A_204 = tpu.scan <sum>, %convert_element_type3A_201 masked %broadcast_in_dim3A_203 : vector<16xi32>, vector<16xi1> -> vector<16xi32>
    %add3A_205 = arith.addi %broadcast_in_dim3A_3, %masked_cumsum3A_204 : vector<16xi32>
    %sub3A_206 = arith.constant 1 : i32
    %sub3A_207 = vector.broadcast %sub3A_206 : i32 to vector<16xi32>
    %sub3A_208 = arith.subi %add3A_205, %sub3A_207 : vector<16xi32>
    %jit3A_209 = arith.constant 0 : i32
    %broadcast_in_dim3A_210 = vector.broadcast %jit3A_209 : i32 to vector<16xi32>
    %select_n3A_211 = arith.select %and3A_200, %sub3A_208, %broadcast_in_dim3A_210 : vector<16xi1>, vector<16xi32>
    %add3A_212 = arith.constant 6 : i32
    %add3A_213 = vector.broadcast %add3A_212 : i32 to vector<16xi32>
    %add3A_214 = arith.addi %broadcast_in_dim3A_3, %add3A_213 : vector<16xi32>
    tpu.vector_store_idx %arg8[%add3A_214, %select_n3A_211], %get3A_194 masked %and3A_200 : memref<8x256xf32, #tpu.memory_space<vmem>>[vector<16xi32>, vector<16xi32>], vector<16xf32>, vector<16xi1>
    %all_reduce_population_count3A_215 = tpu.all_reduce %and3A_200 {dim = 0 : i64, kind = #tpu.reduction_kind<sum>} : vector<16xi1> -> vector<16xi32>
    %add3A_216 = arith.addi %broadcast_in_dim3A_3, %all_reduce_population_count3A_215 : vector<16xi32>
    %get3A_217 = arith.constant 7 : i32
    %get3A_218 = arith.index_cast %get3A_217 : i32 to index
    %get3A_219 = arith.constant 0 : index
    %get3A_220 = tpu.vector_load %arg6[%get3A_218, %get3A_219] {strides = array<i32>} : memref<8x256xf32, #tpu.memory_space<vmem>>, vector<16xf32>,
    %eq3A_221 = arith.cmpi eq, %get3A_39, %gather3A_38 : vector<16xi32>
    %add3A_222 = arith.constant 7 : i32
    %add3A_223 = vector.broadcast %add3A_222 : i32 to vector<16xi32>
    %add3A_224 = arith.addi %add3A_5, %add3A_223 : vector<16xi32>
    %ne3A_225 = arith.cmpi ne, %add3A_42, %add3A_224 : vector<16xi32>
    %and3A_226 = arith.andi %eq3A_221, %ne3A_225 : vector<16xi1>
    %convert_element_type3A_227 = arith.extui %and3A_226 : vector<16xi1> to vector<16xi32>
    %broadcast_in_dim3A_228 = arith.constant true
    %broadcast_in_dim3A_229 = vector.broadcast %broadcast_in_dim3A_228 : i1 to vector<16xi1>
    %masked_cumsum3A_230 = tpu.scan <sum>, %convert_element_type3A_227 masked %broadcast_in_dim3A_229 : vector<16xi32>, vector<16xi1> -> vector<16xi32>
    %add3A_231 = arith.addi %broadcast_in_dim3A_3, %masked_cumsum3A_230 : vector<16xi32>
    %sub3A_232 = arith.constant 1 : i32
    %sub3A_233 = vector.broadcast %sub3A_232 : i32 to vector<16xi32>
    %sub3A_234 = arith.subi %add3A_231, %sub3A_233 : vector<16xi32>
    %jit3A_235 = arith.constant 0 : i32
    %broadcast_in_dim3A_236 = vector.broadcast %jit3A_235 : i32 to vector<16xi32>
    %select_n3A_237 = arith.select %and3A_226, %sub3A_234, %broadcast_in_dim3A_236 : vector<16xi1>, vector<16xi32>
    %add3A_238 = arith.constant 7 : i32
    %add3A_239 = vector.broadcast %add3A_238 : i32 to vector<16xi32>
    %add3A_240 = arith.addi %broadcast_in_dim3A_3, %add3A_239 : vector<16xi32>
    tpu.vector_store_idx %arg8[%add3A_240, %select_n3A_237], %get3A_220 masked %and3A_226 : memref<8x256xf32, #tpu.memory_space<vmem>>[vector<16xi32>, vector<16xi32>], vector<16xf32>, vector<16xi1>
    %all_reduce_population_count3A_241 = tpu.all_reduce %and3A_226 {dim = 0 : i64, kind = #tpu.reduction_kind<sum>} : vector<16xi1> -> vector<16xi32>
    %add3A_242 = arith.addi %broadcast_in_dim3A_3, %all_reduce_population_count3A_241 : vector<16xi32>
    %get3A_243 = arith.constant 16 : index
    %get3A_244 = tpu.vector_load %arg7[%get3A_243] {strides = array<i32>} : memref<256xi32, #tpu.memory_space<vmem>>, vector<16xi32>,
    %add3A_245 = arith.constant 16 : i32
    %add3A_246 = vector.broadcast %add3A_245 : i32 to vector<16xi32>
    %add3A_247 = arith.addi %iota3A, %add3A_246 : vector<16xi32>
    %get3A_248 = arith.constant 0 : i32
    %get3A_249 = arith.index_cast %get3A_248 : i32 to index
    %get3A_250 = arith.constant 16 : index
    %get3A_251 = tpu.vector_load %arg6[%get3A_249, %get3A_250] {strides = array<i32>} : memref<8x256xf32, #tpu.memory_space<vmem>>, vector<16xf32>,
    %eq3A_252 = arith.cmpi eq, %get3A_244, %gather3A : vector<16xi32>
    %add3A_253 = arith.constant 0 : i32
    %add3A_254 = vector.broadcast %add3A_253 : i32 to vector<16xi32>
    %add3A_255 = arith.addi %add3A_5, %add3A_254 : vector<16xi32>
    %ne3A_256 = arith.cmpi ne, %add3A_247, %add3A_255 : vector<16xi32>
    %and3A_257 = arith.andi %eq3A_252, %ne3A_256 : vector<16xi1>
    %convert_element_type3A_258 = arith.extui %and3A_257 : vector<16xi1> to vector<16xi32>
    %broadcast_in_dim3A_259 = arith.constant true
    %broadcast_in_dim3A_260 = vector.broadcast %broadcast_in_dim3A_259 : i1 to vector<16xi1>
    %masked_cumsum3A_261 = tpu.scan <sum>, %convert_element_type3A_258 masked %broadcast_in_dim3A_260 : vector<16xi32>, vector<16xi1> -> vector<16xi32>
    %add3A_262 = arith.addi %add3A_60, %masked_cumsum3A_261 : vector<16xi32>
    %sub3A_263 = arith.constant 1 : i32
    %sub3A_264 = vector.broadcast %sub3A_263 : i32 to vector<16xi32>
    %sub3A_265 = arith.subi %add3A_262, %sub3A_264 : vector<16xi32>
    %jit3A_266 = arith.constant 0 : i32
    %broadcast_in_dim3A_267 = vector.broadcast %jit3A_266 : i32 to vector<16xi32>
    %select_n3A_268 = arith.select %and3A_257, %sub3A_265, %broadcast_in_dim3A_267 : vector<16xi1>, vector<16xi32>
    %add3A_269 = arith.constant 0 : i32
    %add3A_270 = vector.broadcast %add3A_269 : i32 to vector<16xi32>
    %add3A_271 = arith.addi %broadcast_in_dim3A_3, %add3A_270 : vector<16xi32>
    tpu.vector_store_idx %arg8[%add3A_271, %select_n3A_268], %get3A_251 masked %and3A_257 : memref<8x256xf32, #tpu.memory_space<vmem>>[vector<16xi32>, vector<16xi32>], vector<16xf32>, vector<16xi1>
    %all_reduce_population_count3A_272 = tpu.all_reduce %and3A_257 {dim = 0 : i64, kind = #tpu.reduction_kind<sum>} : vector<16xi1> -> vector<16xi32>
    %add3A_273 = arith.addi %add3A_60, %all_reduce_population_count3A_272 : vector<16xi32>
    %get3A_274 = arith.constant 1 : i32
    %get3A_275 = arith.index_cast %get3A_274 : i32 to index
    %get3A_276 = arith.constant 16 : index
    %get3A_277 = tpu.vector_load %arg6[%get3A_275, %get3A_276] {strides = array<i32>} : memref<8x256xf32, #tpu.memory_space<vmem>>, vector<16xf32>,
    %eq3A_278 = arith.cmpi eq, %get3A_244, %gather3A_14 : vector<16xi32>
    %add3A_279 = arith.constant 1 : i32
    %add3A_280 = vector.broadcast %add3A_279 : i32 to vector<16xi32>
    %add3A_281 = arith.addi %add3A_5, %add3A_280 : vector<16xi32>
    %ne3A_282 = arith.cmpi ne, %add3A_247, %add3A_281 : vector<16xi32>
    %and3A_283 = arith.andi %eq3A_278, %ne3A_282 : vector<16xi1>
    %convert_element_type3A_284 = arith.extui %and3A_283 : vector<16xi1> to vector<16xi32>
    %broadcast_in_dim3A_285 = arith.constant true
    %broadcast_in_dim3A_286 = vector.broadcast %broadcast_in_dim3A_285 : i1 to vector<16xi1>
    %masked_cumsum3A_287 = tpu.scan <sum>, %convert_element_type3A_284 masked %broadcast_in_dim3A_286 : vector<16xi32>, vector<16xi1> -> vector<16xi32>
    %add3A_288 = arith.addi %add3A_86, %masked_cumsum3A_287 : vector<16xi32>
    %sub3A_289 = arith.constant 1 : i32
    %sub3A_290 = vector.broadcast %sub3A_289 : i32 to vector<16xi32>
    %sub3A_291 = arith.subi %add3A_288, %sub3A_290 : vector<16xi32>
    %jit3A_292 = arith.constant 0 : i32
    %broadcast_in_dim3A_293 = vector.broadcast %jit3A_292 : i32 to vector<16xi32>
    %select_n3A_294 = arith.select %and3A_283, %sub3A_291, %broadcast_in_dim3A_293 : vector<16xi1>, vector<16xi32>
    %add3A_295 = arith.constant 1 : i32
    %add3A_296 = vector.broadcast %add3A_295 : i32 to vector<16xi32>
    %add3A_297 = arith.addi %broadcast_in_dim3A_3, %add3A_296 : vector<16xi32>
    tpu.vector_store_idx %arg8[%add3A_297, %select_n3A_294], %get3A_277 masked %and3A_283 : memref<8x256xf32, #tpu.memory_space<vmem>>[vector<16xi32>, vector<16xi32>], vector<16xf32>, vector<16xi1>
    %all_reduce_population_count3A_298 = tpu.all_reduce %and3A_283 {dim = 0 : i64, kind = #tpu.reduction_kind<sum>} : vector<16xi1> -> vector<16xi32>
    %add3A_299 = arith.addi %add3A_86, %all_reduce_population_count3A_298 : vector<16xi32>
    %get3A_300 = arith.constant 2 : i32
    %get3A_301 = arith.index_cast %get3A_300 : i32 to index
    %get3A_302 = arith.constant 16 : index
    %get3A_303 = tpu.vector_load %arg6[%get3A_301, %get3A_302] {strides = array<i32>} : memref<8x256xf32, #tpu.memory_space<vmem>>, vector<16xf32>,
    %eq3A_304 = arith.cmpi eq, %get3A_244, %gather3A_18 : vector<16xi32>
    %add3A_305 = arith.constant 2 : i32
    %add3A_306 = vector.broadcast %add3A_305 : i32 to vector<16xi32>
    %add3A_307 = arith.addi %add3A_5, %add3A_306 : vector<16xi32>
    %ne3A_308 = arith.cmpi ne, %add3A_247, %add3A_307 : vector<16xi32>
    %and3A_309 = arith.andi %eq3A_304, %ne3A_308 : vector<16xi1>
    %convert_element_type3A_310 = arith.extui %and3A_309 : vector<16xi1> to vector<16xi32>
    %broadcast_in_dim3A_311 = arith.constant true
    %broadcast_in_dim3A_312 = vector.broadcast %broadcast_in_dim3A_311 : i1 to vector<16xi1>
    %masked_cumsum3A_313 = tpu.scan <sum>, %convert_element_type3A_310 masked %broadcast_in_dim3A_312 : vector<16xi32>, vector<16xi1> -> vector<16xi32>
    %add3A_314 = arith.addi %add3A_112, %masked_cumsum3A_313 : vector<16xi32>
    %sub3A_315 = arith.constant 1 : i32
    %sub3A_316 = vector.broadcast %sub3A_315 : i32 to vector<16xi32>
    %sub3A_317 = arith.subi %add3A_314, %sub3A_316 : vector<16xi32>
    %jit3A_318 = arith.constant 0 : i32
    %broadcast_in_dim3A_319 = vector.broadcast %jit3A_318 : i32 to vector<16xi32>
    %select_n3A_320 = arith.select %and3A_309, %sub3A_317, %broadcast_in_dim3A_319 : vector<16xi1>, vector<16xi32>
    %add3A_321 = arith.constant 2 : i32
    %add3A_322 = vector.broadcast %add3A_321 : i32 to vector<16xi32>
    %add3A_323 = arith.addi %broadcast_in_dim3A_3, %add3A_322 : vector<16xi32>
    tpu.vector_store_idx %arg8[%add3A_323, %select_n3A_320], %get3A_303 masked %and3A_309 : memref<8x256xf32, #tpu.memory_space<vmem>>[vector<16xi32>, vector<16xi32>], vector<16xf32>, vector<16xi1>
    %all_reduce_population_count3A_324 = tpu.all_reduce %and3A_309 {dim = 0 : i64, kind = #tpu.reduction_kind<sum>} : vector<16xi1> -> vector<16xi32>
    %add3A_325 = arith.addi %add3A_112, %all_reduce_population_count3A_324 : vector<16xi32>
    %get3A_326 = arith.constant 3 : i32
    %get3A_327 = arith.index_cast %get3A_326 : i32 to index
    %get3A_328 = arith.constant 16 : index
    %get3A_329 = tpu.vector_load %arg6[%get3A_327, %get3A_328] {strides = array<i32>} : memref<8x256xf32, #tpu.memory_space<vmem>>, vector<16xf32>,
    %eq3A_330 = arith.cmpi eq, %get3A_244, %gather3A_22 : vector<16xi32>
    %add3A_331 = arith.constant 3 : i32
    %add3A_332 = vector.broadcast %add3A_331 : i32 to vector<16xi32>
    %add3A_333 = arith.addi %add3A_5, %add3A_332 : vector<16xi32>
    %ne3A_334 = arith.cmpi ne, %add3A_247, %add3A_333 : vector<16xi32>
    %and3A_335 = arith.andi %eq3A_330, %ne3A_334 : vector<16xi1>
    %convert_element_type3A_336 = arith.extui %and3A_335 : vector<16xi1> to vector<16xi32>
    %broadcast_in_dim3A_337 = arith.constant true
    %broadcast_in_dim3A_338 = vector.broadcast %broadcast_in_dim3A_337 : i1 to vector<16xi1>
    %masked_cumsum3A_339 = tpu.scan <sum>, %convert_element_type3A_336 masked %broadcast_in_dim3A_338 : vector<16xi32>, vector<16xi1> -> vector<16xi32>
    %add3A_340 = arith.addi %add3A_138, %masked_cumsum3A_339 : vector<16xi32>
    %sub3A_341 = arith.constant 1 : i32
    %sub3A_342 = vector.broadcast %sub3A_341 : i32 to vector<16xi32>
    %sub3A_343 = arith.subi %add3A_340, %sub3A_342 : vector<16xi32>
    %jit3A_344 = arith.constant 0 : i32
    %broadcast_in_dim3A_345 = vector.broadcast %jit3A_344 : i32 to vector<16xi32>
    %select_n3A_346 = arith.select %and3A_335, %sub3A_343, %broadcast_in_dim3A_345 : vector<16xi1>, vector<16xi32>
    %add3A_347 = arith.constant 3 : i32
    %add3A_348 = vector.broadcast %add3A_347 : i32 to vector<16xi32>
    %add3A_349 = arith.addi %broadcast_in_dim3A_3, %add3A_348 : vector<16xi32>
    tpu.vector_store_idx %arg8[%add3A_349, %select_n3A_346], %get3A_329 masked %and3A_335 : memref<8x256xf32, #tpu.memory_space<vmem>>[vector<16xi32>, vector<16xi32>], vector<16xf32>, vector<16xi1>
    %all_reduce_population_count3A_350 = tpu.all_reduce %and3A_335 {dim = 0 : i64, kind = #tpu.reduction_kind<sum>} : vector<16xi1> -> vector<16xi32>
    %add3A_351 = arith.addi %add3A_138, %all_reduce_population_count3A_350 : vector<16xi32>
    %get3A_352 = arith.constant 4 : i32
    %get3A_353 = arith.index_cast %get3A_352 : i32 to index
    %get3A_354 = arith.constant 16 : index
    %get3A_355 = tpu.vector_load %arg6[%get3A_353, %get3A_354] {strides = array<i32>} : memref<8x256xf32, #tpu.memory_space<vmem>>, vector<16xf32>,
    %eq3A_356 = arith.cmpi eq, %get3A_244, %gather3A_26 : vector<16xi32>
    %add3A_357 = arith.constant 4 : i32
    %add3A_358 = vector.broadcast %add3A_357 : i32 to vector<16xi32>
    %add3A_359 = arith.addi %add3A_5, %add3A_358 : vector<16xi32>
    %ne3A_360 = arith.cmpi ne, %add3A_247, %add3A_359 : vector<16xi32>
    %and3A_361 = arith.andi %eq3A_356, %ne3A_360 : vector<16xi1>
    %convert_element_type3A_362 = arith.extui %and3A_361 : vector<16xi1> to vector<16xi32>
    %broadcast_in_dim3A_363 = arith.constant true
    %broadcast_in_dim3A_364 = vector.broadcast %broadcast_in_dim3A_363 : i1 to vector<16xi1>
    %masked_cumsum3A_365 = tpu.scan <sum>, %convert_element_type3A_362 masked %broadcast_in_dim3A_364 : vector<16xi32>, vector<16xi1> -> vector<16xi32>
    %add3A_366 = arith.addi %add3A_164, %masked_cumsum3A_365 : vector<16xi32>
    %sub3A_367 = arith.constant 1 : i32
    %sub3A_368 = vector.broadcast %sub3A_367 : i32 to vector<16xi32>
    %sub3A_369 = arith.subi %add3A_366, %sub3A_368 : vector<16xi32>
    %jit3A_370 = arith.constant 0 : i32
    %broadcast_in_dim3A_371 = vector.broadcast %jit3A_370 : i32 to vector<16xi32>
    %select_n3A_372 = arith.select %and3A_361, %sub3A_369, %broadcast_in_dim3A_371 : vector<16xi1>, vector<16xi32>
    %add3A_373 = arith.constant 4 : i32
    %add3A_374 = vector.broadcast %add3A_373 : i32 to vector<16xi32>
    %add3A_375 = arith.addi %broadcast_in_dim3A_3, %add3A_374 : vector<16xi32>
    tpu.vector_store_idx %arg8[%add3A_375, %select_n3A_372], %get3A_355 masked %and3A_361 : memref<8x256xf32, #tpu.memory_space<vmem>>[vector<16xi32>, vector<16xi32>], vector<16xf32>, vector<16xi1>
    %all_reduce_population_count3A_376 = tpu.all_reduce %and3A_361 {dim = 0 : i64, kind = #tpu.reduction_kind<sum>} : vector<16xi1> -> vector<16xi32>
    %add3A_377 = arith.addi %add3A_164, %all_reduce_population_count3A_376 : vector<16xi32>
    %get3A_378 = arith.constant 5 : i32
    %get3A_379 = arith.index_cast %get3A_378 : i32 to index
    %get3A_380 = arith.constant 16 : index
    %get3A_381 = tpu.vector_load %arg6[%get3A_379, %get3A_380] {strides = array<i32>} : memref<8x256xf32, #tpu.memory_space<vmem>>, vector<16xf32>,
    %eq3A_382 = arith.cmpi eq, %get3A_244, %gather3A_30 : vector<16xi32>
    %add3A_383 = arith.constant 5 : i32
    %add3A_384 = vector.broadcast %add3A_383 : i32 to vector<16xi32>
    %add3A_385 = arith.addi %add3A_5, %add3A_384 : vector<16xi32>
    %ne3A_386 = arith.cmpi ne, %add3A_247, %add3A_385 : vector<16xi32>
    %and3A_387 = arith.andi %eq3A_382, %ne3A_386 : vector<16xi1>
    %convert_element_type3A_388 = arith.extui %and3A_387 : vector<16xi1> to vector<16xi32>
    %broadcast_in_dim3A_389 = arith.constant true
    %broadcast_in_dim3A_390 = vector.broadcast %broadcast_in_dim3A_389 : i1 to vector<16xi1>
    %masked_cumsum3A_391 = tpu.scan <sum>, %convert_element_type3A_388 masked %broadcast_in_dim3A_390 : vector<16xi32>, vector<16xi1> -> vector<16xi32>
    %add3A_392 = arith.addi %add3A_190, %masked_cumsum3A_391 : vector<16xi32>
    %sub3A_393 = arith.constant 1 : i32
    %sub3A_394 = vector.broadcast %sub3A_393 : i32 to vector<16xi32>
    %sub3A_395 = arith.subi %add3A_392, %sub3A_394 : vector<16xi32>
    %jit3A_396 = arith.constant 0 : i32
    %broadcast_in_dim3A_397 = vector.broadcast %jit3A_396 : i32 to vector<16xi32>
    %select_n3A_398 = arith.select %and3A_387, %sub3A_395, %broadcast_in_dim3A_397 : vector<16xi1>, vector<16xi32>
    %add3A_399 = arith.constant 5 : i32
    %add3A_400 = vector.broadcast %add3A_399 : i32 to vector<16xi32>
    %add3A_401 = arith.addi %broadcast_in_dim3A_3, %add3A_400 : vector<16xi32>
    tpu.vector_store_idx %arg8[%add3A_401, %select_n3A_398], %get3A_381 masked %and3A_387 : memref<8x256xf32, #tpu.memory_space<vmem>>[vector<16xi32>, vector<16xi32>], vector<16xf32>, vector<16xi1>
    %all_reduce_population_count3A_402 = tpu.all_reduce %and3A_387 {dim = 0 : i64, kind = #tpu.reduction_kind<sum>} : vector<16xi1> -> vector<16xi32>
    %add3A_403 = arith.addi %add3A_190, %all_reduce_population_count3A_402 : vector<16xi32>
    %get3A_404 = arith.constant 6 : i32
    %get3A_405 = arith.index_cast %get3A_404 : i32 to index
    %get3A_406 = arith.constant 16 : index
    %get3A_407 = tpu.vector_load %arg6[%get3A_405, %get3A_406] {strides = array<i32>} : memref<8x256xf32, #tpu.memory_space<vmem>>, vector<16xf32>,
    %eq3A_408 = arith.cmpi eq, %get3A_244, %gather3A_34 : vector<16xi32>
    %add3A_409 = arith.constant 6 : i32
    %add3A_410 = vector.broadcast %add3A_409 : i32 to vector<16xi32>
    %add3A_411 = arith.addi %add3A_5, %add3A_410 : vector<16xi32>
    %ne3A_412 = arith.cmpi ne, %add3A_247, %add3A_411 : vector<16xi32>
    %and3A_413 = arith.andi %eq3A_408, %ne3A_412 : vector<16xi1>
    %convert_element_type3A_414 = arith.extui %and3A_413 : vector<16xi1> to vector<16xi32>
    %broadcast_in_dim3A_415 = arith.constant true
    %broadcast_in_dim3A_416 = vector.broadcast %broadcast_in_dim3A_415 : i1 to vector<16xi1>
    %masked_cumsum3A_417 = tpu.scan <sum>, %convert_element_type3A_414 masked %broadcast_in_dim3A_416 : vector<16xi32>, vector<16xi1> -> vector<16xi32>
    %add3A_418 = arith.addi %add3A_216, %masked_cumsum3A_417 : vector<16xi32>
    %sub3A_419 = arith.constant 1 : i32
    %sub3A_420 = vector.broadcast %sub3A_419 : i32 to vector<16xi32>
    %sub3A_421 = arith.subi %add3A_418, %sub3A_420 : vector<16xi32>
    %jit3A_422 = arith.constant 0 : i32
    %broadcast_in_dim3A_423 = vector.broadcast %jit3A_422 : i32 to vector<16xi32>
    %select_n3A_424 = arith.select %and3A_413, %sub3A_421, %broadcast_in_dim3A_423 : vector<16xi1>, vector<16xi32>
    %add3A_425 = arith.constant 6 : i32
    %add3A_426 = vector.broadcast %add3A_425 : i32 to vector<16xi32>
    %add3A_427 = arith.addi %broadcast_in_dim3A_3, %add3A_426 : vector<16xi32>
    tpu.vector_store_idx %arg8[%add3A_427, %select_n3A_424], %get3A_407 masked %and3A_413 : memref<8x256xf32, #tpu.memory_space<vmem>>[vector<16xi32>, vector<16xi32>], vector<16xf32>, vector<16xi1>
    %all_reduce_population_count3A_428 = tpu.all_reduce %and3A_413 {dim = 0 : i64, kind = #tpu.reduction_kind<sum>} : vector<16xi1> -> vector<16xi32>
    %add3A_429 = arith.addi %add3A_216, %all_reduce_population_count3A_428 : vector<16xi32>
    %get3A_430 = arith.constant 7 : i32
    %get3A_431 = arith.index_cast %get3A_430 : i32 to index
    %get3A_432 = arith.constant 16 : index
    %get3A_433 = tpu.vector_load %arg6[%get3A_431, %get3A_432] {strides = array<i32>} : memref<8x256xf32, #tpu.memory_space<vmem>>, vector<16xf32>,
    %eq3A_434 = arith.cmpi eq, %get3A_244, %gather3A_38 : vector<16xi32>
    %add3A_435 = arith.constant 7 : i32
    %add3A_436 = vector.broadcast %add3A_435 : i32 to vector<16xi32>
    %add3A_437 = arith.addi %add3A_5, %add3A_436 : vector<16xi32>
    %ne3A_438 = arith.cmpi ne, %add3A_247, %add3A_437 : vector<16xi32>
    %and3A_439 = arith.andi %eq3A_434, %ne3A_438 : vector<16xi1>
    %convert_element_type3A_440 = arith.extui %and3A_439 : vector<16xi1> to vector<16xi32>
    %broadcast_in_dim3A_441 = arith.constant true
    %broadcast_in_dim3A_442 = vector.broadcast %broadcast_in_dim3A_441 : i1 to vector<16xi1>
    %masked_cumsum3A_443 = tpu.scan <sum>, %convert_element_type3A_440 masked %broadcast_in_dim3A_442 : vector<16xi32>, vector<16xi1> -> vector<16xi32>
    %add3A_444 = arith.addi %add3A_242, %masked_cumsum3A_443 : vector<16xi32>
    %sub3A_445 = arith.constant 1 : i32
    %sub3A_446 = vector.broadcast %sub3A_445 : i32 to vector<16xi32>
    %sub3A_447 = arith.subi %add3A_444, %sub3A_446 : vector<16xi32>
    %jit3A_448 = arith.constant 0 : i32
    %broadcast_in_dim3A_449 = vector.broadcast %jit3A_448 : i32 to vector<16xi32>
    %select_n3A_450 = arith.select %and3A_439, %sub3A_447, %broadcast_in_dim3A_449 : vector<16xi1>, vector<16xi32>
    %add3A_451 = arith.constant 7 : i32
    %add3A_452 = vector.broadcast %add3A_451 : i32 to vector<16xi32>
    %add3A_453 = arith.addi %broadcast_in_dim3A_3, %add3A_452 : vector<16xi32>
    tpu.vector_store_idx %arg8[%add3A_453, %select_n3A_450], %get3A_433 masked %and3A_439 : memref<8x256xf32, #tpu.memory_space<vmem>>[vector<16xi32>, vector<16xi32>], vector<16xf32>, vector<16xi1>
    %all_reduce_population_count3A_454 = tpu.all_reduce %and3A_439 {dim = 0 : i64, kind = #tpu.reduction_kind<sum>} : vector<16xi1> -> vector<16xi32>
    %add3A_455 = arith.addi %add3A_242, %all_reduce_population_count3A_454 : vector<16xi32>
    %get3A_456 = arith.constant 32 : index
    %get3A_457 = tpu.vector_load %arg7[%get3A_456] {strides = array<i32>} : memref<256xi32, #tpu.memory_space<vmem>>, vector<16xi32>,
    %add3A_458 = arith.constant 32 : i32
    %add3A_459 = vector.broadcast %add3A_458 : i32 to vector<16xi32>
    %add3A_460 = arith.addi %iota3A, %add3A_459 : vector<16xi32>
    %get3A_461 = arith.constant 0 : i32
    %get3A_462 = arith.index_cast %get3A_461 : i32 to index
    %get3A_463 = arith.constant 32 : index
    %get3A_464 = tpu.vector_load %arg6[%get3A_462, %get3A_463] {strides = array<i32>} : memref<8x256xf32, #tpu.memory_space<vmem>>, vector<16xf32>,
    %eq3A_465 = arith.cmpi eq, %get3A_457, %gather3A : vector<16xi32>
    %add3A_466 = arith.constant 0 : i32
    %add3A_467 = vector.broadcast %add3A_466 : i32 to vector<16xi32>
    %add3A_468 = arith.addi %add3A_5, %add3A_467 : vector<16xi32>
    %ne3A_469 = arith.cmpi ne, %add3A_460, %add3A_468 : vector<16xi32>
    %and3A_470 = arith.andi %eq3A_465, %ne3A_469 : vector<16xi1>
    %convert_element_type3A_471 = arith.extui %and3A_470 : vector<16xi1> to vector<16xi32>
    %broadcast_in_dim3A_472 = arith.constant true
    %broadcast_in_dim3A_473 = vector.broadcast %broadcast_in_dim3A_472 : i1 to vector<16xi1>
    %masked_cumsum3A_474 = tpu.scan <sum>, %convert_element_type3A_471 masked %broadcast_in_dim3A_473 : vector<16xi32>, vector<16xi1> -> vector<16xi32>
    %add3A_475 = arith.addi %add3A_273, %masked_cumsum3A_474 : vector<16xi32>
    %sub3A_476 = arith.constant 1 : i32
    %sub3A_477 = vector.broadcast %sub3A_476 : i32 to vector<16xi32>
    %sub3A_478 = arith.subi %add3A_475, %sub3A_477 : vector<16xi32>
    %jit3A_479 = arith.constant 0 : i32
    %broadcast_in_dim3A_480 = vector.broadcast %jit3A_479 : i32 to vector<16xi32>
    %select_n3A_481 = arith.select %and3A_470, %sub3A_478, %broadcast_in_dim3A_480 : vector<16xi1>, vector<16xi32>
    %add3A_482 = arith.constant 0 : i32
    %add3A_483 = vector.broadcast %add3A_482 : i32 to vector<16xi32>
    %add3A_484 = arith.addi %broadcast_in_dim3A_3, %add3A_483 : vector<16xi32>
    tpu.vector_store_idx %arg8[%add3A_484, %select_n3A_481], %get3A_464 masked %and3A_470 : memref<8x256xf32, #tpu.memory_space<vmem>>[vector<16xi32>, vector<16xi32>], vector<16xf32>, vector<16xi1>
    %all_reduce_population_count3A_485 = tpu.all_reduce %and3A_470 {dim = 0 : i64, kind = #tpu.reduction_kind<sum>} : vector<16xi1> -> vector<16xi32>
    %add3A_486 = arith.addi %add3A_273, %all_reduce_population_count3A_485 : vector<16xi32>
    %get3A_487 = arith.constant 1 : i32
    %get3A_488 = arith.index_cast %get3A_487 : i32 to index
    %get3A_489 = arith.constant 32 : index
    %get3A_490 = tpu.vector_load %arg6[%get3A_488, %get3A_489] {strides = array<i32>} : memref<8x256xf32, #tpu.memory_space<vmem>>, vector<16xf32>,
    %eq3A_491 = arith.cmpi eq, %get3A_457, %gather3A_14 : vector<16xi32>
    %add3A_492 = arith.constant 1 : i32
    %add3A_493 = vector.broadcast %add3A_492 : i32 to vector<16xi32>
    %add3A_494 = arith.addi %add3A_5, %add3A_493 : vector<16xi32>
    %ne3A_495 = arith.cmpi ne, %add3A_460, %add3A_494 : vector<16xi32>
    %and3A_496 = arith.andi %eq3A_491, %ne3A_495 : vector<16xi1>
    %convert_element_type3A_497 = arith.extui %and3A_496 : vector<16xi1> to vector<16xi32>
    %broadcast_in_dim3A_498 = arith.constant true
    %broadcast_in_dim3A_499 = vector.broadcast %broadcast_in_dim3A_498 : i1 to vector<16xi1>
    %masked_cumsum3A_500 = tpu.scan <sum>, %convert_element_type3A_497 masked %broadcast_in_dim3A_499 : vector<16xi32>, vector<16xi1> -> vector<16xi32>
    %add3A_501 = arith.addi %add3A_299, %masked_cumsum3A_500 : vector<16xi32>
    %sub3A_502 = arith.constant 1 : i32
    %sub3A_503 = vector.broadcast %sub3A_502 : i32 to vector<16xi32>
    %sub3A_504 = arith.subi %add3A_501, %sub3A_503 : vector<16xi32>
    %jit3A_505 = arith.constant 0 : i32
    %broadcast_in_dim3A_506 = vector.broadcast %jit3A_505 : i32 to vector<16xi32>
    %select_n3A_507 = arith.select %and3A_496, %sub3A_504, %broadcast_in_dim3A_506 : vector<16xi1>, vector<16xi32>
    %add3A_508 = arith.constant 1 : i32
    %add3A_509 = vector.broadcast %add3A_508 : i32 to vector<16xi32>
    %add3A_510 = arith.addi %broadcast_in_dim3A_3, %add3A_509 : vector<16xi32>
    tpu.vector_store_idx %arg8[%add3A_510, %select_n3A_507], %get3A_490 masked %and3A_496 : memref<8x256xf32, #tpu.memory_space<vmem>>[vector<16xi32>, vector<16xi32>], vector<16xf32>, vector<16xi1>
    %all_reduce_population_count3A_511 = tpu.all_reduce %and3A_496 {dim = 0 : i64, kind = #tpu.reduction_kind<sum>} : vector<16xi1> -> vector<16xi32>
    %add3A_512 = arith.addi %add3A_299, %all_reduce_population_count3A_511 : vector<16xi32>
    %get3A_513 = arith.constant 2 : i32
    %get3A_514 = arith.index_cast %get3A_513 : i32 to index
    %get3A_515 = arith.constant 32 : index
    %get3A_516 = tpu.vector_load %arg6[%get3A_514, %get3A_515] {strides = array<i32>} : memref<8x256xf32, #tpu.memory_space<vmem>>, vector<16xf32>,
    %eq3A_517 = arith.cmpi eq, %get3A_457, %gather3A_18 : vector<16xi32>
    %add3A_518 = arith.constant 2 : i32
    %add3A_519 = vector.broadcast %add3A_518 : i32 to vector<16xi32>
    %add3A_520 = arith.addi %add3A_5, %add3A_519 : vector<16xi32>
    %ne3A_521 = arith.cmpi ne, %add3A_460, %add3A_520 : vector<16xi32>
    %and3A_522 = arith.andi %eq3A_517, %ne3A_521 : vector<16xi1>
    %convert_element_type3A_523 = arith.extui %and3A_522 : vector<16xi1> to vector<16xi32>
    %broadcast_in_dim3A_524 = arith.constant true
    %broadcast_in_dim3A_525 = vector.broadcast %broadcast_in_dim3A_524 : i1 to vector<16xi1>
    %masked_cumsum3A_526 = tpu.scan <sum>, %convert_element_type3A_523 masked %broadcast_in_dim3A_525 : vector<16xi32>, vector<16xi1> -> vector<16xi32>
    %add3A_527 = arith.addi %add3A_325, %masked_cumsum3A_526 : vector<16xi32>
    %sub3A_528 = arith.constant 1 : i32
    %sub3A_529 = vector.broadcast %sub3A_528 : i32 to vector<16xi32>
    %sub3A_530 = arith.subi %add3A_527, %sub3A_529 : vector<16xi32>
    %jit3A_531 = arith.constant 0 : i32
    %broadcast_in_dim3A_532 = vector.broadcast %jit3A_531 : i32 to vector<16xi32>
    %select_n3A_533 = arith.select %and3A_522, %sub3A_530, %broadcast_in_dim3A_532 : vector<16xi1>, vector<16xi32>
    %add3A_534 = arith.constant 2 : i32
    %add3A_535 = vector.broadcast %add3A_534 : i32 to vector<16xi32>
    %add3A_536 = arith.addi %broadcast_in_dim3A_3, %add3A_535 : vector<16xi32>
    tpu.vector_store_idx %arg8[%add3A_536, %select_n3A_533], %get3A_516 masked %and3A_522 : memref<8x256xf32, #tpu.memory_space<vmem>>[vector<16xi32>, vector<16xi32>], vector<16xf32>, vector<16xi1>
    %all_reduce_population_count3A_537 = tpu.all_reduce %and3A_522 {dim = 0 : i64, kind = #tpu.reduction_kind<sum>} : vector<16xi1> -> vector<16xi32>
    %add3A_538 = arith.addi %add3A_325, %all_reduce_population_count3A_537 : vector<16xi32>
    %get3A_539 = arith.constant 3 : i32
    %get3A_540 = arith.index_cast %get3A_539 : i32 to index
    %get3A_541 = arith.constant 32 : index
    %get3A_542 = tpu.vector_load %arg6[%get3A_540, %get3A_541] {strides = array<i32>} : memref<8x256xf32, #tpu.memory_space<vmem>>, vector<16xf32>,
    %eq3A_543 = arith.cmpi eq, %get3A_457, %gather3A_22 : vector<16xi32>
    %add3A_544 = arith.constant 3 : i32
    %add3A_545 = vector.broadcast %add3A_544 : i32 to vector<16xi32>
    %add3A_546 = arith.addi %add3A_5, %add3A_545 : vector<16xi32>
    %ne3A_547 = arith.cmpi ne, %add3A_460, %add3A_546 : vector<16xi32>
    %and3A_548 = arith.andi %eq3A_543, %ne3A_547 : vector<16xi1>
    %convert_element_type3A_549 = arith.extui %and3A_548 : vector<16xi1> to vector<16xi32>
    %broadcast_in_dim3A_550 = arith.constant true
    %broadcast_in_dim3A_551 = vector.broadcast %broadcast_in_dim3A_550 : i1 to vector<16xi1>
    %masked_cumsum3A_552 = tpu.scan <sum>, %convert_element_type3A_549 masked %broadcast_in_dim3A_551 : vector<16xi32>, vector<16xi1> -> vector<16xi32>
    %add3A_553 = arith.addi %add3A_351, %masked_cumsum3A_552 : vector<16xi32>
    %sub3A_554 = arith.constant 1 : i32
    %sub3A_555 = vector.broadcast %sub3A_554 : i32 to vector<16xi32>
    %sub3A_556 = arith.subi %add3A_553, %sub3A_555 : vector<16xi32>
    %jit3A_557 = arith.constant 0 : i32
    %broadcast_in_dim3A_558 = vector.broadcast %jit3A_557 : i32 to vector<16xi32>
    %select_n3A_559 = arith.select %and3A_548, %sub3A_556, %broadcast_in_dim3A_558 : vector<16xi1>, vector<16xi32>
    %add3A_560 = arith.constant 3 : i32
    %add3A_561 = vector.broadcast %add3A_560 : i32 to vector<16xi32>
    %add3A_562 = arith.addi %broadcast_in_dim3A_3, %add3A_561 : vector<16xi32>
    tpu.vector_store_idx %arg8[%add3A_562, %select_n3A_559], %get3A_542 masked %and3A_548 : memref<8x256xf32, #tpu.memory_space<vmem>>[vector<16xi32>, vector<16xi32>], vector<16xf32>, vector<16xi1>
    %all_reduce_population_count3A_563 = tpu.all_reduce %and3A_548 {dim = 0 : i64, kind = #tpu.reduction_kind<sum>} : vector<16xi1> -> vector<16xi32>
    %add3A_564 = arith.addi %add3A_351, %all_reduce_population_count3A_563 : vector<16xi32>
    %get3A_565 = arith.constant 4 : i32
    %get3A_566 = arith.index_cast %get3A_565 : i32 to index
    %get3A_567 = arith.constant 32 : index
    %get3A_568 = tpu.vector_load %arg6[%get3A_566, %get3A_567] {strides = array<i32>} : memref<8x256xf32, #tpu.memory_space<vmem>>, vector<16xf32>,
    %eq3A_569 = arith.cmpi eq, %get3A_457, %gather3A_26 : vector<16xi32>
    %add3A_570 = arith.constant 4 : i32
    %add3A_571 = vector.broadcast %add3A_570 : i32 to vector<16xi32>
    %add3A_572 = arith.addi %add3A_5, %add3A_571 : vector<16xi32>
    %ne3A_573 = arith.cmpi ne, %add3A_460, %add3A_572 : vector<16xi32>
    %and3A_574 = arith.andi %eq3A_569, %ne3A_573 : vector<16xi1>
    %convert_element_type3A_575 = arith.extui %and3A_574 : vector<16xi1> to vector<16xi32>
    %broadcast_in_dim3A_576 = arith.constant true
    %broadcast_in_dim3A_577 = vector.broadcast %broadcast_in_dim3A_576 : i1 to vector<16xi1>
    %masked_cumsum3A_578 = tpu.scan <sum>, %convert_element_type3A_575 masked %broadcast_in_dim3A_577 : vector<16xi32>, vector<16xi1> -> vector<16xi32>
    %add3A_579 = arith.addi %add3A_377, %masked_cumsum3A_578 : vector<16xi32>
    %sub3A_580 = arith.constant 1 : i32
    %sub3A_581 = vector.broadcast %sub3A_580 : i32 to vector<16xi32>
    %sub3A_582 = arith.subi %add3A_579, %sub3A_581 : vector<16xi32>
    %jit3A_583 = arith.constant 0 : i32
    %broadcast_in_dim3A_584 = vector.broadcast %jit3A_583 : i32 to vector<16xi32>
    %select_n3A_585 = arith.select %and3A_574, %sub3A_582, %broadcast_in_dim3A_584 : vector<16xi1>, vector<16xi32>
    %add3A_586 = arith.constant 4 : i32
    %add3A_587 = vector.broadcast %add3A_586 : i32 to vector<16xi32>
    %add3A_588 = arith.addi %broadcast_in_dim3A_3, %add3A_587 : vector<16xi32>
    tpu.vector_store_idx %arg8[%add3A_588, %select_n3A_585], %get3A_568 masked %and3A_574 : memref<8x256xf32, #tpu.memory_space<vmem>>[vector<16xi32>, vector<16xi32>], vector<16xf32>, vector<16xi1>
    %all_reduce_population_count3A_589 = tpu.all_reduce %and3A_574 {dim = 0 : i64, kind = #tpu.reduction_kind<sum>} : vector<16xi1> -> vector<16xi32>
    %add3A_590 = arith.addi %add3A_377, %all_reduce_population_count3A_589 : vector<16xi32>
    %get3A_591 = arith.constant 5 : i32
    %get3A_592 = arith.index_cast %get3A_591 : i32 to index
    %get3A_593 = arith.constant 32 : index
    %get3A_594 = tpu.vector_load %arg6[%get3A_592, %get3A_593] {strides = array<i32>} : memref<8x256xf32, #tpu.memory_space<vmem>>, vector<16xf32>,
    %eq3A_595 = arith.cmpi eq, %get3A_457, %gather3A_30 : vector<16xi32>
    %add3A_596 = arith.constant 5 : i32
    %add3A_597 = vector.broadcast %add3A_596 : i32 to vector<16xi32>
    %add3A_598 = arith.addi %add3A_5, %add3A_597 : vector<16xi32>
    %ne3A_599 = arith.cmpi ne, %add3A_460, %add3A_598 : vector<16xi32>
    %and3A_600 = arith.andi %eq3A_595, %ne3A_599 : vector<16xi1>
    %convert_element_type3A_601 = arith.extui %and3A_600 : vector<16xi1> to vector<16xi32>
    %broadcast_in_dim3A_602 = arith.constant true
    %broadcast_in_dim3A_603 = vector.broadcast %broadcast_in_dim3A_602 : i1 to vector<16xi1>
    %masked_cumsum3A_604 = tpu.scan <sum>, %convert_element_type3A_601 masked %broadcast_in_dim3A_603 : vector<16xi32>, vector<16xi1> -> vector<16xi32>
    %add3A_605 = arith.addi %add3A_403, %masked_cumsum3A_604 : vector<16xi32>
    %sub3A_606 = arith.constant 1 : i32
    %sub3A_607 = vector.broadcast %sub3A_606 : i32 to vector<16xi32>
    %sub3A_608 = arith.subi %add3A_605, %sub3A_607 : vector<16xi32>
    %jit3A_609 = arith.constant 0 : i32
    %broadcast_in_dim3A_610 = vector.broadcast %jit3A_609 : i32 to vector<16xi32>
    %select_n3A_611 = arith.select %and3A_600, %sub3A_608, %broadcast_in_dim3A_610 : vector<16xi1>, vector<16xi32>
    %add3A_612 = arith.constant 5 : i32
    %add3A_613 = vector.broadcast %add3A_612 : i32 to vector<16xi32>
    %add3A_614 = arith.addi %broadcast_in_dim3A_3, %add3A_613 : vector<16xi32>
    tpu.vector_store_idx %arg8[%add3A_614, %select_n3A_611], %get3A_594 masked %and3A_600 : memref<8x256xf32, #tpu.memory_space<vmem>>[vector<16xi32>, vector<16xi32>], vector<16xf32>, vector<16xi1>
    %all_reduce_population_count3A_615 = tpu.all_reduce %and3A_600 {dim = 0 : i64, kind = #tpu.reduction_kind<sum>} : vector<16xi1> -> vector<16xi32>
    %add3A_616 = arith.addi %add3A_403, %all_reduce_population_count3A_615 : vector<16xi32>
    %get3A_617 = arith.constant 6 : i32
    %get3A_618 = arith.index_cast %get3A_617 : i32 to index
    %get3A_619 = arith.constant 32 : index
    %get3A_620 = tpu.vector_load %arg6[%get3A_618, %get3A_619] {strides = array<i32>} : memref<8x256xf32, #tpu.memory_space<vmem>>, vector<16xf32>,
    %eq3A_621 = arith.cmpi eq, %get3A_457, %gather3A_34 : vector<16xi32>
    %add3A_622 = arith.constant 6 : i32
    %add3A_623 = vector.broadcast %add3A_622 : i32 to vector<16xi32>
    %add3A_624 = arith.addi %add3A_5, %add3A_623 : vector<16xi32>
    %ne3A_625 = arith.cmpi ne, %add3A_460, %add3A_624 : vector<16xi32>
    %and3A_626 = arith.andi %eq3A_621, %ne3A_625 : vector<16xi1>
    %convert_element_type3A_627 = arith.extui %and3A_626 : vector<16xi1> to vector<16xi32>
    %broadcast_in_dim3A_628 = arith.constant true
    %broadcast_in_dim3A_629 = vector.broadcast %broadcast_in_dim3A_628 : i1 to vector<16xi1>
    %masked_cumsum3A_630 = tpu.scan <sum>, %convert_element_type3A_627 masked %broadcast_in_dim3A_629 : vector<16xi32>, vector<16xi1> -> vector<16xi32>
    %add3A_631 = arith.addi %add3A_429, %masked_cumsum3A_630 : vector<16xi32>
    %sub3A_632 = arith.constant 1 : i32
    %sub3A_633 = vector.broadcast %sub3A_632 : i32 to vector<16xi32>
    %sub3A_634 = arith.subi %add3A_631, %sub3A_633 : vector<16xi32>
    %jit3A_635 = arith.constant 0 : i32
    %broadcast_in_dim3A_636 = vector.broadcast %jit3A_635 : i32 to vector<16xi32>
    %select_n3A_637 = arith.select %and3A_626, %sub3A_634, %broadcast_in_dim3A_636 : vector<16xi1>, vector<16xi32>
    %add3A_638 = arith.constant 6 : i32
    %add3A_639 = vector.broadcast %add3A_638 : i32 to vector<16xi32>
    %add3A_640 = arith.addi %broadcast_in_dim3A_3, %add3A_639 : vector<16xi32>
    tpu.vector_store_idx %arg8[%add3A_640, %select_n3A_637], %get3A_620 masked %and3A_626 : memref<8x256xf32, #tpu.memory_space<vmem>>[vector<16xi32>, vector<16xi32>], vector<16xf32>, vector<16xi1>
    %all_reduce_population_count3A_641 = tpu.all_reduce %and3A_626 {dim = 0 : i64, kind = #tpu.reduction_kind<sum>} : vector<16xi1> -> vector<16xi32>
    %add3A_642 = arith.addi %add3A_429, %all_reduce_population_count3A_641 : vector<16xi32>
    %get3A_643 = arith.constant 7 : i32
    %get3A_644 = arith.index_cast %get3A_643 : i32 to index
    %get3A_645 = arith.constant 32 : index
    %get3A_646 = tpu.vector_load %arg6[%get3A_644, %get3A_645] {strides = array<i32>} : memref<8x256xf32, #tpu.memory_space<vmem>>, vector<16xf32>,
    %eq3A_647 = arith.cmpi eq, %get3A_457, %gather3A_38 : vector<16xi32>
    %add3A_648 = arith.constant 7 : i32
    %add3A_649 = vector.broadcast %add3A_648 : i32 to vector<16xi32>
    %add3A_650 = arith.addi %add3A_5, %add3A_649 : vector<16xi32>
    %ne3A_651 = arith.cmpi ne, %add3A_460, %add3A_650 : vector<16xi32>
    %and3A_652 = arith.andi %eq3A_647, %ne3A_651 : vector<16xi1>
    %convert_element_type3A_653 = arith.extui %and3A_652 : vector<16xi1> to vector<16xi32>
    %broadcast_in_dim3A_654 = arith.constant true
    %broadcast_in_dim3A_655 = vector.broadcast %broadcast_in_dim3A_654 : i1 to vector<16xi1>
    %masked_cumsum3A_656 = tpu.scan <sum>, %convert_element_type3A_653 masked %broadcast_in_dim3A_655 : vector<16xi32>, vector<16xi1> -> vector<16xi32>
    %add3A_657 = arith.addi %add3A_455, %masked_cumsum3A_656 : vector<16xi32>
    %sub3A_658 = arith.constant 1 : i32
    %sub3A_659 = vector.broadcast %sub3A_658 : i32 to vector<16xi32>
    %sub3A_660 = arith.subi %add3A_657, %sub3A_659 : vector<16xi32>
    %jit3A_661 = arith.constant 0 : i32
    %broadcast_in_dim3A_662 = vector.broadcast %jit3A_661 : i32 to vector<16xi32>
    %select_n3A_663 = arith.select %and3A_652, %sub3A_660, %broadcast_in_dim3A_662 : vector<16xi1>, vector<16xi32>
    %add3A_664 = arith.constant 7 : i32
    %add3A_665 = vector.broadcast %add3A_664 : i32 to vector<16xi32>
    %add3A_666 = arith.addi %broadcast_in_dim3A_3, %add3A_665 : vector<16xi32>
    tpu.vector_store_idx %arg8[%add3A_666, %select_n3A_663], %get3A_646 masked %and3A_652 : memref<8x256xf32, #tpu.memory_space<vmem>>[vector<16xi32>, vector<16xi32>], vector<16xf32>, vector<16xi1>
    %all_reduce_population_count3A_667 = tpu.all_reduce %and3A_652 {dim = 0 : i64, kind = #tpu.reduction_kind<sum>} : vector<16xi1> -> vector<16xi32>
    %add3A_668 = arith.addi %add3A_455, %all_reduce_population_count3A_667 : vector<16xi32>
    %get3A_669 = arith.constant 48 : index
    %get3A_670 = tpu.vector_load %arg7[%get3A_669] {strides = array<i32>} : memref<256xi32, #tpu.memory_space<vmem>>, vector<16xi32>,
    %add3A_671 = arith.constant 48 : i32
    %add3A_672 = vector.broadcast %add3A_671 : i32 to vector<16xi32>
    %add3A_673 = arith.addi %iota3A, %add3A_672 : vector<16xi32>
    %get3A_674 = arith.constant 0 : i32
    %get3A_675 = arith.index_cast %get3A_674 : i32 to index
    %get3A_676 = arith.constant 48 : index
    %get3A_677 = tpu.vector_load %arg6[%get3A_675, %get3A_676] {strides = array<i32>} : memref<8x256xf32, #tpu.memory_space<vmem>>, vector<16xf32>,
    %eq3A_678 = arith.cmpi eq, %get3A_670, %gather3A : vector<16xi32>
    %add3A_679 = arith.constant 0 : i32
    %add3A_680 = vector.broadcast %add3A_679 : i32 to vector<16xi32>
    %add3A_681 = arith.addi %add3A_5, %add3A_680 : vector<16xi32>
    %ne3A_682 = arith.cmpi ne, %add3A_673, %add3A_681 : vector<16xi32>
    %and3A_683 = arith.andi %eq3A_678, %ne3A_682 : vector<16xi1>
    %convert_element_type3A_684 = arith.extui %and3A_683 : vector<16xi1> to vector<16xi32>
    %broadcast_in_dim3A_685 = arith.constant true
    %broadcast_in_dim3A_686 = vector.broadcast %broadcast_in_dim3A_685 : i1 to vector<16xi1>
    %masked_cumsum3A_687 = tpu.scan <sum>, %convert_element_type3A_684 masked %broadcast_in_dim3A_686 : vector<16xi32>, vector<16xi1> -> vector<16xi32>
    %add3A_688 = arith.addi %add3A_486, %masked_cumsum3A_687 : vector<16xi32>
    %sub3A_689 = arith.constant 1 : i32
    %sub3A_690 = vector.broadcast %sub3A_689 : i32 to vector<16xi32>
    %sub3A_691 = arith.subi %add3A_688, %sub3A_690 : vector<16xi32>
    %jit3A_692 = arith.constant 0 : i32
    %broadcast_in_dim3A_693 = vector.broadcast %jit3A_692 : i32 to vector<16xi32>
    %select_n3A_694 = arith.select %and3A_683, %sub3A_691, %broadcast_in_dim3A_693 : vector<16xi1>, vector<16xi32>
    %add3A_695 = arith.constant 0 : i32
    %add3A_696 = vector.broadcast %add3A_695 : i32 to vector<16xi32>
    %add3A_697 = arith.addi %broadcast_in_dim3A_3, %add3A_696 : vector<16xi32>
    tpu.vector_store_idx %arg8[%add3A_697, %select_n3A_694], %get3A_677 masked %and3A_683 : memref<8x256xf32, #tpu.memory_space<vmem>>[vector<16xi32>, vector<16xi32>], vector<16xf32>, vector<16xi1>
    %all_reduce_population_count3A_698 = tpu.all_reduce %and3A_683 {dim = 0 : i64, kind = #tpu.reduction_kind<sum>} : vector<16xi1> -> vector<16xi32>
    %add3A_699 = arith.addi %add3A_486, %all_reduce_population_count3A_698 : vector<16xi32>
    %get3A_700 = arith.constant 1 : i32
    %get3A_701 = arith.index_cast %get3A_700 : i32 to index
    %get3A_702 = arith.constant 48 : index
    %get3A_703 = tpu.vector_load %arg6[%get3A_701, %get3A_702] {strides = array<i32>} : memref<8x256xf32, #tpu.memory_space<vmem>>, vector<16xf32>,
    %eq3A_704 = arith.cmpi eq, %get3A_670, %gather3A_14 : vector<16xi32>
    %add3A_705 = arith.constant 1 : i32
    %add3A_706 = vector.broadcast %add3A_705 : i32 to vector<16xi32>
    %add3A_707 = arith.addi %add3A_5, %add3A_706 : vector<16xi32>
    %ne3A_708 = arith.cmpi ne, %add3A_673, %add3A_707 : vector<16xi32>
    %and3A_709 = arith.andi %eq3A_704, %ne3A_708 : vector<16xi1>
    %convert_element_type3A_710 = arith.extui %and3A_709 : vector<16xi1> to vector<16xi32>
    %broadcast_in_dim3A_711 = arith.constant true
    %broadcast_in_dim3A_712 = vector.broadcast %broadcast_in_dim3A_711 : i1 to vector<16xi1>
    %masked_cumsum3A_713 = tpu.scan <sum>, %convert_element_type3A_710 masked %broadcast_in_dim3A_712 : vector<16xi32>, vector<16xi1> -> vector<16xi32>
    %add3A_714 = arith.addi %add3A_512, %masked_cumsum3A_713 : vector<16xi32>
    %sub3A_715 = arith.constant 1 : i32
    %sub3A_716 = vector.broadcast %sub3A_715 : i32 to vector<16xi32>
    %sub3A_717 = arith.subi %add3A_714, %sub3A_716 : vector<16xi32>
    %jit3A_718 = arith.constant 0 : i32
    %broadcast_in_dim3A_719 = vector.broadcast %jit3A_718 : i32 to vector<16xi32>
    %select_n3A_720 = arith.select %and3A_709, %sub3A_717, %broadcast_in_dim3A_719 : vector<16xi1>, vector<16xi32>
    %add3A_721 = arith.constant 1 : i32
    %add3A_722 = vector.broadcast %add3A_721 : i32 to vector<16xi32>
    %add3A_723 = arith.addi %broadcast_in_dim3A_3, %add3A_722 : vector<16xi32>
    tpu.vector_store_idx %arg8[%add3A_723, %select_n3A_720], %get3A_703 masked %and3A_709 : memref<8x256xf32, #tpu.memory_space<vmem>>[vector<16xi32>, vector<16xi32>], vector<16xf32>, vector<16xi1>
    %all_reduce_population_count3A_724 = tpu.all_reduce %and3A_709 {dim = 0 : i64, kind = #tpu.reduction_kind<sum>} : vector<16xi1> -> vector<16xi32>
    %add3A_725 = arith.addi %add3A_512, %all_reduce_population_count3A_724 : vector<16xi32>
    %get3A_726 = arith.constant 2 : i32
    %get3A_727 = arith.index_cast %get3A_726 : i32 to index
    %get3A_728 = arith.constant 48 : index
    %get3A_729 = tpu.vector_load %arg6[%get3A_727, %get3A_728] {strides = array<i32>} : memref<8x256xf32, #tpu.memory_space<vmem>>, vector<16xf32>,
    %eq3A_730 = arith.cmpi eq, %get3A_670, %gather3A_18 : vector<16xi32>
    %add3A_731 = arith.constant 2 : i32
    %add3A_732 = vector.broadcast %add3A_731 : i32 to vector<16xi32>
    %add3A_733 = arith.addi %add3A_5, %add3A_732 : vector<16xi32>
    %ne3A_734 = arith.cmpi ne, %add3A_673, %add3A_733 : vector<16xi32>
    %and3A_735 = arith.andi %eq3A_730, %ne3A_734 : vector<16xi1>
    %convert_element_type3A_736 = arith.extui %and3A_735 : vector<16xi1> to vector<16xi32>
    %broadcast_in_dim3A_737 = arith.constant true
    %broadcast_in_dim3A_738 = vector.broadcast %broadcast_in_dim3A_737 : i1 to vector<16xi1>
    %masked_cumsum3A_739 = tpu.scan <sum>, %convert_element_type3A_736 masked %broadcast_in_dim3A_738 : vector<16xi32>, vector<16xi1> -> vector<16xi32>
    %add3A_740 = arith.addi %add3A_538, %masked_cumsum3A_739 : vector<16xi32>
    %sub3A_741 = arith.constant 1 : i32
    %sub3A_742 = vector.broadcast %sub3A_741 : i32 to vector<16xi32>
    %sub3A_743 = arith.subi %add3A_740, %sub3A_742 : vector<16xi32>
    %jit3A_744 = arith.constant 0 : i32
    %broadcast_in_dim3A_745 = vector.broadcast %jit3A_744 : i32 to vector<16xi32>
    %select_n3A_746 = arith.select %and3A_735, %sub3A_743, %broadcast_in_dim3A_745 : vector<16xi1>, vector<16xi32>
    %add3A_747 = arith.constant 2 : i32
    %add3A_748 = vector.broadcast %add3A_747 : i32 to vector<16xi32>
    %add3A_749 = arith.addi %broadcast_in_dim3A_3, %add3A_748 : vector<16xi32>
    tpu.vector_store_idx %arg8[%add3A_749, %select_n3A_746], %get3A_729 masked %and3A_735 : memref<8x256xf32, #tpu.memory_space<vmem>>[vector<16xi32>, vector<16xi32>], vector<16xf32>, vector<16xi1>
    %all_reduce_population_count3A_750 = tpu.all_reduce %and3A_735 {dim = 0 : i64, kind = #tpu.reduction_kind<sum>} : vector<16xi1> -> vector<16xi32>
    %add3A_751 = arith.addi %add3A_538, %all_reduce_population_count3A_750 : vector<16xi32>
    %get3A_752 = arith.constant 3 : i32
    %get3A_753 = arith.index_cast %get3A_752 : i32 to index
    %get3A_754 = arith.constant 48 : index
    %get3A_755 = tpu.vector_load %arg6[%get3A_753, %get3A_754] {strides = array<i32>} : memref<8x256xf32, #tpu.memory_space<vmem>>, vector<16xf32>,
    %eq3A_756 = arith.cmpi eq, %get3A_670, %gather3A_22 : vector<16xi32>
    %add3A_757 = arith.constant 3 : i32
    %add3A_758 = vector.broadcast %add3A_757 : i32 to vector<16xi32>
    %add3A_759 = arith.addi %add3A_5, %add3A_758 : vector<16xi32>
    %ne3A_760 = arith.cmpi ne, %add3A_673, %add3A_759 : vector<16xi32>
    %and3A_761 = arith.andi %eq3A_756, %ne3A_760 : vector<16xi1>
    %convert_element_type3A_762 = arith.extui %and3A_761 : vector<16xi1> to vector<16xi32>
    %broadcast_in_dim3A_763 = arith.constant true
    %broadcast_in_dim3A_764 = vector.broadcast %broadcast_in_dim3A_763 : i1 to vector<16xi1>
    %masked_cumsum3A_765 = tpu.scan <sum>, %convert_element_type3A_762 masked %broadcast_in_dim3A_764 : vector<16xi32>, vector<16xi1> -> vector<16xi32>
    %add3A_766 = arith.addi %add3A_564, %masked_cumsum3A_765 : vector<16xi32>
    %sub3A_767 = arith.constant 1 : i32
    %sub3A_768 = vector.broadcast %sub3A_767 : i32 to vector<16xi32>
    %sub3A_769 = arith.subi %add3A_766, %sub3A_768 : vector<16xi32>
    %jit3A_770 = arith.constant 0 : i32
    %broadcast_in_dim3A_771 = vector.broadcast %jit3A_770 : i32 to vector<16xi32>
    %select_n3A_772 = arith.select %and3A_761, %sub3A_769, %broadcast_in_dim3A_771 : vector<16xi1>, vector<16xi32>
    %add3A_773 = arith.constant 3 : i32
    %add3A_774 = vector.broadcast %add3A_773 : i32 to vector<16xi32>
    %add3A_775 = arith.addi %broadcast_in_dim3A_3, %add3A_774 : vector<16xi32>
    tpu.vector_store_idx %arg8[%add3A_775, %select_n3A_772], %get3A_755 masked %and3A_761 : memref<8x256xf32, #tpu.memory_space<vmem>>[vector<16xi32>, vector<16xi32>], vector<16xf32>, vector<16xi1>
    %all_reduce_population_count3A_776 = tpu.all_reduce %and3A_761 {dim = 0 : i64, kind = #tpu.reduction_kind<sum>} : vector<16xi1> -> vector<16xi32>
    %add3A_777 = arith.addi %add3A_564, %all_reduce_population_count3A_776 : vector<16xi32>
    %get3A_778 = arith.constant 4 : i32
    %get3A_779 = arith.index_cast %get3A_778 : i32 to index
    %get3A_780 = arith.constant 48 : index
    %get3A_781 = tpu.vector_load %arg6[%get3A_779, %get3A_780] {strides = array<i32>} : memref<8x256xf32, #tpu.memory_space<vmem>>, vector<16xf32>,
    %eq3A_782 = arith.cmpi eq, %get3A_670, %gather3A_26 : vector<16xi32>
    %add3A_783 = arith.constant 4 : i32
    %add3A_784 = vector.broadcast %add3A_783 : i32 to vector<16xi32>
    %add3A_785 = arith.addi %add3A_5, %add3A_784 : vector<16xi32>
    %ne3A_786 = arith.cmpi ne, %add3A_673, %add3A_785 : vector<16xi32>
    %and3A_787 = arith.andi %eq3A_782, %ne3A_786 : vector<16xi1>
    %convert_element_type3A_788 = arith.extui %and3A_787 : vector<16xi1> to vector<16xi32>
    %broadcast_in_dim3A_789 = arith.constant true
    %broadcast_in_dim3A_790 = vector.broadcast %broadcast_in_dim3A_789 : i1 to vector<16xi1>
    %masked_cumsum3A_791 = tpu.scan <sum>, %convert_element_type3A_788 masked %broadcast_in_dim3A_790 : vector<16xi32>, vector<16xi1> -> vector<16xi32>
    %add3A_792 = arith.addi %add3A_590, %masked_cumsum3A_791 : vector<16xi32>
    %sub3A_793 = arith.constant 1 : i32
    %sub3A_794 = vector.broadcast %sub3A_793 : i32 to vector<16xi32>
    %sub3A_795 = arith.subi %add3A_792, %sub3A_794 : vector<16xi32>
    %jit3A_796 = arith.constant 0 : i32
    %broadcast_in_dim3A_797 = vector.broadcast %jit3A_796 : i32 to vector<16xi32>
    %select_n3A_798 = arith.select %and3A_787, %sub3A_795, %broadcast_in_dim3A_797 : vector<16xi1>, vector<16xi32>
    %add3A_799 = arith.constant 4 : i32
    %add3A_800 = vector.broadcast %add3A_799 : i32 to vector<16xi32>
    %add3A_801 = arith.addi %broadcast_in_dim3A_3, %add3A_800 : vector<16xi32>
    tpu.vector_store_idx %arg8[%add3A_801, %select_n3A_798], %get3A_781 masked %and3A_787 : memref<8x256xf32, #tpu.memory_space<vmem>>[vector<16xi32>, vector<16xi32>], vector<16xf32>, vector<16xi1>
    %all_reduce_population_count3A_802 = tpu.all_reduce %and3A_787 {dim = 0 : i64, kind = #tpu.reduction_kind<sum>} : vector<16xi1> -> vector<16xi32>
    %add3A_803 = arith.addi %add3A_590, %all_reduce_population_count3A_802 : vector<16xi32>
    %get3A_804 = arith.constant 5 : i32
    %get3A_805 = arith.index_cast %get3A_804 : i32 to index
    %get3A_806 = arith.constant 48 : index
    %get3A_807 = tpu.vector_load %arg6[%get3A_805, %get3A_806] {strides = array<i32>} : memref<8x256xf32, #tpu.memory_space<vmem>>, vector<16xf32>,
    %eq3A_808 = arith.cmpi eq, %get3A_670, %gather3A_30 : vector<16xi32>
    %add3A_809 = arith.constant 5 : i32
    %add3A_810 = vector.broadcast %add3A_809 : i32 to vector<16xi32>
    %add3A_811 = arith.addi %add3A_5, %add3A_810 : vector<16xi32>
    %ne3A_812 = arith.cmpi ne, %add3A_673, %add3A_811 : vector<16xi32>
    %and3A_813 = arith.andi %eq3A_808, %ne3A_812 : vector<16xi1>
    %convert_element_type3A_814 = arith.extui %and3A_813 : vector<16xi1> to vector<16xi32>
    %broadcast_in_dim3A_815 = arith.constant true
    %broadcast_in_dim3A_816 = vector.broadcast %broadcast_in_dim3A_815 : i1 to vector<16xi1>
    %masked_cumsum3A_817 = tpu.scan <sum>, %convert_element_type3A_814 masked %broadcast_in_dim3A_816 : vector<16xi32>, vector<16xi1> -> vector<16xi32>
    %add3A_818 = arith.addi %add3A_616, %masked_cumsum3A_817 : vector<16xi32>
    %sub3A_819 = arith.constant 1 : i32
    %sub3A_820 = vector.broadcast %sub3A_819 : i32 to vector<16xi32>
    %sub3A_821 = arith.subi %add3A_818, %sub3A_820 : vector<16xi32>
    %jit3A_822 = arith.constant 0 : i32
    %broadcast_in_dim3A_823 = vector.broadcast %jit3A_822 : i32 to vector<16xi32>
    %select_n3A_824 = arith.select %and3A_813, %sub3A_821, %broadcast_in_dim3A_823 : vector<16xi1>, vector<16xi32>
    %add3A_825 = arith.constant 5 : i32
    %add3A_826 = vector.broadcast %add3A_825 : i32 to vector<16xi32>
    %add3A_827 = arith.addi %broadcast_in_dim3A_3, %add3A_826 : vector<16xi32>
    tpu.vector_store_idx %arg8[%add3A_827, %select_n3A_824], %get3A_807 masked %and3A_813 : memref<8x256xf32, #tpu.memory_space<vmem>>[vector<16xi32>, vector<16xi32>], vector<16xf32>, vector<16xi1>
    %all_reduce_population_count3A_828 = tpu.all_reduce %and3A_813 {dim = 0 : i64, kind = #tpu.reduction_kind<sum>} : vector<16xi1> -> vector<16xi32>
    %add3A_829 = arith.addi %add3A_616, %all_reduce_population_count3A_828 : vector<16xi32>
    %get3A_830 = arith.constant 6 : i32
    %get3A_831 = arith.index_cast %get3A_830 : i32 to index
    %get3A_832 = arith.constant 48 : index
    %get3A_833 = tpu.vector_load %arg6[%get3A_831, %get3A_832] {strides = array<i32>} : memref<8x256xf32, #tpu.memory_space<vmem>>, vector<16xf32>,
    %eq3A_834 = arith.cmpi eq, %get3A_670, %gather3A_34 : vector<16xi32>
    %add3A_835 = arith.constant 6 : i32
    %add3A_836 = vector.broadcast %add3A_835 : i32 to vector<16xi32>
    %add3A_837 = arith.addi %add3A_5, %add3A_836 : vector<16xi32>
    %ne3A_838 = arith.cmpi ne, %add3A_673, %add3A_837 : vector<16xi32>
    %and3A_839 = arith.andi %eq3A_834, %ne3A_838 : vector<16xi1>
    %convert_element_type3A_840 = arith.extui %and3A_839 : vector<16xi1> to vector<16xi32>
    %broadcast_in_dim3A_841 = arith.constant true
    %broadcast_in_dim3A_842 = vector.broadcast %broadcast_in_dim3A_841 : i1 to vector<16xi1>
    %masked_cumsum3A_843 = tpu.scan <sum>, %convert_element_type3A_840 masked %broadcast_in_dim3A_842 : vector<16xi32>, vector<16xi1> -> vector<16xi32>
    %add3A_844 = arith.addi %add3A_642, %masked_cumsum3A_843 : vector<16xi32>
    %sub3A_845 = arith.constant 1 : i32
    %sub3A_846 = vector.broadcast %sub3A_845 : i32 to vector<16xi32>
    %sub3A_847 = arith.subi %add3A_844, %sub3A_846 : vector<16xi32>
    %jit3A_848 = arith.constant 0 : i32
    %broadcast_in_dim3A_849 = vector.broadcast %jit3A_848 : i32 to vector<16xi32>
    %select_n3A_850 = arith.select %and3A_839, %sub3A_847, %broadcast_in_dim3A_849 : vector<16xi1>, vector<16xi32>
    %add3A_851 = arith.constant 6 : i32
    %add3A_852 = vector.broadcast %add3A_851 : i32 to vector<16xi32>
    %add3A_853 = arith.addi %broadcast_in_dim3A_3, %add3A_852 : vector<16xi32>
    tpu.vector_store_idx %arg8[%add3A_853, %select_n3A_850], %get3A_833 masked %and3A_839 : memref<8x256xf32, #tpu.memory_space<vmem>>[vector<16xi32>, vector<16xi32>], vector<16xf32>, vector<16xi1>
    %all_reduce_population_count3A_854 = tpu.all_reduce %and3A_839 {dim = 0 : i64, kind = #tpu.reduction_kind<sum>} : vector<16xi1> -> vector<16xi32>
    %add3A_855 = arith.addi %add3A_642, %all_reduce_population_count3A_854 : vector<16xi32>
    %get3A_856 = arith.constant 7 : i32
    %get3A_857 = arith.index_cast %get3A_856 : i32 to index
    %get3A_858 = arith.constant 48 : index
    %get3A_859 = tpu.vector_load %arg6[%get3A_857, %get3A_858] {strides = array<i32>} : memref<8x256xf32, #tpu.memory_space<vmem>>, vector<16xf32>,
    %eq3A_860 = arith.cmpi eq, %get3A_670, %gather3A_38 : vector<16xi32>
    %add3A_861 = arith.constant 7 : i32
    %add3A_862 = vector.broadcast %add3A_861 : i32 to vector<16xi32>
    %add3A_863 = arith.addi %add3A_5, %add3A_862 : vector<16xi32>
    %ne3A_864 = arith.cmpi ne, %add3A_673, %add3A_863 : vector<16xi32>
    %and3A_865 = arith.andi %eq3A_860, %ne3A_864 : vector<16xi1>
    %convert_element_type3A_866 = arith.extui %and3A_865 : vector<16xi1> to vector<16xi32>
    %broadcast_in_dim3A_867 = arith.constant true
    %broadcast_in_dim3A_868 = vector.broadcast %broadcast_in_dim3A_867 : i1 to vector<16xi1>
    %masked_cumsum3A_869 = tpu.scan <sum>, %convert_element_type3A_866 masked %broadcast_in_dim3A_868 : vector<16xi32>, vector<16xi1> -> vector<16xi32>
    %add3A_870 = arith.addi %add3A_668, %masked_cumsum3A_869 : vector<16xi32>
    %sub3A_871 = arith.constant 1 : i32
    %sub3A_872 = vector.broadcast %sub3A_871 : i32 to vector<16xi32>
    %sub3A_873 = arith.subi %add3A_870, %sub3A_872 : vector<16xi32>
    %jit3A_874 = arith.constant 0 : i32
    %broadcast_in_dim3A_875 = vector.broadcast %jit3A_874 : i32 to vector<16xi32>
    %select_n3A_876 = arith.select %and3A_865, %sub3A_873, %broadcast_in_dim3A_875 : vector<16xi1>, vector<16xi32>
    %add3A_877 = arith.constant 7 : i32
    %add3A_878 = vector.broadcast %add3A_877 : i32 to vector<16xi32>
    %add3A_879 = arith.addi %broadcast_in_dim3A_3, %add3A_878 : vector<16xi32>
    tpu.vector_store_idx %arg8[%add3A_879, %select_n3A_876], %get3A_859 masked %and3A_865 : memref<8x256xf32, #tpu.memory_space<vmem>>[vector<16xi32>, vector<16xi32>], vector<16xf32>, vector<16xi1>
    %all_reduce_population_count3A_880 = tpu.all_reduce %and3A_865 {dim = 0 : i64, kind = #tpu.reduction_kind<sum>} : vector<16xi1> -> vector<16xi32>
    %add3A_881 = arith.addi %add3A_668, %all_reduce_population_count3A_880 : vector<16xi32>
    %get3A_882 = arith.constant 64 : index
    %get3A_883 = tpu.vector_load %arg7[%get3A_882] {strides = array<i32>} : memref<256xi32, #tpu.memory_space<vmem>>, vector<16xi32>,
    %add3A_884 = arith.constant 64 : i32
    %add3A_885 = vector.broadcast %add3A_884 : i32 to vector<16xi32>
    %add3A_886 = arith.addi %iota3A, %add3A_885 : vector<16xi32>
    %get3A_887 = arith.constant 0 : i32
    %get3A_888 = arith.index_cast %get3A_887 : i32 to index
    %get3A_889 = arith.constant 64 : index
    %get3A_890 = tpu.vector_load %arg6[%get3A_888, %get3A_889] {strides = array<i32>} : memref<8x256xf32, #tpu.memory_space<vmem>>, vector<16xf32>,
    %eq3A_891 = arith.cmpi eq, %get3A_883, %gather3A : vector<16xi32>
    %add3A_892 = arith.constant 0 : i32
    %add3A_893 = vector.broadcast %add3A_892 : i32 to vector<16xi32>
    %add3A_894 = arith.addi %add3A_5, %add3A_893 : vector<16xi32>
    %ne3A_895 = arith.cmpi ne, %add3A_886, %add3A_894 : vector<16xi32>
    %and3A_896 = arith.andi %eq3A_891, %ne3A_895 : vector<16xi1>
    %convert_element_type3A_897 = arith.extui %and3A_896 : vector<16xi1> to vector<16xi32>
    %broadcast_in_dim3A_898 = arith.constant true
    %broadcast_in_dim3A_899 = vector.broadcast %broadcast_in_dim3A_898 : i1 to vector<16xi1>
    %masked_cumsum3A_900 = tpu.scan <sum>, %convert_element_type3A_897 masked %broadcast_in_dim3A_899 : vector<16xi32>, vector<16xi1> -> vector<16xi32>
    %add3A_901 = arith.addi %add3A_699, %masked_cumsum3A_900 : vector<16xi32>
    %sub3A_902 = arith.constant 1 : i32
    %sub3A_903 = vector.broadcast %sub3A_902 : i32 to vector<16xi32>
    %sub3A_904 = arith.subi %add3A_901, %sub3A_903 : vector<16xi32>
    %jit3A_905 = arith.constant 0 : i32
    %broadcast_in_dim3A_906 = vector.broadcast %jit3A_905 : i32 to vector<16xi32>
    %select_n3A_907 = arith.select %and3A_896, %sub3A_904, %broadcast_in_dim3A_906 : vector<16xi1>, vector<16xi32>
    %add3A_908 = arith.constant 0 : i32
    %add3A_909 = vector.broadcast %add3A_908 : i32 to vector<16xi32>
    %add3A_910 = arith.addi %broadcast_in_dim3A_3, %add3A_909 : vector<16xi32>
    tpu.vector_store_idx %arg8[%add3A_910, %select_n3A_907], %get3A_890 masked %and3A_896 : memref<8x256xf32, #tpu.memory_space<vmem>>[vector<16xi32>, vector<16xi32>], vector<16xf32>, vector<16xi1>
    %all_reduce_population_count3A_911 = tpu.all_reduce %and3A_896 {dim = 0 : i64, kind = #tpu.reduction_kind<sum>} : vector<16xi1> -> vector<16xi32>
    %add3A_912 = arith.addi %add3A_699, %all_reduce_population_count3A_911 : vector<16xi32>
    %get3A_913 = arith.constant 1 : i32
    %get3A_914 = arith.index_cast %get3A_913 : i32 to index
    %get3A_915 = arith.constant 64 : index
    %get3A_916 = tpu.vector_load %arg6[%get3A_914, %get3A_915] {strides = array<i32>} : memref<8x256xf32, #tpu.memory_space<vmem>>, vector<16xf32>,
    %eq3A_917 = arith.cmpi eq, %get3A_883, %gather3A_14 : vector<16xi32>
    %add3A_918 = arith.constant 1 : i32
    %add3A_919 = vector.broadcast %add3A_918 : i32 to vector<16xi32>
    %add3A_920 = arith.addi %add3A_5, %add3A_919 : vector<16xi32>
    %ne3A_921 = arith.cmpi ne, %add3A_886, %add3A_920 : vector<16xi32>
    %and3A_922 = arith.andi %eq3A_917, %ne3A_921 : vector<16xi1>
    %convert_element_type3A_923 = arith.extui %and3A_922 : vector<16xi1> to vector<16xi32>
    %broadcast_in_dim3A_924 = arith.constant true
    %broadcast_in_dim3A_925 = vector.broadcast %broadcast_in_dim3A_924 : i1 to vector<16xi1>
    %masked_cumsum3A_926 = tpu.scan <sum>, %convert_element_type3A_923 masked %broadcast_in_dim3A_925 : vector<16xi32>, vector<16xi1> -> vector<16xi32>
    %add3A_927 = arith.addi %add3A_725, %masked_cumsum3A_926 : vector<16xi32>
    %sub3A_928 = arith.constant 1 : i32
    %sub3A_929 = vector.broadcast %sub3A_928 : i32 to vector<16xi32>
    %sub3A_930 = arith.subi %add3A_927, %sub3A_929 : vector<16xi32>
    %jit3A_931 = arith.constant 0 : i32
    %broadcast_in_dim3A_932 = vector.broadcast %jit3A_931 : i32 to vector<16xi32>
    %select_n3A_933 = arith.select %and3A_922, %sub3A_930, %broadcast_in_dim3A_932 : vector<16xi1>, vector<16xi32>
    %add3A_934 = arith.constant 1 : i32
    %add3A_935 = vector.broadcast %add3A_934 : i32 to vector<16xi32>
    %add3A_936 = arith.addi %broadcast_in_dim3A_3, %add3A_935 : vector<16xi32>
    tpu.vector_store_idx %arg8[%add3A_936, %select_n3A_933], %get3A_916 masked %and3A_922 : memref<8x256xf32, #tpu.memory_space<vmem>>[vector<16xi32>, vector<16xi32>], vector<16xf32>, vector<16xi1>
    %all_reduce_population_count3A_937 = tpu.all_reduce %and3A_922 {dim = 0 : i64, kind = #tpu.reduction_kind<sum>} : vector<16xi1> -> vector<16xi32>
    %add3A_938 = arith.addi %add3A_725, %all_reduce_population_count3A_937 : vector<16xi32>
    %get3A_939 = arith.constant 2 : i32
    %get3A_940 = arith.index_cast %get3A_939 : i32 to index
    %get3A_941 = arith.constant 64 : index
    %get3A_942 = tpu.vector_load %arg6[%get3A_940, %get3A_941] {strides = array<i32>} : memref<8x256xf32, #tpu.memory_space<vmem>>, vector<16xf32>,
    %eq3A_943 = arith.cmpi eq, %get3A_883, %gather3A_18 : vector<16xi32>
    %add3A_944 = arith.constant 2 : i32
    %add3A_945 = vector.broadcast %add3A_944 : i32 to vector<16xi32>
    %add3A_946 = arith.addi %add3A_5, %add3A_945 : vector<16xi32>
    %ne3A_947 = arith.cmpi ne, %add3A_886, %add3A_946 : vector<16xi32>
    %and3A_948 = arith.andi %eq3A_943, %ne3A_947 : vector<16xi1>
    %convert_element_type3A_949 = arith.extui %and3A_948 : vector<16xi1> to vector<16xi32>
    %broadcast_in_dim3A_950 = arith.constant true
    %broadcast_in_dim3A_951 = vector.broadcast %broadcast_in_dim3A_950 : i1 to vector<16xi1>
    %masked_cumsum3A_952 = tpu.scan <sum>, %convert_element_type3A_949 masked %broadcast_in_dim3A_951 : vector<16xi32>, vector<16xi1> -> vector<16xi32>
    %add3A_953 = arith.addi %add3A_751, %masked_cumsum3A_952 : vector<16xi32>
    %sub3A_954 = arith.constant 1 : i32
    %sub3A_955 = vector.broadcast %sub3A_954 : i32 to vector<16xi32>
    %sub3A_956 = arith.subi %add3A_953, %sub3A_955 : vector<16xi32>
    %jit3A_957 = arith.constant 0 : i32
    %broadcast_in_dim3A_958 = vector.broadcast %jit3A_957 : i32 to vector<16xi32>
    %select_n3A_959 = arith.select %and3A_948, %sub3A_956, %broadcast_in_dim3A_958 : vector<16xi1>, vector<16xi32>
    %add3A_960 = arith.constant 2 : i32
    %add3A_961 = vector.broadcast %add3A_960 : i32 to vector<16xi32>
    %add3A_962 = arith.addi %broadcast_in_dim3A_3, %add3A_961 : vector<16xi32>
    tpu.vector_store_idx %arg8[%add3A_962, %select_n3A_959], %get3A_942 masked %and3A_948 : memref<8x256xf32, #tpu.memory_space<vmem>>[vector<16xi32>, vector<16xi32>], vector<16xf32>, vector<16xi1>
    %all_reduce_population_count3A_963 = tpu.all_reduce %and3A_948 {dim = 0 : i64, kind = #tpu.reduction_kind<sum>} : vector<16xi1> -> vector<16xi32>
    %add3A_964 = arith.addi %add3A_751, %all_reduce_population_count3A_963 : vector<16xi32>
    %get3A_965 = arith.constant 3 : i32
    %get3A_966 = arith.index_cast %get3A_965 : i32 to index
    %get3A_967 = arith.constant 64 : index
    %get3A_968 = tpu.vector_load %arg6[%get3A_966, %get3A_967] {strides = array<i32>} : memref<8x256xf32, #tpu.memory_space<vmem>>, vector<16xf32>,
    %eq3A_969 = arith.cmpi eq, %get3A_883, %gather3A_22 : vector<16xi32>
    %add3A_970 = arith.constant 3 : i32
    %add3A_971 = vector.broadcast %add3A_970 : i32 to vector<16xi32>
    %add3A_972 = arith.addi %add3A_5, %add3A_971 : vector<16xi32>
    %ne3A_973 = arith.cmpi ne, %add3A_886, %add3A_972 : vector<16xi32>
    %and3A_974 = arith.andi %eq3A_969, %ne3A_973 : vector<16xi1>
    %convert_element_type3A_975 = arith.extui %and3A_974 : vector<16xi1> to vector<16xi32>
    %broadcast_in_dim3A_976 = arith.constant true
    %broadcast_in_dim3A_977 = vector.broadcast %broadcast_in_dim3A_976 : i1 to vector<16xi1>
    %masked_cumsum3A_978 = tpu.scan <sum>, %convert_element_type3A_975 masked %broadcast_in_dim3A_977 : vector<16xi32>, vector<16xi1> -> vector<16xi32>
    %add3A_979 = arith.addi %add3A_777, %masked_cumsum3A_978 : vector<16xi32>
    %sub3A_980 = arith.constant 1 : i32
    %sub3A_981 = vector.broadcast %sub3A_980 : i32 to vector<16xi32>
    %sub3A_982 = arith.subi %add3A_979, %sub3A_981 : vector<16xi32>
    %jit3A_983 = arith.constant 0 : i32
    %broadcast_in_dim3A_984 = vector.broadcast %jit3A_983 : i32 to vector<16xi32>
    %select_n3A_985 = arith.select %and3A_974, %sub3A_982, %broadcast_in_dim3A_984 : vector<16xi1>, vector<16xi32>
    %add3A_986 = arith.constant 3 : i32
    %add3A_987 = vector.broadcast %add3A_986 : i32 to vector<16xi32>
    %add3A_988 = arith.addi %broadcast_in_dim3A_3, %add3A_987 : vector<16xi32>
    tpu.vector_store_idx %arg8[%add3A_988, %select_n3A_985], %get3A_968 masked %and3A_974 : memref<8x256xf32, #tpu.memory_space<vmem>>[vector<16xi32>, vector<16xi32>], vector<16xf32>, vector<16xi1>
    %all_reduce_population_count3A_989 = tpu.all_reduce %and3A_974 {dim = 0 : i64, kind = #tpu.reduction_kind<sum>} : vector<16xi1> -> vector<16xi32>
    %add3A_990 = arith.addi %add3A_777, %all_reduce_population_count3A_989 : vector<16xi32>
    %get3A_991 = arith.constant 4 : i32
    %get3A_992 = arith.index_cast %get3A_991 : i32 to index
    %get3A_993 = arith.constant 64 : index
    %get3A_994 = tpu.vector_load %arg6[%get3A_992, %get3A_993] {strides = array<i32>} : memref<8x256xf32, #tpu.memory_space<vmem>>, vector<16xf32>,
    %eq3A_995 = arith.cmpi eq, %get3A_883, %gather3A_26 : vector<16xi32>
    %add3A_996 = arith.constant 4 : i32
    %add3A_997 = vector.broadcast %add3A_996 : i32 to vector<16xi32>
    %add3A_998 = arith.addi %add3A_5, %add3A_997 : vector<16xi32>
    %ne3A_999 = arith.cmpi ne, %add3A_886, %add3A_998 : vector<16xi32>
    %and3A_1000 = arith.andi %eq3A_995, %ne3A_999 : vector<16xi1>
    %convert_element_type3A_1001 = arith.extui %and3A_1000 : vector<16xi1> to vector<16xi32>
    %broadcast_in_dim3A_1002 = arith.constant true
    %broadcast_in_dim3A_1003 = vector.broadcast %broadcast_in_dim3A_1002 : i1 to vector<16xi1>
    %masked_cumsum3A_1004 = tpu.scan <sum>, %convert_element_type3A_1001 masked %broadcast_in_dim3A_1003 : vector<16xi32>, vector<16xi1> -> vector<16xi32>
    %add3A_1005 = arith.addi %add3A_803, %masked_cumsum3A_1004 : vector<16xi32>
    %sub3A_1006 = arith.constant 1 : i32
    %sub3A_1007 = vector.broadcast %sub3A_1006 : i32 to vector<16xi32>
    %sub3A_1008 = arith.subi %add3A_1005, %sub3A_1007 : vector<16xi32>
    %jit3A_1009 = arith.constant 0 : i32
    %broadcast_in_dim3A_1010 = vector.broadcast %jit3A_1009 : i32 to vector<16xi32>
    %select_n3A_1011 = arith.select %and3A_1000, %sub3A_1008, %broadcast_in_dim3A_1010 : vector<16xi1>, vector<16xi32>
    %add3A_1012 = arith.constant 4 : i32
    %add3A_1013 = vector.broadcast %add3A_1012 : i32 to vector<16xi32>
    %add3A_1014 = arith.addi %broadcast_in_dim3A_3, %add3A_1013 : vector<16xi32>
    tpu.vector_store_idx %arg8[%add3A_1014, %select_n3A_1011], %get3A_994 masked %and3A_1000 : memref<8x256xf32, #tpu.memory_space<vmem>>[vector<16xi32>, vector<16xi32>], vector<16xf32>, vector<16xi1>
    %all_reduce_population_count3A_1015 = tpu.all_reduce %and3A_1000 {dim = 0 : i64, kind = #tpu.reduction_kind<sum>} : vector<16xi1> -> vector<16xi32>
    %add3A_1016 = arith.addi %add3A_803, %all_reduce_population_count3A_1015 : vector<16xi32>
    %get3A_1017 = arith.constant 5 : i32
    %get3A_1018 = arith.index_cast %get3A_1017 : i32 to index
    %get3A_1019 = arith.constant 64 : index
    %get3A_1020 = tpu.vector_load %arg6[%get3A_1018, %get3A_1019] {strides = array<i32>} : memref<8x256xf32, #tpu.memory_space<vmem>>, vector<16xf32>,
    %eq3A_1021 = arith.cmpi eq, %get3A_883, %gather3A_30 : vector<16xi32>
    %add3A_1022 = arith.constant 5 : i32
    %add3A_1023 = vector.broadcast %add3A_1022 : i32 to vector<16xi32>
    %add3A_1024 = arith.addi %add3A_5, %add3A_1023 : vector<16xi32>
    %ne3A_1025 = arith.cmpi ne, %add3A_886, %add3A_1024 : vector<16xi32>
    %and3A_1026 = arith.andi %eq3A_1021, %ne3A_1025 : vector<16xi1>
    %convert_element_type3A_1027 = arith.extui %and3A_1026 : vector<16xi1> to vector<16xi32>
    %broadcast_in_dim3A_1028 = arith.constant true
    %broadcast_in_dim3A_1029 = vector.broadcast %broadcast_in_dim3A_1028 : i1 to vector<16xi1>
    %masked_cumsum3A_1030 = tpu.scan <sum>, %convert_element_type3A_1027 masked %broadcast_in_dim3A_1029 : vector<16xi32>, vector<16xi1> -> vector<16xi32>
    %add3A_1031 = arith.addi %add3A_829, %masked_cumsum3A_1030 : vector<16xi32>
    %sub3A_1032 = arith.constant 1 : i32
    %sub3A_1033 = vector.broadcast %sub3A_1032 : i32 to vector<16xi32>
    %sub3A_1034 = arith.subi %add3A_1031, %sub3A_1033 : vector<16xi32>
    %jit3A_1035 = arith.constant 0 : i32
    %broadcast_in_dim3A_1036 = vector.broadcast %jit3A_1035 : i32 to vector<16xi32>
    %select_n3A_1037 = arith.select %and3A_1026, %sub3A_1034, %broadcast_in_dim3A_1036 : vector<16xi1>, vector<16xi32>
    %add3A_1038 = arith.constant 5 : i32
    %add3A_1039 = vector.broadcast %add3A_1038 : i32 to vector<16xi32>
    %add3A_1040 = arith.addi %broadcast_in_dim3A_3, %add3A_1039 : vector<16xi32>
    tpu.vector_store_idx %arg8[%add3A_1040, %select_n3A_1037], %get3A_1020 masked %and3A_1026 : memref<8x256xf32, #tpu.memory_space<vmem>>[vector<16xi32>, vector<16xi32>], vector<16xf32>, vector<16xi1>
    %all_reduce_population_count3A_1041 = tpu.all_reduce %and3A_1026 {dim = 0 : i64, kind = #tpu.reduction_kind<sum>} : vector<16xi1> -> vector<16xi32>
    %add3A_1042 = arith.addi %add3A_829, %all_reduce_population_count3A_1041 : vector<16xi32>
    %get3A_1043 = arith.constant 6 : i32
    %get3A_1044 = arith.index_cast %get3A_1043 : i32 to index
    %get3A_1045 = arith.constant 64 : index
    %get3A_1046 = tpu.vector_load %arg6[%get3A_1044, %get3A_1045] {strides = array<i32>} : memref<8x256xf32, #tpu.memory_space<vmem>>, vector<16xf32>,
    %eq3A_1047 = arith.cmpi eq, %get3A_883, %gather3A_34 : vector<16xi32>
    %add3A_1048 = arith.constant 6 : i32
    %add3A_1049 = vector.broadcast %add3A_1048 : i32 to vector<16xi32>
    %add3A_1050 = arith.addi %add3A_5, %add3A_1049 : vector<16xi32>
    %ne3A_1051 = arith.cmpi ne, %add3A_886, %add3A_1050 : vector<16xi32>
    %and3A_1052 = arith.andi %eq3A_1047, %ne3A_1051 : vector<16xi1>
    %convert_element_type3A_1053 = arith.extui %and3A_1052 : vector<16xi1> to vector<16xi32>
    %broadcast_in_dim3A_1054 = arith.constant true
    %broadcast_in_dim3A_1055 = vector.broadcast %broadcast_in_dim3A_1054 : i1 to vector<16xi1>
    %masked_cumsum3A_1056 = tpu.scan <sum>, %convert_element_type3A_1053 masked %broadcast_in_dim3A_1055 : vector<16xi32>, vector<16xi1> -> vector<16xi32>
    %add3A_1057 = arith.addi %add3A_855, %masked_cumsum3A_1056 : vector<16xi32>
    %sub3A_1058 = arith.constant 1 : i32
    %sub3A_1059 = vector.broadcast %sub3A_1058 : i32 to vector<16xi32>
    %sub3A_1060 = arith.subi %add3A_1057, %sub3A_1059 : vector<16xi32>
    %jit3A_1061 = arith.constant 0 : i32
    %broadcast_in_dim3A_1062 = vector.broadcast %jit3A_1061 : i32 to vector<16xi32>
    %select_n3A_1063 = arith.select %and3A_1052, %sub3A_1060, %broadcast_in_dim3A_1062 : vector<16xi1>, vector<16xi32>
    %add3A_1064 = arith.constant 6 : i32
    %add3A_1065 = vector.broadcast %add3A_1064 : i32 to vector<16xi32>
    %add3A_1066 = arith.addi %broadcast_in_dim3A_3, %add3A_1065 : vector<16xi32>
    tpu.vector_store_idx %arg8[%add3A_1066, %select_n3A_1063], %get3A_1046 masked %and3A_1052 : memref<8x256xf32, #tpu.memory_space<vmem>>[vector<16xi32>, vector<16xi32>], vector<16xf32>, vector<16xi1>
    %all_reduce_population_count3A_1067 = tpu.all_reduce %and3A_1052 {dim = 0 : i64, kind = #tpu.reduction_kind<sum>} : vector<16xi1> -> vector<16xi32>
    %add3A_1068 = arith.addi %add3A_855, %all_reduce_population_count3A_1067 : vector<16xi32>
    %get3A_1069 = arith.constant 7 : i32
    %get3A_1070 = arith.index_cast %get3A_1069 : i32 to index
    %get3A_1071 = arith.constant 64 : index
    %get3A_1072 = tpu.vector_load %arg6[%get3A_1070, %get3A_1071] {strides = array<i32>} : memref<8x256xf32, #tpu.memory_space<vmem>>, vector<16xf32>,
    %eq3A_1073 = arith.cmpi eq, %get3A_883, %gather3A_38 : vector<16xi32>
    %add3A_1074 = arith.constant 7 : i32
    %add3A_1075 = vector.broadcast %add3A_1074 : i32 to vector<16xi32>
    %add3A_1076 = arith.addi %add3A_5, %add3A_1075 : vector<16xi32>
    %ne3A_1077 = arith.cmpi ne, %add3A_886, %add3A_1076 : vector<16xi32>
    %and3A_1078 = arith.andi %eq3A_1073, %ne3A_1077 : vector<16xi1>
    %convert_element_type3A_1079 = arith.extui %and3A_1078 : vector<16xi1> to vector<16xi32>
    %broadcast_in_dim3A_1080 = arith.constant true
    %broadcast_in_dim3A_1081 = vector.broadcast %broadcast_in_dim3A_1080 : i1 to vector<16xi1>
    %masked_cumsum3A_1082 = tpu.scan <sum>, %convert_element_type3A_1079 masked %broadcast_in_dim3A_1081 : vector<16xi32>, vector<16xi1> -> vector<16xi32>
    %add3A_1083 = arith.addi %add3A_881, %masked_cumsum3A_1082 : vector<16xi32>
    %sub3A_1084 = arith.constant 1 : i32
    %sub3A_1085 = vector.broadcast %sub3A_1084 : i32 to vector<16xi32>
    %sub3A_1086 = arith.subi %add3A_1083, %sub3A_1085 : vector<16xi32>
    %jit3A_1087 = arith.constant 0 : i32
    %broadcast_in_dim3A_1088 = vector.broadcast %jit3A_1087 : i32 to vector<16xi32>
    %select_n3A_1089 = arith.select %and3A_1078, %sub3A_1086, %broadcast_in_dim3A_1088 : vector<16xi1>, vector<16xi32>
    %add3A_1090 = arith.constant 7 : i32
    %add3A_1091 = vector.broadcast %add3A_1090 : i32 to vector<16xi32>
    %add3A_1092 = arith.addi %broadcast_in_dim3A_3, %add3A_1091 : vector<16xi32>
    tpu.vector_store_idx %arg8[%add3A_1092, %select_n3A_1089], %get3A_1072 masked %and3A_1078 : memref<8x256xf32, #tpu.memory_space<vmem>>[vector<16xi32>, vector<16xi32>], vector<16xf32>, vector<16xi1>
    %all_reduce_population_count3A_1093 = tpu.all_reduce %and3A_1078 {dim = 0 : i64, kind = #tpu.reduction_kind<sum>} : vector<16xi1> -> vector<16xi32>
    %add3A_1094 = arith.addi %add3A_881, %all_reduce_population_count3A_1093 : vector<16xi32>
    %get3A_1095 = arith.constant 80 : index
    %get3A_1096 = tpu.vector_load %arg7[%get3A_1095] {strides = array<i32>} : memref<256xi32, #tpu.memory_space<vmem>>, vector<16xi32>,
    %add3A_1097 = arith.constant 80 : i32
    %add3A_1098 = vector.broadcast %add3A_1097 : i32 to vector<16xi32>
    %add3A_1099 = arith.addi %iota3A, %add3A_1098 : vector<16xi32>
    %get3A_1100 = arith.constant 0 : i32
    %get3A_1101 = arith.index_cast %get3A_1100 : i32 to index
    %get3A_1102 = arith.constant 80 : index
    %get3A_1103 = tpu.vector_load %arg6[%get3A_1101, %get3A_1102] {strides = array<i32>} : memref<8x256xf32, #tpu.memory_space<vmem>>, vector<16xf32>,
    %eq3A_1104 = arith.cmpi eq, %get3A_1096, %gather3A : vector<16xi32>
    %add3A_1105 = arith.constant 0 : i32
    %add3A_1106 = vector.broadcast %add3A_1105 : i32 to vector<16xi32>
    %add3A_1107 = arith.addi %add3A_5, %add3A_1106 : vector<16xi32>
    %ne3A_1108 = arith.cmpi ne, %add3A_1099, %add3A_1107 : vector<16xi32>
    %and3A_1109 = arith.andi %eq3A_1104, %ne3A_1108 : vector<16xi1>
    %convert_element_type3A_1110 = arith.extui %and3A_1109 : vector<16xi1> to vector<16xi32>
    %broadcast_in_dim3A_1111 = arith.constant true
    %broadcast_in_dim3A_1112 = vector.broadcast %broadcast_in_dim3A_1111 : i1 to vector<16xi1>
    %masked_cumsum3A_1113 = tpu.scan <sum>, %convert_element_type3A_1110 masked %broadcast_in_dim3A_1112 : vector<16xi32>, vector<16xi1> -> vector<16xi32>
    %add3A_1114 = arith.addi %add3A_912, %masked_cumsum3A_1113 : vector<16xi32>
    %sub3A_1115 = arith.constant 1 : i32
    %sub3A_1116 = vector.broadcast %sub3A_1115 : i32 to vector<16xi32>
    %sub3A_1117 = arith.subi %add3A_1114, %sub3A_1116 : vector<16xi32>
    %jit3A_1118 = arith.constant 0 : i32
    %broadcast_in_dim3A_1119 = vector.broadcast %jit3A_1118 : i32 to vector<16xi32>
    %select_n3A_1120 = arith.select %and3A_1109, %sub3A_1117, %broadcast_in_dim3A_1119 : vector<16xi1>, vector<16xi32>
    %add3A_1121 = arith.constant 0 : i32
    %add3A_1122 = vector.broadcast %add3A_1121 : i32 to vector<16xi32>
    %add3A_1123 = arith.addi %broadcast_in_dim3A_3, %add3A_1122 : vector<16xi32>
    tpu.vector_store_idx %arg8[%add3A_1123, %select_n3A_1120], %get3A_1103 masked %and3A_1109 : memref<8x256xf32, #tpu.memory_space<vmem>>[vector<16xi32>, vector<16xi32>], vector<16xf32>, vector<16xi1>
    %all_reduce_population_count3A_1124 = tpu.all_reduce %and3A_1109 {dim = 0 : i64, kind = #tpu.reduction_kind<sum>} : vector<16xi1> -> vector<16xi32>
    %add3A_1125 = arith.addi %add3A_912, %all_reduce_population_count3A_1124 : vector<16xi32>
    %get3A_1126 = arith.constant 1 : i32
    %get3A_1127 = arith.index_cast %get3A_1126 : i32 to index
    %get3A_1128 = arith.constant 80 : index
    %get3A_1129 = tpu.vector_load %arg6[%get3A_1127, %get3A_1128] {strides = array<i32>} : memref<8x256xf32, #tpu.memory_space<vmem>>, vector<16xf32>,
    %eq3A_1130 = arith.cmpi eq, %get3A_1096, %gather3A_14 : vector<16xi32>
    %add3A_1131 = arith.constant 1 : i32
    %add3A_1132 = vector.broadcast %add3A_1131 : i32 to vector<16xi32>
    %add3A_1133 = arith.addi %add3A_5, %add3A_1132 : vector<16xi32>
    %ne3A_1134 = arith.cmpi ne, %add3A_1099, %add3A_1133 : vector<16xi32>
    %and3A_1135 = arith.andi %eq3A_1130, %ne3A_1134 : vector<16xi1>
    %convert_element_type3A_1136 = arith.extui %and3A_1135 : vector<16xi1> to vector<16xi32>
    %broadcast_in_dim3A_1137 = arith.constant true
    %broadcast_in_dim3A_1138 = vector.broadcast %broadcast_in_dim3A_1137 : i1 to vector<16xi1>
    %masked_cumsum3A_1139 = tpu.scan <sum>, %convert_element_type3A_1136 masked %broadcast_in_dim3A_1138 : vector<16xi32>, vector<16xi1> -> vector<16xi32>
    %add3A_1140 = arith.addi %add3A_938, %masked_cumsum3A_1139 : vector<16xi32>
    %sub3A_1141 = arith.constant 1 : i32
    %sub3A_1142 = vector.broadcast %sub3A_1141 : i32 to vector<16xi32>
    %sub3A_1143 = arith.subi %add3A_1140, %sub3A_1142 : vector<16xi32>
    %jit3A_1144 = arith.constant 0 : i32
    %broadcast_in_dim3A_1145 = vector.broadcast %jit3A_1144 : i32 to vector<16xi32>
    %select_n3A_1146 = arith.select %and3A_1135, %sub3A_1143, %broadcast_in_dim3A_1145 : vector<16xi1>, vector<16xi32>
    %add3A_1147 = arith.constant 1 : i32
    %add3A_1148 = vector.broadcast %add3A_1147 : i32 to vector<16xi32>
    %add3A_1149 = arith.addi %broadcast_in_dim3A_3, %add3A_1148 : vector<16xi32>
    tpu.vector_store_idx %arg8[%add3A_1149, %select_n3A_1146], %get3A_1129 masked %and3A_1135 : memref<8x256xf32, #tpu.memory_space<vmem>>[vector<16xi32>, vector<16xi32>], vector<16xf32>, vector<16xi1>
    %all_reduce_population_count3A_1150 = tpu.all_reduce %and3A_1135 {dim = 0 : i64, kind = #tpu.reduction_kind<sum>} : vector<16xi1> -> vector<16xi32>
    %add3A_1151 = arith.addi %add3A_938, %all_reduce_population_count3A_1150 : vector<16xi32>
    %get3A_1152 = arith.constant 2 : i32
    %get3A_1153 = arith.index_cast %get3A_1152 : i32 to index
    %get3A_1154 = arith.constant 80 : index
    %get3A_1155 = tpu.vector_load %arg6[%get3A_1153, %get3A_1154] {strides = array<i32>} : memref<8x256xf32, #tpu.memory_space<vmem>>, vector<16xf32>,
    %eq3A_1156 = arith.cmpi eq, %get3A_1096, %gather3A_18 : vector<16xi32>
    %add3A_1157 = arith.constant 2 : i32
    %add3A_1158 = vector.broadcast %add3A_1157 : i32 to vector<16xi32>
    %add3A_1159 = arith.addi %add3A_5, %add3A_1158 : vector<16xi32>
    %ne3A_1160 = arith.cmpi ne, %add3A_1099, %add3A_1159 : vector<16xi32>
    %and3A_1161 = arith.andi %eq3A_1156, %ne3A_1160 : vector<16xi1>
    %convert_element_type3A_1162 = arith.extui %and3A_1161 : vector<16xi1> to vector<16xi32>
    %broadcast_in_dim3A_1163 = arith.constant true
    %broadcast_in_dim3A_1164 = vector.broadcast %broadcast_in_dim3A_1163 : i1 to vector<16xi1>
    %masked_cumsum3A_1165 = tpu.scan <sum>, %convert_element_type3A_1162 masked %broadcast_in_dim3A_1164 : vector<16xi32>, vector<16xi1> -> vector<16xi32>
    %add3A_1166 = arith.addi %add3A_964, %masked_cumsum3A_1165 : vector<16xi32>
    %sub3A_1167 = arith.constant 1 : i32
    %sub3A_1168 = vector.broadcast %sub3A_1167 : i32 to vector<16xi32>
    %sub3A_1169 = arith.subi %add3A_1166, %sub3A_1168 : vector<16xi32>
    %jit3A_1170 = arith.constant 0 : i32
    %broadcast_in_dim3A_1171 = vector.broadcast %jit3A_1170 : i32 to vector<16xi32>
    %select_n3A_1172 = arith.select %and3A_1161, %sub3A_1169, %broadcast_in_dim3A_1171 : vector<16xi1>, vector<16xi32>
    %add3A_1173 = arith.constant 2 : i32
    %add3A_1174 = vector.broadcast %add3A_1173 : i32 to vector<16xi32>
    %add3A_1175 = arith.addi %broadcast_in_dim3A_3, %add3A_1174 : vector<16xi32>
    tpu.vector_store_idx %arg8[%add3A_1175, %select_n3A_1172], %get3A_1155 masked %and3A_1161 : memref<8x256xf32, #tpu.memory_space<vmem>>[vector<16xi32>, vector<16xi32>], vector<16xf32>, vector<16xi1>
    %all_reduce_population_count3A_1176 = tpu.all_reduce %and3A_1161 {dim = 0 : i64, kind = #tpu.reduction_kind<sum>} : vector<16xi1> -> vector<16xi32>
    %add3A_1177 = arith.addi %add3A_964, %all_reduce_population_count3A_1176 : vector<16xi32>
    %get3A_1178 = arith.constant 3 : i32
    %get3A_1179 = arith.index_cast %get3A_1178 : i32 to index
    %get3A_1180 = arith.constant 80 : index
    %get3A_1181 = tpu.vector_load %arg6[%get3A_1179, %get3A_1180] {strides = array<i32>} : memref<8x256xf32, #tpu.memory_space<vmem>>, vector<16xf32>,
    %eq3A_1182 = arith.cmpi eq, %get3A_1096, %gather3A_22 : vector<16xi32>
    %add3A_1183 = arith.constant 3 : i32
    %add3A_1184 = vector.broadcast %add3A_1183 : i32 to vector<16xi32>
    %add3A_1185 = arith.addi %add3A_5, %add3A_1184 : vector<16xi32>
    %ne3A_1186 = arith.cmpi ne, %add3A_1099, %add3A_1185 : vector<16xi32>
    %and3A_1187 = arith.andi %eq3A_1182, %ne3A_1186 : vector<16xi1>
    %convert_element_type3A_1188 = arith.extui %and3A_1187 : vector<16xi1> to vector<16xi32>
    %broadcast_in_dim3A_1189 = arith.constant true
    %broadcast_in_dim3A_1190 = vector.broadcast %broadcast_in_dim3A_1189 : i1 to vector<16xi1>
    %masked_cumsum3A_1191 = tpu.scan <sum>, %convert_element_type3A_1188 masked %broadcast_in_dim3A_1190 : vector<16xi32>, vector<16xi1> -> vector<16xi32>
    %add3A_1192 = arith.addi %add3A_990, %masked_cumsum3A_1191 : vector<16xi32>
    %sub3A_1193 = arith.constant 1 : i32
    %sub3A_1194 = vector.broadcast %sub3A_1193 : i32 to vector<16xi32>
    %sub3A_1195 = arith.subi %add3A_1192, %sub3A_1194 : vector<16xi32>
    %jit3A_1196 = arith.constant 0 : i32
    %broadcast_in_dim3A_1197 = vector.broadcast %jit3A_1196 : i32 to vector<16xi32>
    %select_n3A_1198 = arith.select %and3A_1187, %sub3A_1195, %broadcast_in_dim3A_1197 : vector<16xi1>, vector<16xi32>
    %add3A_1199 = arith.constant 3 : i32
    %add3A_1200 = vector.broadcast %add3A_1199 : i32 to vector<16xi32>
    %add3A_1201 = arith.addi %broadcast_in_dim3A_3, %add3A_1200 : vector<16xi32>
    tpu.vector_store_idx %arg8[%add3A_1201, %select_n3A_1198], %get3A_1181 masked %and3A_1187 : memref<8x256xf32, #tpu.memory_space<vmem>>[vector<16xi32>, vector<16xi32>], vector<16xf32>, vector<16xi1>
    %all_reduce_population_count3A_1202 = tpu.all_reduce %and3A_1187 {dim = 0 : i64, kind = #tpu.reduction_kind<sum>} : vector<16xi1> -> vector<16xi32>
    %add3A_1203 = arith.addi %add3A_990, %all_reduce_population_count3A_1202 : vector<16xi32>
    %get3A_1204 = arith.constant 4 : i32
    %get3A_1205 = arith.index_cast %get3A_1204 : i32 to index
    %get3A_1206 = arith.constant 80 : index
    %get3A_1207 = tpu.vector_load %arg6[%get3A_1205, %get3A_1206] {strides = array<i32>} : memref<8x256xf32, #tpu.memory_space<vmem>>, vector<16xf32>,
    %eq3A_1208 = arith.cmpi eq, %get3A_1096, %gather3A_26 : vector<16xi32>
    %add3A_1209 = arith.constant 4 : i32
    %add3A_1210 = vector.broadcast %add3A_1209 : i32 to vector<16xi32>
    %add3A_1211 = arith.addi %add3A_5, %add3A_1210 : vector<16xi32>
    %ne3A_1212 = arith.cmpi ne, %add3A_1099, %add3A_1211 : vector<16xi32>
    %and3A_1213 = arith.andi %eq3A_1208, %ne3A_1212 : vector<16xi1>
    %convert_element_type3A_1214 = arith.extui %and3A_1213 : vector<16xi1> to vector<16xi32>
    %broadcast_in_dim3A_1215 = arith.constant true
    %broadcast_in_dim3A_1216 = vector.broadcast %broadcast_in_dim3A_1215 : i1 to vector<16xi1>
    %masked_cumsum3A_1217 = tpu.scan <sum>, %convert_element_type3A_1214 masked %broadcast_in_dim3A_1216 : vector<16xi32>, vector<16xi1> -> vector<16xi32>
    %add3A_1218 = arith.addi %add3A_1016, %masked_cumsum3A_1217 : vector<16xi32>
    %sub3A_1219 = arith.constant 1 : i32
    %sub3A_1220 = vector.broadcast %sub3A_1219 : i32 to vector<16xi32>
    %sub3A_1221 = arith.subi %add3A_1218, %sub3A_1220 : vector<16xi32>
    %jit3A_1222 = arith.constant 0 : i32
    %broadcast_in_dim3A_1223 = vector.broadcast %jit3A_1222 : i32 to vector<16xi32>
    %select_n3A_1224 = arith.select %and3A_1213, %sub3A_1221, %broadcast_in_dim3A_1223 : vector<16xi1>, vector<16xi32>
    %add3A_1225 = arith.constant 4 : i32
    %add3A_1226 = vector.broadcast %add3A_1225 : i32 to vector<16xi32>
    %add3A_1227 = arith.addi %broadcast_in_dim3A_3, %add3A_1226 : vector<16xi32>
    tpu.vector_store_idx %arg8[%add3A_1227, %select_n3A_1224], %get3A_1207 masked %and3A_1213 : memref<8x256xf32, #tpu.memory_space<vmem>>[vector<16xi32>, vector<16xi32>], vector<16xf32>, vector<16xi1>
    %all_reduce_population_count3A_1228 = tpu.all_reduce %and3A_1213 {dim = 0 : i64, kind = #tpu.reduction_kind<sum>} : vector<16xi1> -> vector<16xi32>
    %add3A_1229 = arith.addi %add3A_1016, %all_reduce_population_count3A_1228 : vector<16xi32>
    %get3A_1230 = arith.constant 5 : i32
    %get3A_1231 = arith.index_cast %get3A_1230 : i32 to index
    %get3A_1232 = arith.constant 80 : index
    %get3A_1233 = tpu.vector_load %arg6[%get3A_1231, %get3A_1232] {strides = array<i32>} : memref<8x256xf32, #tpu.memory_space<vmem>>, vector<16xf32>,
    %eq3A_1234 = arith.cmpi eq, %get3A_1096, %gather3A_30 : vector<16xi32>
    %add3A_1235 = arith.constant 5 : i32
    %add3A_1236 = vector.broadcast %add3A_1235 : i32 to vector<16xi32>
    %add3A_1237 = arith.addi %add3A_5, %add3A_1236 : vector<16xi32>
    %ne3A_1238 = arith.cmpi ne, %add3A_1099, %add3A_1237 : vector<16xi32>
    %and3A_1239 = arith.andi %eq3A_1234, %ne3A_1238 : vector<16xi1>
    %convert_element_type3A_1240 = arith.extui %and3A_1239 : vector<16xi1> to vector<16xi32>
    %broadcast_in_dim3A_1241 = arith.constant true
    %broadcast_in_dim3A_1242 = vector.broadcast %broadcast_in_dim3A_1241 : i1 to vector<16xi1>
    %masked_cumsum3A_1243 = tpu.scan <sum>, %convert_element_type3A_1240 masked %broadcast_in_dim3A_1242 : vector<16xi32>, vector<16xi1> -> vector<16xi32>
    %add3A_1244 = arith.addi %add3A_1042, %masked_cumsum3A_1243 : vector<16xi32>
    %sub3A_1245 = arith.constant 1 : i32
    %sub3A_1246 = vector.broadcast %sub3A_1245 : i32 to vector<16xi32>
    %sub3A_1247 = arith.subi %add3A_1244, %sub3A_1246 : vector<16xi32>
    %jit3A_1248 = arith.constant 0 : i32
    %broadcast_in_dim3A_1249 = vector.broadcast %jit3A_1248 : i32 to vector<16xi32>
    %select_n3A_1250 = arith.select %and3A_1239, %sub3A_1247, %broadcast_in_dim3A_1249 : vector<16xi1>, vector<16xi32>
    %add3A_1251 = arith.constant 5 : i32
    %add3A_1252 = vector.broadcast %add3A_1251 : i32 to vector<16xi32>
    %add3A_1253 = arith.addi %broadcast_in_dim3A_3, %add3A_1252 : vector<16xi32>
    tpu.vector_store_idx %arg8[%add3A_1253, %select_n3A_1250], %get3A_1233 masked %and3A_1239 : memref<8x256xf32, #tpu.memory_space<vmem>>[vector<16xi32>, vector<16xi32>], vector<16xf32>, vector<16xi1>
    %all_reduce_population_count3A_1254 = tpu.all_reduce %and3A_1239 {dim = 0 : i64, kind = #tpu.reduction_kind<sum>} : vector<16xi1> -> vector<16xi32>
    %add3A_1255 = arith.addi %add3A_1042, %all_reduce_population_count3A_1254 : vector<16xi32>
    %get3A_1256 = arith.constant 6 : i32
    %get3A_1257 = arith.index_cast %get3A_1256 : i32 to index
    %get3A_1258 = arith.constant 80 : index
    %get3A_1259 = tpu.vector_load %arg6[%get3A_1257, %get3A_1258] {strides = array<i32>} : memref<8x256xf32, #tpu.memory_space<vmem>>, vector<16xf32>,
    %eq3A_1260 = arith.cmpi eq, %get3A_1096, %gather3A_34 : vector<16xi32>
    %add3A_1261 = arith.constant 6 : i32
    %add3A_1262 = vector.broadcast %add3A_1261 : i32 to vector<16xi32>
    %add3A_1263 = arith.addi %add3A_5, %add3A_1262 : vector<16xi32>
    %ne3A_1264 = arith.cmpi ne, %add3A_1099, %add3A_1263 : vector<16xi32>
    %and3A_1265 = arith.andi %eq3A_1260, %ne3A_1264 : vector<16xi1>
    %convert_element_type3A_1266 = arith.extui %and3A_1265 : vector<16xi1> to vector<16xi32>
    %broadcast_in_dim3A_1267 = arith.constant true
    %broadcast_in_dim3A_1268 = vector.broadcast %broadcast_in_dim3A_1267 : i1 to vector<16xi1>
    %masked_cumsum3A_1269 = tpu.scan <sum>, %convert_element_type3A_1266 masked %broadcast_in_dim3A_1268 : vector<16xi32>, vector<16xi1> -> vector<16xi32>
    %add3A_1270 = arith.addi %add3A_1068, %masked_cumsum3A_1269 : vector<16xi32>
    %sub3A_1271 = arith.constant 1 : i32
    %sub3A_1272 = vector.broadcast %sub3A_1271 : i32 to vector<16xi32>
    %sub3A_1273 = arith.subi %add3A_1270, %sub3A_1272 : vector<16xi32>
    %jit3A_1274 = arith.constant 0 : i32
    %broadcast_in_dim3A_1275 = vector.broadcast %jit3A_1274 : i32 to vector<16xi32>
    %select_n3A_1276 = arith.select %and3A_1265, %sub3A_1273, %broadcast_in_dim3A_1275 : vector<16xi1>, vector<16xi32>
    %add3A_1277 = arith.constant 6 : i32
    %add3A_1278 = vector.broadcast %add3A_1277 : i32 to vector<16xi32>
    %add3A_1279 = arith.addi %broadcast_in_dim3A_3, %add3A_1278 : vector<16xi32>
    tpu.vector_store_idx %arg8[%add3A_1279, %select_n3A_1276], %get3A_1259 masked %and3A_1265 : memref<8x256xf32, #tpu.memory_space<vmem>>[vector<16xi32>, vector<16xi32>], vector<16xf32>, vector<16xi1>
    %all_reduce_population_count3A_1280 = tpu.all_reduce %and3A_1265 {dim = 0 : i64, kind = #tpu.reduction_kind<sum>} : vector<16xi1> -> vector<16xi32>
    %add3A_1281 = arith.addi %add3A_1068, %all_reduce_population_count3A_1280 : vector<16xi32>
    %get3A_1282 = arith.constant 7 : i32
    %get3A_1283 = arith.index_cast %get3A_1282 : i32 to index
    %get3A_1284 = arith.constant 80 : index
    %get3A_1285 = tpu.vector_load %arg6[%get3A_1283, %get3A_1284] {strides = array<i32>} : memref<8x256xf32, #tpu.memory_space<vmem>>, vector<16xf32>,
    %eq3A_1286 = arith.cmpi eq, %get3A_1096, %gather3A_38 : vector<16xi32>
    %add3A_1287 = arith.constant 7 : i32
    %add3A_1288 = vector.broadcast %add3A_1287 : i32 to vector<16xi32>
    %add3A_1289 = arith.addi %add3A_5, %add3A_1288 : vector<16xi32>
    %ne3A_1290 = arith.cmpi ne, %add3A_1099, %add3A_1289 : vector<16xi32>
    %and3A_1291 = arith.andi %eq3A_1286, %ne3A_1290 : vector<16xi1>
    %convert_element_type3A_1292 = arith.extui %and3A_1291 : vector<16xi1> to vector<16xi32>
    %broadcast_in_dim3A_1293 = arith.constant true
    %broadcast_in_dim3A_1294 = vector.broadcast %broadcast_in_dim3A_1293 : i1 to vector<16xi1>
    %masked_cumsum3A_1295 = tpu.scan <sum>, %convert_element_type3A_1292 masked %broadcast_in_dim3A_1294 : vector<16xi32>, vector<16xi1> -> vector<16xi32>
    %add3A_1296 = arith.addi %add3A_1094, %masked_cumsum3A_1295 : vector<16xi32>
    %sub3A_1297 = arith.constant 1 : i32
    %sub3A_1298 = vector.broadcast %sub3A_1297 : i32 to vector<16xi32>
    %sub3A_1299 = arith.subi %add3A_1296, %sub3A_1298 : vector<16xi32>
    %jit3A_1300 = arith.constant 0 : i32
    %broadcast_in_dim3A_1301 = vector.broadcast %jit3A_1300 : i32 to vector<16xi32>
    %select_n3A_1302 = arith.select %and3A_1291, %sub3A_1299, %broadcast_in_dim3A_1301 : vector<16xi1>, vector<16xi32>
    %add3A_1303 = arith.constant 7 : i32
    %add3A_1304 = vector.broadcast %add3A_1303 : i32 to vector<16xi32>
    %add3A_1305 = arith.addi %broadcast_in_dim3A_3, %add3A_1304 : vector<16xi32>
    tpu.vector_store_idx %arg8[%add3A_1305, %select_n3A_1302], %get3A_1285 masked %and3A_1291 : memref<8x256xf32, #tpu.memory_space<vmem>>[vector<16xi32>, vector<16xi32>], vector<16xf32>, vector<16xi1>
    %all_reduce_population_count3A_1306 = tpu.all_reduce %and3A_1291 {dim = 0 : i64, kind = #tpu.reduction_kind<sum>} : vector<16xi1> -> vector<16xi32>
    %add3A_1307 = arith.addi %add3A_1094, %all_reduce_population_count3A_1306 : vector<16xi32>
    %get3A_1308 = arith.constant 96 : index
    %get3A_1309 = tpu.vector_load %arg7[%get3A_1308] {strides = array<i32>} : memref<256xi32, #tpu.memory_space<vmem>>, vector<16xi32>,
    %add3A_1310 = arith.constant 96 : i32
    %add3A_1311 = vector.broadcast %add3A_1310 : i32 to vector<16xi32>
    %add3A_1312 = arith.addi %iota3A, %add3A_1311 : vector<16xi32>
    %get3A_1313 = arith.constant 0 : i32
    %get3A_1314 = arith.index_cast %get3A_1313 : i32 to index
    %get3A_1315 = arith.constant 96 : index
    %get3A_1316 = tpu.vector_load %arg6[%get3A_1314, %get3A_1315] {strides = array<i32>} : memref<8x256xf32, #tpu.memory_space<vmem>>, vector<16xf32>,
    %eq3A_1317 = arith.cmpi eq, %get3A_1309, %gather3A : vector<16xi32>
    %add3A_1318 = arith.constant 0 : i32
    %add3A_1319 = vector.broadcast %add3A_1318 : i32 to vector<16xi32>
    %add3A_1320 = arith.addi %add3A_5, %add3A_1319 : vector<16xi32>
    %ne3A_1321 = arith.cmpi ne, %add3A_1312, %add3A_1320 : vector<16xi32>
    %and3A_1322 = arith.andi %eq3A_1317, %ne3A_1321 : vector<16xi1>
    %convert_element_type3A_1323 = arith.extui %and3A_1322 : vector<16xi1> to vector<16xi32>
    %broadcast_in_dim3A_1324 = arith.constant true
    %broadcast_in_dim3A_1325 = vector.broadcast %broadcast_in_dim3A_1324 : i1 to vector<16xi1>
    %masked_cumsum3A_1326 = tpu.scan <sum>, %convert_element_type3A_1323 masked %broadcast_in_dim3A_1325 : vector<16xi32>, vector<16xi1> -> vector<16xi32>
    %add3A_1327 = arith.addi %add3A_1125, %masked_cumsum3A_1326 : vector<16xi32>
    %sub3A_1328 = arith.constant 1 : i32
    %sub3A_1329 = vector.broadcast %sub3A_1328 : i32 to vector<16xi32>
    %sub3A_1330 = arith.subi %add3A_1327, %sub3A_1329 : vector<16xi32>
    %jit3A_1331 = arith.constant 0 : i32
    %broadcast_in_dim3A_1332 = vector.broadcast %jit3A_1331 : i32 to vector<16xi32>
    %select_n3A_1333 = arith.select %and3A_1322, %sub3A_1330, %broadcast_in_dim3A_1332 : vector<16xi1>, vector<16xi32>
    %add3A_1334 = arith.constant 0 : i32
    %add3A_1335 = vector.broadcast %add3A_1334 : i32 to vector<16xi32>
    %add3A_1336 = arith.addi %broadcast_in_dim3A_3, %add3A_1335 : vector<16xi32>
    tpu.vector_store_idx %arg8[%add3A_1336, %select_n3A_1333], %get3A_1316 masked %and3A_1322 : memref<8x256xf32, #tpu.memory_space<vmem>>[vector<16xi32>, vector<16xi32>], vector<16xf32>, vector<16xi1>
    %all_reduce_population_count3A_1337 = tpu.all_reduce %and3A_1322 {dim = 0 : i64, kind = #tpu.reduction_kind<sum>} : vector<16xi1> -> vector<16xi32>
    %add3A_1338 = arith.addi %add3A_1125, %all_reduce_population_count3A_1337 : vector<16xi32>
    %get3A_1339 = arith.constant 1 : i32
    %get3A_1340 = arith.index_cast %get3A_1339 : i32 to index
    %get3A_1341 = arith.constant 96 : index
    %get3A_1342 = tpu.vector_load %arg6[%get3A_1340, %get3A_1341] {strides = array<i32>} : memref<8x256xf32, #tpu.memory_space<vmem>>, vector<16xf32>,
    %eq3A_1343 = arith.cmpi eq, %get3A_1309, %gather3A_14 : vector<16xi32>
    %add3A_1344 = arith.constant 1 : i32
    %add3A_1345 = vector.broadcast %add3A_1344 : i32 to vector<16xi32>
    %add3A_1346 = arith.addi %add3A_5, %add3A_1345 : vector<16xi32>
    %ne3A_1347 = arith.cmpi ne, %add3A_1312, %add3A_1346 : vector<16xi32>
    %and3A_1348 = arith.andi %eq3A_1343, %ne3A_1347 : vector<16xi1>
    %convert_element_type3A_1349 = arith.extui %and3A_1348 : vector<16xi1> to vector<16xi32>
    %broadcast_in_dim3A_1350 = arith.constant true
    %broadcast_in_dim3A_1351 = vector.broadcast %broadcast_in_dim3A_1350 : i1 to vector<16xi1>
    %masked_cumsum3A_1352 = tpu.scan <sum>, %convert_element_type3A_1349 masked %broadcast_in_dim3A_1351 : vector<16xi32>, vector<16xi1> -> vector<16xi32>
    %add3A_1353 = arith.addi %add3A_1151, %masked_cumsum3A_1352 : vector<16xi32>
    %sub3A_1354 = arith.constant 1 : i32
    %sub3A_1355 = vector.broadcast %sub3A_1354 : i32 to vector<16xi32>
    %sub3A_1356 = arith.subi %add3A_1353, %sub3A_1355 : vector<16xi32>
    %jit3A_1357 = arith.constant 0 : i32
    %broadcast_in_dim3A_1358 = vector.broadcast %jit3A_1357 : i32 to vector<16xi32>
    %select_n3A_1359 = arith.select %and3A_1348, %sub3A_1356, %broadcast_in_dim3A_1358 : vector<16xi1>, vector<16xi32>
    %add3A_1360 = arith.constant 1 : i32
    %add3A_1361 = vector.broadcast %add3A_1360 : i32 to vector<16xi32>
    %add3A_1362 = arith.addi %broadcast_in_dim3A_3, %add3A_1361 : vector<16xi32>
    tpu.vector_store_idx %arg8[%add3A_1362, %select_n3A_1359], %get3A_1342 masked %and3A_1348 : memref<8x256xf32, #tpu.memory_space<vmem>>[vector<16xi32>, vector<16xi32>], vector<16xf32>, vector<16xi1>
    %all_reduce_population_count3A_1363 = tpu.all_reduce %and3A_1348 {dim = 0 : i64, kind = #tpu.reduction_kind<sum>} : vector<16xi1> -> vector<16xi32>
    %add3A_1364 = arith.addi %add3A_1151, %all_reduce_population_count3A_1363 : vector<16xi32>
    %get3A_1365 = arith.constant 2 : i32
    %get3A_1366 = arith.index_cast %get3A_1365 : i32 to index
    %get3A_1367 = arith.constant 96 : index
    %get3A_1368 = tpu.vector_load %arg6[%get3A_1366, %get3A_1367] {strides = array<i32>} : memref<8x256xf32, #tpu.memory_space<vmem>>, vector<16xf32>,
    %eq3A_1369 = arith.cmpi eq, %get3A_1309, %gather3A_18 : vector<16xi32>
    %add3A_1370 = arith.constant 2 : i32
    %add3A_1371 = vector.broadcast %add3A_1370 : i32 to vector<16xi32>
    %add3A_1372 = arith.addi %add3A_5, %add3A_1371 : vector<16xi32>
    %ne3A_1373 = arith.cmpi ne, %add3A_1312, %add3A_1372 : vector<16xi32>
    %and3A_1374 = arith.andi %eq3A_1369, %ne3A_1373 : vector<16xi1>
    %convert_element_type3A_1375 = arith.extui %and3A_1374 : vector<16xi1> to vector<16xi32>
    %broadcast_in_dim3A_1376 = arith.constant true
    %broadcast_in_dim3A_1377 = vector.broadcast %broadcast_in_dim3A_1376 : i1 to vector<16xi1>
    %masked_cumsum3A_1378 = tpu.scan <sum>, %convert_element_type3A_1375 masked %broadcast_in_dim3A_1377 : vector<16xi32>, vector<16xi1> -> vector<16xi32>
    %add3A_1379 = arith.addi %add3A_1177, %masked_cumsum3A_1378 : vector<16xi32>
    %sub3A_1380 = arith.constant 1 : i32
    %sub3A_1381 = vector.broadcast %sub3A_1380 : i32 to vector<16xi32>
    %sub3A_1382 = arith.subi %add3A_1379, %sub3A_1381 : vector<16xi32>
    %jit3A_1383 = arith.constant 0 : i32
    %broadcast_in_dim3A_1384 = vector.broadcast %jit3A_1383 : i32 to vector<16xi32>
    %select_n3A_1385 = arith.select %and3A_1374, %sub3A_1382, %broadcast_in_dim3A_1384 : vector<16xi1>, vector<16xi32>
    %add3A_1386 = arith.constant 2 : i32
    %add3A_1387 = vector.broadcast %add3A_1386 : i32 to vector<16xi32>
    %add3A_1388 = arith.addi %broadcast_in_dim3A_3, %add3A_1387 : vector<16xi32>
    tpu.vector_store_idx %arg8[%add3A_1388, %select_n3A_1385], %get3A_1368 masked %and3A_1374 : memref<8x256xf32, #tpu.memory_space<vmem>>[vector<16xi32>, vector<16xi32>], vector<16xf32>, vector<16xi1>
    %all_reduce_population_count3A_1389 = tpu.all_reduce %and3A_1374 {dim = 0 : i64, kind = #tpu.reduction_kind<sum>} : vector<16xi1> -> vector<16xi32>
    %add3A_1390 = arith.addi %add3A_1177, %all_reduce_population_count3A_1389 : vector<16xi32>
    %get3A_1391 = arith.constant 3 : i32
    %get3A_1392 = arith.index_cast %get3A_1391 : i32 to index
    %get3A_1393 = arith.constant 96 : index
    %get3A_1394 = tpu.vector_load %arg6[%get3A_1392, %get3A_1393] {strides = array<i32>} : memref<8x256xf32, #tpu.memory_space<vmem>>, vector<16xf32>,
    %eq3A_1395 = arith.cmpi eq, %get3A_1309, %gather3A_22 : vector<16xi32>
    %add3A_1396 = arith.constant 3 : i32
    %add3A_1397 = vector.broadcast %add3A_1396 : i32 to vector<16xi32>
    %add3A_1398 = arith.addi %add3A_5, %add3A_1397 : vector<16xi32>
    %ne3A_1399 = arith.cmpi ne, %add3A_1312, %add3A_1398 : vector<16xi32>
    %and3A_1400 = arith.andi %eq3A_1395, %ne3A_1399 : vector<16xi1>
    %convert_element_type3A_1401 = arith.extui %and3A_1400 : vector<16xi1> to vector<16xi32>
    %broadcast_in_dim3A_1402 = arith.constant true
    %broadcast_in_dim3A_1403 = vector.broadcast %broadcast_in_dim3A_1402 : i1 to vector<16xi1>
    %masked_cumsum3A_1404 = tpu.scan <sum>, %convert_element_type3A_1401 masked %broadcast_in_dim3A_1403 : vector<16xi32>, vector<16xi1> -> vector<16xi32>
    %add3A_1405 = arith.addi %add3A_1203, %masked_cumsum3A_1404 : vector<16xi32>
    %sub3A_1406 = arith.constant 1 : i32
    %sub3A_1407 = vector.broadcast %sub3A_1406 : i32 to vector<16xi32>
    %sub3A_1408 = arith.subi %add3A_1405, %sub3A_1407 : vector<16xi32>
    %jit3A_1409 = arith.constant 0 : i32
    %broadcast_in_dim3A_1410 = vector.broadcast %jit3A_1409 : i32 to vector<16xi32>
    %select_n3A_1411 = arith.select %and3A_1400, %sub3A_1408, %broadcast_in_dim3A_1410 : vector<16xi1>, vector<16xi32>
    %add3A_1412 = arith.constant 3 : i32
    %add3A_1413 = vector.broadcast %add3A_1412 : i32 to vector<16xi32>
    %add3A_1414 = arith.addi %broadcast_in_dim3A_3, %add3A_1413 : vector<16xi32>
    tpu.vector_store_idx %arg8[%add3A_1414, %select_n3A_1411], %get3A_1394 masked %and3A_1400 : memref<8x256xf32, #tpu.memory_space<vmem>>[vector<16xi32>, vector<16xi32>], vector<16xf32>, vector<16xi1>
    %all_reduce_population_count3A_1415 = tpu.all_reduce %and3A_1400 {dim = 0 : i64, kind = #tpu.reduction_kind<sum>} : vector<16xi1> -> vector<16xi32>
    %add3A_1416 = arith.addi %add3A_1203, %all_reduce_population_count3A_1415 : vector<16xi32>
    %get3A_1417 = arith.constant 4 : i32
    %get3A_1418 = arith.index_cast %get3A_1417 : i32 to index
    %get3A_1419 = arith.constant 96 : index
    %get3A_1420 = tpu.vector_load %arg6[%get3A_1418, %get3A_1419] {strides = array<i32>} : memref<8x256xf32, #tpu.memory_space<vmem>>, vector<16xf32>,
    %eq3A_1421 = arith.cmpi eq, %get3A_1309, %gather3A_26 : vector<16xi32>
    %add3A_1422 = arith.constant 4 : i32
    %add3A_1423 = vector.broadcast %add3A_1422 : i32 to vector<16xi32>
    %add3A_1424 = arith.addi %add3A_5, %add3A_1423 : vector<16xi32>
    %ne3A_1425 = arith.cmpi ne, %add3A_1312, %add3A_1424 : vector<16xi32>
    %and3A_1426 = arith.andi %eq3A_1421, %ne3A_1425 : vector<16xi1>
    %convert_element_type3A_1427 = arith.extui %and3A_1426 : vector<16xi1> to vector<16xi32>
    %broadcast_in_dim3A_1428 = arith.constant true
    %broadcast_in_dim3A_1429 = vector.broadcast %broadcast_in_dim3A_1428 : i1 to vector<16xi1>
    %masked_cumsum3A_1430 = tpu.scan <sum>, %convert_element_type3A_1427 masked %broadcast_in_dim3A_1429 : vector<16xi32>, vector<16xi1> -> vector<16xi32>
    %add3A_1431 = arith.addi %add3A_1229, %masked_cumsum3A_1430 : vector<16xi32>
    %sub3A_1432 = arith.constant 1 : i32
    %sub3A_1433 = vector.broadcast %sub3A_1432 : i32 to vector<16xi32>
    %sub3A_1434 = arith.subi %add3A_1431, %sub3A_1433 : vector<16xi32>
    %jit3A_1435 = arith.constant 0 : i32
    %broadcast_in_dim3A_1436 = vector.broadcast %jit3A_1435 : i32 to vector<16xi32>
    %select_n3A_1437 = arith.select %and3A_1426, %sub3A_1434, %broadcast_in_dim3A_1436 : vector<16xi1>, vector<16xi32>
    %add3A_1438 = arith.constant 4 : i32
    %add3A_1439 = vector.broadcast %add3A_1438 : i32 to vector<16xi32>
    %add3A_1440 = arith.addi %broadcast_in_dim3A_3, %add3A_1439 : vector<16xi32>
    tpu.vector_store_idx %arg8[%add3A_1440, %select_n3A_1437], %get3A_1420 masked %and3A_1426 : memref<8x256xf32, #tpu.memory_space<vmem>>[vector<16xi32>, vector<16xi32>], vector<16xf32>, vector<16xi1>
    %all_reduce_population_count3A_1441 = tpu.all_reduce %and3A_1426 {dim = 0 : i64, kind = #tpu.reduction_kind<sum>} : vector<16xi1> -> vector<16xi32>
    %add3A_1442 = arith.addi %add3A_1229, %all_reduce_population_count3A_1441 : vector<16xi32>
    %get3A_1443 = arith.constant 5 : i32
    %get3A_1444 = arith.index_cast %get3A_1443 : i32 to index
    %get3A_1445 = arith.constant 96 : index
    %get3A_1446 = tpu.vector_load %arg6[%get3A_1444, %get3A_1445] {strides = array<i32>} : memref<8x256xf32, #tpu.memory_space<vmem>>, vector<16xf32>,
    %eq3A_1447 = arith.cmpi eq, %get3A_1309, %gather3A_30 : vector<16xi32>
    %add3A_1448 = arith.constant 5 : i32
    %add3A_1449 = vector.broadcast %add3A_1448 : i32 to vector<16xi32>
    %add3A_1450 = arith.addi %add3A_5, %add3A_1449 : vector<16xi32>
    %ne3A_1451 = arith.cmpi ne, %add3A_1312, %add3A_1450 : vector<16xi32>
    %and3A_1452 = arith.andi %eq3A_1447, %ne3A_1451 : vector<16xi1>
    %convert_element_type3A_1453 = arith.extui %and3A_1452 : vector<16xi1> to vector<16xi32>
    %broadcast_in_dim3A_1454 = arith.constant true
    %broadcast_in_dim3A_1455 = vector.broadcast %broadcast_in_dim3A_1454 : i1 to vector<16xi1>
    %masked_cumsum3A_1456 = tpu.scan <sum>, %convert_element_type3A_1453 masked %broadcast_in_dim3A_1455 : vector<16xi32>, vector<16xi1> -> vector<16xi32>
    %add3A_1457 = arith.addi %add3A_1255, %masked_cumsum3A_1456 : vector<16xi32>
    %sub3A_1458 = arith.constant 1 : i32
    %sub3A_1459 = vector.broadcast %sub3A_1458 : i32 to vector<16xi32>
    %sub3A_1460 = arith.subi %add3A_1457, %sub3A_1459 : vector<16xi32>
    %jit3A_1461 = arith.constant 0 : i32
    %broadcast_in_dim3A_1462 = vector.broadcast %jit3A_1461 : i32 to vector<16xi32>
    %select_n3A_1463 = arith.select %and3A_1452, %sub3A_1460, %broadcast_in_dim3A_1462 : vector<16xi1>, vector<16xi32>
    %add3A_1464 = arith.constant 5 : i32
    %add3A_1465 = vector.broadcast %add3A_1464 : i32 to vector<16xi32>
    %add3A_1466 = arith.addi %broadcast_in_dim3A_3, %add3A_1465 : vector<16xi32>
    tpu.vector_store_idx %arg8[%add3A_1466, %select_n3A_1463], %get3A_1446 masked %and3A_1452 : memref<8x256xf32, #tpu.memory_space<vmem>>[vector<16xi32>, vector<16xi32>], vector<16xf32>, vector<16xi1>
    %all_reduce_population_count3A_1467 = tpu.all_reduce %and3A_1452 {dim = 0 : i64, kind = #tpu.reduction_kind<sum>} : vector<16xi1> -> vector<16xi32>
    %add3A_1468 = arith.addi %add3A_1255, %all_reduce_population_count3A_1467 : vector<16xi32>
    %get3A_1469 = arith.constant 6 : i32
    %get3A_1470 = arith.index_cast %get3A_1469 : i32 to index
    %get3A_1471 = arith.constant 96 : index
    %get3A_1472 = tpu.vector_load %arg6[%get3A_1470, %get3A_1471] {strides = array<i32>} : memref<8x256xf32, #tpu.memory_space<vmem>>, vector<16xf32>,
    %eq3A_1473 = arith.cmpi eq, %get3A_1309, %gather3A_34 : vector<16xi32>
    %add3A_1474 = arith.constant 6 : i32
    %add3A_1475 = vector.broadcast %add3A_1474 : i32 to vector<16xi32>
    %add3A_1476 = arith.addi %add3A_5, %add3A_1475 : vector<16xi32>
    %ne3A_1477 = arith.cmpi ne, %add3A_1312, %add3A_1476 : vector<16xi32>
    %and3A_1478 = arith.andi %eq3A_1473, %ne3A_1477 : vector<16xi1>
    %convert_element_type3A_1479 = arith.extui %and3A_1478 : vector<16xi1> to vector<16xi32>
    %broadcast_in_dim3A_1480 = arith.constant true
    %broadcast_in_dim3A_1481 = vector.broadcast %broadcast_in_dim3A_1480 : i1 to vector<16xi1>
    %masked_cumsum3A_1482 = tpu.scan <sum>, %convert_element_type3A_1479 masked %broadcast_in_dim3A_1481 : vector<16xi32>, vector<16xi1> -> vector<16xi32>
    %add3A_1483 = arith.addi %add3A_1281, %masked_cumsum3A_1482 : vector<16xi32>
    %sub3A_1484 = arith.constant 1 : i32
    %sub3A_1485 = vector.broadcast %sub3A_1484 : i32 to vector<16xi32>
    %sub3A_1486 = arith.subi %add3A_1483, %sub3A_1485 : vector<16xi32>
    %jit3A_1487 = arith.constant 0 : i32
    %broadcast_in_dim3A_1488 = vector.broadcast %jit3A_1487 : i32 to vector<16xi32>
    %select_n3A_1489 = arith.select %and3A_1478, %sub3A_1486, %broadcast_in_dim3A_1488 : vector<16xi1>, vector<16xi32>
    %add3A_1490 = arith.constant 6 : i32
    %add3A_1491 = vector.broadcast %add3A_1490 : i32 to vector<16xi32>
    %add3A_1492 = arith.addi %broadcast_in_dim3A_3, %add3A_1491 : vector<16xi32>
    tpu.vector_store_idx %arg8[%add3A_1492, %select_n3A_1489], %get3A_1472 masked %and3A_1478 : memref<8x256xf32, #tpu.memory_space<vmem>>[vector<16xi32>, vector<16xi32>], vector<16xf32>, vector<16xi1>
    %all_reduce_population_count3A_1493 = tpu.all_reduce %and3A_1478 {dim = 0 : i64, kind = #tpu.reduction_kind<sum>} : vector<16xi1> -> vector<16xi32>
    %add3A_1494 = arith.addi %add3A_1281, %all_reduce_population_count3A_1493 : vector<16xi32>
    %get3A_1495 = arith.constant 7 : i32
    %get3A_1496 = arith.index_cast %get3A_1495 : i32 to index
    %get3A_1497 = arith.constant 96 : index
    %get3A_1498 = tpu.vector_load %arg6[%get3A_1496, %get3A_1497] {strides = array<i32>} : memref<8x256xf32, #tpu.memory_space<vmem>>, vector<16xf32>,
    %eq3A_1499 = arith.cmpi eq, %get3A_1309, %gather3A_38 : vector<16xi32>
    %add3A_1500 = arith.constant 7 : i32
    %add3A_1501 = vector.broadcast %add3A_1500 : i32 to vector<16xi32>
    %add3A_1502 = arith.addi %add3A_5, %add3A_1501 : vector<16xi32>
    %ne3A_1503 = arith.cmpi ne, %add3A_1312, %add3A_1502 : vector<16xi32>
    %and3A_1504 = arith.andi %eq3A_1499, %ne3A_1503 : vector<16xi1>
    %convert_element_type3A_1505 = arith.extui %and3A_1504 : vector<16xi1> to vector<16xi32>
    %broadcast_in_dim3A_1506 = arith.constant true
    %broadcast_in_dim3A_1507 = vector.broadcast %broadcast_in_dim3A_1506 : i1 to vector<16xi1>
    %masked_cumsum3A_1508 = tpu.scan <sum>, %convert_element_type3A_1505 masked %broadcast_in_dim3A_1507 : vector<16xi32>, vector<16xi1> -> vector<16xi32>
    %add3A_1509 = arith.addi %add3A_1307, %masked_cumsum3A_1508 : vector<16xi32>
    %sub3A_1510 = arith.constant 1 : i32
    %sub3A_1511 = vector.broadcast %sub3A_1510 : i32 to vector<16xi32>
    %sub3A_1512 = arith.subi %add3A_1509, %sub3A_1511 : vector<16xi32>
    %jit3A_1513 = arith.constant 0 : i32
    %broadcast_in_dim3A_1514 = vector.broadcast %jit3A_1513 : i32 to vector<16xi32>
    %select_n3A_1515 = arith.select %and3A_1504, %sub3A_1512, %broadcast_in_dim3A_1514 : vector<16xi1>, vector<16xi32>
    %add3A_1516 = arith.constant 7 : i32
    %add3A_1517 = vector.broadcast %add3A_1516 : i32 to vector<16xi32>
    %add3A_1518 = arith.addi %broadcast_in_dim3A_3, %add3A_1517 : vector<16xi32>
    tpu.vector_store_idx %arg8[%add3A_1518, %select_n3A_1515], %get3A_1498 masked %and3A_1504 : memref<8x256xf32, #tpu.memory_space<vmem>>[vector<16xi32>, vector<16xi32>], vector<16xf32>, vector<16xi1>
    %all_reduce_population_count3A_1519 = tpu.all_reduce %and3A_1504 {dim = 0 : i64, kind = #tpu.reduction_kind<sum>} : vector<16xi1> -> vector<16xi32>
    %add3A_1520 = arith.addi %add3A_1307, %all_reduce_population_count3A_1519 : vector<16xi32>
    %get3A_1521 = arith.constant 112 : index
    %get3A_1522 = tpu.vector_load %arg7[%get3A_1521] {strides = array<i32>} : memref<256xi32, #tpu.memory_space<vmem>>, vector<16xi32>,
    %add3A_1523 = arith.constant 112 : i32
    %add3A_1524 = vector.broadcast %add3A_1523 : i32 to vector<16xi32>
    %add3A_1525 = arith.addi %iota3A, %add3A_1524 : vector<16xi32>
    %get3A_1526 = arith.constant 0 : i32
    %get3A_1527 = arith.index_cast %get3A_1526 : i32 to index
    %get3A_1528 = arith.constant 112 : index
    %get3A_1529 = tpu.vector_load %arg6[%get3A_1527, %get3A_1528] {strides = array<i32>} : memref<8x256xf32, #tpu.memory_space<vmem>>, vector<16xf32>,
    %eq3A_1530 = arith.cmpi eq, %get3A_1522, %gather3A : vector<16xi32>
    %add3A_1531 = arith.constant 0 : i32
    %add3A_1532 = vector.broadcast %add3A_1531 : i32 to vector<16xi32>
    %add3A_1533 = arith.addi %add3A_5, %add3A_1532 : vector<16xi32>
    %ne3A_1534 = arith.cmpi ne, %add3A_1525, %add3A_1533 : vector<16xi32>
    %and3A_1535 = arith.andi %eq3A_1530, %ne3A_1534 : vector<16xi1>
    %convert_element_type3A_1536 = arith.extui %and3A_1535 : vector<16xi1> to vector<16xi32>
    %broadcast_in_dim3A_1537 = arith.constant true
    %broadcast_in_dim3A_1538 = vector.broadcast %broadcast_in_dim3A_1537 : i1 to vector<16xi1>
    %masked_cumsum3A_1539 = tpu.scan <sum>, %convert_element_type3A_1536 masked %broadcast_in_dim3A_1538 : vector<16xi32>, vector<16xi1> -> vector<16xi32>
    %add3A_1540 = arith.addi %add3A_1338, %masked_cumsum3A_1539 : vector<16xi32>
    %sub3A_1541 = arith.constant 1 : i32
    %sub3A_1542 = vector.broadcast %sub3A_1541 : i32 to vector<16xi32>
    %sub3A_1543 = arith.subi %add3A_1540, %sub3A_1542 : vector<16xi32>
    %jit3A_1544 = arith.constant 0 : i32
    %broadcast_in_dim3A_1545 = vector.broadcast %jit3A_1544 : i32 to vector<16xi32>
    %select_n3A_1546 = arith.select %and3A_1535, %sub3A_1543, %broadcast_in_dim3A_1545 : vector<16xi1>, vector<16xi32>
    %add3A_1547 = arith.constant 0 : i32
    %add3A_1548 = vector.broadcast %add3A_1547 : i32 to vector<16xi32>
    %add3A_1549 = arith.addi %broadcast_in_dim3A_3, %add3A_1548 : vector<16xi32>
    tpu.vector_store_idx %arg8[%add3A_1549, %select_n3A_1546], %get3A_1529 masked %and3A_1535 : memref<8x256xf32, #tpu.memory_space<vmem>>[vector<16xi32>, vector<16xi32>], vector<16xf32>, vector<16xi1>
    %all_reduce_population_count3A_1550 = tpu.all_reduce %and3A_1535 {dim = 0 : i64, kind = #tpu.reduction_kind<sum>} : vector<16xi1> -> vector<16xi32>
    %add3A_1551 = arith.addi %add3A_1338, %all_reduce_population_count3A_1550 : vector<16xi32>
    %get3A_1552 = arith.constant 1 : i32
    %get3A_1553 = arith.index_cast %get3A_1552 : i32 to index
    %get3A_1554 = arith.constant 112 : index
    %get3A_1555 = tpu.vector_load %arg6[%get3A_1553, %get3A_1554] {strides = array<i32>} : memref<8x256xf32, #tpu.memory_space<vmem>>, vector<16xf32>,
    %eq3A_1556 = arith.cmpi eq, %get3A_1522, %gather3A_14 : vector<16xi32>
    %add3A_1557 = arith.constant 1 : i32
    %add3A_1558 = vector.broadcast %add3A_1557 : i32 to vector<16xi32>
    %add3A_1559 = arith.addi %add3A_5, %add3A_1558 : vector<16xi32>
    %ne3A_1560 = arith.cmpi ne, %add3A_1525, %add3A_1559 : vector<16xi32>
    %and3A_1561 = arith.andi %eq3A_1556, %ne3A_1560 : vector<16xi1>
    %convert_element_type3A_1562 = arith.extui %and3A_1561 : vector<16xi1> to vector<16xi32>
    %broadcast_in_dim3A_1563 = arith.constant true
    %broadcast_in_dim3A_1564 = vector.broadcast %broadcast_in_dim3A_1563 : i1 to vector<16xi1>
    %masked_cumsum3A_1565 = tpu.scan <sum>, %convert_element_type3A_1562 masked %broadcast_in_dim3A_1564 : vector<16xi32>, vector<16xi1> -> vector<16xi32>
    %add3A_1566 = arith.addi %add3A_1364, %masked_cumsum3A_1565 : vector<16xi32>
    %sub3A_1567 = arith.constant 1 : i32
    %sub3A_1568 = vector.broadcast %sub3A_1567 : i32 to vector<16xi32>
    %sub3A_1569 = arith.subi %add3A_1566, %sub3A_1568 : vector<16xi32>
    %jit3A_1570 = arith.constant 0 : i32
    %broadcast_in_dim3A_1571 = vector.broadcast %jit3A_1570 : i32 to vector<16xi32>
    %select_n3A_1572 = arith.select %and3A_1561, %sub3A_1569, %broadcast_in_dim3A_1571 : vector<16xi1>, vector<16xi32>
    %add3A_1573 = arith.constant 1 : i32
    %add3A_1574 = vector.broadcast %add3A_1573 : i32 to vector<16xi32>
    %add3A_1575 = arith.addi %broadcast_in_dim3A_3, %add3A_1574 : vector<16xi32>
    tpu.vector_store_idx %arg8[%add3A_1575, %select_n3A_1572], %get3A_1555 masked %and3A_1561 : memref<8x256xf32, #tpu.memory_space<vmem>>[vector<16xi32>, vector<16xi32>], vector<16xf32>, vector<16xi1>
    %all_reduce_population_count3A_1576 = tpu.all_reduce %and3A_1561 {dim = 0 : i64, kind = #tpu.reduction_kind<sum>} : vector<16xi1> -> vector<16xi32>
    %add3A_1577 = arith.addi %add3A_1364, %all_reduce_population_count3A_1576 : vector<16xi32>
    %get3A_1578 = arith.constant 2 : i32
    %get3A_1579 = arith.index_cast %get3A_1578 : i32 to index
    %get3A_1580 = arith.constant 112 : index
    %get3A_1581 = tpu.vector_load %arg6[%get3A_1579, %get3A_1580] {strides = array<i32>} : memref<8x256xf32, #tpu.memory_space<vmem>>, vector<16xf32>,
    %eq3A_1582 = arith.cmpi eq, %get3A_1522, %gather3A_18 : vector<16xi32>
    %add3A_1583 = arith.constant 2 : i32
    %add3A_1584 = vector.broadcast %add3A_1583 : i32 to vector<16xi32>
    %add3A_1585 = arith.addi %add3A_5, %add3A_1584 : vector<16xi32>
    %ne3A_1586 = arith.cmpi ne, %add3A_1525, %add3A_1585 : vector<16xi32>
    %and3A_1587 = arith.andi %eq3A_1582, %ne3A_1586 : vector<16xi1>
    %convert_element_type3A_1588 = arith.extui %and3A_1587 : vector<16xi1> to vector<16xi32>
    %broadcast_in_dim3A_1589 = arith.constant true
    %broadcast_in_dim3A_1590 = vector.broadcast %broadcast_in_dim3A_1589 : i1 to vector<16xi1>
    %masked_cumsum3A_1591 = tpu.scan <sum>, %convert_element_type3A_1588 masked %broadcast_in_dim3A_1590 : vector<16xi32>, vector<16xi1> -> vector<16xi32>
    %add3A_1592 = arith.addi %add3A_1390, %masked_cumsum3A_1591 : vector<16xi32>
    %sub3A_1593 = arith.constant 1 : i32
    %sub3A_1594 = vector.broadcast %sub3A_1593 : i32 to vector<16xi32>
    %sub3A_1595 = arith.subi %add3A_1592, %sub3A_1594 : vector<16xi32>
    %jit3A_1596 = arith.constant 0 : i32
    %broadcast_in_dim3A_1597 = vector.broadcast %jit3A_1596 : i32 to vector<16xi32>
    %select_n3A_1598 = arith.select %and3A_1587, %sub3A_1595, %broadcast_in_dim3A_1597 : vector<16xi1>, vector<16xi32>
    %add3A_1599 = arith.constant 2 : i32
    %add3A_1600 = vector.broadcast %add3A_1599 : i32 to vector<16xi32>
    %add3A_1601 = arith.addi %broadcast_in_dim3A_3, %add3A_1600 : vector<16xi32>
    tpu.vector_store_idx %arg8[%add3A_1601, %select_n3A_1598], %get3A_1581 masked %and3A_1587 : memref<8x256xf32, #tpu.memory_space<vmem>>[vector<16xi32>, vector<16xi32>], vector<16xf32>, vector<16xi1>
    %all_reduce_population_count3A_1602 = tpu.all_reduce %and3A_1587 {dim = 0 : i64, kind = #tpu.reduction_kind<sum>} : vector<16xi1> -> vector<16xi32>
    %add3A_1603 = arith.addi %add3A_1390, %all_reduce_population_count3A_1602 : vector<16xi32>
    %get3A_1604 = arith.constant 3 : i32
    %get3A_1605 = arith.index_cast %get3A_1604 : i32 to index
    %get3A_1606 = arith.constant 112 : index
    %get3A_1607 = tpu.vector_load %arg6[%get3A_1605, %get3A_1606] {strides = array<i32>} : memref<8x256xf32, #tpu.memory_space<vmem>>, vector<16xf32>,
    %eq3A_1608 = arith.cmpi eq, %get3A_1522, %gather3A_22 : vector<16xi32>
    %add3A_1609 = arith.constant 3 : i32
    %add3A_1610 = vector.broadcast %add3A_1609 : i32 to vector<16xi32>
    %add3A_1611 = arith.addi %add3A_5, %add3A_1610 : vector<16xi32>
    %ne3A_1612 = arith.cmpi ne, %add3A_1525, %add3A_1611 : vector<16xi32>
    %and3A_1613 = arith.andi %eq3A_1608, %ne3A_1612 : vector<16xi1>
    %convert_element_type3A_1614 = arith.extui %and3A_1613 : vector<16xi1> to vector<16xi32>
    %broadcast_in_dim3A_1615 = arith.constant true
    %broadcast_in_dim3A_1616 = vector.broadcast %broadcast_in_dim3A_1615 : i1 to vector<16xi1>
    %masked_cumsum3A_1617 = tpu.scan <sum>, %convert_element_type3A_1614 masked %broadcast_in_dim3A_1616 : vector<16xi32>, vector<16xi1> -> vector<16xi32>
    %add3A_1618 = arith.addi %add3A_1416, %masked_cumsum3A_1617 : vector<16xi32>
    %sub3A_1619 = arith.constant 1 : i32
    %sub3A_1620 = vector.broadcast %sub3A_1619 : i32 to vector<16xi32>
    %sub3A_1621 = arith.subi %add3A_1618, %sub3A_1620 : vector<16xi32>
    %jit3A_1622 = arith.constant 0 : i32
    %broadcast_in_dim3A_1623 = vector.broadcast %jit3A_1622 : i32 to vector<16xi32>
    %select_n3A_1624 = arith.select %and3A_1613, %sub3A_1621, %broadcast_in_dim3A_1623 : vector<16xi1>, vector<16xi32>
    %add3A_1625 = arith.constant 3 : i32
    %add3A_1626 = vector.broadcast %add3A_1625 : i32 to vector<16xi32>
    %add3A_1627 = arith.addi %broadcast_in_dim3A_3, %add3A_1626 : vector<16xi32>
    tpu.vector_store_idx %arg8[%add3A_1627, %select_n3A_1624], %get3A_1607 masked %and3A_1613 : memref<8x256xf32, #tpu.memory_space<vmem>>[vector<16xi32>, vector<16xi32>], vector<16xf32>, vector<16xi1>
    %all_reduce_population_count3A_1628 = tpu.all_reduce %and3A_1613 {dim = 0 : i64, kind = #tpu.reduction_kind<sum>} : vector<16xi1> -> vector<16xi32>
    %add3A_1629 = arith.addi %add3A_1416, %all_reduce_population_count3A_1628 : vector<16xi32>
    %get3A_1630 = arith.constant 4 : i32
    %get3A_1631 = arith.index_cast %get3A_1630 : i32 to index
    %get3A_1632 = arith.constant 112 : index
    %get3A_1633 = tpu.vector_load %arg6[%get3A_1631, %get3A_1632] {strides = array<i32>} : memref<8x256xf32, #tpu.memory_space<vmem>>, vector<16xf32>,
    %eq3A_1634 = arith.cmpi eq, %get3A_1522, %gather3A_26 : vector<16xi32>
    %add3A_1635 = arith.constant 4 : i32
    %add3A_1636 = vector.broadcast %add3A_1635 : i32 to vector<16xi32>
    %add3A_1637 = arith.addi %add3A_5, %add3A_1636 : vector<16xi32>
    %ne3A_1638 = arith.cmpi ne, %add3A_1525, %add3A_1637 : vector<16xi32>
    %and3A_1639 = arith.andi %eq3A_1634, %ne3A_1638 : vector<16xi1>
    %convert_element_type3A_1640 = arith.extui %and3A_1639 : vector<16xi1> to vector<16xi32>
    %broadcast_in_dim3A_1641 = arith.constant true
    %broadcast_in_dim3A_1642 = vector.broadcast %broadcast_in_dim3A_1641 : i1 to vector<16xi1>
    %masked_cumsum3A_1643 = tpu.scan <sum>, %convert_element_type3A_1640 masked %broadcast_in_dim3A_1642 : vector<16xi32>, vector<16xi1> -> vector<16xi32>
    %add3A_1644 = arith.addi %add3A_1442, %masked_cumsum3A_1643 : vector<16xi32>
    %sub3A_1645 = arith.constant 1 : i32
    %sub3A_1646 = vector.broadcast %sub3A_1645 : i32 to vector<16xi32>
    %sub3A_1647 = arith.subi %add3A_1644, %sub3A_1646 : vector<16xi32>
    %jit3A_1648 = arith.constant 0 : i32
    %broadcast_in_dim3A_1649 = vector.broadcast %jit3A_1648 : i32 to vector<16xi32>
    %select_n3A_1650 = arith.select %and3A_1639, %sub3A_1647, %broadcast_in_dim3A_1649 : vector<16xi1>, vector<16xi32>
    %add3A_1651 = arith.constant 4 : i32
    %add3A_1652 = vector.broadcast %add3A_1651 : i32 to vector<16xi32>
    %add3A_1653 = arith.addi %broadcast_in_dim3A_3, %add3A_1652 : vector<16xi32>
    tpu.vector_store_idx %arg8[%add3A_1653, %select_n3A_1650], %get3A_1633 masked %and3A_1639 : memref<8x256xf32, #tpu.memory_space<vmem>>[vector<16xi32>, vector<16xi32>], vector<16xf32>, vector<16xi1>
    %all_reduce_population_count3A_1654 = tpu.all_reduce %and3A_1639 {dim = 0 : i64, kind = #tpu.reduction_kind<sum>} : vector<16xi1> -> vector<16xi32>
    %add3A_1655 = arith.addi %add3A_1442, %all_reduce_population_count3A_1654 : vector<16xi32>
    %get3A_1656 = arith.constant 5 : i32
    %get3A_1657 = arith.index_cast %get3A_1656 : i32 to index
    %get3A_1658 = arith.constant 112 : index
    %get3A_1659 = tpu.vector_load %arg6[%get3A_1657, %get3A_1658] {strides = array<i32>} : memref<8x256xf32, #tpu.memory_space<vmem>>, vector<16xf32>,
    %eq3A_1660 = arith.cmpi eq, %get3A_1522, %gather3A_30 : vector<16xi32>
    %add3A_1661 = arith.constant 5 : i32
    %add3A_1662 = vector.broadcast %add3A_1661 : i32 to vector<16xi32>
    %add3A_1663 = arith.addi %add3A_5, %add3A_1662 : vector<16xi32>
    %ne3A_1664 = arith.cmpi ne, %add3A_1525, %add3A_1663 : vector<16xi32>
    %and3A_1665 = arith.andi %eq3A_1660, %ne3A_1664 : vector<16xi1>
    %convert_element_type3A_1666 = arith.extui %and3A_1665 : vector<16xi1> to vector<16xi32>
    %broadcast_in_dim3A_1667 = arith.constant true
    %broadcast_in_dim3A_1668 = vector.broadcast %broadcast_in_dim3A_1667 : i1 to vector<16xi1>
    %masked_cumsum3A_1669 = tpu.scan <sum>, %convert_element_type3A_1666 masked %broadcast_in_dim3A_1668 : vector<16xi32>, vector<16xi1> -> vector<16xi32>
    %add3A_1670 = arith.addi %add3A_1468, %masked_cumsum3A_1669 : vector<16xi32>
    %sub3A_1671 = arith.constant 1 : i32
    %sub3A_1672 = vector.broadcast %sub3A_1671 : i32 to vector<16xi32>
    %sub3A_1673 = arith.subi %add3A_1670, %sub3A_1672 : vector<16xi32>
    %jit3A_1674 = arith.constant 0 : i32
    %broadcast_in_dim3A_1675 = vector.broadcast %jit3A_1674 : i32 to vector<16xi32>
    %select_n3A_1676 = arith.select %and3A_1665, %sub3A_1673, %broadcast_in_dim3A_1675 : vector<16xi1>, vector<16xi32>
    %add3A_1677 = arith.constant 5 : i32
    %add3A_1678 = vector.broadcast %add3A_1677 : i32 to vector<16xi32>
    %add3A_1679 = arith.addi %broadcast_in_dim3A_3, %add3A_1678 : vector<16xi32>
    tpu.vector_store_idx %arg8[%add3A_1679, %select_n3A_1676], %get3A_1659 masked %and3A_1665 : memref<8x256xf32, #tpu.memory_space<vmem>>[vector<16xi32>, vector<16xi32>], vector<16xf32>, vector<16xi1>
    %all_reduce_population_count3A_1680 = tpu.all_reduce %and3A_1665 {dim = 0 : i64, kind = #tpu.reduction_kind<sum>} : vector<16xi1> -> vector<16xi32>
    %add3A_1681 = arith.addi %add3A_1468, %all_reduce_population_count3A_1680 : vector<16xi32>
    %get3A_1682 = arith.constant 6 : i32
    %get3A_1683 = arith.index_cast %get3A_1682 : i32 to index
    %get3A_1684 = arith.constant 112 : index
    %get3A_1685 = tpu.vector_load %arg6[%get3A_1683, %get3A_1684] {strides = array<i32>} : memref<8x256xf32, #tpu.memory_space<vmem>>, vector<16xf32>,
    %eq3A_1686 = arith.cmpi eq, %get3A_1522, %gather3A_34 : vector<16xi32>
    %add3A_1687 = arith.constant 6 : i32
    %add3A_1688 = vector.broadcast %add3A_1687 : i32 to vector<16xi32>
    %add3A_1689 = arith.addi %add3A_5, %add3A_1688 : vector<16xi32>
    %ne3A_1690 = arith.cmpi ne, %add3A_1525, %add3A_1689 : vector<16xi32>
    %and3A_1691 = arith.andi %eq3A_1686, %ne3A_1690 : vector<16xi1>
    %convert_element_type3A_1692 = arith.extui %and3A_1691 : vector<16xi1> to vector<16xi32>
    %broadcast_in_dim3A_1693 = arith.constant true
    %broadcast_in_dim3A_1694 = vector.broadcast %broadcast_in_dim3A_1693 : i1 to vector<16xi1>
    %masked_cumsum3A_1695 = tpu.scan <sum>, %convert_element_type3A_1692 masked %broadcast_in_dim3A_1694 : vector<16xi32>, vector<16xi1> -> vector<16xi32>
    %add3A_1696 = arith.addi %add3A_1494, %masked_cumsum3A_1695 : vector<16xi32>
    %sub3A_1697 = arith.constant 1 : i32
    %sub3A_1698 = vector.broadcast %sub3A_1697 : i32 to vector<16xi32>
    %sub3A_1699 = arith.subi %add3A_1696, %sub3A_1698 : vector<16xi32>
    %jit3A_1700 = arith.constant 0 : i32
    %broadcast_in_dim3A_1701 = vector.broadcast %jit3A_1700 : i32 to vector<16xi32>
    %select_n3A_1702 = arith.select %and3A_1691, %sub3A_1699, %broadcast_in_dim3A_1701 : vector<16xi1>, vector<16xi32>
    %add3A_1703 = arith.constant 6 : i32
    %add3A_1704 = vector.broadcast %add3A_1703 : i32 to vector<16xi32>
    %add3A_1705 = arith.addi %broadcast_in_dim3A_3, %add3A_1704 : vector<16xi32>
    tpu.vector_store_idx %arg8[%add3A_1705, %select_n3A_1702], %get3A_1685 masked %and3A_1691 : memref<8x256xf32, #tpu.memory_space<vmem>>[vector<16xi32>, vector<16xi32>], vector<16xf32>, vector<16xi1>
    %all_reduce_population_count3A_1706 = tpu.all_reduce %and3A_1691 {dim = 0 : i64, kind = #tpu.reduction_kind<sum>} : vector<16xi1> -> vector<16xi32>
    %add3A_1707 = arith.addi %add3A_1494, %all_reduce_population_count3A_1706 : vector<16xi32>
    %get3A_1708 = arith.constant 7 : i32
    %get3A_1709 = arith.index_cast %get3A_1708 : i32 to index
    %get3A_1710 = arith.constant 112 : index
    %get3A_1711 = tpu.vector_load %arg6[%get3A_1709, %get3A_1710] {strides = array<i32>} : memref<8x256xf32, #tpu.memory_space<vmem>>, vector<16xf32>,
    %eq3A_1712 = arith.cmpi eq, %get3A_1522, %gather3A_38 : vector<16xi32>
    %add3A_1713 = arith.constant 7 : i32
    %add3A_1714 = vector.broadcast %add3A_1713 : i32 to vector<16xi32>
    %add3A_1715 = arith.addi %add3A_5, %add3A_1714 : vector<16xi32>
    %ne3A_1716 = arith.cmpi ne, %add3A_1525, %add3A_1715 : vector<16xi32>
    %and3A_1717 = arith.andi %eq3A_1712, %ne3A_1716 : vector<16xi1>
    %convert_element_type3A_1718 = arith.extui %and3A_1717 : vector<16xi1> to vector<16xi32>
    %broadcast_in_dim3A_1719 = arith.constant true
    %broadcast_in_dim3A_1720 = vector.broadcast %broadcast_in_dim3A_1719 : i1 to vector<16xi1>
    %masked_cumsum3A_1721 = tpu.scan <sum>, %convert_element_type3A_1718 masked %broadcast_in_dim3A_1720 : vector<16xi32>, vector<16xi1> -> vector<16xi32>
    %add3A_1722 = arith.addi %add3A_1520, %masked_cumsum3A_1721 : vector<16xi32>
    %sub3A_1723 = arith.constant 1 : i32
    %sub3A_1724 = vector.broadcast %sub3A_1723 : i32 to vector<16xi32>
    %sub3A_1725 = arith.subi %add3A_1722, %sub3A_1724 : vector<16xi32>
    %jit3A_1726 = arith.constant 0 : i32
    %broadcast_in_dim3A_1727 = vector.broadcast %jit3A_1726 : i32 to vector<16xi32>
    %select_n3A_1728 = arith.select %and3A_1717, %sub3A_1725, %broadcast_in_dim3A_1727 : vector<16xi1>, vector<16xi32>
    %add3A_1729 = arith.constant 7 : i32
    %add3A_1730 = vector.broadcast %add3A_1729 : i32 to vector<16xi32>
    %add3A_1731 = arith.addi %broadcast_in_dim3A_3, %add3A_1730 : vector<16xi32>
    tpu.vector_store_idx %arg8[%add3A_1731, %select_n3A_1728], %get3A_1711 masked %and3A_1717 : memref<8x256xf32, #tpu.memory_space<vmem>>[vector<16xi32>, vector<16xi32>], vector<16xf32>, vector<16xi1>
    %all_reduce_population_count3A_1732 = tpu.all_reduce %and3A_1717 {dim = 0 : i64, kind = #tpu.reduction_kind<sum>} : vector<16xi1> -> vector<16xi32>
    %add3A_1733 = arith.addi %add3A_1520, %all_reduce_population_count3A_1732 : vector<16xi32>
    %get3A_1734 = arith.constant 128 : index
    %get3A_1735 = tpu.vector_load %arg7[%get3A_1734] {strides = array<i32>} : memref<256xi32, #tpu.memory_space<vmem>>, vector<16xi32>,
    %add3A_1736 = arith.constant 128 : i32
    %add3A_1737 = vector.broadcast %add3A_1736 : i32 to vector<16xi32>
    %add3A_1738 = arith.addi %iota3A, %add3A_1737 : vector<16xi32>
    %get3A_1739 = arith.constant 0 : i32
    %get3A_1740 = arith.index_cast %get3A_1739 : i32 to index
    %get3A_1741 = arith.constant 128 : index
    %get3A_1742 = tpu.vector_load %arg6[%get3A_1740, %get3A_1741] {strides = array<i32>} : memref<8x256xf32, #tpu.memory_space<vmem>>, vector<16xf32>,
    %eq3A_1743 = arith.cmpi eq, %get3A_1735, %gather3A : vector<16xi32>
    %add3A_1744 = arith.constant 0 : i32
    %add3A_1745 = vector.broadcast %add3A_1744 : i32 to vector<16xi32>
    %add3A_1746 = arith.addi %add3A_5, %add3A_1745 : vector<16xi32>
    %ne3A_1747 = arith.cmpi ne, %add3A_1738, %add3A_1746 : vector<16xi32>
    %and3A_1748 = arith.andi %eq3A_1743, %ne3A_1747 : vector<16xi1>
    %convert_element_type3A_1749 = arith.extui %and3A_1748 : vector<16xi1> to vector<16xi32>
    %broadcast_in_dim3A_1750 = arith.constant true
    %broadcast_in_dim3A_1751 = vector.broadcast %broadcast_in_dim3A_1750 : i1 to vector<16xi1>
    %masked_cumsum3A_1752 = tpu.scan <sum>, %convert_element_type3A_1749 masked %broadcast_in_dim3A_1751 : vector<16xi32>, vector<16xi1> -> vector<16xi32>
    %add3A_1753 = arith.addi %add3A_1551, %masked_cumsum3A_1752 : vector<16xi32>
    %sub3A_1754 = arith.constant 1 : i32
    %sub3A_1755 = vector.broadcast %sub3A_1754 : i32 to vector<16xi32>
    %sub3A_1756 = arith.subi %add3A_1753, %sub3A_1755 : vector<16xi32>
    %jit3A_1757 = arith.constant 0 : i32
    %broadcast_in_dim3A_1758 = vector.broadcast %jit3A_1757 : i32 to vector<16xi32>
    %select_n3A_1759 = arith.select %and3A_1748, %sub3A_1756, %broadcast_in_dim3A_1758 : vector<16xi1>, vector<16xi32>
    %add3A_1760 = arith.constant 0 : i32
    %add3A_1761 = vector.broadcast %add3A_1760 : i32 to vector<16xi32>
    %add3A_1762 = arith.addi %broadcast_in_dim3A_3, %add3A_1761 : vector<16xi32>
    tpu.vector_store_idx %arg8[%add3A_1762, %select_n3A_1759], %get3A_1742 masked %and3A_1748 : memref<8x256xf32, #tpu.memory_space<vmem>>[vector<16xi32>, vector<16xi32>], vector<16xf32>, vector<16xi1>
    %all_reduce_population_count3A_1763 = tpu.all_reduce %and3A_1748 {dim = 0 : i64, kind = #tpu.reduction_kind<sum>} : vector<16xi1> -> vector<16xi32>
    %add3A_1764 = arith.addi %add3A_1551, %all_reduce_population_count3A_1763 : vector<16xi32>
    %get3A_1765 = arith.constant 1 : i32
    %get3A_1766 = arith.index_cast %get3A_1765 : i32 to index
    %get3A_1767 = arith.constant 128 : index
    %get3A_1768 = tpu.vector_load %arg6[%get3A_1766, %get3A_1767] {strides = array<i32>} : memref<8x256xf32, #tpu.memory_space<vmem>>, vector<16xf32>,
    %eq3A_1769 = arith.cmpi eq, %get3A_1735, %gather3A_14 : vector<16xi32>
    %add3A_1770 = arith.constant 1 : i32
    %add3A_1771 = vector.broadcast %add3A_1770 : i32 to vector<16xi32>
    %add3A_1772 = arith.addi %add3A_5, %add3A_1771 : vector<16xi32>
    %ne3A_1773 = arith.cmpi ne, %add3A_1738, %add3A_1772 : vector<16xi32>
    %and3A_1774 = arith.andi %eq3A_1769, %ne3A_1773 : vector<16xi1>
    %convert_element_type3A_1775 = arith.extui %and3A_1774 : vector<16xi1> to vector<16xi32>
    %broadcast_in_dim3A_1776 = arith.constant true
    %broadcast_in_dim3A_1777 = vector.broadcast %broadcast_in_dim3A_1776 : i1 to vector<16xi1>
    %masked_cumsum3A_1778 = tpu.scan <sum>, %convert_element_type3A_1775 masked %broadcast_in_dim3A_1777 : vector<16xi32>, vector<16xi1> -> vector<16xi32>
    %add3A_1779 = arith.addi %add3A_1577, %masked_cumsum3A_1778 : vector<16xi32>
    %sub3A_1780 = arith.constant 1 : i32
    %sub3A_1781 = vector.broadcast %sub3A_1780 : i32 to vector<16xi32>
    %sub3A_1782 = arith.subi %add3A_1779, %sub3A_1781 : vector<16xi32>
    %jit3A_1783 = arith.constant 0 : i32
    %broadcast_in_dim3A_1784 = vector.broadcast %jit3A_1783 : i32 to vector<16xi32>
    %select_n3A_1785 = arith.select %and3A_1774, %sub3A_1782, %broadcast_in_dim3A_1784 : vector<16xi1>, vector<16xi32>
    %add3A_1786 = arith.constant 1 : i32
    %add3A_1787 = vector.broadcast %add3A_1786 : i32 to vector<16xi32>
    %add3A_1788 = arith.addi %broadcast_in_dim3A_3, %add3A_1787 : vector<16xi32>
    tpu.vector_store_idx %arg8[%add3A_1788, %select_n3A_1785], %get3A_1768 masked %and3A_1774 : memref<8x256xf32, #tpu.memory_space<vmem>>[vector<16xi32>, vector<16xi32>], vector<16xf32>, vector<16xi1>
    %all_reduce_population_count3A_1789 = tpu.all_reduce %and3A_1774 {dim = 0 : i64, kind = #tpu.reduction_kind<sum>} : vector<16xi1> -> vector<16xi32>
    %add3A_1790 = arith.addi %add3A_1577, %all_reduce_population_count3A_1789 : vector<16xi32>
    %get3A_1791 = arith.constant 2 : i32
    %get3A_1792 = arith.index_cast %get3A_1791 : i32 to index
    %get3A_1793 = arith.constant 128 : index
    %get3A_1794 = tpu.vector_load %arg6[%get3A_1792, %get3A_1793] {strides = array<i32>} : memref<8x256xf32, #tpu.memory_space<vmem>>, vector<16xf32>,
    %eq3A_1795 = arith.cmpi eq, %get3A_1735, %gather3A_18 : vector<16xi32>
    %add3A_1796 = arith.constant 2 : i32
    %add3A_1797 = vector.broadcast %add3A_1796 : i32 to vector<16xi32>
    %add3A_1798 = arith.addi %add3A_5, %add3A_1797 : vector<16xi32>
    %ne3A_1799 = arith.cmpi ne, %add3A_1738, %add3A_1798 : vector<16xi32>
    %and3A_1800 = arith.andi %eq3A_1795, %ne3A_1799 : vector<16xi1>
    %convert_element_type3A_1801 = arith.extui %and3A_1800 : vector<16xi1> to vector<16xi32>
    %broadcast_in_dim3A_1802 = arith.constant true
    %broadcast_in_dim3A_1803 = vector.broadcast %broadcast_in_dim3A_1802 : i1 to vector<16xi1>
    %masked_cumsum3A_1804 = tpu.scan <sum>, %convert_element_type3A_1801 masked %broadcast_in_dim3A_1803 : vector<16xi32>, vector<16xi1> -> vector<16xi32>
    %add3A_1805 = arith.addi %add3A_1603, %masked_cumsum3A_1804 : vector<16xi32>
    %sub3A_1806 = arith.constant 1 : i32
    %sub3A_1807 = vector.broadcast %sub3A_1806 : i32 to vector<16xi32>
    %sub3A_1808 = arith.subi %add3A_1805, %sub3A_1807 : vector<16xi32>
    %jit3A_1809 = arith.constant 0 : i32
    %broadcast_in_dim3A_1810 = vector.broadcast %jit3A_1809 : i32 to vector<16xi32>
    %select_n3A_1811 = arith.select %and3A_1800, %sub3A_1808, %broadcast_in_dim3A_1810 : vector<16xi1>, vector<16xi32>
    %add3A_1812 = arith.constant 2 : i32
    %add3A_1813 = vector.broadcast %add3A_1812 : i32 to vector<16xi32>
    %add3A_1814 = arith.addi %broadcast_in_dim3A_3, %add3A_1813 : vector<16xi32>
    tpu.vector_store_idx %arg8[%add3A_1814, %select_n3A_1811], %get3A_1794 masked %and3A_1800 : memref<8x256xf32, #tpu.memory_space<vmem>>[vector<16xi32>, vector<16xi32>], vector<16xf32>, vector<16xi1>
    %all_reduce_population_count3A_1815 = tpu.all_reduce %and3A_1800 {dim = 0 : i64, kind = #tpu.reduction_kind<sum>} : vector<16xi1> -> vector<16xi32>
    %add3A_1816 = arith.addi %add3A_1603, %all_reduce_population_count3A_1815 : vector<16xi32>
    %get3A_1817 = arith.constant 3 : i32
    %get3A_1818 = arith.index_cast %get3A_1817 : i32 to index
    %get3A_1819 = arith.constant 128 : index
    %get3A_1820 = tpu.vector_load %arg6[%get3A_1818, %get3A_1819] {strides = array<i32>} : memref<8x256xf32, #tpu.memory_space<vmem>>, vector<16xf32>,
    %eq3A_1821 = arith.cmpi eq, %get3A_1735, %gather3A_22 : vector<16xi32>
    %add3A_1822 = arith.constant 3 : i32
    %add3A_1823 = vector.broadcast %add3A_1822 : i32 to vector<16xi32>
    %add3A_1824 = arith.addi %add3A_5, %add3A_1823 : vector<16xi32>
    %ne3A_1825 = arith.cmpi ne, %add3A_1738, %add3A_1824 : vector<16xi32>
    %and3A_1826 = arith.andi %eq3A_1821, %ne3A_1825 : vector<16xi1>
    %convert_element_type3A_1827 = arith.extui %and3A_1826 : vector<16xi1> to vector<16xi32>
    %broadcast_in_dim3A_1828 = arith.constant true
    %broadcast_in_dim3A_1829 = vector.broadcast %broadcast_in_dim3A_1828 : i1 to vector<16xi1>
    %masked_cumsum3A_1830 = tpu.scan <sum>, %convert_element_type3A_1827 masked %broadcast_in_dim3A_1829 : vector<16xi32>, vector<16xi1> -> vector<16xi32>
    %add3A_1831 = arith.addi %add3A_1629, %masked_cumsum3A_1830 : vector<16xi32>
    %sub3A_1832 = arith.constant 1 : i32
    %sub3A_1833 = vector.broadcast %sub3A_1832 : i32 to vector<16xi32>
    %sub3A_1834 = arith.subi %add3A_1831, %sub3A_1833 : vector<16xi32>
    %jit3A_1835 = arith.constant 0 : i32
    %broadcast_in_dim3A_1836 = vector.broadcast %jit3A_1835 : i32 to vector<16xi32>
    %select_n3A_1837 = arith.select %and3A_1826, %sub3A_1834, %broadcast_in_dim3A_1836 : vector<16xi1>, vector<16xi32>
    %add3A_1838 = arith.constant 3 : i32
    %add3A_1839 = vector.broadcast %add3A_1838 : i32 to vector<16xi32>
    %add3A_1840 = arith.addi %broadcast_in_dim3A_3, %add3A_1839 : vector<16xi32>
    tpu.vector_store_idx %arg8[%add3A_1840, %select_n3A_1837], %get3A_1820 masked %and3A_1826 : memref<8x256xf32, #tpu.memory_space<vmem>>[vector<16xi32>, vector<16xi32>], vector<16xf32>, vector<16xi1>
    %all_reduce_population_count3A_1841 = tpu.all_reduce %and3A_1826 {dim = 0 : i64, kind = #tpu.reduction_kind<sum>} : vector<16xi1> -> vector<16xi32>
    %add3A_1842 = arith.addi %add3A_1629, %all_reduce_population_count3A_1841 : vector<16xi32>
    %get3A_1843 = arith.constant 4 : i32
    %get3A_1844 = arith.index_cast %get3A_1843 : i32 to index
    %get3A_1845 = arith.constant 128 : index
    %get3A_1846 = tpu.vector_load %arg6[%get3A_1844, %get3A_1845] {strides = array<i32>} : memref<8x256xf32, #tpu.memory_space<vmem>>, vector<16xf32>,
    %eq3A_1847 = arith.cmpi eq, %get3A_1735, %gather3A_26 : vector<16xi32>
    %add3A_1848 = arith.constant 4 : i32
    %add3A_1849 = vector.broadcast %add3A_1848 : i32 to vector<16xi32>
    %add3A_1850 = arith.addi %add3A_5, %add3A_1849 : vector<16xi32>
    %ne3A_1851 = arith.cmpi ne, %add3A_1738, %add3A_1850 : vector<16xi32>
    %and3A_1852 = arith.andi %eq3A_1847, %ne3A_1851 : vector<16xi1>
    %convert_element_type3A_1853 = arith.extui %and3A_1852 : vector<16xi1> to vector<16xi32>
    %broadcast_in_dim3A_1854 = arith.constant true
    %broadcast_in_dim3A_1855 = vector.broadcast %broadcast_in_dim3A_1854 : i1 to vector<16xi1>
    %masked_cumsum3A_1856 = tpu.scan <sum>, %convert_element_type3A_1853 masked %broadcast_in_dim3A_1855 : vector<16xi32>, vector<16xi1> -> vector<16xi32>
    %add3A_1857 = arith.addi %add3A_1655, %masked_cumsum3A_1856 : vector<16xi32>
    %sub3A_1858 = arith.constant 1 : i32
    %sub3A_1859 = vector.broadcast %sub3A_1858 : i32 to vector<16xi32>
    %sub3A_1860 = arith.subi %add3A_1857, %sub3A_1859 : vector<16xi32>
    %jit3A_1861 = arith.constant 0 : i32
    %broadcast_in_dim3A_1862 = vector.broadcast %jit3A_1861 : i32 to vector<16xi32>
    %select_n3A_1863 = arith.select %and3A_1852, %sub3A_1860, %broadcast_in_dim3A_1862 : vector<16xi1>, vector<16xi32>
    %add3A_1864 = arith.constant 4 : i32
    %add3A_1865 = vector.broadcast %add3A_1864 : i32 to vector<16xi32>
    %add3A_1866 = arith.addi %broadcast_in_dim3A_3, %add3A_1865 : vector<16xi32>
    tpu.vector_store_idx %arg8[%add3A_1866, %select_n3A_1863], %get3A_1846 masked %and3A_1852 : memref<8x256xf32, #tpu.memory_space<vmem>>[vector<16xi32>, vector<16xi32>], vector<16xf32>, vector<16xi1>
    %all_reduce_population_count3A_1867 = tpu.all_reduce %and3A_1852 {dim = 0 : i64, kind = #tpu.reduction_kind<sum>} : vector<16xi1> -> vector<16xi32>
    %add3A_1868 = arith.addi %add3A_1655, %all_reduce_population_count3A_1867 : vector<16xi32>
    %get3A_1869 = arith.constant 5 : i32
    %get3A_1870 = arith.index_cast %get3A_1869 : i32 to index
    %get3A_1871 = arith.constant 128 : index
    %get3A_1872 = tpu.vector_load %arg6[%get3A_1870, %get3A_1871] {strides = array<i32>} : memref<8x256xf32, #tpu.memory_space<vmem>>, vector<16xf32>,
    %eq3A_1873 = arith.cmpi eq, %get3A_1735, %gather3A_30 : vector<16xi32>
    %add3A_1874 = arith.constant 5 : i32
    %add3A_1875 = vector.broadcast %add3A_1874 : i32 to vector<16xi32>
    %add3A_1876 = arith.addi %add3A_5, %add3A_1875 : vector<16xi32>
    %ne3A_1877 = arith.cmpi ne, %add3A_1738, %add3A_1876 : vector<16xi32>
    %and3A_1878 = arith.andi %eq3A_1873, %ne3A_1877 : vector<16xi1>
    %convert_element_type3A_1879 = arith.extui %and3A_1878 : vector<16xi1> to vector<16xi32>
    %broadcast_in_dim3A_1880 = arith.constant true
    %broadcast_in_dim3A_1881 = vector.broadcast %broadcast_in_dim3A_1880 : i1 to vector<16xi1>
    %masked_cumsum3A_1882 = tpu.scan <sum>, %convert_element_type3A_1879 masked %broadcast_in_dim3A_1881 : vector<16xi32>, vector<16xi1> -> vector<16xi32>
    %add3A_1883 = arith.addi %add3A_1681, %masked_cumsum3A_1882 : vector<16xi32>
    %sub3A_1884 = arith.constant 1 : i32
    %sub3A_1885 = vector.broadcast %sub3A_1884 : i32 to vector<16xi32>
    %sub3A_1886 = arith.subi %add3A_1883, %sub3A_1885 : vector<16xi32>
    %jit3A_1887 = arith.constant 0 : i32
    %broadcast_in_dim3A_1888 = vector.broadcast %jit3A_1887 : i32 to vector<16xi32>
    %select_n3A_1889 = arith.select %and3A_1878, %sub3A_1886, %broadcast_in_dim3A_1888 : vector<16xi1>, vector<16xi32>
    %add3A_1890 = arith.constant 5 : i32
    %add3A_1891 = vector.broadcast %add3A_1890 : i32 to vector<16xi32>
    %add3A_1892 = arith.addi %broadcast_in_dim3A_3, %add3A_1891 : vector<16xi32>
    tpu.vector_store_idx %arg8[%add3A_1892, %select_n3A_1889], %get3A_1872 masked %and3A_1878 : memref<8x256xf32, #tpu.memory_space<vmem>>[vector<16xi32>, vector<16xi32>], vector<16xf32>, vector<16xi1>
    %all_reduce_population_count3A_1893 = tpu.all_reduce %and3A_1878 {dim = 0 : i64, kind = #tpu.reduction_kind<sum>} : vector<16xi1> -> vector<16xi32>
    %add3A_1894 = arith.addi %add3A_1681, %all_reduce_population_count3A_1893 : vector<16xi32>
    %get3A_1895 = arith.constant 6 : i32
    %get3A_1896 = arith.index_cast %get3A_1895 : i32 to index
    %get3A_1897 = arith.constant 128 : index
    %get3A_1898 = tpu.vector_load %arg6[%get3A_1896, %get3A_1897] {strides = array<i32>} : memref<8x256xf32, #tpu.memory_space<vmem>>, vector<16xf32>,
    %eq3A_1899 = arith.cmpi eq, %get3A_1735, %gather3A_34 : vector<16xi32>
    %add3A_1900 = arith.constant 6 : i32
    %add3A_1901 = vector.broadcast %add3A_1900 : i32 to vector<16xi32>
    %add3A_1902 = arith.addi %add3A_5, %add3A_1901 : vector<16xi32>
    %ne3A_1903 = arith.cmpi ne, %add3A_1738, %add3A_1902 : vector<16xi32>
    %and3A_1904 = arith.andi %eq3A_1899, %ne3A_1903 : vector<16xi1>
    %convert_element_type3A_1905 = arith.extui %and3A_1904 : vector<16xi1> to vector<16xi32>
    %broadcast_in_dim3A_1906 = arith.constant true
    %broadcast_in_dim3A_1907 = vector.broadcast %broadcast_in_dim3A_1906 : i1 to vector<16xi1>
    %masked_cumsum3A_1908 = tpu.scan <sum>, %convert_element_type3A_1905 masked %broadcast_in_dim3A_1907 : vector<16xi32>, vector<16xi1> -> vector<16xi32>
    %add3A_1909 = arith.addi %add3A_1707, %masked_cumsum3A_1908 : vector<16xi32>
    %sub3A_1910 = arith.constant 1 : i32
    %sub3A_1911 = vector.broadcast %sub3A_1910 : i32 to vector<16xi32>
    %sub3A_1912 = arith.subi %add3A_1909, %sub3A_1911 : vector<16xi32>
    %jit3A_1913 = arith.constant 0 : i32
    %broadcast_in_dim3A_1914 = vector.broadcast %jit3A_1913 : i32 to vector<16xi32>
    %select_n3A_1915 = arith.select %and3A_1904, %sub3A_1912, %broadcast_in_dim3A_1914 : vector<16xi1>, vector<16xi32>
    %add3A_1916 = arith.constant 6 : i32
    %add3A_1917 = vector.broadcast %add3A_1916 : i32 to vector<16xi32>
    %add3A_1918 = arith.addi %broadcast_in_dim3A_3, %add3A_1917 : vector<16xi32>
    tpu.vector_store_idx %arg8[%add3A_1918, %select_n3A_1915], %get3A_1898 masked %and3A_1904 : memref<8x256xf32, #tpu.memory_space<vmem>>[vector<16xi32>, vector<16xi32>], vector<16xf32>, vector<16xi1>
    %all_reduce_population_count3A_1919 = tpu.all_reduce %and3A_1904 {dim = 0 : i64, kind = #tpu.reduction_kind<sum>} : vector<16xi1> -> vector<16xi32>
    %add3A_1920 = arith.addi %add3A_1707, %all_reduce_population_count3A_1919 : vector<16xi32>
    %get3A_1921 = arith.constant 7 : i32
    %get3A_1922 = arith.index_cast %get3A_1921 : i32 to index
    %get3A_1923 = arith.constant 128 : index
    %get3A_1924 = tpu.vector_load %arg6[%get3A_1922, %get3A_1923] {strides = array<i32>} : memref<8x256xf32, #tpu.memory_space<vmem>>, vector<16xf32>,
    %eq3A_1925 = arith.cmpi eq, %get3A_1735, %gather3A_38 : vector<16xi32>
    %add3A_1926 = arith.constant 7 : i32
    %add3A_1927 = vector.broadcast %add3A_1926 : i32 to vector<16xi32>
    %add3A_1928 = arith.addi %add3A_5, %add3A_1927 : vector<16xi32>
    %ne3A_1929 = arith.cmpi ne, %add3A_1738, %add3A_1928 : vector<16xi32>
    %and3A_1930 = arith.andi %eq3A_1925, %ne3A_1929 : vector<16xi1>
    %convert_element_type3A_1931 = arith.extui %and3A_1930 : vector<16xi1> to vector<16xi32>
    %broadcast_in_dim3A_1932 = arith.constant true
    %broadcast_in_dim3A_1933 = vector.broadcast %broadcast_in_dim3A_1932 : i1 to vector<16xi1>
    %masked_cumsum3A_1934 = tpu.scan <sum>, %convert_element_type3A_1931 masked %broadcast_in_dim3A_1933 : vector<16xi32>, vector<16xi1> -> vector<16xi32>
    %add3A_1935 = arith.addi %add3A_1733, %masked_cumsum3A_1934 : vector<16xi32>
    %sub3A_1936 = arith.constant 1 : i32
    %sub3A_1937 = vector.broadcast %sub3A_1936 : i32 to vector<16xi32>
    %sub3A_1938 = arith.subi %add3A_1935, %sub3A_1937 : vector<16xi32>
    %jit3A_1939 = arith.constant 0 : i32
    %broadcast_in_dim3A_1940 = vector.broadcast %jit3A_1939 : i32 to vector<16xi32>
    %select_n3A_1941 = arith.select %and3A_1930, %sub3A_1938, %broadcast_in_dim3A_1940 : vector<16xi1>, vector<16xi32>
    %add3A_1942 = arith.constant 7 : i32
    %add3A_1943 = vector.broadcast %add3A_1942 : i32 to vector<16xi32>
    %add3A_1944 = arith.addi %broadcast_in_dim3A_3, %add3A_1943 : vector<16xi32>
    tpu.vector_store_idx %arg8[%add3A_1944, %select_n3A_1941], %get3A_1924 masked %and3A_1930 : memref<8x256xf32, #tpu.memory_space<vmem>>[vector<16xi32>, vector<16xi32>], vector<16xf32>, vector<16xi1>
    %all_reduce_population_count3A_1945 = tpu.all_reduce %and3A_1930 {dim = 0 : i64, kind = #tpu.reduction_kind<sum>} : vector<16xi1> -> vector<16xi32>
    %add3A_1946 = arith.addi %add3A_1733, %all_reduce_population_count3A_1945 : vector<16xi32>
    %get3A_1947 = arith.constant 144 : index
    %get3A_1948 = tpu.vector_load %arg7[%get3A_1947] {strides = array<i32>} : memref<256xi32, #tpu.memory_space<vmem>>, vector<16xi32>,
    %add3A_1949 = arith.constant 144 : i32
    %add3A_1950 = vector.broadcast %add3A_1949 : i32 to vector<16xi32>
    %add3A_1951 = arith.addi %iota3A, %add3A_1950 : vector<16xi32>
    %get3A_1952 = arith.constant 0 : i32
    %get3A_1953 = arith.index_cast %get3A_1952 : i32 to index
    %get3A_1954 = arith.constant 144 : index
    %get3A_1955 = tpu.vector_load %arg6[%get3A_1953, %get3A_1954] {strides = array<i32>} : memref<8x256xf32, #tpu.memory_space<vmem>>, vector<16xf32>,
    %eq3A_1956 = arith.cmpi eq, %get3A_1948, %gather3A : vector<16xi32>
    %add3A_1957 = arith.constant 0 : i32
    %add3A_1958 = vector.broadcast %add3A_1957 : i32 to vector<16xi32>
    %add3A_1959 = arith.addi %add3A_5, %add3A_1958 : vector<16xi32>
    %ne3A_1960 = arith.cmpi ne, %add3A_1951, %add3A_1959 : vector<16xi32>
    %and3A_1961 = arith.andi %eq3A_1956, %ne3A_1960 : vector<16xi1>
    %convert_element_type3A_1962 = arith.extui %and3A_1961 : vector<16xi1> to vector<16xi32>
    %broadcast_in_dim3A_1963 = arith.constant true
    %broadcast_in_dim3A_1964 = vector.broadcast %broadcast_in_dim3A_1963 : i1 to vector<16xi1>
    %masked_cumsum3A_1965 = tpu.scan <sum>, %convert_element_type3A_1962 masked %broadcast_in_dim3A_1964 : vector<16xi32>, vector<16xi1> -> vector<16xi32>
    %add3A_1966 = arith.addi %add3A_1764, %masked_cumsum3A_1965 : vector<16xi32>
    %sub3A_1967 = arith.constant 1 : i32
    %sub3A_1968 = vector.broadcast %sub3A_1967 : i32 to vector<16xi32>
    %sub3A_1969 = arith.subi %add3A_1966, %sub3A_1968 : vector<16xi32>
    %jit3A_1970 = arith.constant 0 : i32
    %broadcast_in_dim3A_1971 = vector.broadcast %jit3A_1970 : i32 to vector<16xi32>
    %select_n3A_1972 = arith.select %and3A_1961, %sub3A_1969, %broadcast_in_dim3A_1971 : vector<16xi1>, vector<16xi32>
    %add3A_1973 = arith.constant 0 : i32
    %add3A_1974 = vector.broadcast %add3A_1973 : i32 to vector<16xi32>
    %add3A_1975 = arith.addi %broadcast_in_dim3A_3, %add3A_1974 : vector<16xi32>
    tpu.vector_store_idx %arg8[%add3A_1975, %select_n3A_1972], %get3A_1955 masked %and3A_1961 : memref<8x256xf32, #tpu.memory_space<vmem>>[vector<16xi32>, vector<16xi32>], vector<16xf32>, vector<16xi1>
    %all_reduce_population_count3A_1976 = tpu.all_reduce %and3A_1961 {dim = 0 : i64, kind = #tpu.reduction_kind<sum>} : vector<16xi1> -> vector<16xi32>
    %add3A_1977 = arith.addi %add3A_1764, %all_reduce_population_count3A_1976 : vector<16xi32>
    %get3A_1978 = arith.constant 1 : i32
    %get3A_1979 = arith.index_cast %get3A_1978 : i32 to index
    %get3A_1980 = arith.constant 144 : index
    %get3A_1981 = tpu.vector_load %arg6[%get3A_1979, %get3A_1980] {strides = array<i32>} : memref<8x256xf32, #tpu.memory_space<vmem>>, vector<16xf32>,
    %eq3A_1982 = arith.cmpi eq, %get3A_1948, %gather3A_14 : vector<16xi32>
    %add3A_1983 = arith.constant 1 : i32
    %add3A_1984 = vector.broadcast %add3A_1983 : i32 to vector<16xi32>
    %add3A_1985 = arith.addi %add3A_5, %add3A_1984 : vector<16xi32>
    %ne3A_1986 = arith.cmpi ne, %add3A_1951, %add3A_1985 : vector<16xi32>
    %and3A_1987 = arith.andi %eq3A_1982, %ne3A_1986 : vector<16xi1>
    %convert_element_type3A_1988 = arith.extui %and3A_1987 : vector<16xi1> to vector<16xi32>
    %broadcast_in_dim3A_1989 = arith.constant true
    %broadcast_in_dim3A_1990 = vector.broadcast %broadcast_in_dim3A_1989 : i1 to vector<16xi1>
    %masked_cumsum3A_1991 = tpu.scan <sum>, %convert_element_type3A_1988 masked %broadcast_in_dim3A_1990 : vector<16xi32>, vector<16xi1> -> vector<16xi32>
    %add3A_1992 = arith.addi %add3A_1790, %masked_cumsum3A_1991 : vector<16xi32>
    %sub3A_1993 = arith.constant 1 : i32
    %sub3A_1994 = vector.broadcast %sub3A_1993 : i32 to vector<16xi32>
    %sub3A_1995 = arith.subi %add3A_1992, %sub3A_1994 : vector<16xi32>
    %jit3A_1996 = arith.constant 0 : i32
    %broadcast_in_dim3A_1997 = vector.broadcast %jit3A_1996 : i32 to vector<16xi32>
    %select_n3A_1998 = arith.select %and3A_1987, %sub3A_1995, %broadcast_in_dim3A_1997 : vector<16xi1>, vector<16xi32>
    %add3A_1999 = arith.constant 1 : i32
    %add3A_2000 = vector.broadcast %add3A_1999 : i32 to vector<16xi32>
    %add3A_2001 = arith.addi %broadcast_in_dim3A_3, %add3A_2000 : vector<16xi32>
    tpu.vector_store_idx %arg8[%add3A_2001, %select_n3A_1998], %get3A_1981 masked %and3A_1987 : memref<8x256xf32, #tpu.memory_space<vmem>>[vector<16xi32>, vector<16xi32>], vector<16xf32>, vector<16xi1>
    %all_reduce_population_count3A_2002 = tpu.all_reduce %and3A_1987 {dim = 0 : i64, kind = #tpu.reduction_kind<sum>} : vector<16xi1> -> vector<16xi32>
    %add3A_2003 = arith.addi %add3A_1790, %all_reduce_population_count3A_2002 : vector<16xi32>
    %get3A_2004 = arith.constant 2 : i32
    %get3A_2005 = arith.index_cast %get3A_2004 : i32 to index
    %get3A_2006 = arith.constant 144 : index
    %get3A_2007 = tpu.vector_load %arg6[%get3A_2005, %get3A_2006] {strides = array<i32>} : memref<8x256xf32, #tpu.memory_space<vmem>>, vector<16xf32>,
    %eq3A_2008 = arith.cmpi eq, %get3A_1948, %gather3A_18 : vector<16xi32>
    %add3A_2009 = arith.constant 2 : i32
    %add3A_2010 = vector.broadcast %add3A_2009 : i32 to vector<16xi32>
    %add3A_2011 = arith.addi %add3A_5, %add3A_2010 : vector<16xi32>
    %ne3A_2012 = arith.cmpi ne, %add3A_1951, %add3A_2011 : vector<16xi32>
    %and3A_2013 = arith.andi %eq3A_2008, %ne3A_2012 : vector<16xi1>
    %convert_element_type3A_2014 = arith.extui %and3A_2013 : vector<16xi1> to vector<16xi32>
    %broadcast_in_dim3A_2015 = arith.constant true
    %broadcast_in_dim3A_2016 = vector.broadcast %broadcast_in_dim3A_2015 : i1 to vector<16xi1>
    %masked_cumsum3A_2017 = tpu.scan <sum>, %convert_element_type3A_2014 masked %broadcast_in_dim3A_2016 : vector<16xi32>, vector<16xi1> -> vector<16xi32>
    %add3A_2018 = arith.addi %add3A_1816, %masked_cumsum3A_2017 : vector<16xi32>
    %sub3A_2019 = arith.constant 1 : i32
    %sub3A_2020 = vector.broadcast %sub3A_2019 : i32 to vector<16xi32>
    %sub3A_2021 = arith.subi %add3A_2018, %sub3A_2020 : vector<16xi32>
    %jit3A_2022 = arith.constant 0 : i32
    %broadcast_in_dim3A_2023 = vector.broadcast %jit3A_2022 : i32 to vector<16xi32>
    %select_n3A_2024 = arith.select %and3A_2013, %sub3A_2021, %broadcast_in_dim3A_2023 : vector<16xi1>, vector<16xi32>
    %add3A_2025 = arith.constant 2 : i32
    %add3A_2026 = vector.broadcast %add3A_2025 : i32 to vector<16xi32>
    %add3A_2027 = arith.addi %broadcast_in_dim3A_3, %add3A_2026 : vector<16xi32>
    tpu.vector_store_idx %arg8[%add3A_2027, %select_n3A_2024], %get3A_2007 masked %and3A_2013 : memref<8x256xf32, #tpu.memory_space<vmem>>[vector<16xi32>, vector<16xi32>], vector<16xf32>, vector<16xi1>
    %all_reduce_population_count3A_2028 = tpu.all_reduce %and3A_2013 {dim = 0 : i64, kind = #tpu.reduction_kind<sum>} : vector<16xi1> -> vector<16xi32>
    %add3A_2029 = arith.addi %add3A_1816, %all_reduce_population_count3A_2028 : vector<16xi32>
    %get3A_2030 = arith.constant 3 : i32
    %get3A_2031 = arith.index_cast %get3A_2030 : i32 to index
    %get3A_2032 = arith.constant 144 : index
    %get3A_2033 = tpu.vector_load %arg6[%get3A_2031, %get3A_2032] {strides = array<i32>} : memref<8x256xf32, #tpu.memory_space<vmem>>, vector<16xf32>,
    %eq3A_2034 = arith.cmpi eq, %get3A_1948, %gather3A_22 : vector<16xi32>
    %add3A_2035 = arith.constant 3 : i32
    %add3A_2036 = vector.broadcast %add3A_2035 : i32 to vector<16xi32>
    %add3A_2037 = arith.addi %add3A_5, %add3A_2036 : vector<16xi32>
    %ne3A_2038 = arith.cmpi ne, %add3A_1951, %add3A_2037 : vector<16xi32>
    %and3A_2039 = arith.andi %eq3A_2034, %ne3A_2038 : vector<16xi1>
    %convert_element_type3A_2040 = arith.extui %and3A_2039 : vector<16xi1> to vector<16xi32>
    %broadcast_in_dim3A_2041 = arith.constant true
    %broadcast_in_dim3A_2042 = vector.broadcast %broadcast_in_dim3A_2041 : i1 to vector<16xi1>
    %masked_cumsum3A_2043 = tpu.scan <sum>, %convert_element_type3A_2040 masked %broadcast_in_dim3A_2042 : vector<16xi32>, vector<16xi1> -> vector<16xi32>
    %add3A_2044 = arith.addi %add3A_1842, %masked_cumsum3A_2043 : vector<16xi32>
    %sub3A_2045 = arith.constant 1 : i32
    %sub3A_2046 = vector.broadcast %sub3A_2045 : i32 to vector<16xi32>
    %sub3A_2047 = arith.subi %add3A_2044, %sub3A_2046 : vector<16xi32>
    %jit3A_2048 = arith.constant 0 : i32
    %broadcast_in_dim3A_2049 = vector.broadcast %jit3A_2048 : i32 to vector<16xi32>
    %select_n3A_2050 = arith.select %and3A_2039, %sub3A_2047, %broadcast_in_dim3A_2049 : vector<16xi1>, vector<16xi32>
    %add3A_2051 = arith.constant 3 : i32
    %add3A_2052 = vector.broadcast %add3A_2051 : i32 to vector<16xi32>
    %add3A_2053 = arith.addi %broadcast_in_dim3A_3, %add3A_2052 : vector<16xi32>
    tpu.vector_store_idx %arg8[%add3A_2053, %select_n3A_2050], %get3A_2033 masked %and3A_2039 : memref<8x256xf32, #tpu.memory_space<vmem>>[vector<16xi32>, vector<16xi32>], vector<16xf32>, vector<16xi1>
    %all_reduce_population_count3A_2054 = tpu.all_reduce %and3A_2039 {dim = 0 : i64, kind = #tpu.reduction_kind<sum>} : vector<16xi1> -> vector<16xi32>
    %add3A_2055 = arith.addi %add3A_1842, %all_reduce_population_count3A_2054 : vector<16xi32>
    %get3A_2056 = arith.constant 4 : i32
    %get3A_2057 = arith.index_cast %get3A_2056 : i32 to index
    %get3A_2058 = arith.constant 144 : index
    %get3A_2059 = tpu.vector_load %arg6[%get3A_2057, %get3A_2058] {strides = array<i32>} : memref<8x256xf32, #tpu.memory_space<vmem>>, vector<16xf32>,
    %eq3A_2060 = arith.cmpi eq, %get3A_1948, %gather3A_26 : vector<16xi32>
    %add3A_2061 = arith.constant 4 : i32
    %add3A_2062 = vector.broadcast %add3A_2061 : i32 to vector<16xi32>
    %add3A_2063 = arith.addi %add3A_5, %add3A_2062 : vector<16xi32>
    %ne3A_2064 = arith.cmpi ne, %add3A_1951, %add3A_2063 : vector<16xi32>
    %and3A_2065 = arith.andi %eq3A_2060, %ne3A_2064 : vector<16xi1>
    %convert_element_type3A_2066 = arith.extui %and3A_2065 : vector<16xi1> to vector<16xi32>
    %broadcast_in_dim3A_2067 = arith.constant true
    %broadcast_in_dim3A_2068 = vector.broadcast %broadcast_in_dim3A_2067 : i1 to vector<16xi1>
    %masked_cumsum3A_2069 = tpu.scan <sum>, %convert_element_type3A_2066 masked %broadcast_in_dim3A_2068 : vector<16xi32>, vector<16xi1> -> vector<16xi32>
    %add3A_2070 = arith.addi %add3A_1868, %masked_cumsum3A_2069 : vector<16xi32>
    %sub3A_2071 = arith.constant 1 : i32
    %sub3A_2072 = vector.broadcast %sub3A_2071 : i32 to vector<16xi32>
    %sub3A_2073 = arith.subi %add3A_2070, %sub3A_2072 : vector<16xi32>
    %jit3A_2074 = arith.constant 0 : i32
    %broadcast_in_dim3A_2075 = vector.broadcast %jit3A_2074 : i32 to vector<16xi32>
    %select_n3A_2076 = arith.select %and3A_2065, %sub3A_2073, %broadcast_in_dim3A_2075 : vector<16xi1>, vector<16xi32>
    %add3A_2077 = arith.constant 4 : i32
    %add3A_2078 = vector.broadcast %add3A_2077 : i32 to vector<16xi32>
    %add3A_2079 = arith.addi %broadcast_in_dim3A_3, %add3A_2078 : vector<16xi32>
    tpu.vector_store_idx %arg8[%add3A_2079, %select_n3A_2076], %get3A_2059 masked %and3A_2065 : memref<8x256xf32, #tpu.memory_space<vmem>>[vector<16xi32>, vector<16xi32>], vector<16xf32>, vector<16xi1>
    %all_reduce_population_count3A_2080 = tpu.all_reduce %and3A_2065 {dim = 0 : i64, kind = #tpu.reduction_kind<sum>} : vector<16xi1> -> vector<16xi32>
    %add3A_2081 = arith.addi %add3A_1868, %all_reduce_population_count3A_2080 : vector<16xi32>
    %get3A_2082 = arith.constant 5 : i32
    %get3A_2083 = arith.index_cast %get3A_2082 : i32 to index
    %get3A_2084 = arith.constant 144 : index
    %get3A_2085 = tpu.vector_load %arg6[%get3A_2083, %get3A_2084] {strides = array<i32>} : memref<8x256xf32, #tpu.memory_space<vmem>>, vector<16xf32>,
    %eq3A_2086 = arith.cmpi eq, %get3A_1948, %gather3A_30 : vector<16xi32>
    %add3A_2087 = arith.constant 5 : i32
    %add3A_2088 = vector.broadcast %add3A_2087 : i32 to vector<16xi32>
    %add3A_2089 = arith.addi %add3A_5, %add3A_2088 : vector<16xi32>
    %ne3A_2090 = arith.cmpi ne, %add3A_1951, %add3A_2089 : vector<16xi32>
    %and3A_2091 = arith.andi %eq3A_2086, %ne3A_2090 : vector<16xi1>
    %convert_element_type3A_2092 = arith.extui %and3A_2091 : vector<16xi1> to vector<16xi32>
    %broadcast_in_dim3A_2093 = arith.constant true
    %broadcast_in_dim3A_2094 = vector.broadcast %broadcast_in_dim3A_2093 : i1 to vector<16xi1>
    %masked_cumsum3A_2095 = tpu.scan <sum>, %convert_element_type3A_2092 masked %broadcast_in_dim3A_2094 : vector<16xi32>, vector<16xi1> -> vector<16xi32>
    %add3A_2096 = arith.addi %add3A_1894, %masked_cumsum3A_2095 : vector<16xi32>
    %sub3A_2097 = arith.constant 1 : i32
    %sub3A_2098 = vector.broadcast %sub3A_2097 : i32 to vector<16xi32>
    %sub3A_2099 = arith.subi %add3A_2096, %sub3A_2098 : vector<16xi32>
    %jit3A_2100 = arith.constant 0 : i32
    %broadcast_in_dim3A_2101 = vector.broadcast %jit3A_2100 : i32 to vector<16xi32>
    %select_n3A_2102 = arith.select %and3A_2091, %sub3A_2099, %broadcast_in_dim3A_2101 : vector<16xi1>, vector<16xi32>
    %add3A_2103 = arith.constant 5 : i32
    %add3A_2104 = vector.broadcast %add3A_2103 : i32 to vector<16xi32>
    %add3A_2105 = arith.addi %broadcast_in_dim3A_3, %add3A_2104 : vector<16xi32>
    tpu.vector_store_idx %arg8[%add3A_2105, %select_n3A_2102], %get3A_2085 masked %and3A_2091 : memref<8x256xf32, #tpu.memory_space<vmem>>[vector<16xi32>, vector<16xi32>], vector<16xf32>, vector<16xi1>
    %all_reduce_population_count3A_2106 = tpu.all_reduce %and3A_2091 {dim = 0 : i64, kind = #tpu.reduction_kind<sum>} : vector<16xi1> -> vector<16xi32>
    %add3A_2107 = arith.addi %add3A_1894, %all_reduce_population_count3A_2106 : vector<16xi32>
    %get3A_2108 = arith.constant 6 : i32
    %get3A_2109 = arith.index_cast %get3A_2108 : i32 to index
    %get3A_2110 = arith.constant 144 : index
    %get3A_2111 = tpu.vector_load %arg6[%get3A_2109, %get3A_2110] {strides = array<i32>} : memref<8x256xf32, #tpu.memory_space<vmem>>, vector<16xf32>,
    %eq3A_2112 = arith.cmpi eq, %get3A_1948, %gather3A_34 : vector<16xi32>
    %add3A_2113 = arith.constant 6 : i32
    %add3A_2114 = vector.broadcast %add3A_2113 : i32 to vector<16xi32>
    %add3A_2115 = arith.addi %add3A_5, %add3A_2114 : vector<16xi32>
    %ne3A_2116 = arith.cmpi ne, %add3A_1951, %add3A_2115 : vector<16xi32>
    %and3A_2117 = arith.andi %eq3A_2112, %ne3A_2116 : vector<16xi1>
    %convert_element_type3A_2118 = arith.extui %and3A_2117 : vector<16xi1> to vector<16xi32>
    %broadcast_in_dim3A_2119 = arith.constant true
    %broadcast_in_dim3A_2120 = vector.broadcast %broadcast_in_dim3A_2119 : i1 to vector<16xi1>
    %masked_cumsum3A_2121 = tpu.scan <sum>, %convert_element_type3A_2118 masked %broadcast_in_dim3A_2120 : vector<16xi32>, vector<16xi1> -> vector<16xi32>
    %add3A_2122 = arith.addi %add3A_1920, %masked_cumsum3A_2121 : vector<16xi32>
    %sub3A_2123 = arith.constant 1 : i32
    %sub3A_2124 = vector.broadcast %sub3A_2123 : i32 to vector<16xi32>
    %sub3A_2125 = arith.subi %add3A_2122, %sub3A_2124 : vector<16xi32>
    %jit3A_2126 = arith.constant 0 : i32
    %broadcast_in_dim3A_2127 = vector.broadcast %jit3A_2126 : i32 to vector<16xi32>
    %select_n3A_2128 = arith.select %and3A_2117, %sub3A_2125, %broadcast_in_dim3A_2127 : vector<16xi1>, vector<16xi32>
    %add3A_2129 = arith.constant 6 : i32
    %add3A_2130 = vector.broadcast %add3A_2129 : i32 to vector<16xi32>
    %add3A_2131 = arith.addi %broadcast_in_dim3A_3, %add3A_2130 : vector<16xi32>
    tpu.vector_store_idx %arg8[%add3A_2131, %select_n3A_2128], %get3A_2111 masked %and3A_2117 : memref<8x256xf32, #tpu.memory_space<vmem>>[vector<16xi32>, vector<16xi32>], vector<16xf32>, vector<16xi1>
    %all_reduce_population_count3A_2132 = tpu.all_reduce %and3A_2117 {dim = 0 : i64, kind = #tpu.reduction_kind<sum>} : vector<16xi1> -> vector<16xi32>
    %add3A_2133 = arith.addi %add3A_1920, %all_reduce_population_count3A_2132 : vector<16xi32>
    %get3A_2134 = arith.constant 7 : i32
    %get3A_2135 = arith.index_cast %get3A_2134 : i32 to index
    %get3A_2136 = arith.constant 144 : index
    %get3A_2137 = tpu.vector_load %arg6[%get3A_2135, %get3A_2136] {strides = array<i32>} : memref<8x256xf32, #tpu.memory_space<vmem>>, vector<16xf32>,
    %eq3A_2138 = arith.cmpi eq, %get3A_1948, %gather3A_38 : vector<16xi32>
    %add3A_2139 = arith.constant 7 : i32
    %add3A_2140 = vector.broadcast %add3A_2139 : i32 to vector<16xi32>
    %add3A_2141 = arith.addi %add3A_5, %add3A_2140 : vector<16xi32>
    %ne3A_2142 = arith.cmpi ne, %add3A_1951, %add3A_2141 : vector<16xi32>
    %and3A_2143 = arith.andi %eq3A_2138, %ne3A_2142 : vector<16xi1>
    %convert_element_type3A_2144 = arith.extui %and3A_2143 : vector<16xi1> to vector<16xi32>
    %broadcast_in_dim3A_2145 = arith.constant true
    %broadcast_in_dim3A_2146 = vector.broadcast %broadcast_in_dim3A_2145 : i1 to vector<16xi1>
    %masked_cumsum3A_2147 = tpu.scan <sum>, %convert_element_type3A_2144 masked %broadcast_in_dim3A_2146 : vector<16xi32>, vector<16xi1> -> vector<16xi32>
    %add3A_2148 = arith.addi %add3A_1946, %masked_cumsum3A_2147 : vector<16xi32>
    %sub3A_2149 = arith.constant 1 : i32
    %sub3A_2150 = vector.broadcast %sub3A_2149 : i32 to vector<16xi32>
    %sub3A_2151 = arith.subi %add3A_2148, %sub3A_2150 : vector<16xi32>
    %jit3A_2152 = arith.constant 0 : i32
    %broadcast_in_dim3A_2153 = vector.broadcast %jit3A_2152 : i32 to vector<16xi32>
    %select_n3A_2154 = arith.select %and3A_2143, %sub3A_2151, %broadcast_in_dim3A_2153 : vector<16xi1>, vector<16xi32>
    %add3A_2155 = arith.constant 7 : i32
    %add3A_2156 = vector.broadcast %add3A_2155 : i32 to vector<16xi32>
    %add3A_2157 = arith.addi %broadcast_in_dim3A_3, %add3A_2156 : vector<16xi32>
    tpu.vector_store_idx %arg8[%add3A_2157, %select_n3A_2154], %get3A_2137 masked %and3A_2143 : memref<8x256xf32, #tpu.memory_space<vmem>>[vector<16xi32>, vector<16xi32>], vector<16xf32>, vector<16xi1>
    %all_reduce_population_count3A_2158 = tpu.all_reduce %and3A_2143 {dim = 0 : i64, kind = #tpu.reduction_kind<sum>} : vector<16xi1> -> vector<16xi32>
    %add3A_2159 = arith.addi %add3A_1946, %all_reduce_population_count3A_2158 : vector<16xi32>
    %get3A_2160 = arith.constant 160 : index
    %get3A_2161 = tpu.vector_load %arg7[%get3A_2160] {strides = array<i32>} : memref<256xi32, #tpu.memory_space<vmem>>, vector<16xi32>,
    %add3A_2162 = arith.constant 160 : i32
    %add3A_2163 = vector.broadcast %add3A_2162 : i32 to vector<16xi32>
    %add3A_2164 = arith.addi %iota3A, %add3A_2163 : vector<16xi32>
    %get3A_2165 = arith.constant 0 : i32
    %get3A_2166 = arith.index_cast %get3A_2165 : i32 to index
    %get3A_2167 = arith.constant 160 : index
    %get3A_2168 = tpu.vector_load %arg6[%get3A_2166, %get3A_2167] {strides = array<i32>} : memref<8x256xf32, #tpu.memory_space<vmem>>, vector<16xf32>,
    %eq3A_2169 = arith.cmpi eq, %get3A_2161, %gather3A : vector<16xi32>
    %add3A_2170 = arith.constant 0 : i32
    %add3A_2171 = vector.broadcast %add3A_2170 : i32 to vector<16xi32>
    %add3A_2172 = arith.addi %add3A_5, %add3A_2171 : vector<16xi32>
    %ne3A_2173 = arith.cmpi ne, %add3A_2164, %add3A_2172 : vector<16xi32>
    %and3A_2174 = arith.andi %eq3A_2169, %ne3A_2173 : vector<16xi1>
    %convert_element_type3A_2175 = arith.extui %and3A_2174 : vector<16xi1> to vector<16xi32>
    %broadcast_in_dim3A_2176 = arith.constant true
    %broadcast_in_dim3A_2177 = vector.broadcast %broadcast_in_dim3A_2176 : i1 to vector<16xi1>
    %masked_cumsum3A_2178 = tpu.scan <sum>, %convert_element_type3A_2175 masked %broadcast_in_dim3A_2177 : vector<16xi32>, vector<16xi1> -> vector<16xi32>
    %add3A_2179 = arith.addi %add3A_1977, %masked_cumsum3A_2178 : vector<16xi32>
    %sub3A_2180 = arith.constant 1 : i32
    %sub3A_2181 = vector.broadcast %sub3A_2180 : i32 to vector<16xi32>
    %sub3A_2182 = arith.subi %add3A_2179, %sub3A_2181 : vector<16xi32>
    %jit3A_2183 = arith.constant 0 : i32
    %broadcast_in_dim3A_2184 = vector.broadcast %jit3A_2183 : i32 to vector<16xi32>
    %select_n3A_2185 = arith.select %and3A_2174, %sub3A_2182, %broadcast_in_dim3A_2184 : vector<16xi1>, vector<16xi32>
    %add3A_2186 = arith.constant 0 : i32
    %add3A_2187 = vector.broadcast %add3A_2186 : i32 to vector<16xi32>
    %add3A_2188 = arith.addi %broadcast_in_dim3A_3, %add3A_2187 : vector<16xi32>
    tpu.vector_store_idx %arg8[%add3A_2188, %select_n3A_2185], %get3A_2168 masked %and3A_2174 : memref<8x256xf32, #tpu.memory_space<vmem>>[vector<16xi32>, vector<16xi32>], vector<16xf32>, vector<16xi1>
    %all_reduce_population_count3A_2189 = tpu.all_reduce %and3A_2174 {dim = 0 : i64, kind = #tpu.reduction_kind<sum>} : vector<16xi1> -> vector<16xi32>
    %add3A_2190 = arith.addi %add3A_1977, %all_reduce_population_count3A_2189 : vector<16xi32>
    %get3A_2191 = arith.constant 1 : i32
    %get3A_2192 = arith.index_cast %get3A_2191 : i32 to index
    %get3A_2193 = arith.constant 160 : index
    %get3A_2194 = tpu.vector_load %arg6[%get3A_2192, %get3A_2193] {strides = array<i32>} : memref<8x256xf32, #tpu.memory_space<vmem>>, vector<16xf32>,
    %eq3A_2195 = arith.cmpi eq, %get3A_2161, %gather3A_14 : vector<16xi32>
    %add3A_2196 = arith.constant 1 : i32
    %add3A_2197 = vector.broadcast %add3A_2196 : i32 to vector<16xi32>
    %add3A_2198 = arith.addi %add3A_5, %add3A_2197 : vector<16xi32>
    %ne3A_2199 = arith.cmpi ne, %add3A_2164, %add3A_2198 : vector<16xi32>
    %and3A_2200 = arith.andi %eq3A_2195, %ne3A_2199 : vector<16xi1>
    %convert_element_type3A_2201 = arith.extui %and3A_2200 : vector<16xi1> to vector<16xi32>
    %broadcast_in_dim3A_2202 = arith.constant true
    %broadcast_in_dim3A_2203 = vector.broadcast %broadcast_in_dim3A_2202 : i1 to vector<16xi1>
    %masked_cumsum3A_2204 = tpu.scan <sum>, %convert_element_type3A_2201 masked %broadcast_in_dim3A_2203 : vector<16xi32>, vector<16xi1> -> vector<16xi32>
    %add3A_2205 = arith.addi %add3A_2003, %masked_cumsum3A_2204 : vector<16xi32>
    %sub3A_2206 = arith.constant 1 : i32
    %sub3A_2207 = vector.broadcast %sub3A_2206 : i32 to vector<16xi32>
    %sub3A_2208 = arith.subi %add3A_2205, %sub3A_2207 : vector<16xi32>
    %jit3A_2209 = arith.constant 0 : i32
    %broadcast_in_dim3A_2210 = vector.broadcast %jit3A_2209 : i32 to vector<16xi32>
    %select_n3A_2211 = arith.select %and3A_2200, %sub3A_2208, %broadcast_in_dim3A_2210 : vector<16xi1>, vector<16xi32>
    %add3A_2212 = arith.constant 1 : i32
    %add3A_2213 = vector.broadcast %add3A_2212 : i32 to vector<16xi32>
    %add3A_2214 = arith.addi %broadcast_in_dim3A_3, %add3A_2213 : vector<16xi32>
    tpu.vector_store_idx %arg8[%add3A_2214, %select_n3A_2211], %get3A_2194 masked %and3A_2200 : memref<8x256xf32, #tpu.memory_space<vmem>>[vector<16xi32>, vector<16xi32>], vector<16xf32>, vector<16xi1>
    %all_reduce_population_count3A_2215 = tpu.all_reduce %and3A_2200 {dim = 0 : i64, kind = #tpu.reduction_kind<sum>} : vector<16xi1> -> vector<16xi32>
    %add3A_2216 = arith.addi %add3A_2003, %all_reduce_population_count3A_2215 : vector<16xi32>
    %get3A_2217 = arith.constant 2 : i32
    %get3A_2218 = arith.index_cast %get3A_2217 : i32 to index
    %get3A_2219 = arith.constant 160 : index
    %get3A_2220 = tpu.vector_load %arg6[%get3A_2218, %get3A_2219] {strides = array<i32>} : memref<8x256xf32, #tpu.memory_space<vmem>>, vector<16xf32>,
    %eq3A_2221 = arith.cmpi eq, %get3A_2161, %gather3A_18 : vector<16xi32>
    %add3A_2222 = arith.constant 2 : i32
    %add3A_2223 = vector.broadcast %add3A_2222 : i32 to vector<16xi32>
    %add3A_2224 = arith.addi %add3A_5, %add3A_2223 : vector<16xi32>
    %ne3A_2225 = arith.cmpi ne, %add3A_2164, %add3A_2224 : vector<16xi32>
    %and3A_2226 = arith.andi %eq3A_2221, %ne3A_2225 : vector<16xi1>
    %convert_element_type3A_2227 = arith.extui %and3A_2226 : vector<16xi1> to vector<16xi32>
    %broadcast_in_dim3A_2228 = arith.constant true
    %broadcast_in_dim3A_2229 = vector.broadcast %broadcast_in_dim3A_2228 : i1 to vector<16xi1>
    %masked_cumsum3A_2230 = tpu.scan <sum>, %convert_element_type3A_2227 masked %broadcast_in_dim3A_2229 : vector<16xi32>, vector<16xi1> -> vector<16xi32>
    %add3A_2231 = arith.addi %add3A_2029, %masked_cumsum3A_2230 : vector<16xi32>
    %sub3A_2232 = arith.constant 1 : i32
    %sub3A_2233 = vector.broadcast %sub3A_2232 : i32 to vector<16xi32>
    %sub3A_2234 = arith.subi %add3A_2231, %sub3A_2233 : vector<16xi32>
    %jit3A_2235 = arith.constant 0 : i32
    %broadcast_in_dim3A_2236 = vector.broadcast %jit3A_2235 : i32 to vector<16xi32>
    %select_n3A_2237 = arith.select %and3A_2226, %sub3A_2234, %broadcast_in_dim3A_2236 : vector<16xi1>, vector<16xi32>
    %add3A_2238 = arith.constant 2 : i32
    %add3A_2239 = vector.broadcast %add3A_2238 : i32 to vector<16xi32>
    %add3A_2240 = arith.addi %broadcast_in_dim3A_3, %add3A_2239 : vector<16xi32>
    tpu.vector_store_idx %arg8[%add3A_2240, %select_n3A_2237], %get3A_2220 masked %and3A_2226 : memref<8x256xf32, #tpu.memory_space<vmem>>[vector<16xi32>, vector<16xi32>], vector<16xf32>, vector<16xi1>
    %all_reduce_population_count3A_2241 = tpu.all_reduce %and3A_2226 {dim = 0 : i64, kind = #tpu.reduction_kind<sum>} : vector<16xi1> -> vector<16xi32>
    %add3A_2242 = arith.addi %add3A_2029, %all_reduce_population_count3A_2241 : vector<16xi32>
    %get3A_2243 = arith.constant 3 : i32
    %get3A_2244 = arith.index_cast %get3A_2243 : i32 to index
    %get3A_2245 = arith.constant 160 : index
    %get3A_2246 = tpu.vector_load %arg6[%get3A_2244, %get3A_2245] {strides = array<i32>} : memref<8x256xf32, #tpu.memory_space<vmem>>, vector<16xf32>,
    %eq3A_2247 = arith.cmpi eq, %get3A_2161, %gather3A_22 : vector<16xi32>
    %add3A_2248 = arith.constant 3 : i32
    %add3A_2249 = vector.broadcast %add3A_2248 : i32 to vector<16xi32>
    %add3A_2250 = arith.addi %add3A_5, %add3A_2249 : vector<16xi32>
    %ne3A_2251 = arith.cmpi ne, %add3A_2164, %add3A_2250 : vector<16xi32>
    %and3A_2252 = arith.andi %eq3A_2247, %ne3A_2251 : vector<16xi1>
    %convert_element_type3A_2253 = arith.extui %and3A_2252 : vector<16xi1> to vector<16xi32>
    %broadcast_in_dim3A_2254 = arith.constant true
    %broadcast_in_dim3A_2255 = vector.broadcast %broadcast_in_dim3A_2254 : i1 to vector<16xi1>
    %masked_cumsum3A_2256 = tpu.scan <sum>, %convert_element_type3A_2253 masked %broadcast_in_dim3A_2255 : vector<16xi32>, vector<16xi1> -> vector<16xi32>
    %add3A_2257 = arith.addi %add3A_2055, %masked_cumsum3A_2256 : vector<16xi32>
    %sub3A_2258 = arith.constant 1 : i32
    %sub3A_2259 = vector.broadcast %sub3A_2258 : i32 to vector<16xi32>
    %sub3A_2260 = arith.subi %add3A_2257, %sub3A_2259 : vector<16xi32>
    %jit3A_2261 = arith.constant 0 : i32
    %broadcast_in_dim3A_2262 = vector.broadcast %jit3A_2261 : i32 to vector<16xi32>
    %select_n3A_2263 = arith.select %and3A_2252, %sub3A_2260, %broadcast_in_dim3A_2262 : vector<16xi1>, vector<16xi32>
    %add3A_2264 = arith.constant 3 : i32
    %add3A_2265 = vector.broadcast %add3A_2264 : i32 to vector<16xi32>
    %add3A_2266 = arith.addi %broadcast_in_dim3A_3, %add3A_2265 : vector<16xi32>
    tpu.vector_store_idx %arg8[%add3A_2266, %select_n3A_2263], %get3A_2246 masked %and3A_2252 : memref<8x256xf32, #tpu.memory_space<vmem>>[vector<16xi32>, vector<16xi32>], vector<16xf32>, vector<16xi1>
    %all_reduce_population_count3A_2267 = tpu.all_reduce %and3A_2252 {dim = 0 : i64, kind = #tpu.reduction_kind<sum>} : vector<16xi1> -> vector<16xi32>
    %add3A_2268 = arith.addi %add3A_2055, %all_reduce_population_count3A_2267 : vector<16xi32>
    %get3A_2269 = arith.constant 4 : i32
    %get3A_2270 = arith.index_cast %get3A_2269 : i32 to index
    %get3A_2271 = arith.constant 160 : index
    %get3A_2272 = tpu.vector_load %arg6[%get3A_2270, %get3A_2271] {strides = array<i32>} : memref<8x256xf32, #tpu.memory_space<vmem>>, vector<16xf32>,
    %eq3A_2273 = arith.cmpi eq, %get3A_2161, %gather3A_26 : vector<16xi32>
    %add3A_2274 = arith.constant 4 : i32
    %add3A_2275 = vector.broadcast %add3A_2274 : i32 to vector<16xi32>
    %add3A_2276 = arith.addi %add3A_5, %add3A_2275 : vector<16xi32>
    %ne3A_2277 = arith.cmpi ne, %add3A_2164, %add3A_2276 : vector<16xi32>
    %and3A_2278 = arith.andi %eq3A_2273, %ne3A_2277 : vector<16xi1>
    %convert_element_type3A_2279 = arith.extui %and3A_2278 : vector<16xi1> to vector<16xi32>
    %broadcast_in_dim3A_2280 = arith.constant true
    %broadcast_in_dim3A_2281 = vector.broadcast %broadcast_in_dim3A_2280 : i1 to vector<16xi1>
    %masked_cumsum3A_2282 = tpu.scan <sum>, %convert_element_type3A_2279 masked %broadcast_in_dim3A_2281 : vector<16xi32>, vector<16xi1> -> vector<16xi32>
    %add3A_2283 = arith.addi %add3A_2081, %masked_cumsum3A_2282 : vector<16xi32>
    %sub3A_2284 = arith.constant 1 : i32
    %sub3A_2285 = vector.broadcast %sub3A_2284 : i32 to vector<16xi32>
    %sub3A_2286 = arith.subi %add3A_2283, %sub3A_2285 : vector<16xi32>
    %jit3A_2287 = arith.constant 0 : i32
    %broadcast_in_dim3A_2288 = vector.broadcast %jit3A_2287 : i32 to vector<16xi32>
    %select_n3A_2289 = arith.select %and3A_2278, %sub3A_2286, %broadcast_in_dim3A_2288 : vector<16xi1>, vector<16xi32>
    %add3A_2290 = arith.constant 4 : i32
    %add3A_2291 = vector.broadcast %add3A_2290 : i32 to vector<16xi32>
    %add3A_2292 = arith.addi %broadcast_in_dim3A_3, %add3A_2291 : vector<16xi32>
    tpu.vector_store_idx %arg8[%add3A_2292, %select_n3A_2289], %get3A_2272 masked %and3A_2278 : memref<8x256xf32, #tpu.memory_space<vmem>>[vector<16xi32>, vector<16xi32>], vector<16xf32>, vector<16xi1>
    %all_reduce_population_count3A_2293 = tpu.all_reduce %and3A_2278 {dim = 0 : i64, kind = #tpu.reduction_kind<sum>} : vector<16xi1> -> vector<16xi32>
    %add3A_2294 = arith.addi %add3A_2081, %all_reduce_population_count3A_2293 : vector<16xi32>
    %get3A_2295 = arith.constant 5 : i32
    %get3A_2296 = arith.index_cast %get3A_2295 : i32 to index
    %get3A_2297 = arith.constant 160 : index
    %get3A_2298 = tpu.vector_load %arg6[%get3A_2296, %get3A_2297] {strides = array<i32>} : memref<8x256xf32, #tpu.memory_space<vmem>>, vector<16xf32>,
    %eq3A_2299 = arith.cmpi eq, %get3A_2161, %gather3A_30 : vector<16xi32>
    %add3A_2300 = arith.constant 5 : i32
    %add3A_2301 = vector.broadcast %add3A_2300 : i32 to vector<16xi32>
    %add3A_2302 = arith.addi %add3A_5, %add3A_2301 : vector<16xi32>
    %ne3A_2303 = arith.cmpi ne, %add3A_2164, %add3A_2302 : vector<16xi32>
    %and3A_2304 = arith.andi %eq3A_2299, %ne3A_2303 : vector<16xi1>
    %convert_element_type3A_2305 = arith.extui %and3A_2304 : vector<16xi1> to vector<16xi32>
    %broadcast_in_dim3A_2306 = arith.constant true
    %broadcast_in_dim3A_2307 = vector.broadcast %broadcast_in_dim3A_2306 : i1 to vector<16xi1>
    %masked_cumsum3A_2308 = tpu.scan <sum>, %convert_element_type3A_2305 masked %broadcast_in_dim3A_2307 : vector<16xi32>, vector<16xi1> -> vector<16xi32>
    %add3A_2309 = arith.addi %add3A_2107, %masked_cumsum3A_2308 : vector<16xi32>
    %sub3A_2310 = arith.constant 1 : i32
    %sub3A_2311 = vector.broadcast %sub3A_2310 : i32 to vector<16xi32>
    %sub3A_2312 = arith.subi %add3A_2309, %sub3A_2311 : vector<16xi32>
    %jit3A_2313 = arith.constant 0 : i32
    %broadcast_in_dim3A_2314 = vector.broadcast %jit3A_2313 : i32 to vector<16xi32>
    %select_n3A_2315 = arith.select %and3A_2304, %sub3A_2312, %broadcast_in_dim3A_2314 : vector<16xi1>, vector<16xi32>
    %add3A_2316 = arith.constant 5 : i32
    %add3A_2317 = vector.broadcast %add3A_2316 : i32 to vector<16xi32>
    %add3A_2318 = arith.addi %broadcast_in_dim3A_3, %add3A_2317 : vector<16xi32>
    tpu.vector_store_idx %arg8[%add3A_2318, %select_n3A_2315], %get3A_2298 masked %and3A_2304 : memref<8x256xf32, #tpu.memory_space<vmem>>[vector<16xi32>, vector<16xi32>], vector<16xf32>, vector<16xi1>
    %all_reduce_population_count3A_2319 = tpu.all_reduce %and3A_2304 {dim = 0 : i64, kind = #tpu.reduction_kind<sum>} : vector<16xi1> -> vector<16xi32>
    %add3A_2320 = arith.addi %add3A_2107, %all_reduce_population_count3A_2319 : vector<16xi32>
    %get3A_2321 = arith.constant 6 : i32
    %get3A_2322 = arith.index_cast %get3A_2321 : i32 to index
    %get3A_2323 = arith.constant 160 : index
    %get3A_2324 = tpu.vector_load %arg6[%get3A_2322, %get3A_2323] {strides = array<i32>} : memref<8x256xf32, #tpu.memory_space<vmem>>, vector<16xf32>,
    %eq3A_2325 = arith.cmpi eq, %get3A_2161, %gather3A_34 : vector<16xi32>
    %add3A_2326 = arith.constant 6 : i32
    %add3A_2327 = vector.broadcast %add3A_2326 : i32 to vector<16xi32>
    %add3A_2328 = arith.addi %add3A_5, %add3A_2327 : vector<16xi32>
    %ne3A_2329 = arith.cmpi ne, %add3A_2164, %add3A_2328 : vector<16xi32>
    %and3A_2330 = arith.andi %eq3A_2325, %ne3A_2329 : vector<16xi1>
    %convert_element_type3A_2331 = arith.extui %and3A_2330 : vector<16xi1> to vector<16xi32>
    %broadcast_in_dim3A_2332 = arith.constant true
    %broadcast_in_dim3A_2333 = vector.broadcast %broadcast_in_dim3A_2332 : i1 to vector<16xi1>
    %masked_cumsum3A_2334 = tpu.scan <sum>, %convert_element_type3A_2331 masked %broadcast_in_dim3A_2333 : vector<16xi32>, vector<16xi1> -> vector<16xi32>
    %add3A_2335 = arith.addi %add3A_2133, %masked_cumsum3A_2334 : vector<16xi32>
    %sub3A_2336 = arith.constant 1 : i32
    %sub3A_2337 = vector.broadcast %sub3A_2336 : i32 to vector<16xi32>
    %sub3A_2338 = arith.subi %add3A_2335, %sub3A_2337 : vector<16xi32>
    %jit3A_2339 = arith.constant 0 : i32
    %broadcast_in_dim3A_2340 = vector.broadcast %jit3A_2339 : i32 to vector<16xi32>
    %select_n3A_2341 = arith.select %and3A_2330, %sub3A_2338, %broadcast_in_dim3A_2340 : vector<16xi1>, vector<16xi32>
    %add3A_2342 = arith.constant 6 : i32
    %add3A_2343 = vector.broadcast %add3A_2342 : i32 to vector<16xi32>
    %add3A_2344 = arith.addi %broadcast_in_dim3A_3, %add3A_2343 : vector<16xi32>
    tpu.vector_store_idx %arg8[%add3A_2344, %select_n3A_2341], %get3A_2324 masked %and3A_2330 : memref<8x256xf32, #tpu.memory_space<vmem>>[vector<16xi32>, vector<16xi32>], vector<16xf32>, vector<16xi1>
    %all_reduce_population_count3A_2345 = tpu.all_reduce %and3A_2330 {dim = 0 : i64, kind = #tpu.reduction_kind<sum>} : vector<16xi1> -> vector<16xi32>
    %add3A_2346 = arith.addi %add3A_2133, %all_reduce_population_count3A_2345 : vector<16xi32>
    %get3A_2347 = arith.constant 7 : i32
    %get3A_2348 = arith.index_cast %get3A_2347 : i32 to index
    %get3A_2349 = arith.constant 160 : index
    %get3A_2350 = tpu.vector_load %arg6[%get3A_2348, %get3A_2349] {strides = array<i32>} : memref<8x256xf32, #tpu.memory_space<vmem>>, vector<16xf32>,
    %eq3A_2351 = arith.cmpi eq, %get3A_2161, %gather3A_38 : vector<16xi32>
    %add3A_2352 = arith.constant 7 : i32
    %add3A_2353 = vector.broadcast %add3A_2352 : i32 to vector<16xi32>
    %add3A_2354 = arith.addi %add3A_5, %add3A_2353 : vector<16xi32>
    %ne3A_2355 = arith.cmpi ne, %add3A_2164, %add3A_2354 : vector<16xi32>
    %and3A_2356 = arith.andi %eq3A_2351, %ne3A_2355 : vector<16xi1>
    %convert_element_type3A_2357 = arith.extui %and3A_2356 : vector<16xi1> to vector<16xi32>
    %broadcast_in_dim3A_2358 = arith.constant true
    %broadcast_in_dim3A_2359 = vector.broadcast %broadcast_in_dim3A_2358 : i1 to vector<16xi1>
    %masked_cumsum3A_2360 = tpu.scan <sum>, %convert_element_type3A_2357 masked %broadcast_in_dim3A_2359 : vector<16xi32>, vector<16xi1> -> vector<16xi32>
    %add3A_2361 = arith.addi %add3A_2159, %masked_cumsum3A_2360 : vector<16xi32>
    %sub3A_2362 = arith.constant 1 : i32
    %sub3A_2363 = vector.broadcast %sub3A_2362 : i32 to vector<16xi32>
    %sub3A_2364 = arith.subi %add3A_2361, %sub3A_2363 : vector<16xi32>
    %jit3A_2365 = arith.constant 0 : i32
    %broadcast_in_dim3A_2366 = vector.broadcast %jit3A_2365 : i32 to vector<16xi32>
    %select_n3A_2367 = arith.select %and3A_2356, %sub3A_2364, %broadcast_in_dim3A_2366 : vector<16xi1>, vector<16xi32>
    %add3A_2368 = arith.constant 7 : i32
    %add3A_2369 = vector.broadcast %add3A_2368 : i32 to vector<16xi32>
    %add3A_2370 = arith.addi %broadcast_in_dim3A_3, %add3A_2369 : vector<16xi32>
    tpu.vector_store_idx %arg8[%add3A_2370, %select_n3A_2367], %get3A_2350 masked %and3A_2356 : memref<8x256xf32, #tpu.memory_space<vmem>>[vector<16xi32>, vector<16xi32>], vector<16xf32>, vector<16xi1>
    %all_reduce_population_count3A_2371 = tpu.all_reduce %and3A_2356 {dim = 0 : i64, kind = #tpu.reduction_kind<sum>} : vector<16xi1> -> vector<16xi32>
    %add3A_2372 = arith.addi %add3A_2159, %all_reduce_population_count3A_2371 : vector<16xi32>
    %get3A_2373 = arith.constant 176 : index
    %get3A_2374 = tpu.vector_load %arg7[%get3A_2373] {strides = array<i32>} : memref<256xi32, #tpu.memory_space<vmem>>, vector<16xi32>,
    %add3A_2375 = arith.constant 176 : i32
    %add3A_2376 = vector.broadcast %add3A_2375 : i32 to vector<16xi32>
    %add3A_2377 = arith.addi %iota3A, %add3A_2376 : vector<16xi32>
    %get3A_2378 = arith.constant 0 : i32
    %get3A_2379 = arith.index_cast %get3A_2378 : i32 to index
    %get3A_2380 = arith.constant 176 : index
    %get3A_2381 = tpu.vector_load %arg6[%get3A_2379, %get3A_2380] {strides = array<i32>} : memref<8x256xf32, #tpu.memory_space<vmem>>, vector<16xf32>,
    %eq3A_2382 = arith.cmpi eq, %get3A_2374, %gather3A : vector<16xi32>
    %add3A_2383 = arith.constant 0 : i32
    %add3A_2384 = vector.broadcast %add3A_2383 : i32 to vector<16xi32>
    %add3A_2385 = arith.addi %add3A_5, %add3A_2384 : vector<16xi32>
    %ne3A_2386 = arith.cmpi ne, %add3A_2377, %add3A_2385 : vector<16xi32>
    %and3A_2387 = arith.andi %eq3A_2382, %ne3A_2386 : vector<16xi1>
    %convert_element_type3A_2388 = arith.extui %and3A_2387 : vector<16xi1> to vector<16xi32>
    %broadcast_in_dim3A_2389 = arith.constant true
    %broadcast_in_dim3A_2390 = vector.broadcast %broadcast_in_dim3A_2389 : i1 to vector<16xi1>
    %masked_cumsum3A_2391 = tpu.scan <sum>, %convert_element_type3A_2388 masked %broadcast_in_dim3A_2390 : vector<16xi32>, vector<16xi1> -> vector<16xi32>
    %add3A_2392 = arith.addi %add3A_2190, %masked_cumsum3A_2391 : vector<16xi32>
    %sub3A_2393 = arith.constant 1 : i32
    %sub3A_2394 = vector.broadcast %sub3A_2393 : i32 to vector<16xi32>
    %sub3A_2395 = arith.subi %add3A_2392, %sub3A_2394 : vector<16xi32>
    %jit3A_2396 = arith.constant 0 : i32
    %broadcast_in_dim3A_2397 = vector.broadcast %jit3A_2396 : i32 to vector<16xi32>
    %select_n3A_2398 = arith.select %and3A_2387, %sub3A_2395, %broadcast_in_dim3A_2397 : vector<16xi1>, vector<16xi32>
    %add3A_2399 = arith.constant 0 : i32
    %add3A_2400 = vector.broadcast %add3A_2399 : i32 to vector<16xi32>
    %add3A_2401 = arith.addi %broadcast_in_dim3A_3, %add3A_2400 : vector<16xi32>
    tpu.vector_store_idx %arg8[%add3A_2401, %select_n3A_2398], %get3A_2381 masked %and3A_2387 : memref<8x256xf32, #tpu.memory_space<vmem>>[vector<16xi32>, vector<16xi32>], vector<16xf32>, vector<16xi1>
    %all_reduce_population_count3A_2402 = tpu.all_reduce %and3A_2387 {dim = 0 : i64, kind = #tpu.reduction_kind<sum>} : vector<16xi1> -> vector<16xi32>
    %add3A_2403 = arith.addi %add3A_2190, %all_reduce_population_count3A_2402 : vector<16xi32>
    %get3A_2404 = arith.constant 1 : i32
    %get3A_2405 = arith.index_cast %get3A_2404 : i32 to index
    %get3A_2406 = arith.constant 176 : index
    %get3A_2407 = tpu.vector_load %arg6[%get3A_2405, %get3A_2406] {strides = array<i32>} : memref<8x256xf32, #tpu.memory_space<vmem>>, vector<16xf32>,
    %eq3A_2408 = arith.cmpi eq, %get3A_2374, %gather3A_14 : vector<16xi32>
    %add3A_2409 = arith.constant 1 : i32
    %add3A_2410 = vector.broadcast %add3A_2409 : i32 to vector<16xi32>
    %add3A_2411 = arith.addi %add3A_5, %add3A_2410 : vector<16xi32>
    %ne3A_2412 = arith.cmpi ne, %add3A_2377, %add3A_2411 : vector<16xi32>
    %and3A_2413 = arith.andi %eq3A_2408, %ne3A_2412 : vector<16xi1>
    %convert_element_type3A_2414 = arith.extui %and3A_2413 : vector<16xi1> to vector<16xi32>
    %broadcast_in_dim3A_2415 = arith.constant true
    %broadcast_in_dim3A_2416 = vector.broadcast %broadcast_in_dim3A_2415 : i1 to vector<16xi1>
    %masked_cumsum3A_2417 = tpu.scan <sum>, %convert_element_type3A_2414 masked %broadcast_in_dim3A_2416 : vector<16xi32>, vector<16xi1> -> vector<16xi32>
    %add3A_2418 = arith.addi %add3A_2216, %masked_cumsum3A_2417 : vector<16xi32>
    %sub3A_2419 = arith.constant 1 : i32
    %sub3A_2420 = vector.broadcast %sub3A_2419 : i32 to vector<16xi32>
    %sub3A_2421 = arith.subi %add3A_2418, %sub3A_2420 : vector<16xi32>
    %jit3A_2422 = arith.constant 0 : i32
    %broadcast_in_dim3A_2423 = vector.broadcast %jit3A_2422 : i32 to vector<16xi32>
    %select_n3A_2424 = arith.select %and3A_2413, %sub3A_2421, %broadcast_in_dim3A_2423 : vector<16xi1>, vector<16xi32>
    %add3A_2425 = arith.constant 1 : i32
    %add3A_2426 = vector.broadcast %add3A_2425 : i32 to vector<16xi32>
    %add3A_2427 = arith.addi %broadcast_in_dim3A_3, %add3A_2426 : vector<16xi32>
    tpu.vector_store_idx %arg8[%add3A_2427, %select_n3A_2424], %get3A_2407 masked %and3A_2413 : memref<8x256xf32, #tpu.memory_space<vmem>>[vector<16xi32>, vector<16xi32>], vector<16xf32>, vector<16xi1>
    %all_reduce_population_count3A_2428 = tpu.all_reduce %and3A_2413 {dim = 0 : i64, kind = #tpu.reduction_kind<sum>} : vector<16xi1> -> vector<16xi32>
    %add3A_2429 = arith.addi %add3A_2216, %all_reduce_population_count3A_2428 : vector<16xi32>
    %get3A_2430 = arith.constant 2 : i32
    %get3A_2431 = arith.index_cast %get3A_2430 : i32 to index
    %get3A_2432 = arith.constant 176 : index
    %get3A_2433 = tpu.vector_load %arg6[%get3A_2431, %get3A_2432] {strides = array<i32>} : memref<8x256xf32, #tpu.memory_space<vmem>>, vector<16xf32>,
    %eq3A_2434 = arith.cmpi eq, %get3A_2374, %gather3A_18 : vector<16xi32>
    %add3A_2435 = arith.constant 2 : i32
    %add3A_2436 = vector.broadcast %add3A_2435 : i32 to vector<16xi32>
    %add3A_2437 = arith.addi %add3A_5, %add3A_2436 : vector<16xi32>
    %ne3A_2438 = arith.cmpi ne, %add3A_2377, %add3A_2437 : vector<16xi32>
    %and3A_2439 = arith.andi %eq3A_2434, %ne3A_2438 : vector<16xi1>
    %convert_element_type3A_2440 = arith.extui %and3A_2439 : vector<16xi1> to vector<16xi32>
    %broadcast_in_dim3A_2441 = arith.constant true
    %broadcast_in_dim3A_2442 = vector.broadcast %broadcast_in_dim3A_2441 : i1 to vector<16xi1>
    %masked_cumsum3A_2443 = tpu.scan <sum>, %convert_element_type3A_2440 masked %broadcast_in_dim3A_2442 : vector<16xi32>, vector<16xi1> -> vector<16xi32>
    %add3A_2444 = arith.addi %add3A_2242, %masked_cumsum3A_2443 : vector<16xi32>
    %sub3A_2445 = arith.constant 1 : i32
    %sub3A_2446 = vector.broadcast %sub3A_2445 : i32 to vector<16xi32>
    %sub3A_2447 = arith.subi %add3A_2444, %sub3A_2446 : vector<16xi32>
    %jit3A_2448 = arith.constant 0 : i32
    %broadcast_in_dim3A_2449 = vector.broadcast %jit3A_2448 : i32 to vector<16xi32>
    %select_n3A_2450 = arith.select %and3A_2439, %sub3A_2447, %broadcast_in_dim3A_2449 : vector<16xi1>, vector<16xi32>
    %add3A_2451 = arith.constant 2 : i32
    %add3A_2452 = vector.broadcast %add3A_2451 : i32 to vector<16xi32>
    %add3A_2453 = arith.addi %broadcast_in_dim3A_3, %add3A_2452 : vector<16xi32>
    tpu.vector_store_idx %arg8[%add3A_2453, %select_n3A_2450], %get3A_2433 masked %and3A_2439 : memref<8x256xf32, #tpu.memory_space<vmem>>[vector<16xi32>, vector<16xi32>], vector<16xf32>, vector<16xi1>
    %all_reduce_population_count3A_2454 = tpu.all_reduce %and3A_2439 {dim = 0 : i64, kind = #tpu.reduction_kind<sum>} : vector<16xi1> -> vector<16xi32>
    %add3A_2455 = arith.addi %add3A_2242, %all_reduce_population_count3A_2454 : vector<16xi32>
    %get3A_2456 = arith.constant 3 : i32
    %get3A_2457 = arith.index_cast %get3A_2456 : i32 to index
    %get3A_2458 = arith.constant 176 : index
    %get3A_2459 = tpu.vector_load %arg6[%get3A_2457, %get3A_2458] {strides = array<i32>} : memref<8x256xf32, #tpu.memory_space<vmem>>, vector<16xf32>,
    %eq3A_2460 = arith.cmpi eq, %get3A_2374, %gather3A_22 : vector<16xi32>
    %add3A_2461 = arith.constant 3 : i32
    %add3A_2462 = vector.broadcast %add3A_2461 : i32 to vector<16xi32>
    %add3A_2463 = arith.addi %add3A_5, %add3A_2462 : vector<16xi32>
    %ne3A_2464 = arith.cmpi ne, %add3A_2377, %add3A_2463 : vector<16xi32>
    %and3A_2465 = arith.andi %eq3A_2460, %ne3A_2464 : vector<16xi1>
    %convert_element_type3A_2466 = arith.extui %and3A_2465 : vector<16xi1> to vector<16xi32>
    %broadcast_in_dim3A_2467 = arith.constant true
    %broadcast_in_dim3A_2468 = vector.broadcast %broadcast_in_dim3A_2467 : i1 to vector<16xi1>
    %masked_cumsum3A_2469 = tpu.scan <sum>, %convert_element_type3A_2466 masked %broadcast_in_dim3A_2468 : vector<16xi32>, vector<16xi1> -> vector<16xi32>
    %add3A_2470 = arith.addi %add3A_2268, %masked_cumsum3A_2469 : vector<16xi32>
    %sub3A_2471 = arith.constant 1 : i32
    %sub3A_2472 = vector.broadcast %sub3A_2471 : i32 to vector<16xi32>
    %sub3A_2473 = arith.subi %add3A_2470, %sub3A_2472 : vector<16xi32>
    %jit3A_2474 = arith.constant 0 : i32
    %broadcast_in_dim3A_2475 = vector.broadcast %jit3A_2474 : i32 to vector<16xi32>
    %select_n3A_2476 = arith.select %and3A_2465, %sub3A_2473, %broadcast_in_dim3A_2475 : vector<16xi1>, vector<16xi32>
    %add3A_2477 = arith.constant 3 : i32
    %add3A_2478 = vector.broadcast %add3A_2477 : i32 to vector<16xi32>
    %add3A_2479 = arith.addi %broadcast_in_dim3A_3, %add3A_2478 : vector<16xi32>
    tpu.vector_store_idx %arg8[%add3A_2479, %select_n3A_2476], %get3A_2459 masked %and3A_2465 : memref<8x256xf32, #tpu.memory_space<vmem>>[vector<16xi32>, vector<16xi32>], vector<16xf32>, vector<16xi1>
    %all_reduce_population_count3A_2480 = tpu.all_reduce %and3A_2465 {dim = 0 : i64, kind = #tpu.reduction_kind<sum>} : vector<16xi1> -> vector<16xi32>
    %add3A_2481 = arith.addi %add3A_2268, %all_reduce_population_count3A_2480 : vector<16xi32>
    %get3A_2482 = arith.constant 4 : i32
    %get3A_2483 = arith.index_cast %get3A_2482 : i32 to index
    %get3A_2484 = arith.constant 176 : index
    %get3A_2485 = tpu.vector_load %arg6[%get3A_2483, %get3A_2484] {strides = array<i32>} : memref<8x256xf32, #tpu.memory_space<vmem>>, vector<16xf32>,
    %eq3A_2486 = arith.cmpi eq, %get3A_2374, %gather3A_26 : vector<16xi32>
    %add3A_2487 = arith.constant 4 : i32
    %add3A_2488 = vector.broadcast %add3A_2487 : i32 to vector<16xi32>
    %add3A_2489 = arith.addi %add3A_5, %add3A_2488 : vector<16xi32>
    %ne3A_2490 = arith.cmpi ne, %add3A_2377, %add3A_2489 : vector<16xi32>
    %and3A_2491 = arith.andi %eq3A_2486, %ne3A_2490 : vector<16xi1>
    %convert_element_type3A_2492 = arith.extui %and3A_2491 : vector<16xi1> to vector<16xi32>
    %broadcast_in_dim3A_2493 = arith.constant true
    %broadcast_in_dim3A_2494 = vector.broadcast %broadcast_in_dim3A_2493 : i1 to vector<16xi1>
    %masked_cumsum3A_2495 = tpu.scan <sum>, %convert_element_type3A_2492 masked %broadcast_in_dim3A_2494 : vector<16xi32>, vector<16xi1> -> vector<16xi32>
    %add3A_2496 = arith.addi %add3A_2294, %masked_cumsum3A_2495 : vector<16xi32>
    %sub3A_2497 = arith.constant 1 : i32
    %sub3A_2498 = vector.broadcast %sub3A_2497 : i32 to vector<16xi32>
    %sub3A_2499 = arith.subi %add3A_2496, %sub3A_2498 : vector<16xi32>
    %jit3A_2500 = arith.constant 0 : i32
    %broadcast_in_dim3A_2501 = vector.broadcast %jit3A_2500 : i32 to vector<16xi32>
    %select_n3A_2502 = arith.select %and3A_2491, %sub3A_2499, %broadcast_in_dim3A_2501 : vector<16xi1>, vector<16xi32>
    %add3A_2503 = arith.constant 4 : i32
    %add3A_2504 = vector.broadcast %add3A_2503 : i32 to vector<16xi32>
    %add3A_2505 = arith.addi %broadcast_in_dim3A_3, %add3A_2504 : vector<16xi32>
    tpu.vector_store_idx %arg8[%add3A_2505, %select_n3A_2502], %get3A_2485 masked %and3A_2491 : memref<8x256xf32, #tpu.memory_space<vmem>>[vector<16xi32>, vector<16xi32>], vector<16xf32>, vector<16xi1>
    %all_reduce_population_count3A_2506 = tpu.all_reduce %and3A_2491 {dim = 0 : i64, kind = #tpu.reduction_kind<sum>} : vector<16xi1> -> vector<16xi32>
    %add3A_2507 = arith.addi %add3A_2294, %all_reduce_population_count3A_2506 : vector<16xi32>
    %get3A_2508 = arith.constant 5 : i32
    %get3A_2509 = arith.index_cast %get3A_2508 : i32 to index
    %get3A_2510 = arith.constant 176 : index
    %get3A_2511 = tpu.vector_load %arg6[%get3A_2509, %get3A_2510] {strides = array<i32>} : memref<8x256xf32, #tpu.memory_space<vmem>>, vector<16xf32>,
    %eq3A_2512 = arith.cmpi eq, %get3A_2374, %gather3A_30 : vector<16xi32>
    %add3A_2513 = arith.constant 5 : i32
    %add3A_2514 = vector.broadcast %add3A_2513 : i32 to vector<16xi32>
    %add3A_2515 = arith.addi %add3A_5, %add3A_2514 : vector<16xi32>
    %ne3A_2516 = arith.cmpi ne, %add3A_2377, %add3A_2515 : vector<16xi32>
    %and3A_2517 = arith.andi %eq3A_2512, %ne3A_2516 : vector<16xi1>
    %convert_element_type3A_2518 = arith.extui %and3A_2517 : vector<16xi1> to vector<16xi32>
    %broadcast_in_dim3A_2519 = arith.constant true
    %broadcast_in_dim3A_2520 = vector.broadcast %broadcast_in_dim3A_2519 : i1 to vector<16xi1>
    %masked_cumsum3A_2521 = tpu.scan <sum>, %convert_element_type3A_2518 masked %broadcast_in_dim3A_2520 : vector<16xi32>, vector<16xi1> -> vector<16xi32>
    %add3A_2522 = arith.addi %add3A_2320, %masked_cumsum3A_2521 : vector<16xi32>
    %sub3A_2523 = arith.constant 1 : i32
    %sub3A_2524 = vector.broadcast %sub3A_2523 : i32 to vector<16xi32>
    %sub3A_2525 = arith.subi %add3A_2522, %sub3A_2524 : vector<16xi32>
    %jit3A_2526 = arith.constant 0 : i32
    %broadcast_in_dim3A_2527 = vector.broadcast %jit3A_2526 : i32 to vector<16xi32>
    %select_n3A_2528 = arith.select %and3A_2517, %sub3A_2525, %broadcast_in_dim3A_2527 : vector<16xi1>, vector<16xi32>
    %add3A_2529 = arith.constant 5 : i32
    %add3A_2530 = vector.broadcast %add3A_2529 : i32 to vector<16xi32>
    %add3A_2531 = arith.addi %broadcast_in_dim3A_3, %add3A_2530 : vector<16xi32>
    tpu.vector_store_idx %arg8[%add3A_2531, %select_n3A_2528], %get3A_2511 masked %and3A_2517 : memref<8x256xf32, #tpu.memory_space<vmem>>[vector<16xi32>, vector<16xi32>], vector<16xf32>, vector<16xi1>
    %all_reduce_population_count3A_2532 = tpu.all_reduce %and3A_2517 {dim = 0 : i64, kind = #tpu.reduction_kind<sum>} : vector<16xi1> -> vector<16xi32>
    %add3A_2533 = arith.addi %add3A_2320, %all_reduce_population_count3A_2532 : vector<16xi32>
    %get3A_2534 = arith.constant 6 : i32
    %get3A_2535 = arith.index_cast %get3A_2534 : i32 to index
    %get3A_2536 = arith.constant 176 : index
    %get3A_2537 = tpu.vector_load %arg6[%get3A_2535, %get3A_2536] {strides = array<i32>} : memref<8x256xf32, #tpu.memory_space<vmem>>, vector<16xf32>,
    %eq3A_2538 = arith.cmpi eq, %get3A_2374, %gather3A_34 : vector<16xi32>
    %add3A_2539 = arith.constant 6 : i32
    %add3A_2540 = vector.broadcast %add3A_2539 : i32 to vector<16xi32>
    %add3A_2541 = arith.addi %add3A_5, %add3A_2540 : vector<16xi32>
    %ne3A_2542 = arith.cmpi ne, %add3A_2377, %add3A_2541 : vector<16xi32>
    %and3A_2543 = arith.andi %eq3A_2538, %ne3A_2542 : vector<16xi1>
    %convert_element_type3A_2544 = arith.extui %and3A_2543 : vector<16xi1> to vector<16xi32>
    %broadcast_in_dim3A_2545 = arith.constant true
    %broadcast_in_dim3A_2546 = vector.broadcast %broadcast_in_dim3A_2545 : i1 to vector<16xi1>
    %masked_cumsum3A_2547 = tpu.scan <sum>, %convert_element_type3A_2544 masked %broadcast_in_dim3A_2546 : vector<16xi32>, vector<16xi1> -> vector<16xi32>
    %add3A_2548 = arith.addi %add3A_2346, %masked_cumsum3A_2547 : vector<16xi32>
    %sub3A_2549 = arith.constant 1 : i32
    %sub3A_2550 = vector.broadcast %sub3A_2549 : i32 to vector<16xi32>
    %sub3A_2551 = arith.subi %add3A_2548, %sub3A_2550 : vector<16xi32>
    %jit3A_2552 = arith.constant 0 : i32
    %broadcast_in_dim3A_2553 = vector.broadcast %jit3A_2552 : i32 to vector<16xi32>
    %select_n3A_2554 = arith.select %and3A_2543, %sub3A_2551, %broadcast_in_dim3A_2553 : vector<16xi1>, vector<16xi32>
    %add3A_2555 = arith.constant 6 : i32
    %add3A_2556 = vector.broadcast %add3A_2555 : i32 to vector<16xi32>
    %add3A_2557 = arith.addi %broadcast_in_dim3A_3, %add3A_2556 : vector<16xi32>
    tpu.vector_store_idx %arg8[%add3A_2557, %select_n3A_2554], %get3A_2537 masked %and3A_2543 : memref<8x256xf32, #tpu.memory_space<vmem>>[vector<16xi32>, vector<16xi32>], vector<16xf32>, vector<16xi1>
    %all_reduce_population_count3A_2558 = tpu.all_reduce %and3A_2543 {dim = 0 : i64, kind = #tpu.reduction_kind<sum>} : vector<16xi1> -> vector<16xi32>
    %add3A_2559 = arith.addi %add3A_2346, %all_reduce_population_count3A_2558 : vector<16xi32>
    %get3A_2560 = arith.constant 7 : i32
    %get3A_2561 = arith.index_cast %get3A_2560 : i32 to index
    %get3A_2562 = arith.constant 176 : index
    %get3A_2563 = tpu.vector_load %arg6[%get3A_2561, %get3A_2562] {strides = array<i32>} : memref<8x256xf32, #tpu.memory_space<vmem>>, vector<16xf32>,
    %eq3A_2564 = arith.cmpi eq, %get3A_2374, %gather3A_38 : vector<16xi32>
    %add3A_2565 = arith.constant 7 : i32
    %add3A_2566 = vector.broadcast %add3A_2565 : i32 to vector<16xi32>
    %add3A_2567 = arith.addi %add3A_5, %add3A_2566 : vector<16xi32>
    %ne3A_2568 = arith.cmpi ne, %add3A_2377, %add3A_2567 : vector<16xi32>
    %and3A_2569 = arith.andi %eq3A_2564, %ne3A_2568 : vector<16xi1>
    %convert_element_type3A_2570 = arith.extui %and3A_2569 : vector<16xi1> to vector<16xi32>
    %broadcast_in_dim3A_2571 = arith.constant true
    %broadcast_in_dim3A_2572 = vector.broadcast %broadcast_in_dim3A_2571 : i1 to vector<16xi1>
    %masked_cumsum3A_2573 = tpu.scan <sum>, %convert_element_type3A_2570 masked %broadcast_in_dim3A_2572 : vector<16xi32>, vector<16xi1> -> vector<16xi32>
    %add3A_2574 = arith.addi %add3A_2372, %masked_cumsum3A_2573 : vector<16xi32>
    %sub3A_2575 = arith.constant 1 : i32
    %sub3A_2576 = vector.broadcast %sub3A_2575 : i32 to vector<16xi32>
    %sub3A_2577 = arith.subi %add3A_2574, %sub3A_2576 : vector<16xi32>
    %jit3A_2578 = arith.constant 0 : i32
    %broadcast_in_dim3A_2579 = vector.broadcast %jit3A_2578 : i32 to vector<16xi32>
    %select_n3A_2580 = arith.select %and3A_2569, %sub3A_2577, %broadcast_in_dim3A_2579 : vector<16xi1>, vector<16xi32>
    %add3A_2581 = arith.constant 7 : i32
    %add3A_2582 = vector.broadcast %add3A_2581 : i32 to vector<16xi32>
    %add3A_2583 = arith.addi %broadcast_in_dim3A_3, %add3A_2582 : vector<16xi32>
    tpu.vector_store_idx %arg8[%add3A_2583, %select_n3A_2580], %get3A_2563 masked %and3A_2569 : memref<8x256xf32, #tpu.memory_space<vmem>>[vector<16xi32>, vector<16xi32>], vector<16xf32>, vector<16xi1>
    %all_reduce_population_count3A_2584 = tpu.all_reduce %and3A_2569 {dim = 0 : i64, kind = #tpu.reduction_kind<sum>} : vector<16xi1> -> vector<16xi32>
    %add3A_2585 = arith.addi %add3A_2372, %all_reduce_population_count3A_2584 : vector<16xi32>
    %get3A_2586 = arith.constant 192 : index
    %get3A_2587 = tpu.vector_load %arg7[%get3A_2586] {strides = array<i32>} : memref<256xi32, #tpu.memory_space<vmem>>, vector<16xi32>,
    %add3A_2588 = arith.constant 192 : i32
    %add3A_2589 = vector.broadcast %add3A_2588 : i32 to vector<16xi32>
    %add3A_2590 = arith.addi %iota3A, %add3A_2589 : vector<16xi32>
    %get3A_2591 = arith.constant 0 : i32
    %get3A_2592 = arith.index_cast %get3A_2591 : i32 to index
    %get3A_2593 = arith.constant 192 : index
    %get3A_2594 = tpu.vector_load %arg6[%get3A_2592, %get3A_2593] {strides = array<i32>} : memref<8x256xf32, #tpu.memory_space<vmem>>, vector<16xf32>,
    %eq3A_2595 = arith.cmpi eq, %get3A_2587, %gather3A : vector<16xi32>
    %add3A_2596 = arith.constant 0 : i32
    %add3A_2597 = vector.broadcast %add3A_2596 : i32 to vector<16xi32>
    %add3A_2598 = arith.addi %add3A_5, %add3A_2597 : vector<16xi32>
    %ne3A_2599 = arith.cmpi ne, %add3A_2590, %add3A_2598 : vector<16xi32>
    %and3A_2600 = arith.andi %eq3A_2595, %ne3A_2599 : vector<16xi1>
    %convert_element_type3A_2601 = arith.extui %and3A_2600 : vector<16xi1> to vector<16xi32>
    %broadcast_in_dim3A_2602 = arith.constant true
    %broadcast_in_dim3A_2603 = vector.broadcast %broadcast_in_dim3A_2602 : i1 to vector<16xi1>
    %masked_cumsum3A_2604 = tpu.scan <sum>, %convert_element_type3A_2601 masked %broadcast_in_dim3A_2603 : vector<16xi32>, vector<16xi1> -> vector<16xi32>
    %add3A_2605 = arith.addi %add3A_2403, %masked_cumsum3A_2604 : vector<16xi32>
    %sub3A_2606 = arith.constant 1 : i32
    %sub3A_2607 = vector.broadcast %sub3A_2606 : i32 to vector<16xi32>
    %sub3A_2608 = arith.subi %add3A_2605, %sub3A_2607 : vector<16xi32>
    %jit3A_2609 = arith.constant 0 : i32
    %broadcast_in_dim3A_2610 = vector.broadcast %jit3A_2609 : i32 to vector<16xi32>
    %select_n3A_2611 = arith.select %and3A_2600, %sub3A_2608, %broadcast_in_dim3A_2610 : vector<16xi1>, vector<16xi32>
    %add3A_2612 = arith.constant 0 : i32
    %add3A_2613 = vector.broadcast %add3A_2612 : i32 to vector<16xi32>
    %add3A_2614 = arith.addi %broadcast_in_dim3A_3, %add3A_2613 : vector<16xi32>
    tpu.vector_store_idx %arg8[%add3A_2614, %select_n3A_2611], %get3A_2594 masked %and3A_2600 : memref<8x256xf32, #tpu.memory_space<vmem>>[vector<16xi32>, vector<16xi32>], vector<16xf32>, vector<16xi1>
    %all_reduce_population_count3A_2615 = tpu.all_reduce %and3A_2600 {dim = 0 : i64, kind = #tpu.reduction_kind<sum>} : vector<16xi1> -> vector<16xi32>
    %add3A_2616 = arith.addi %add3A_2403, %all_reduce_population_count3A_2615 : vector<16xi32>
    %get3A_2617 = arith.constant 1 : i32
    %get3A_2618 = arith.index_cast %get3A_2617 : i32 to index
    %get3A_2619 = arith.constant 192 : index
    %get3A_2620 = tpu.vector_load %arg6[%get3A_2618, %get3A_2619] {strides = array<i32>} : memref<8x256xf32, #tpu.memory_space<vmem>>, vector<16xf32>,
    %eq3A_2621 = arith.cmpi eq, %get3A_2587, %gather3A_14 : vector<16xi32>
    %add3A_2622 = arith.constant 1 : i32
    %add3A_2623 = vector.broadcast %add3A_2622 : i32 to vector<16xi32>
    %add3A_2624 = arith.addi %add3A_5, %add3A_2623 : vector<16xi32>
    %ne3A_2625 = arith.cmpi ne, %add3A_2590, %add3A_2624 : vector<16xi32>
    %and3A_2626 = arith.andi %eq3A_2621, %ne3A_2625 : vector<16xi1>
    %convert_element_type3A_2627 = arith.extui %and3A_2626 : vector<16xi1> to vector<16xi32>
    %broadcast_in_dim3A_2628 = arith.constant true
    %broadcast_in_dim3A_2629 = vector.broadcast %broadcast_in_dim3A_2628 : i1 to vector<16xi1>
    %masked_cumsum3A_2630 = tpu.scan <sum>, %convert_element_type3A_2627 masked %broadcast_in_dim3A_2629 : vector<16xi32>, vector<16xi1> -> vector<16xi32>
    %add3A_2631 = arith.addi %add3A_2429, %masked_cumsum3A_2630 : vector<16xi32>
    %sub3A_2632 = arith.constant 1 : i32
    %sub3A_2633 = vector.broadcast %sub3A_2632 : i32 to vector<16xi32>
    %sub3A_2634 = arith.subi %add3A_2631, %sub3A_2633 : vector<16xi32>
    %jit3A_2635 = arith.constant 0 : i32
    %broadcast_in_dim3A_2636 = vector.broadcast %jit3A_2635 : i32 to vector<16xi32>
    %select_n3A_2637 = arith.select %and3A_2626, %sub3A_2634, %broadcast_in_dim3A_2636 : vector<16xi1>, vector<16xi32>
    %add3A_2638 = arith.constant 1 : i32
    %add3A_2639 = vector.broadcast %add3A_2638 : i32 to vector<16xi32>
    %add3A_2640 = arith.addi %broadcast_in_dim3A_3, %add3A_2639 : vector<16xi32>
    tpu.vector_store_idx %arg8[%add3A_2640, %select_n3A_2637], %get3A_2620 masked %and3A_2626 : memref<8x256xf32, #tpu.memory_space<vmem>>[vector<16xi32>, vector<16xi32>], vector<16xf32>, vector<16xi1>
    %all_reduce_population_count3A_2641 = tpu.all_reduce %and3A_2626 {dim = 0 : i64, kind = #tpu.reduction_kind<sum>} : vector<16xi1> -> vector<16xi32>
    %add3A_2642 = arith.addi %add3A_2429, %all_reduce_population_count3A_2641 : vector<16xi32>
    %get3A_2643 = arith.constant 2 : i32
    %get3A_2644 = arith.index_cast %get3A_2643 : i32 to index
    %get3A_2645 = arith.constant 192 : index
    %get3A_2646 = tpu.vector_load %arg6[%get3A_2644, %get3A_2645] {strides = array<i32>} : memref<8x256xf32, #tpu.memory_space<vmem>>, vector<16xf32>,
    %eq3A_2647 = arith.cmpi eq, %get3A_2587, %gather3A_18 : vector<16xi32>
    %add3A_2648 = arith.constant 2 : i32
    %add3A_2649 = vector.broadcast %add3A_2648 : i32 to vector<16xi32>
    %add3A_2650 = arith.addi %add3A_5, %add3A_2649 : vector<16xi32>
    %ne3A_2651 = arith.cmpi ne, %add3A_2590, %add3A_2650 : vector<16xi32>
    %and3A_2652 = arith.andi %eq3A_2647, %ne3A_2651 : vector<16xi1>
    %convert_element_type3A_2653 = arith.extui %and3A_2652 : vector<16xi1> to vector<16xi32>
    %broadcast_in_dim3A_2654 = arith.constant true
    %broadcast_in_dim3A_2655 = vector.broadcast %broadcast_in_dim3A_2654 : i1 to vector<16xi1>
    %masked_cumsum3A_2656 = tpu.scan <sum>, %convert_element_type3A_2653 masked %broadcast_in_dim3A_2655 : vector<16xi32>, vector<16xi1> -> vector<16xi32>
    %add3A_2657 = arith.addi %add3A_2455, %masked_cumsum3A_2656 : vector<16xi32>
    %sub3A_2658 = arith.constant 1 : i32
    %sub3A_2659 = vector.broadcast %sub3A_2658 : i32 to vector<16xi32>
    %sub3A_2660 = arith.subi %add3A_2657, %sub3A_2659 : vector<16xi32>
    %jit3A_2661 = arith.constant 0 : i32
    %broadcast_in_dim3A_2662 = vector.broadcast %jit3A_2661 : i32 to vector<16xi32>
    %select_n3A_2663 = arith.select %and3A_2652, %sub3A_2660, %broadcast_in_dim3A_2662 : vector<16xi1>, vector<16xi32>
    %add3A_2664 = arith.constant 2 : i32
    %add3A_2665 = vector.broadcast %add3A_2664 : i32 to vector<16xi32>
    %add3A_2666 = arith.addi %broadcast_in_dim3A_3, %add3A_2665 : vector<16xi32>
    tpu.vector_store_idx %arg8[%add3A_2666, %select_n3A_2663], %get3A_2646 masked %and3A_2652 : memref<8x256xf32, #tpu.memory_space<vmem>>[vector<16xi32>, vector<16xi32>], vector<16xf32>, vector<16xi1>
    %all_reduce_population_count3A_2667 = tpu.all_reduce %and3A_2652 {dim = 0 : i64, kind = #tpu.reduction_kind<sum>} : vector<16xi1> -> vector<16xi32>
    %add3A_2668 = arith.addi %add3A_2455, %all_reduce_population_count3A_2667 : vector<16xi32>
    %get3A_2669 = arith.constant 3 : i32
    %get3A_2670 = arith.index_cast %get3A_2669 : i32 to index
    %get3A_2671 = arith.constant 192 : index
    %get3A_2672 = tpu.vector_load %arg6[%get3A_2670, %get3A_2671] {strides = array<i32>} : memref<8x256xf32, #tpu.memory_space<vmem>>, vector<16xf32>,
    %eq3A_2673 = arith.cmpi eq, %get3A_2587, %gather3A_22 : vector<16xi32>
    %add3A_2674 = arith.constant 3 : i32
    %add3A_2675 = vector.broadcast %add3A_2674 : i32 to vector<16xi32>
    %add3A_2676 = arith.addi %add3A_5, %add3A_2675 : vector<16xi32>
    %ne3A_2677 = arith.cmpi ne, %add3A_2590, %add3A_2676 : vector<16xi32>
    %and3A_2678 = arith.andi %eq3A_2673, %ne3A_2677 : vector<16xi1>
    %convert_element_type3A_2679 = arith.extui %and3A_2678 : vector<16xi1> to vector<16xi32>
    %broadcast_in_dim3A_2680 = arith.constant true
    %broadcast_in_dim3A_2681 = vector.broadcast %broadcast_in_dim3A_2680 : i1 to vector<16xi1>
    %masked_cumsum3A_2682 = tpu.scan <sum>, %convert_element_type3A_2679 masked %broadcast_in_dim3A_2681 : vector<16xi32>, vector<16xi1> -> vector<16xi32>
    %add3A_2683 = arith.addi %add3A_2481, %masked_cumsum3A_2682 : vector<16xi32>
    %sub3A_2684 = arith.constant 1 : i32
    %sub3A_2685 = vector.broadcast %sub3A_2684 : i32 to vector<16xi32>
    %sub3A_2686 = arith.subi %add3A_2683, %sub3A_2685 : vector<16xi32>
    %jit3A_2687 = arith.constant 0 : i32
    %broadcast_in_dim3A_2688 = vector.broadcast %jit3A_2687 : i32 to vector<16xi32>
    %select_n3A_2689 = arith.select %and3A_2678, %sub3A_2686, %broadcast_in_dim3A_2688 : vector<16xi1>, vector<16xi32>
    %add3A_2690 = arith.constant 3 : i32
    %add3A_2691 = vector.broadcast %add3A_2690 : i32 to vector<16xi32>
    %add3A_2692 = arith.addi %broadcast_in_dim3A_3, %add3A_2691 : vector<16xi32>
    tpu.vector_store_idx %arg8[%add3A_2692, %select_n3A_2689], %get3A_2672 masked %and3A_2678 : memref<8x256xf32, #tpu.memory_space<vmem>>[vector<16xi32>, vector<16xi32>], vector<16xf32>, vector<16xi1>
    %all_reduce_population_count3A_2693 = tpu.all_reduce %and3A_2678 {dim = 0 : i64, kind = #tpu.reduction_kind<sum>} : vector<16xi1> -> vector<16xi32>
    %add3A_2694 = arith.addi %add3A_2481, %all_reduce_population_count3A_2693 : vector<16xi32>
    %get3A_2695 = arith.constant 4 : i32
    %get3A_2696 = arith.index_cast %get3A_2695 : i32 to index
    %get3A_2697 = arith.constant 192 : index
    %get3A_2698 = tpu.vector_load %arg6[%get3A_2696, %get3A_2697] {strides = array<i32>} : memref<8x256xf32, #tpu.memory_space<vmem>>, vector<16xf32>,
    %eq3A_2699 = arith.cmpi eq, %get3A_2587, %gather3A_26 : vector<16xi32>
    %add3A_2700 = arith.constant 4 : i32
    %add3A_2701 = vector.broadcast %add3A_2700 : i32 to vector<16xi32>
    %add3A_2702 = arith.addi %add3A_5, %add3A_2701 : vector<16xi32>
    %ne3A_2703 = arith.cmpi ne, %add3A_2590, %add3A_2702 : vector<16xi32>
    %and3A_2704 = arith.andi %eq3A_2699, %ne3A_2703 : vector<16xi1>
    %convert_element_type3A_2705 = arith.extui %and3A_2704 : vector<16xi1> to vector<16xi32>
    %broadcast_in_dim3A_2706 = arith.constant true
    %broadcast_in_dim3A_2707 = vector.broadcast %broadcast_in_dim3A_2706 : i1 to vector<16xi1>
    %masked_cumsum3A_2708 = tpu.scan <sum>, %convert_element_type3A_2705 masked %broadcast_in_dim3A_2707 : vector<16xi32>, vector<16xi1> -> vector<16xi32>
    %add3A_2709 = arith.addi %add3A_2507, %masked_cumsum3A_2708 : vector<16xi32>
    %sub3A_2710 = arith.constant 1 : i32
    %sub3A_2711 = vector.broadcast %sub3A_2710 : i32 to vector<16xi32>
    %sub3A_2712 = arith.subi %add3A_2709, %sub3A_2711 : vector<16xi32>
    %jit3A_2713 = arith.constant 0 : i32
    %broadcast_in_dim3A_2714 = vector.broadcast %jit3A_2713 : i32 to vector<16xi32>
    %select_n3A_2715 = arith.select %and3A_2704, %sub3A_2712, %broadcast_in_dim3A_2714 : vector<16xi1>, vector<16xi32>
    %add3A_2716 = arith.constant 4 : i32
    %add3A_2717 = vector.broadcast %add3A_2716 : i32 to vector<16xi32>
    %add3A_2718 = arith.addi %broadcast_in_dim3A_3, %add3A_2717 : vector<16xi32>
    tpu.vector_store_idx %arg8[%add3A_2718, %select_n3A_2715], %get3A_2698 masked %and3A_2704 : memref<8x256xf32, #tpu.memory_space<vmem>>[vector<16xi32>, vector<16xi32>], vector<16xf32>, vector<16xi1>
    %all_reduce_population_count3A_2719 = tpu.all_reduce %and3A_2704 {dim = 0 : i64, kind = #tpu.reduction_kind<sum>} : vector<16xi1> -> vector<16xi32>
    %add3A_2720 = arith.addi %add3A_2507, %all_reduce_population_count3A_2719 : vector<16xi32>
    %get3A_2721 = arith.constant 5 : i32
    %get3A_2722 = arith.index_cast %get3A_2721 : i32 to index
    %get3A_2723 = arith.constant 192 : index
    %get3A_2724 = tpu.vector_load %arg6[%get3A_2722, %get3A_2723] {strides = array<i32>} : memref<8x256xf32, #tpu.memory_space<vmem>>, vector<16xf32>,
    %eq3A_2725 = arith.cmpi eq, %get3A_2587, %gather3A_30 : vector<16xi32>
    %add3A_2726 = arith.constant 5 : i32
    %add3A_2727 = vector.broadcast %add3A_2726 : i32 to vector<16xi32>
    %add3A_2728 = arith.addi %add3A_5, %add3A_2727 : vector<16xi32>
    %ne3A_2729 = arith.cmpi ne, %add3A_2590, %add3A_2728 : vector<16xi32>
    %and3A_2730 = arith.andi %eq3A_2725, %ne3A_2729 : vector<16xi1>
    %convert_element_type3A_2731 = arith.extui %and3A_2730 : vector<16xi1> to vector<16xi32>
    %broadcast_in_dim3A_2732 = arith.constant true
    %broadcast_in_dim3A_2733 = vector.broadcast %broadcast_in_dim3A_2732 : i1 to vector<16xi1>
    %masked_cumsum3A_2734 = tpu.scan <sum>, %convert_element_type3A_2731 masked %broadcast_in_dim3A_2733 : vector<16xi32>, vector<16xi1> -> vector<16xi32>
    %add3A_2735 = arith.addi %add3A_2533, %masked_cumsum3A_2734 : vector<16xi32>
    %sub3A_2736 = arith.constant 1 : i32
    %sub3A_2737 = vector.broadcast %sub3A_2736 : i32 to vector<16xi32>
    %sub3A_2738 = arith.subi %add3A_2735, %sub3A_2737 : vector<16xi32>
    %jit3A_2739 = arith.constant 0 : i32
    %broadcast_in_dim3A_2740 = vector.broadcast %jit3A_2739 : i32 to vector<16xi32>
    %select_n3A_2741 = arith.select %and3A_2730, %sub3A_2738, %broadcast_in_dim3A_2740 : vector<16xi1>, vector<16xi32>
    %add3A_2742 = arith.constant 5 : i32
    %add3A_2743 = vector.broadcast %add3A_2742 : i32 to vector<16xi32>
    %add3A_2744 = arith.addi %broadcast_in_dim3A_3, %add3A_2743 : vector<16xi32>
    tpu.vector_store_idx %arg8[%add3A_2744, %select_n3A_2741], %get3A_2724 masked %and3A_2730 : memref<8x256xf32, #tpu.memory_space<vmem>>[vector<16xi32>, vector<16xi32>], vector<16xf32>, vector<16xi1>
    %all_reduce_population_count3A_2745 = tpu.all_reduce %and3A_2730 {dim = 0 : i64, kind = #tpu.reduction_kind<sum>} : vector<16xi1> -> vector<16xi32>
    %add3A_2746 = arith.addi %add3A_2533, %all_reduce_population_count3A_2745 : vector<16xi32>
    %get3A_2747 = arith.constant 6 : i32
    %get3A_2748 = arith.index_cast %get3A_2747 : i32 to index
    %get3A_2749 = arith.constant 192 : index
    %get3A_2750 = tpu.vector_load %arg6[%get3A_2748, %get3A_2749] {strides = array<i32>} : memref<8x256xf32, #tpu.memory_space<vmem>>, vector<16xf32>,
    %eq3A_2751 = arith.cmpi eq, %get3A_2587, %gather3A_34 : vector<16xi32>
    %add3A_2752 = arith.constant 6 : i32
    %add3A_2753 = vector.broadcast %add3A_2752 : i32 to vector<16xi32>
    %add3A_2754 = arith.addi %add3A_5, %add3A_2753 : vector<16xi32>
    %ne3A_2755 = arith.cmpi ne, %add3A_2590, %add3A_2754 : vector<16xi32>
    %and3A_2756 = arith.andi %eq3A_2751, %ne3A_2755 : vector<16xi1>
    %convert_element_type3A_2757 = arith.extui %and3A_2756 : vector<16xi1> to vector<16xi32>
    %broadcast_in_dim3A_2758 = arith.constant true
    %broadcast_in_dim3A_2759 = vector.broadcast %broadcast_in_dim3A_2758 : i1 to vector<16xi1>
    %masked_cumsum3A_2760 = tpu.scan <sum>, %convert_element_type3A_2757 masked %broadcast_in_dim3A_2759 : vector<16xi32>, vector<16xi1> -> vector<16xi32>
    %add3A_2761 = arith.addi %add3A_2559, %masked_cumsum3A_2760 : vector<16xi32>
    %sub3A_2762 = arith.constant 1 : i32
    %sub3A_2763 = vector.broadcast %sub3A_2762 : i32 to vector<16xi32>
    %sub3A_2764 = arith.subi %add3A_2761, %sub3A_2763 : vector<16xi32>
    %jit3A_2765 = arith.constant 0 : i32
    %broadcast_in_dim3A_2766 = vector.broadcast %jit3A_2765 : i32 to vector<16xi32>
    %select_n3A_2767 = arith.select %and3A_2756, %sub3A_2764, %broadcast_in_dim3A_2766 : vector<16xi1>, vector<16xi32>
    %add3A_2768 = arith.constant 6 : i32
    %add3A_2769 = vector.broadcast %add3A_2768 : i32 to vector<16xi32>
    %add3A_2770 = arith.addi %broadcast_in_dim3A_3, %add3A_2769 : vector<16xi32>
    tpu.vector_store_idx %arg8[%add3A_2770, %select_n3A_2767], %get3A_2750 masked %and3A_2756 : memref<8x256xf32, #tpu.memory_space<vmem>>[vector<16xi32>, vector<16xi32>], vector<16xf32>, vector<16xi1>
    %all_reduce_population_count3A_2771 = tpu.all_reduce %and3A_2756 {dim = 0 : i64, kind = #tpu.reduction_kind<sum>} : vector<16xi1> -> vector<16xi32>
    %add3A_2772 = arith.addi %add3A_2559, %all_reduce_population_count3A_2771 : vector<16xi32>
    %get3A_2773 = arith.constant 7 : i32
    %get3A_2774 = arith.index_cast %get3A_2773 : i32 to index
    %get3A_2775 = arith.constant 192 : index
    %get3A_2776 = tpu.vector_load %arg6[%get3A_2774, %get3A_2775] {strides = array<i32>} : memref<8x256xf32, #tpu.memory_space<vmem>>, vector<16xf32>,
    %eq3A_2777 = arith.cmpi eq, %get3A_2587, %gather3A_38 : vector<16xi32>
    %add3A_2778 = arith.constant 7 : i32
    %add3A_2779 = vector.broadcast %add3A_2778 : i32 to vector<16xi32>
    %add3A_2780 = arith.addi %add3A_5, %add3A_2779 : vector<16xi32>
    %ne3A_2781 = arith.cmpi ne, %add3A_2590, %add3A_2780 : vector<16xi32>
    %and3A_2782 = arith.andi %eq3A_2777, %ne3A_2781 : vector<16xi1>
    %convert_element_type3A_2783 = arith.extui %and3A_2782 : vector<16xi1> to vector<16xi32>
    %broadcast_in_dim3A_2784 = arith.constant true
    %broadcast_in_dim3A_2785 = vector.broadcast %broadcast_in_dim3A_2784 : i1 to vector<16xi1>
    %masked_cumsum3A_2786 = tpu.scan <sum>, %convert_element_type3A_2783 masked %broadcast_in_dim3A_2785 : vector<16xi32>, vector<16xi1> -> vector<16xi32>
    %add3A_2787 = arith.addi %add3A_2585, %masked_cumsum3A_2786 : vector<16xi32>
    %sub3A_2788 = arith.constant 1 : i32
    %sub3A_2789 = vector.broadcast %sub3A_2788 : i32 to vector<16xi32>
    %sub3A_2790 = arith.subi %add3A_2787, %sub3A_2789 : vector<16xi32>
    %jit3A_2791 = arith.constant 0 : i32
    %broadcast_in_dim3A_2792 = vector.broadcast %jit3A_2791 : i32 to vector<16xi32>
    %select_n3A_2793 = arith.select %and3A_2782, %sub3A_2790, %broadcast_in_dim3A_2792 : vector<16xi1>, vector<16xi32>
    %add3A_2794 = arith.constant 7 : i32
    %add3A_2795 = vector.broadcast %add3A_2794 : i32 to vector<16xi32>
    %add3A_2796 = arith.addi %broadcast_in_dim3A_3, %add3A_2795 : vector<16xi32>
    tpu.vector_store_idx %arg8[%add3A_2796, %select_n3A_2793], %get3A_2776 masked %and3A_2782 : memref<8x256xf32, #tpu.memory_space<vmem>>[vector<16xi32>, vector<16xi32>], vector<16xf32>, vector<16xi1>
    %all_reduce_population_count3A_2797 = tpu.all_reduce %and3A_2782 {dim = 0 : i64, kind = #tpu.reduction_kind<sum>} : vector<16xi1> -> vector<16xi32>
    %add3A_2798 = arith.addi %add3A_2585, %all_reduce_population_count3A_2797 : vector<16xi32>
    %get3A_2799 = arith.constant 208 : index
    %get3A_2800 = tpu.vector_load %arg7[%get3A_2799] {strides = array<i32>} : memref<256xi32, #tpu.memory_space<vmem>>, vector<16xi32>,
    %add3A_2801 = arith.constant 208 : i32
    %add3A_2802 = vector.broadcast %add3A_2801 : i32 to vector<16xi32>
    %add3A_2803 = arith.addi %iota3A, %add3A_2802 : vector<16xi32>
    %get3A_2804 = arith.constant 0 : i32
    %get3A_2805 = arith.index_cast %get3A_2804 : i32 to index
    %get3A_2806 = arith.constant 208 : index
    %get3A_2807 = tpu.vector_load %arg6[%get3A_2805, %get3A_2806] {strides = array<i32>} : memref<8x256xf32, #tpu.memory_space<vmem>>, vector<16xf32>,
    %eq3A_2808 = arith.cmpi eq, %get3A_2800, %gather3A : vector<16xi32>
    %add3A_2809 = arith.constant 0 : i32
    %add3A_2810 = vector.broadcast %add3A_2809 : i32 to vector<16xi32>
    %add3A_2811 = arith.addi %add3A_5, %add3A_2810 : vector<16xi32>
    %ne3A_2812 = arith.cmpi ne, %add3A_2803, %add3A_2811 : vector<16xi32>
    %and3A_2813 = arith.andi %eq3A_2808, %ne3A_2812 : vector<16xi1>
    %convert_element_type3A_2814 = arith.extui %and3A_2813 : vector<16xi1> to vector<16xi32>
    %broadcast_in_dim3A_2815 = arith.constant true
    %broadcast_in_dim3A_2816 = vector.broadcast %broadcast_in_dim3A_2815 : i1 to vector<16xi1>
    %masked_cumsum3A_2817 = tpu.scan <sum>, %convert_element_type3A_2814 masked %broadcast_in_dim3A_2816 : vector<16xi32>, vector<16xi1> -> vector<16xi32>
    %add3A_2818 = arith.addi %add3A_2616, %masked_cumsum3A_2817 : vector<16xi32>
    %sub3A_2819 = arith.constant 1 : i32
    %sub3A_2820 = vector.broadcast %sub3A_2819 : i32 to vector<16xi32>
    %sub3A_2821 = arith.subi %add3A_2818, %sub3A_2820 : vector<16xi32>
    %jit3A_2822 = arith.constant 0 : i32
    %broadcast_in_dim3A_2823 = vector.broadcast %jit3A_2822 : i32 to vector<16xi32>
    %select_n3A_2824 = arith.select %and3A_2813, %sub3A_2821, %broadcast_in_dim3A_2823 : vector<16xi1>, vector<16xi32>
    %add3A_2825 = arith.constant 0 : i32
    %add3A_2826 = vector.broadcast %add3A_2825 : i32 to vector<16xi32>
    %add3A_2827 = arith.addi %broadcast_in_dim3A_3, %add3A_2826 : vector<16xi32>
    tpu.vector_store_idx %arg8[%add3A_2827, %select_n3A_2824], %get3A_2807 masked %and3A_2813 : memref<8x256xf32, #tpu.memory_space<vmem>>[vector<16xi32>, vector<16xi32>], vector<16xf32>, vector<16xi1>
    %all_reduce_population_count3A_2828 = tpu.all_reduce %and3A_2813 {dim = 0 : i64, kind = #tpu.reduction_kind<sum>} : vector<16xi1> -> vector<16xi32>
    %add3A_2829 = arith.addi %add3A_2616, %all_reduce_population_count3A_2828 : vector<16xi32>
    %get3A_2830 = arith.constant 1 : i32
    %get3A_2831 = arith.index_cast %get3A_2830 : i32 to index
    %get3A_2832 = arith.constant 208 : index
    %get3A_2833 = tpu.vector_load %arg6[%get3A_2831, %get3A_2832] {strides = array<i32>} : memref<8x256xf32, #tpu.memory_space<vmem>>, vector<16xf32>,
    %eq3A_2834 = arith.cmpi eq, %get3A_2800, %gather3A_14 : vector<16xi32>
    %add3A_2835 = arith.constant 1 : i32
    %add3A_2836 = vector.broadcast %add3A_2835 : i32 to vector<16xi32>
    %add3A_2837 = arith.addi %add3A_5, %add3A_2836 : vector<16xi32>
    %ne3A_2838 = arith.cmpi ne, %add3A_2803, %add3A_2837 : vector<16xi32>
    %and3A_2839 = arith.andi %eq3A_2834, %ne3A_2838 : vector<16xi1>
    %convert_element_type3A_2840 = arith.extui %and3A_2839 : vector<16xi1> to vector<16xi32>
    %broadcast_in_dim3A_2841 = arith.constant true
    %broadcast_in_dim3A_2842 = vector.broadcast %broadcast_in_dim3A_2841 : i1 to vector<16xi1>
    %masked_cumsum3A_2843 = tpu.scan <sum>, %convert_element_type3A_2840 masked %broadcast_in_dim3A_2842 : vector<16xi32>, vector<16xi1> -> vector<16xi32>
    %add3A_2844 = arith.addi %add3A_2642, %masked_cumsum3A_2843 : vector<16xi32>
    %sub3A_2845 = arith.constant 1 : i32
    %sub3A_2846 = vector.broadcast %sub3A_2845 : i32 to vector<16xi32>
    %sub3A_2847 = arith.subi %add3A_2844, %sub3A_2846 : vector<16xi32>
    %jit3A_2848 = arith.constant 0 : i32
    %broadcast_in_dim3A_2849 = vector.broadcast %jit3A_2848 : i32 to vector<16xi32>
    %select_n3A_2850 = arith.select %and3A_2839, %sub3A_2847, %broadcast_in_dim3A_2849 : vector<16xi1>, vector<16xi32>
    %add3A_2851 = arith.constant 1 : i32
    %add3A_2852 = vector.broadcast %add3A_2851 : i32 to vector<16xi32>
    %add3A_2853 = arith.addi %broadcast_in_dim3A_3, %add3A_2852 : vector<16xi32>
    tpu.vector_store_idx %arg8[%add3A_2853, %select_n3A_2850], %get3A_2833 masked %and3A_2839 : memref<8x256xf32, #tpu.memory_space<vmem>>[vector<16xi32>, vector<16xi32>], vector<16xf32>, vector<16xi1>
    %all_reduce_population_count3A_2854 = tpu.all_reduce %and3A_2839 {dim = 0 : i64, kind = #tpu.reduction_kind<sum>} : vector<16xi1> -> vector<16xi32>
    %add3A_2855 = arith.addi %add3A_2642, %all_reduce_population_count3A_2854 : vector<16xi32>
    %get3A_2856 = arith.constant 2 : i32
    %get3A_2857 = arith.index_cast %get3A_2856 : i32 to index
    %get3A_2858 = arith.constant 208 : index
    %get3A_2859 = tpu.vector_load %arg6[%get3A_2857, %get3A_2858] {strides = array<i32>} : memref<8x256xf32, #tpu.memory_space<vmem>>, vector<16xf32>,
    %eq3A_2860 = arith.cmpi eq, %get3A_2800, %gather3A_18 : vector<16xi32>
    %add3A_2861 = arith.constant 2 : i32
    %add3A_2862 = vector.broadcast %add3A_2861 : i32 to vector<16xi32>
    %add3A_2863 = arith.addi %add3A_5, %add3A_2862 : vector<16xi32>
    %ne3A_2864 = arith.cmpi ne, %add3A_2803, %add3A_2863 : vector<16xi32>
    %and3A_2865 = arith.andi %eq3A_2860, %ne3A_2864 : vector<16xi1>
    %convert_element_type3A_2866 = arith.extui %and3A_2865 : vector<16xi1> to vector<16xi32>
    %broadcast_in_dim3A_2867 = arith.constant true
    %broadcast_in_dim3A_2868 = vector.broadcast %broadcast_in_dim3A_2867 : i1 to vector<16xi1>
    %masked_cumsum3A_2869 = tpu.scan <sum>, %convert_element_type3A_2866 masked %broadcast_in_dim3A_2868 : vector<16xi32>, vector<16xi1> -> vector<16xi32>
    %add3A_2870 = arith.addi %add3A_2668, %masked_cumsum3A_2869 : vector<16xi32>
    %sub3A_2871 = arith.constant 1 : i32
    %sub3A_2872 = vector.broadcast %sub3A_2871 : i32 to vector<16xi32>
    %sub3A_2873 = arith.subi %add3A_2870, %sub3A_2872 : vector<16xi32>
    %jit3A_2874 = arith.constant 0 : i32
    %broadcast_in_dim3A_2875 = vector.broadcast %jit3A_2874 : i32 to vector<16xi32>
    %select_n3A_2876 = arith.select %and3A_2865, %sub3A_2873, %broadcast_in_dim3A_2875 : vector<16xi1>, vector<16xi32>
    %add3A_2877 = arith.constant 2 : i32
    %add3A_2878 = vector.broadcast %add3A_2877 : i32 to vector<16xi32>
    %add3A_2879 = arith.addi %broadcast_in_dim3A_3, %add3A_2878 : vector<16xi32>
    tpu.vector_store_idx %arg8[%add3A_2879, %select_n3A_2876], %get3A_2859 masked %and3A_2865 : memref<8x256xf32, #tpu.memory_space<vmem>>[vector<16xi32>, vector<16xi32>], vector<16xf32>, vector<16xi1>
    %all_reduce_population_count3A_2880 = tpu.all_reduce %and3A_2865 {dim = 0 : i64, kind = #tpu.reduction_kind<sum>} : vector<16xi1> -> vector<16xi32>
    %add3A_2881 = arith.addi %add3A_2668, %all_reduce_population_count3A_2880 : vector<16xi32>
    %get3A_2882 = arith.constant 3 : i32
    %get3A_2883 = arith.index_cast %get3A_2882 : i32 to index
    %get3A_2884 = arith.constant 208 : index
    %get3A_2885 = tpu.vector_load %arg6[%get3A_2883, %get3A_2884] {strides = array<i32>} : memref<8x256xf32, #tpu.memory_space<vmem>>, vector<16xf32>,
    %eq3A_2886 = arith.cmpi eq, %get3A_2800, %gather3A_22 : vector<16xi32>
    %add3A_2887 = arith.constant 3 : i32
    %add3A_2888 = vector.broadcast %add3A_2887 : i32 to vector<16xi32>
    %add3A_2889 = arith.addi %add3A_5, %add3A_2888 : vector<16xi32>
    %ne3A_2890 = arith.cmpi ne, %add3A_2803, %add3A_2889 : vector<16xi32>
    %and3A_2891 = arith.andi %eq3A_2886, %ne3A_2890 : vector<16xi1>
    %convert_element_type3A_2892 = arith.extui %and3A_2891 : vector<16xi1> to vector<16xi32>
    %broadcast_in_dim3A_2893 = arith.constant true
    %broadcast_in_dim3A_2894 = vector.broadcast %broadcast_in_dim3A_2893 : i1 to vector<16xi1>
    %masked_cumsum3A_2895 = tpu.scan <sum>, %convert_element_type3A_2892 masked %broadcast_in_dim3A_2894 : vector<16xi32>, vector<16xi1> -> vector<16xi32>
    %add3A_2896 = arith.addi %add3A_2694, %masked_cumsum3A_2895 : vector<16xi32>
    %sub3A_2897 = arith.constant 1 : i32
    %sub3A_2898 = vector.broadcast %sub3A_2897 : i32 to vector<16xi32>
    %sub3A_2899 = arith.subi %add3A_2896, %sub3A_2898 : vector<16xi32>
    %jit3A_2900 = arith.constant 0 : i32
    %broadcast_in_dim3A_2901 = vector.broadcast %jit3A_2900 : i32 to vector<16xi32>
    %select_n3A_2902 = arith.select %and3A_2891, %sub3A_2899, %broadcast_in_dim3A_2901 : vector<16xi1>, vector<16xi32>
    %add3A_2903 = arith.constant 3 : i32
    %add3A_2904 = vector.broadcast %add3A_2903 : i32 to vector<16xi32>
    %add3A_2905 = arith.addi %broadcast_in_dim3A_3, %add3A_2904 : vector<16xi32>
    tpu.vector_store_idx %arg8[%add3A_2905, %select_n3A_2902], %get3A_2885 masked %and3A_2891 : memref<8x256xf32, #tpu.memory_space<vmem>>[vector<16xi32>, vector<16xi32>], vector<16xf32>, vector<16xi1>
    %all_reduce_population_count3A_2906 = tpu.all_reduce %and3A_2891 {dim = 0 : i64, kind = #tpu.reduction_kind<sum>} : vector<16xi1> -> vector<16xi32>
    %add3A_2907 = arith.addi %add3A_2694, %all_reduce_population_count3A_2906 : vector<16xi32>
    %get3A_2908 = arith.constant 4 : i32
    %get3A_2909 = arith.index_cast %get3A_2908 : i32 to index
    %get3A_2910 = arith.constant 208 : index
    %get3A_2911 = tpu.vector_load %arg6[%get3A_2909, %get3A_2910] {strides = array<i32>} : memref<8x256xf32, #tpu.memory_space<vmem>>, vector<16xf32>,
    %eq3A_2912 = arith.cmpi eq, %get3A_2800, %gather3A_26 : vector<16xi32>
    %add3A_2913 = arith.constant 4 : i32
    %add3A_2914 = vector.broadcast %add3A_2913 : i32 to vector<16xi32>
    %add3A_2915 = arith.addi %add3A_5, %add3A_2914 : vector<16xi32>
    %ne3A_2916 = arith.cmpi ne, %add3A_2803, %add3A_2915 : vector<16xi32>
    %and3A_2917 = arith.andi %eq3A_2912, %ne3A_2916 : vector<16xi1>
    %convert_element_type3A_2918 = arith.extui %and3A_2917 : vector<16xi1> to vector<16xi32>
    %broadcast_in_dim3A_2919 = arith.constant true
    %broadcast_in_dim3A_2920 = vector.broadcast %broadcast_in_dim3A_2919 : i1 to vector<16xi1>
    %masked_cumsum3A_2921 = tpu.scan <sum>, %convert_element_type3A_2918 masked %broadcast_in_dim3A_2920 : vector<16xi32>, vector<16xi1> -> vector<16xi32>
    %add3A_2922 = arith.addi %add3A_2720, %masked_cumsum3A_2921 : vector<16xi32>
    %sub3A_2923 = arith.constant 1 : i32
    %sub3A_2924 = vector.broadcast %sub3A_2923 : i32 to vector<16xi32>
    %sub3A_2925 = arith.subi %add3A_2922, %sub3A_2924 : vector<16xi32>
    %jit3A_2926 = arith.constant 0 : i32
    %broadcast_in_dim3A_2927 = vector.broadcast %jit3A_2926 : i32 to vector<16xi32>
    %select_n3A_2928 = arith.select %and3A_2917, %sub3A_2925, %broadcast_in_dim3A_2927 : vector<16xi1>, vector<16xi32>
    %add3A_2929 = arith.constant 4 : i32
    %add3A_2930 = vector.broadcast %add3A_2929 : i32 to vector<16xi32>
    %add3A_2931 = arith.addi %broadcast_in_dim3A_3, %add3A_2930 : vector<16xi32>
    tpu.vector_store_idx %arg8[%add3A_2931, %select_n3A_2928], %get3A_2911 masked %and3A_2917 : memref<8x256xf32, #tpu.memory_space<vmem>>[vector<16xi32>, vector<16xi32>], vector<16xf32>, vector<16xi1>
    %all_reduce_population_count3A_2932 = tpu.all_reduce %and3A_2917 {dim = 0 : i64, kind = #tpu.reduction_kind<sum>} : vector<16xi1> -> vector<16xi32>
    %add3A_2933 = arith.addi %add3A_2720, %all_reduce_population_count3A_2932 : vector<16xi32>
    %get3A_2934 = arith.constant 5 : i32
    %get3A_2935 = arith.index_cast %get3A_2934 : i32 to index
    %get3A_2936 = arith.constant 208 : index
    %get3A_2937 = tpu.vector_load %arg6[%get3A_2935, %get3A_2936] {strides = array<i32>} : memref<8x256xf32, #tpu.memory_space<vmem>>, vector<16xf32>,
    %eq3A_2938 = arith.cmpi eq, %get3A_2800, %gather3A_30 : vector<16xi32>
    %add3A_2939 = arith.constant 5 : i32
    %add3A_2940 = vector.broadcast %add3A_2939 : i32 to vector<16xi32>
    %add3A_2941 = arith.addi %add3A_5, %add3A_2940 : vector<16xi32>
    %ne3A_2942 = arith.cmpi ne, %add3A_2803, %add3A_2941 : vector<16xi32>
    %and3A_2943 = arith.andi %eq3A_2938, %ne3A_2942 : vector<16xi1>
    %convert_element_type3A_2944 = arith.extui %and3A_2943 : vector<16xi1> to vector<16xi32>
    %broadcast_in_dim3A_2945 = arith.constant true
    %broadcast_in_dim3A_2946 = vector.broadcast %broadcast_in_dim3A_2945 : i1 to vector<16xi1>
    %masked_cumsum3A_2947 = tpu.scan <sum>, %convert_element_type3A_2944 masked %broadcast_in_dim3A_2946 : vector<16xi32>, vector<16xi1> -> vector<16xi32>
    %add3A_2948 = arith.addi %add3A_2746, %masked_cumsum3A_2947 : vector<16xi32>
    %sub3A_2949 = arith.constant 1 : i32
    %sub3A_2950 = vector.broadcast %sub3A_2949 : i32 to vector<16xi32>
    %sub3A_2951 = arith.subi %add3A_2948, %sub3A_2950 : vector<16xi32>
    %jit3A_2952 = arith.constant 0 : i32
    %broadcast_in_dim3A_2953 = vector.broadcast %jit3A_2952 : i32 to vector<16xi32>
    %select_n3A_2954 = arith.select %and3A_2943, %sub3A_2951, %broadcast_in_dim3A_2953 : vector<16xi1>, vector<16xi32>
    %add3A_2955 = arith.constant 5 : i32
    %add3A_2956 = vector.broadcast %add3A_2955 : i32 to vector<16xi32>
    %add3A_2957 = arith.addi %broadcast_in_dim3A_3, %add3A_2956 : vector<16xi32>
    tpu.vector_store_idx %arg8[%add3A_2957, %select_n3A_2954], %get3A_2937 masked %and3A_2943 : memref<8x256xf32, #tpu.memory_space<vmem>>[vector<16xi32>, vector<16xi32>], vector<16xf32>, vector<16xi1>
    %all_reduce_population_count3A_2958 = tpu.all_reduce %and3A_2943 {dim = 0 : i64, kind = #tpu.reduction_kind<sum>} : vector<16xi1> -> vector<16xi32>
    %add3A_2959 = arith.addi %add3A_2746, %all_reduce_population_count3A_2958 : vector<16xi32>
    %get3A_2960 = arith.constant 6 : i32
    %get3A_2961 = arith.index_cast %get3A_2960 : i32 to index
    %get3A_2962 = arith.constant 208 : index
    %get3A_2963 = tpu.vector_load %arg6[%get3A_2961, %get3A_2962] {strides = array<i32>} : memref<8x256xf32, #tpu.memory_space<vmem>>, vector<16xf32>,
    %eq3A_2964 = arith.cmpi eq, %get3A_2800, %gather3A_34 : vector<16xi32>
    %add3A_2965 = arith.constant 6 : i32
    %add3A_2966 = vector.broadcast %add3A_2965 : i32 to vector<16xi32>
    %add3A_2967 = arith.addi %add3A_5, %add3A_2966 : vector<16xi32>
    %ne3A_2968 = arith.cmpi ne, %add3A_2803, %add3A_2967 : vector<16xi32>
    %and3A_2969 = arith.andi %eq3A_2964, %ne3A_2968 : vector<16xi1>
    %convert_element_type3A_2970 = arith.extui %and3A_2969 : vector<16xi1> to vector<16xi32>
    %broadcast_in_dim3A_2971 = arith.constant true
    %broadcast_in_dim3A_2972 = vector.broadcast %broadcast_in_dim3A_2971 : i1 to vector<16xi1>
    %masked_cumsum3A_2973 = tpu.scan <sum>, %convert_element_type3A_2970 masked %broadcast_in_dim3A_2972 : vector<16xi32>, vector<16xi1> -> vector<16xi32>
    %add3A_2974 = arith.addi %add3A_2772, %masked_cumsum3A_2973 : vector<16xi32>
    %sub3A_2975 = arith.constant 1 : i32
    %sub3A_2976 = vector.broadcast %sub3A_2975 : i32 to vector<16xi32>
    %sub3A_2977 = arith.subi %add3A_2974, %sub3A_2976 : vector<16xi32>
    %jit3A_2978 = arith.constant 0 : i32
    %broadcast_in_dim3A_2979 = vector.broadcast %jit3A_2978 : i32 to vector<16xi32>
    %select_n3A_2980 = arith.select %and3A_2969, %sub3A_2977, %broadcast_in_dim3A_2979 : vector<16xi1>, vector<16xi32>
    %add3A_2981 = arith.constant 6 : i32
    %add3A_2982 = vector.broadcast %add3A_2981 : i32 to vector<16xi32>
    %add3A_2983 = arith.addi %broadcast_in_dim3A_3, %add3A_2982 : vector<16xi32>
    tpu.vector_store_idx %arg8[%add3A_2983, %select_n3A_2980], %get3A_2963 masked %and3A_2969 : memref<8x256xf32, #tpu.memory_space<vmem>>[vector<16xi32>, vector<16xi32>], vector<16xf32>, vector<16xi1>
    %all_reduce_population_count3A_2984 = tpu.all_reduce %and3A_2969 {dim = 0 : i64, kind = #tpu.reduction_kind<sum>} : vector<16xi1> -> vector<16xi32>
    %add3A_2985 = arith.addi %add3A_2772, %all_reduce_population_count3A_2984 : vector<16xi32>
    %get3A_2986 = arith.constant 7 : i32
    %get3A_2987 = arith.index_cast %get3A_2986 : i32 to index
    %get3A_2988 = arith.constant 208 : index
    %get3A_2989 = tpu.vector_load %arg6[%get3A_2987, %get3A_2988] {strides = array<i32>} : memref<8x256xf32, #tpu.memory_space<vmem>>, vector<16xf32>,
    %eq3A_2990 = arith.cmpi eq, %get3A_2800, %gather3A_38 : vector<16xi32>
    %add3A_2991 = arith.constant 7 : i32
    %add3A_2992 = vector.broadcast %add3A_2991 : i32 to vector<16xi32>
    %add3A_2993 = arith.addi %add3A_5, %add3A_2992 : vector<16xi32>
    %ne3A_2994 = arith.cmpi ne, %add3A_2803, %add3A_2993 : vector<16xi32>
    %and3A_2995 = arith.andi %eq3A_2990, %ne3A_2994 : vector<16xi1>
    %convert_element_type3A_2996 = arith.extui %and3A_2995 : vector<16xi1> to vector<16xi32>
    %broadcast_in_dim3A_2997 = arith.constant true
    %broadcast_in_dim3A_2998 = vector.broadcast %broadcast_in_dim3A_2997 : i1 to vector<16xi1>
    %masked_cumsum3A_2999 = tpu.scan <sum>, %convert_element_type3A_2996 masked %broadcast_in_dim3A_2998 : vector<16xi32>, vector<16xi1> -> vector<16xi32>
    %add3A_3000 = arith.addi %add3A_2798, %masked_cumsum3A_2999 : vector<16xi32>
    %sub3A_3001 = arith.constant 1 : i32
    %sub3A_3002 = vector.broadcast %sub3A_3001 : i32 to vector<16xi32>
    %sub3A_3003 = arith.subi %add3A_3000, %sub3A_3002 : vector<16xi32>
    %jit3A_3004 = arith.constant 0 : i32
    %broadcast_in_dim3A_3005 = vector.broadcast %jit3A_3004 : i32 to vector<16xi32>
    %select_n3A_3006 = arith.select %and3A_2995, %sub3A_3003, %broadcast_in_dim3A_3005 : vector<16xi1>, vector<16xi32>
    %add3A_3007 = arith.constant 7 : i32
    %add3A_3008 = vector.broadcast %add3A_3007 : i32 to vector<16xi32>
    %add3A_3009 = arith.addi %broadcast_in_dim3A_3, %add3A_3008 : vector<16xi32>
    tpu.vector_store_idx %arg8[%add3A_3009, %select_n3A_3006], %get3A_2989 masked %and3A_2995 : memref<8x256xf32, #tpu.memory_space<vmem>>[vector<16xi32>, vector<16xi32>], vector<16xf32>, vector<16xi1>
    %all_reduce_population_count3A_3010 = tpu.all_reduce %and3A_2995 {dim = 0 : i64, kind = #tpu.reduction_kind<sum>} : vector<16xi1> -> vector<16xi32>
    %add3A_3011 = arith.addi %add3A_2798, %all_reduce_population_count3A_3010 : vector<16xi32>
    %get3A_3012 = arith.constant 224 : index
    %get3A_3013 = tpu.vector_load %arg7[%get3A_3012] {strides = array<i32>} : memref<256xi32, #tpu.memory_space<vmem>>, vector<16xi32>,
    %add3A_3014 = arith.constant 224 : i32
    %add3A_3015 = vector.broadcast %add3A_3014 : i32 to vector<16xi32>
    %add3A_3016 = arith.addi %iota3A, %add3A_3015 : vector<16xi32>
    %get3A_3017 = arith.constant 0 : i32
    %get3A_3018 = arith.index_cast %get3A_3017 : i32 to index
    %get3A_3019 = arith.constant 224 : index
    %get3A_3020 = tpu.vector_load %arg6[%get3A_3018, %get3A_3019] {strides = array<i32>} : memref<8x256xf32, #tpu.memory_space<vmem>>, vector<16xf32>,
    %eq3A_3021 = arith.cmpi eq, %get3A_3013, %gather3A : vector<16xi32>
    %add3A_3022 = arith.constant 0 : i32
    %add3A_3023 = vector.broadcast %add3A_3022 : i32 to vector<16xi32>
    %add3A_3024 = arith.addi %add3A_5, %add3A_3023 : vector<16xi32>
    %ne3A_3025 = arith.cmpi ne, %add3A_3016, %add3A_3024 : vector<16xi32>
    %and3A_3026 = arith.andi %eq3A_3021, %ne3A_3025 : vector<16xi1>
    %convert_element_type3A_3027 = arith.extui %and3A_3026 : vector<16xi1> to vector<16xi32>
    %broadcast_in_dim3A_3028 = arith.constant true
    %broadcast_in_dim3A_3029 = vector.broadcast %broadcast_in_dim3A_3028 : i1 to vector<16xi1>
    %masked_cumsum3A_3030 = tpu.scan <sum>, %convert_element_type3A_3027 masked %broadcast_in_dim3A_3029 : vector<16xi32>, vector<16xi1> -> vector<16xi32>
    %add3A_3031 = arith.addi %add3A_2829, %masked_cumsum3A_3030 : vector<16xi32>
    %sub3A_3032 = arith.constant 1 : i32
    %sub3A_3033 = vector.broadcast %sub3A_3032 : i32 to vector<16xi32>
    %sub3A_3034 = arith.subi %add3A_3031, %sub3A_3033 : vector<16xi32>
    %jit3A_3035 = arith.constant 0 : i32
    %broadcast_in_dim3A_3036 = vector.broadcast %jit3A_3035 : i32 to vector<16xi32>
    %select_n3A_3037 = arith.select %and3A_3026, %sub3A_3034, %broadcast_in_dim3A_3036 : vector<16xi1>, vector<16xi32>
    %add3A_3038 = arith.constant 0 : i32
    %add3A_3039 = vector.broadcast %add3A_3038 : i32 to vector<16xi32>
    %add3A_3040 = arith.addi %broadcast_in_dim3A_3, %add3A_3039 : vector<16xi32>
    tpu.vector_store_idx %arg8[%add3A_3040, %select_n3A_3037], %get3A_3020 masked %and3A_3026 : memref<8x256xf32, #tpu.memory_space<vmem>>[vector<16xi32>, vector<16xi32>], vector<16xf32>, vector<16xi1>
    %all_reduce_population_count3A_3041 = tpu.all_reduce %and3A_3026 {dim = 0 : i64, kind = #tpu.reduction_kind<sum>} : vector<16xi1> -> vector<16xi32>
    %add3A_3042 = arith.addi %add3A_2829, %all_reduce_population_count3A_3041 : vector<16xi32>
    %get3A_3043 = arith.constant 1 : i32
    %get3A_3044 = arith.index_cast %get3A_3043 : i32 to index
    %get3A_3045 = arith.constant 224 : index
    %get3A_3046 = tpu.vector_load %arg6[%get3A_3044, %get3A_3045] {strides = array<i32>} : memref<8x256xf32, #tpu.memory_space<vmem>>, vector<16xf32>,
    %eq3A_3047 = arith.cmpi eq, %get3A_3013, %gather3A_14 : vector<16xi32>
    %add3A_3048 = arith.constant 1 : i32
    %add3A_3049 = vector.broadcast %add3A_3048 : i32 to vector<16xi32>
    %add3A_3050 = arith.addi %add3A_5, %add3A_3049 : vector<16xi32>
    %ne3A_3051 = arith.cmpi ne, %add3A_3016, %add3A_3050 : vector<16xi32>
    %and3A_3052 = arith.andi %eq3A_3047, %ne3A_3051 : vector<16xi1>
    %convert_element_type3A_3053 = arith.extui %and3A_3052 : vector<16xi1> to vector<16xi32>
    %broadcast_in_dim3A_3054 = arith.constant true
    %broadcast_in_dim3A_3055 = vector.broadcast %broadcast_in_dim3A_3054 : i1 to vector<16xi1>
    %masked_cumsum3A_3056 = tpu.scan <sum>, %convert_element_type3A_3053 masked %broadcast_in_dim3A_3055 : vector<16xi32>, vector<16xi1> -> vector<16xi32>
    %add3A_3057 = arith.addi %add3A_2855, %masked_cumsum3A_3056 : vector<16xi32>
    %sub3A_3058 = arith.constant 1 : i32
    %sub3A_3059 = vector.broadcast %sub3A_3058 : i32 to vector<16xi32>
    %sub3A_3060 = arith.subi %add3A_3057, %sub3A_3059 : vector<16xi32>
    %jit3A_3061 = arith.constant 0 : i32
    %broadcast_in_dim3A_3062 = vector.broadcast %jit3A_3061 : i32 to vector<16xi32>
    %select_n3A_3063 = arith.select %and3A_3052, %sub3A_3060, %broadcast_in_dim3A_3062 : vector<16xi1>, vector<16xi32>
    %add3A_3064 = arith.constant 1 : i32
    %add3A_3065 = vector.broadcast %add3A_3064 : i32 to vector<16xi32>
    %add3A_3066 = arith.addi %broadcast_in_dim3A_3, %add3A_3065 : vector<16xi32>
    tpu.vector_store_idx %arg8[%add3A_3066, %select_n3A_3063], %get3A_3046 masked %and3A_3052 : memref<8x256xf32, #tpu.memory_space<vmem>>[vector<16xi32>, vector<16xi32>], vector<16xf32>, vector<16xi1>
    %all_reduce_population_count3A_3067 = tpu.all_reduce %and3A_3052 {dim = 0 : i64, kind = #tpu.reduction_kind<sum>} : vector<16xi1> -> vector<16xi32>
    %add3A_3068 = arith.addi %add3A_2855, %all_reduce_population_count3A_3067 : vector<16xi32>
    %get3A_3069 = arith.constant 2 : i32
    %get3A_3070 = arith.index_cast %get3A_3069 : i32 to index
    %get3A_3071 = arith.constant 224 : index
    %get3A_3072 = tpu.vector_load %arg6[%get3A_3070, %get3A_3071] {strides = array<i32>} : memref<8x256xf32, #tpu.memory_space<vmem>>, vector<16xf32>,
    %eq3A_3073 = arith.cmpi eq, %get3A_3013, %gather3A_18 : vector<16xi32>
    %add3A_3074 = arith.constant 2 : i32
    %add3A_3075 = vector.broadcast %add3A_3074 : i32 to vector<16xi32>
    %add3A_3076 = arith.addi %add3A_5, %add3A_3075 : vector<16xi32>
    %ne3A_3077 = arith.cmpi ne, %add3A_3016, %add3A_3076 : vector<16xi32>
    %and3A_3078 = arith.andi %eq3A_3073, %ne3A_3077 : vector<16xi1>
    %convert_element_type3A_3079 = arith.extui %and3A_3078 : vector<16xi1> to vector<16xi32>
    %broadcast_in_dim3A_3080 = arith.constant true
    %broadcast_in_dim3A_3081 = vector.broadcast %broadcast_in_dim3A_3080 : i1 to vector<16xi1>
    %masked_cumsum3A_3082 = tpu.scan <sum>, %convert_element_type3A_3079 masked %broadcast_in_dim3A_3081 : vector<16xi32>, vector<16xi1> -> vector<16xi32>
    %add3A_3083 = arith.addi %add3A_2881, %masked_cumsum3A_3082 : vector<16xi32>
    %sub3A_3084 = arith.constant 1 : i32
    %sub3A_3085 = vector.broadcast %sub3A_3084 : i32 to vector<16xi32>
    %sub3A_3086 = arith.subi %add3A_3083, %sub3A_3085 : vector<16xi32>
    %jit3A_3087 = arith.constant 0 : i32
    %broadcast_in_dim3A_3088 = vector.broadcast %jit3A_3087 : i32 to vector<16xi32>
    %select_n3A_3089 = arith.select %and3A_3078, %sub3A_3086, %broadcast_in_dim3A_3088 : vector<16xi1>, vector<16xi32>
    %add3A_3090 = arith.constant 2 : i32
    %add3A_3091 = vector.broadcast %add3A_3090 : i32 to vector<16xi32>
    %add3A_3092 = arith.addi %broadcast_in_dim3A_3, %add3A_3091 : vector<16xi32>
    tpu.vector_store_idx %arg8[%add3A_3092, %select_n3A_3089], %get3A_3072 masked %and3A_3078 : memref<8x256xf32, #tpu.memory_space<vmem>>[vector<16xi32>, vector<16xi32>], vector<16xf32>, vector<16xi1>
    %all_reduce_population_count3A_3093 = tpu.all_reduce %and3A_3078 {dim = 0 : i64, kind = #tpu.reduction_kind<sum>} : vector<16xi1> -> vector<16xi32>
    %add3A_3094 = arith.addi %add3A_2881, %all_reduce_population_count3A_3093 : vector<16xi32>
    %get3A_3095 = arith.constant 3 : i32
    %get3A_3096 = arith.index_cast %get3A_3095 : i32 to index
    %get3A_3097 = arith.constant 224 : index
    %get3A_3098 = tpu.vector_load %arg6[%get3A_3096, %get3A_3097] {strides = array<i32>} : memref<8x256xf32, #tpu.memory_space<vmem>>, vector<16xf32>,
    %eq3A_3099 = arith.cmpi eq, %get3A_3013, %gather3A_22 : vector<16xi32>
    %add3A_3100 = arith.constant 3 : i32
    %add3A_3101 = vector.broadcast %add3A_3100 : i32 to vector<16xi32>
    %add3A_3102 = arith.addi %add3A_5, %add3A_3101 : vector<16xi32>
    %ne3A_3103 = arith.cmpi ne, %add3A_3016, %add3A_3102 : vector<16xi32>
    %and3A_3104 = arith.andi %eq3A_3099, %ne3A_3103 : vector<16xi1>
    %convert_element_type3A_3105 = arith.extui %and3A_3104 : vector<16xi1> to vector<16xi32>
    %broadcast_in_dim3A_3106 = arith.constant true
    %broadcast_in_dim3A_3107 = vector.broadcast %broadcast_in_dim3A_3106 : i1 to vector<16xi1>
    %masked_cumsum3A_3108 = tpu.scan <sum>, %convert_element_type3A_3105 masked %broadcast_in_dim3A_3107 : vector<16xi32>, vector<16xi1> -> vector<16xi32>
    %add3A_3109 = arith.addi %add3A_2907, %masked_cumsum3A_3108 : vector<16xi32>
    %sub3A_3110 = arith.constant 1 : i32
    %sub3A_3111 = vector.broadcast %sub3A_3110 : i32 to vector<16xi32>
    %sub3A_3112 = arith.subi %add3A_3109, %sub3A_3111 : vector<16xi32>
    %jit3A_3113 = arith.constant 0 : i32
    %broadcast_in_dim3A_3114 = vector.broadcast %jit3A_3113 : i32 to vector<16xi32>
    %select_n3A_3115 = arith.select %and3A_3104, %sub3A_3112, %broadcast_in_dim3A_3114 : vector<16xi1>, vector<16xi32>
    %add3A_3116 = arith.constant 3 : i32
    %add3A_3117 = vector.broadcast %add3A_3116 : i32 to vector<16xi32>
    %add3A_3118 = arith.addi %broadcast_in_dim3A_3, %add3A_3117 : vector<16xi32>
    tpu.vector_store_idx %arg8[%add3A_3118, %select_n3A_3115], %get3A_3098 masked %and3A_3104 : memref<8x256xf32, #tpu.memory_space<vmem>>[vector<16xi32>, vector<16xi32>], vector<16xf32>, vector<16xi1>
    %all_reduce_population_count3A_3119 = tpu.all_reduce %and3A_3104 {dim = 0 : i64, kind = #tpu.reduction_kind<sum>} : vector<16xi1> -> vector<16xi32>
    %add3A_3120 = arith.addi %add3A_2907, %all_reduce_population_count3A_3119 : vector<16xi32>
    %get3A_3121 = arith.constant 4 : i32
    %get3A_3122 = arith.index_cast %get3A_3121 : i32 to index
    %get3A_3123 = arith.constant 224 : index
    %get3A_3124 = tpu.vector_load %arg6[%get3A_3122, %get3A_3123] {strides = array<i32>} : memref<8x256xf32, #tpu.memory_space<vmem>>, vector<16xf32>,
    %eq3A_3125 = arith.cmpi eq, %get3A_3013, %gather3A_26 : vector<16xi32>
    %add3A_3126 = arith.constant 4 : i32
    %add3A_3127 = vector.broadcast %add3A_3126 : i32 to vector<16xi32>
    %add3A_3128 = arith.addi %add3A_5, %add3A_3127 : vector<16xi32>
    %ne3A_3129 = arith.cmpi ne, %add3A_3016, %add3A_3128 : vector<16xi32>
    %and3A_3130 = arith.andi %eq3A_3125, %ne3A_3129 : vector<16xi1>
    %convert_element_type3A_3131 = arith.extui %and3A_3130 : vector<16xi1> to vector<16xi32>
    %broadcast_in_dim3A_3132 = arith.constant true
    %broadcast_in_dim3A_3133 = vector.broadcast %broadcast_in_dim3A_3132 : i1 to vector<16xi1>
    %masked_cumsum3A_3134 = tpu.scan <sum>, %convert_element_type3A_3131 masked %broadcast_in_dim3A_3133 : vector<16xi32>, vector<16xi1> -> vector<16xi32>
    %add3A_3135 = arith.addi %add3A_2933, %masked_cumsum3A_3134 : vector<16xi32>
    %sub3A_3136 = arith.constant 1 : i32
    %sub3A_3137 = vector.broadcast %sub3A_3136 : i32 to vector<16xi32>
    %sub3A_3138 = arith.subi %add3A_3135, %sub3A_3137 : vector<16xi32>
    %jit3A_3139 = arith.constant 0 : i32
    %broadcast_in_dim3A_3140 = vector.broadcast %jit3A_3139 : i32 to vector<16xi32>
    %select_n3A_3141 = arith.select %and3A_3130, %sub3A_3138, %broadcast_in_dim3A_3140 : vector<16xi1>, vector<16xi32>
    %add3A_3142 = arith.constant 4 : i32
    %add3A_3143 = vector.broadcast %add3A_3142 : i32 to vector<16xi32>
    %add3A_3144 = arith.addi %broadcast_in_dim3A_3, %add3A_3143 : vector<16xi32>
    tpu.vector_store_idx %arg8[%add3A_3144, %select_n3A_3141], %get3A_3124 masked %and3A_3130 : memref<8x256xf32, #tpu.memory_space<vmem>>[vector<16xi32>, vector<16xi32>], vector<16xf32>, vector<16xi1>
    %all_reduce_population_count3A_3145 = tpu.all_reduce %and3A_3130 {dim = 0 : i64, kind = #tpu.reduction_kind<sum>} : vector<16xi1> -> vector<16xi32>
    %add3A_3146 = arith.addi %add3A_2933, %all_reduce_population_count3A_3145 : vector<16xi32>
    %get3A_3147 = arith.constant 5 : i32
    %get3A_3148 = arith.index_cast %get3A_3147 : i32 to index
    %get3A_3149 = arith.constant 224 : index
    %get3A_3150 = tpu.vector_load %arg6[%get3A_3148, %get3A_3149] {strides = array<i32>} : memref<8x256xf32, #tpu.memory_space<vmem>>, vector<16xf32>,
    %eq3A_3151 = arith.cmpi eq, %get3A_3013, %gather3A_30 : vector<16xi32>
    %add3A_3152 = arith.constant 5 : i32
    %add3A_3153 = vector.broadcast %add3A_3152 : i32 to vector<16xi32>
    %add3A_3154 = arith.addi %add3A_5, %add3A_3153 : vector<16xi32>
    %ne3A_3155 = arith.cmpi ne, %add3A_3016, %add3A_3154 : vector<16xi32>
    %and3A_3156 = arith.andi %eq3A_3151, %ne3A_3155 : vector<16xi1>
    %convert_element_type3A_3157 = arith.extui %and3A_3156 : vector<16xi1> to vector<16xi32>
    %broadcast_in_dim3A_3158 = arith.constant true
    %broadcast_in_dim3A_3159 = vector.broadcast %broadcast_in_dim3A_3158 : i1 to vector<16xi1>
    %masked_cumsum3A_3160 = tpu.scan <sum>, %convert_element_type3A_3157 masked %broadcast_in_dim3A_3159 : vector<16xi32>, vector<16xi1> -> vector<16xi32>
    %add3A_3161 = arith.addi %add3A_2959, %masked_cumsum3A_3160 : vector<16xi32>
    %sub3A_3162 = arith.constant 1 : i32
    %sub3A_3163 = vector.broadcast %sub3A_3162 : i32 to vector<16xi32>
    %sub3A_3164 = arith.subi %add3A_3161, %sub3A_3163 : vector<16xi32>
    %jit3A_3165 = arith.constant 0 : i32
    %broadcast_in_dim3A_3166 = vector.broadcast %jit3A_3165 : i32 to vector<16xi32>
    %select_n3A_3167 = arith.select %and3A_3156, %sub3A_3164, %broadcast_in_dim3A_3166 : vector<16xi1>, vector<16xi32>
    %add3A_3168 = arith.constant 5 : i32
    %add3A_3169 = vector.broadcast %add3A_3168 : i32 to vector<16xi32>
    %add3A_3170 = arith.addi %broadcast_in_dim3A_3, %add3A_3169 : vector<16xi32>
    tpu.vector_store_idx %arg8[%add3A_3170, %select_n3A_3167], %get3A_3150 masked %and3A_3156 : memref<8x256xf32, #tpu.memory_space<vmem>>[vector<16xi32>, vector<16xi32>], vector<16xf32>, vector<16xi1>
    %all_reduce_population_count3A_3171 = tpu.all_reduce %and3A_3156 {dim = 0 : i64, kind = #tpu.reduction_kind<sum>} : vector<16xi1> -> vector<16xi32>
    %add3A_3172 = arith.addi %add3A_2959, %all_reduce_population_count3A_3171 : vector<16xi32>
    %get3A_3173 = arith.constant 6 : i32
    %get3A_3174 = arith.index_cast %get3A_3173 : i32 to index
    %get3A_3175 = arith.constant 224 : index
    %get3A_3176 = tpu.vector_load %arg6[%get3A_3174, %get3A_3175] {strides = array<i32>} : memref<8x256xf32, #tpu.memory_space<vmem>>, vector<16xf32>,
    %eq3A_3177 = arith.cmpi eq, %get3A_3013, %gather3A_34 : vector<16xi32>
    %add3A_3178 = arith.constant 6 : i32
    %add3A_3179 = vector.broadcast %add3A_3178 : i32 to vector<16xi32>
    %add3A_3180 = arith.addi %add3A_5, %add3A_3179 : vector<16xi32>
    %ne3A_3181 = arith.cmpi ne, %add3A_3016, %add3A_3180 : vector<16xi32>
    %and3A_3182 = arith.andi %eq3A_3177, %ne3A_3181 : vector<16xi1>
    %convert_element_type3A_3183 = arith.extui %and3A_3182 : vector<16xi1> to vector<16xi32>
    %broadcast_in_dim3A_3184 = arith.constant true
    %broadcast_in_dim3A_3185 = vector.broadcast %broadcast_in_dim3A_3184 : i1 to vector<16xi1>
    %masked_cumsum3A_3186 = tpu.scan <sum>, %convert_element_type3A_3183 masked %broadcast_in_dim3A_3185 : vector<16xi32>, vector<16xi1> -> vector<16xi32>
    %add3A_3187 = arith.addi %add3A_2985, %masked_cumsum3A_3186 : vector<16xi32>
    %sub3A_3188 = arith.constant 1 : i32
    %sub3A_3189 = vector.broadcast %sub3A_3188 : i32 to vector<16xi32>
    %sub3A_3190 = arith.subi %add3A_3187, %sub3A_3189 : vector<16xi32>
    %jit3A_3191 = arith.constant 0 : i32
    %broadcast_in_dim3A_3192 = vector.broadcast %jit3A_3191 : i32 to vector<16xi32>
    %select_n3A_3193 = arith.select %and3A_3182, %sub3A_3190, %broadcast_in_dim3A_3192 : vector<16xi1>, vector<16xi32>
    %add3A_3194 = arith.constant 6 : i32
    %add3A_3195 = vector.broadcast %add3A_3194 : i32 to vector<16xi32>
    %add3A_3196 = arith.addi %broadcast_in_dim3A_3, %add3A_3195 : vector<16xi32>
    tpu.vector_store_idx %arg8[%add3A_3196, %select_n3A_3193], %get3A_3176 masked %and3A_3182 : memref<8x256xf32, #tpu.memory_space<vmem>>[vector<16xi32>, vector<16xi32>], vector<16xf32>, vector<16xi1>
    %all_reduce_population_count3A_3197 = tpu.all_reduce %and3A_3182 {dim = 0 : i64, kind = #tpu.reduction_kind<sum>} : vector<16xi1> -> vector<16xi32>
    %add3A_3198 = arith.addi %add3A_2985, %all_reduce_population_count3A_3197 : vector<16xi32>
    %get3A_3199 = arith.constant 7 : i32
    %get3A_3200 = arith.index_cast %get3A_3199 : i32 to index
    %get3A_3201 = arith.constant 224 : index
    %get3A_3202 = tpu.vector_load %arg6[%get3A_3200, %get3A_3201] {strides = array<i32>} : memref<8x256xf32, #tpu.memory_space<vmem>>, vector<16xf32>,
    %eq3A_3203 = arith.cmpi eq, %get3A_3013, %gather3A_38 : vector<16xi32>
    %add3A_3204 = arith.constant 7 : i32
    %add3A_3205 = vector.broadcast %add3A_3204 : i32 to vector<16xi32>
    %add3A_3206 = arith.addi %add3A_5, %add3A_3205 : vector<16xi32>
    %ne3A_3207 = arith.cmpi ne, %add3A_3016, %add3A_3206 : vector<16xi32>
    %and3A_3208 = arith.andi %eq3A_3203, %ne3A_3207 : vector<16xi1>
    %convert_element_type3A_3209 = arith.extui %and3A_3208 : vector<16xi1> to vector<16xi32>
    %broadcast_in_dim3A_3210 = arith.constant true
    %broadcast_in_dim3A_3211 = vector.broadcast %broadcast_in_dim3A_3210 : i1 to vector<16xi1>
    %masked_cumsum3A_3212 = tpu.scan <sum>, %convert_element_type3A_3209 masked %broadcast_in_dim3A_3211 : vector<16xi32>, vector<16xi1> -> vector<16xi32>
    %add3A_3213 = arith.addi %add3A_3011, %masked_cumsum3A_3212 : vector<16xi32>
    %sub3A_3214 = arith.constant 1 : i32
    %sub3A_3215 = vector.broadcast %sub3A_3214 : i32 to vector<16xi32>
    %sub3A_3216 = arith.subi %add3A_3213, %sub3A_3215 : vector<16xi32>
    %jit3A_3217 = arith.constant 0 : i32
    %broadcast_in_dim3A_3218 = vector.broadcast %jit3A_3217 : i32 to vector<16xi32>
    %select_n3A_3219 = arith.select %and3A_3208, %sub3A_3216, %broadcast_in_dim3A_3218 : vector<16xi1>, vector<16xi32>
    %add3A_3220 = arith.constant 7 : i32
    %add3A_3221 = vector.broadcast %add3A_3220 : i32 to vector<16xi32>
    %add3A_3222 = arith.addi %broadcast_in_dim3A_3, %add3A_3221 : vector<16xi32>
    tpu.vector_store_idx %arg8[%add3A_3222, %select_n3A_3219], %get3A_3202 masked %and3A_3208 : memref<8x256xf32, #tpu.memory_space<vmem>>[vector<16xi32>, vector<16xi32>], vector<16xf32>, vector<16xi1>
    %all_reduce_population_count3A_3223 = tpu.all_reduce %and3A_3208 {dim = 0 : i64, kind = #tpu.reduction_kind<sum>} : vector<16xi1> -> vector<16xi32>
    %add3A_3224 = arith.addi %add3A_3011, %all_reduce_population_count3A_3223 : vector<16xi32>
    %get3A_3225 = arith.constant 240 : index
    %get3A_3226 = tpu.vector_load %arg7[%get3A_3225] {strides = array<i32>} : memref<256xi32, #tpu.memory_space<vmem>>, vector<16xi32>,
    %add3A_3227 = arith.constant 240 : i32
    %add3A_3228 = vector.broadcast %add3A_3227 : i32 to vector<16xi32>
    %add3A_3229 = arith.addi %iota3A, %add3A_3228 : vector<16xi32>
    %get3A_3230 = arith.constant 0 : i32
    %get3A_3231 = arith.index_cast %get3A_3230 : i32 to index
    %get3A_3232 = arith.constant 240 : index
    %get3A_3233 = tpu.vector_load %arg6[%get3A_3231, %get3A_3232] {strides = array<i32>} : memref<8x256xf32, #tpu.memory_space<vmem>>, vector<16xf32>,
    %eq3A_3234 = arith.cmpi eq, %get3A_3226, %gather3A : vector<16xi32>
    %add3A_3235 = arith.constant 0 : i32
    %add3A_3236 = vector.broadcast %add3A_3235 : i32 to vector<16xi32>
    %add3A_3237 = arith.addi %add3A_5, %add3A_3236 : vector<16xi32>
    %ne3A_3238 = arith.cmpi ne, %add3A_3229, %add3A_3237 : vector<16xi32>
    %and3A_3239 = arith.andi %eq3A_3234, %ne3A_3238 : vector<16xi1>
    %convert_element_type3A_3240 = arith.extui %and3A_3239 : vector<16xi1> to vector<16xi32>
    %broadcast_in_dim3A_3241 = arith.constant true
    %broadcast_in_dim3A_3242 = vector.broadcast %broadcast_in_dim3A_3241 : i1 to vector<16xi1>
    %masked_cumsum3A_3243 = tpu.scan <sum>, %convert_element_type3A_3240 masked %broadcast_in_dim3A_3242 : vector<16xi32>, vector<16xi1> -> vector<16xi32>
    %add3A_3244 = arith.addi %add3A_3042, %masked_cumsum3A_3243 : vector<16xi32>
    %sub3A_3245 = arith.constant 1 : i32
    %sub3A_3246 = vector.broadcast %sub3A_3245 : i32 to vector<16xi32>
    %sub3A_3247 = arith.subi %add3A_3244, %sub3A_3246 : vector<16xi32>
    %jit3A_3248 = arith.constant 0 : i32
    %broadcast_in_dim3A_3249 = vector.broadcast %jit3A_3248 : i32 to vector<16xi32>
    %select_n3A_3250 = arith.select %and3A_3239, %sub3A_3247, %broadcast_in_dim3A_3249 : vector<16xi1>, vector<16xi32>
    %add3A_3251 = arith.constant 0 : i32
    %add3A_3252 = vector.broadcast %add3A_3251 : i32 to vector<16xi32>
    %add3A_3253 = arith.addi %broadcast_in_dim3A_3, %add3A_3252 : vector<16xi32>
    tpu.vector_store_idx %arg8[%add3A_3253, %select_n3A_3250], %get3A_3233 masked %and3A_3239 : memref<8x256xf32, #tpu.memory_space<vmem>>[vector<16xi32>, vector<16xi32>], vector<16xf32>, vector<16xi1>
    %all_reduce_population_count3A_3254 = tpu.all_reduce %and3A_3239 {dim = 0 : i64, kind = #tpu.reduction_kind<sum>} : vector<16xi1> -> vector<16xi32>
    %add3A_3255 = arith.addi %add3A_3042, %all_reduce_population_count3A_3254 : vector<16xi32>
    %get3A_3256 = arith.constant 1 : i32
    %get3A_3257 = arith.index_cast %get3A_3256 : i32 to index
    %get3A_3258 = arith.constant 240 : index
    %get3A_3259 = tpu.vector_load %arg6[%get3A_3257, %get3A_3258] {strides = array<i32>} : memref<8x256xf32, #tpu.memory_space<vmem>>, vector<16xf32>,
    %eq3A_3260 = arith.cmpi eq, %get3A_3226, %gather3A_14 : vector<16xi32>
    %add3A_3261 = arith.constant 1 : i32
    %add3A_3262 = vector.broadcast %add3A_3261 : i32 to vector<16xi32>
    %add3A_3263 = arith.addi %add3A_5, %add3A_3262 : vector<16xi32>
    %ne3A_3264 = arith.cmpi ne, %add3A_3229, %add3A_3263 : vector<16xi32>
    %and3A_3265 = arith.andi %eq3A_3260, %ne3A_3264 : vector<16xi1>
    %convert_element_type3A_3266 = arith.extui %and3A_3265 : vector<16xi1> to vector<16xi32>
    %broadcast_in_dim3A_3267 = arith.constant true
    %broadcast_in_dim3A_3268 = vector.broadcast %broadcast_in_dim3A_3267 : i1 to vector<16xi1>
    %masked_cumsum3A_3269 = tpu.scan <sum>, %convert_element_type3A_3266 masked %broadcast_in_dim3A_3268 : vector<16xi32>, vector<16xi1> -> vector<16xi32>
    %add3A_3270 = arith.addi %add3A_3068, %masked_cumsum3A_3269 : vector<16xi32>
    %sub3A_3271 = arith.constant 1 : i32
    %sub3A_3272 = vector.broadcast %sub3A_3271 : i32 to vector<16xi32>
    %sub3A_3273 = arith.subi %add3A_3270, %sub3A_3272 : vector<16xi32>
    %jit3A_3274 = arith.constant 0 : i32
    %broadcast_in_dim3A_3275 = vector.broadcast %jit3A_3274 : i32 to vector<16xi32>
    %select_n3A_3276 = arith.select %and3A_3265, %sub3A_3273, %broadcast_in_dim3A_3275 : vector<16xi1>, vector<16xi32>
    %add3A_3277 = arith.constant 1 : i32
    %add3A_3278 = vector.broadcast %add3A_3277 : i32 to vector<16xi32>
    %add3A_3279 = arith.addi %broadcast_in_dim3A_3, %add3A_3278 : vector<16xi32>
    tpu.vector_store_idx %arg8[%add3A_3279, %select_n3A_3276], %get3A_3259 masked %and3A_3265 : memref<8x256xf32, #tpu.memory_space<vmem>>[vector<16xi32>, vector<16xi32>], vector<16xf32>, vector<16xi1>
    %all_reduce_population_count3A_3280 = tpu.all_reduce %and3A_3265 {dim = 0 : i64, kind = #tpu.reduction_kind<sum>} : vector<16xi1> -> vector<16xi32>
    %add3A_3281 = arith.addi %add3A_3068, %all_reduce_population_count3A_3280 : vector<16xi32>
    %get3A_3282 = arith.constant 2 : i32
    %get3A_3283 = arith.index_cast %get3A_3282 : i32 to index
    %get3A_3284 = arith.constant 240 : index
    %get3A_3285 = tpu.vector_load %arg6[%get3A_3283, %get3A_3284] {strides = array<i32>} : memref<8x256xf32, #tpu.memory_space<vmem>>, vector<16xf32>,
    %eq3A_3286 = arith.cmpi eq, %get3A_3226, %gather3A_18 : vector<16xi32>
    %add3A_3287 = arith.constant 2 : i32
    %add3A_3288 = vector.broadcast %add3A_3287 : i32 to vector<16xi32>
    %add3A_3289 = arith.addi %add3A_5, %add3A_3288 : vector<16xi32>
    %ne3A_3290 = arith.cmpi ne, %add3A_3229, %add3A_3289 : vector<16xi32>
    %and3A_3291 = arith.andi %eq3A_3286, %ne3A_3290 : vector<16xi1>
    %convert_element_type3A_3292 = arith.extui %and3A_3291 : vector<16xi1> to vector<16xi32>
    %broadcast_in_dim3A_3293 = arith.constant true
    %broadcast_in_dim3A_3294 = vector.broadcast %broadcast_in_dim3A_3293 : i1 to vector<16xi1>
    %masked_cumsum3A_3295 = tpu.scan <sum>, %convert_element_type3A_3292 masked %broadcast_in_dim3A_3294 : vector<16xi32>, vector<16xi1> -> vector<16xi32>
    %add3A_3296 = arith.addi %add3A_3094, %masked_cumsum3A_3295 : vector<16xi32>
    %sub3A_3297 = arith.constant 1 : i32
    %sub3A_3298 = vector.broadcast %sub3A_3297 : i32 to vector<16xi32>
    %sub3A_3299 = arith.subi %add3A_3296, %sub3A_3298 : vector<16xi32>
    %jit3A_3300 = arith.constant 0 : i32
    %broadcast_in_dim3A_3301 = vector.broadcast %jit3A_3300 : i32 to vector<16xi32>
    %select_n3A_3302 = arith.select %and3A_3291, %sub3A_3299, %broadcast_in_dim3A_3301 : vector<16xi1>, vector<16xi32>
    %add3A_3303 = arith.constant 2 : i32
    %add3A_3304 = vector.broadcast %add3A_3303 : i32 to vector<16xi32>
    %add3A_3305 = arith.addi %broadcast_in_dim3A_3, %add3A_3304 : vector<16xi32>
    tpu.vector_store_idx %arg8[%add3A_3305, %select_n3A_3302], %get3A_3285 masked %and3A_3291 : memref<8x256xf32, #tpu.memory_space<vmem>>[vector<16xi32>, vector<16xi32>], vector<16xf32>, vector<16xi1>
    %all_reduce_population_count3A_3306 = tpu.all_reduce %and3A_3291 {dim = 0 : i64, kind = #tpu.reduction_kind<sum>} : vector<16xi1> -> vector<16xi32>
    %add3A_3307 = arith.addi %add3A_3094, %all_reduce_population_count3A_3306 : vector<16xi32>
    %get3A_3308 = arith.constant 3 : i32
    %get3A_3309 = arith.index_cast %get3A_3308 : i32 to index
    %get3A_3310 = arith.constant 240 : index
    %get3A_3311 = tpu.vector_load %arg6[%get3A_3309, %get3A_3310] {strides = array<i32>} : memref<8x256xf32, #tpu.memory_space<vmem>>, vector<16xf32>,
    %eq3A_3312 = arith.cmpi eq, %get3A_3226, %gather3A_22 : vector<16xi32>
    %add3A_3313 = arith.constant 3 : i32
    %add3A_3314 = vector.broadcast %add3A_3313 : i32 to vector<16xi32>
    %add3A_3315 = arith.addi %add3A_5, %add3A_3314 : vector<16xi32>
    %ne3A_3316 = arith.cmpi ne, %add3A_3229, %add3A_3315 : vector<16xi32>
    %and3A_3317 = arith.andi %eq3A_3312, %ne3A_3316 : vector<16xi1>
    %convert_element_type3A_3318 = arith.extui %and3A_3317 : vector<16xi1> to vector<16xi32>
    %broadcast_in_dim3A_3319 = arith.constant true
    %broadcast_in_dim3A_3320 = vector.broadcast %broadcast_in_dim3A_3319 : i1 to vector<16xi1>
    %masked_cumsum3A_3321 = tpu.scan <sum>, %convert_element_type3A_3318 masked %broadcast_in_dim3A_3320 : vector<16xi32>, vector<16xi1> -> vector<16xi32>
    %add3A_3322 = arith.addi %add3A_3120, %masked_cumsum3A_3321 : vector<16xi32>
    %sub3A_3323 = arith.constant 1 : i32
    %sub3A_3324 = vector.broadcast %sub3A_3323 : i32 to vector<16xi32>
    %sub3A_3325 = arith.subi %add3A_3322, %sub3A_3324 : vector<16xi32>
    %jit3A_3326 = arith.constant 0 : i32
    %broadcast_in_dim3A_3327 = vector.broadcast %jit3A_3326 : i32 to vector<16xi32>
    %select_n3A_3328 = arith.select %and3A_3317, %sub3A_3325, %broadcast_in_dim3A_3327 : vector<16xi1>, vector<16xi32>
    %add3A_3329 = arith.constant 3 : i32
    %add3A_3330 = vector.broadcast %add3A_3329 : i32 to vector<16xi32>
    %add3A_3331 = arith.addi %broadcast_in_dim3A_3, %add3A_3330 : vector<16xi32>
    tpu.vector_store_idx %arg8[%add3A_3331, %select_n3A_3328], %get3A_3311 masked %and3A_3317 : memref<8x256xf32, #tpu.memory_space<vmem>>[vector<16xi32>, vector<16xi32>], vector<16xf32>, vector<16xi1>
    %all_reduce_population_count3A_3332 = tpu.all_reduce %and3A_3317 {dim = 0 : i64, kind = #tpu.reduction_kind<sum>} : vector<16xi1> -> vector<16xi32>
    %add3A_3333 = arith.addi %add3A_3120, %all_reduce_population_count3A_3332 : vector<16xi32>
    %get3A_3334 = arith.constant 4 : i32
    %get3A_3335 = arith.index_cast %get3A_3334 : i32 to index
    %get3A_3336 = arith.constant 240 : index
    %get3A_3337 = tpu.vector_load %arg6[%get3A_3335, %get3A_3336] {strides = array<i32>} : memref<8x256xf32, #tpu.memory_space<vmem>>, vector<16xf32>,
    %eq3A_3338 = arith.cmpi eq, %get3A_3226, %gather3A_26 : vector<16xi32>
    %add3A_3339 = arith.constant 4 : i32
    %add3A_3340 = vector.broadcast %add3A_3339 : i32 to vector<16xi32>
    %add3A_3341 = arith.addi %add3A_5, %add3A_3340 : vector<16xi32>
    %ne3A_3342 = arith.cmpi ne, %add3A_3229, %add3A_3341 : vector<16xi32>
    %and3A_3343 = arith.andi %eq3A_3338, %ne3A_3342 : vector<16xi1>
    %convert_element_type3A_3344 = arith.extui %and3A_3343 : vector<16xi1> to vector<16xi32>
    %broadcast_in_dim3A_3345 = arith.constant true
    %broadcast_in_dim3A_3346 = vector.broadcast %broadcast_in_dim3A_3345 : i1 to vector<16xi1>
    %masked_cumsum3A_3347 = tpu.scan <sum>, %convert_element_type3A_3344 masked %broadcast_in_dim3A_3346 : vector<16xi32>, vector<16xi1> -> vector<16xi32>
    %add3A_3348 = arith.addi %add3A_3146, %masked_cumsum3A_3347 : vector<16xi32>
    %sub3A_3349 = arith.constant 1 : i32
    %sub3A_3350 = vector.broadcast %sub3A_3349 : i32 to vector<16xi32>
    %sub3A_3351 = arith.subi %add3A_3348, %sub3A_3350 : vector<16xi32>
    %jit3A_3352 = arith.constant 0 : i32
    %broadcast_in_dim3A_3353 = vector.broadcast %jit3A_3352 : i32 to vector<16xi32>
    %select_n3A_3354 = arith.select %and3A_3343, %sub3A_3351, %broadcast_in_dim3A_3353 : vector<16xi1>, vector<16xi32>
    %add3A_3355 = arith.constant 4 : i32
    %add3A_3356 = vector.broadcast %add3A_3355 : i32 to vector<16xi32>
    %add3A_3357 = arith.addi %broadcast_in_dim3A_3, %add3A_3356 : vector<16xi32>
    tpu.vector_store_idx %arg8[%add3A_3357, %select_n3A_3354], %get3A_3337 masked %and3A_3343 : memref<8x256xf32, #tpu.memory_space<vmem>>[vector<16xi32>, vector<16xi32>], vector<16xf32>, vector<16xi1>
    %all_reduce_population_count3A_3358 = tpu.all_reduce %and3A_3343 {dim = 0 : i64, kind = #tpu.reduction_kind<sum>} : vector<16xi1> -> vector<16xi32>
    %add3A_3359 = arith.addi %add3A_3146, %all_reduce_population_count3A_3358 : vector<16xi32>
    %get3A_3360 = arith.constant 5 : i32
    %get3A_3361 = arith.index_cast %get3A_3360 : i32 to index
    %get3A_3362 = arith.constant 240 : index
    %get3A_3363 = tpu.vector_load %arg6[%get3A_3361, %get3A_3362] {strides = array<i32>} : memref<8x256xf32, #tpu.memory_space<vmem>>, vector<16xf32>,
    %eq3A_3364 = arith.cmpi eq, %get3A_3226, %gather3A_30 : vector<16xi32>
    %add3A_3365 = arith.constant 5 : i32
    %add3A_3366 = vector.broadcast %add3A_3365 : i32 to vector<16xi32>
    %add3A_3367 = arith.addi %add3A_5, %add3A_3366 : vector<16xi32>
    %ne3A_3368 = arith.cmpi ne, %add3A_3229, %add3A_3367 : vector<16xi32>
    %and3A_3369 = arith.andi %eq3A_3364, %ne3A_3368 : vector<16xi1>
    %convert_element_type3A_3370 = arith.extui %and3A_3369 : vector<16xi1> to vector<16xi32>
    %broadcast_in_dim3A_3371 = arith.constant true
    %broadcast_in_dim3A_3372 = vector.broadcast %broadcast_in_dim3A_3371 : i1 to vector<16xi1>
    %masked_cumsum3A_3373 = tpu.scan <sum>, %convert_element_type3A_3370 masked %broadcast_in_dim3A_3372 : vector<16xi32>, vector<16xi1> -> vector<16xi32>
    %add3A_3374 = arith.addi %add3A_3172, %masked_cumsum3A_3373 : vector<16xi32>
    %sub3A_3375 = arith.constant 1 : i32
    %sub3A_3376 = vector.broadcast %sub3A_3375 : i32 to vector<16xi32>
    %sub3A_3377 = arith.subi %add3A_3374, %sub3A_3376 : vector<16xi32>
    %jit3A_3378 = arith.constant 0 : i32
    %broadcast_in_dim3A_3379 = vector.broadcast %jit3A_3378 : i32 to vector<16xi32>
    %select_n3A_3380 = arith.select %and3A_3369, %sub3A_3377, %broadcast_in_dim3A_3379 : vector<16xi1>, vector<16xi32>
    %add3A_3381 = arith.constant 5 : i32
    %add3A_3382 = vector.broadcast %add3A_3381 : i32 to vector<16xi32>
    %add3A_3383 = arith.addi %broadcast_in_dim3A_3, %add3A_3382 : vector<16xi32>
    tpu.vector_store_idx %arg8[%add3A_3383, %select_n3A_3380], %get3A_3363 masked %and3A_3369 : memref<8x256xf32, #tpu.memory_space<vmem>>[vector<16xi32>, vector<16xi32>], vector<16xf32>, vector<16xi1>
    %all_reduce_population_count3A_3384 = tpu.all_reduce %and3A_3369 {dim = 0 : i64, kind = #tpu.reduction_kind<sum>} : vector<16xi1> -> vector<16xi32>
    %add3A_3385 = arith.addi %add3A_3172, %all_reduce_population_count3A_3384 : vector<16xi32>
    %get3A_3386 = arith.constant 6 : i32
    %get3A_3387 = arith.index_cast %get3A_3386 : i32 to index
    %get3A_3388 = arith.constant 240 : index
    %get3A_3389 = tpu.vector_load %arg6[%get3A_3387, %get3A_3388] {strides = array<i32>} : memref<8x256xf32, #tpu.memory_space<vmem>>, vector<16xf32>,
    %eq3A_3390 = arith.cmpi eq, %get3A_3226, %gather3A_34 : vector<16xi32>
    %add3A_3391 = arith.constant 6 : i32
    %add3A_3392 = vector.broadcast %add3A_3391 : i32 to vector<16xi32>
    %add3A_3393 = arith.addi %add3A_5, %add3A_3392 : vector<16xi32>
    %ne3A_3394 = arith.cmpi ne, %add3A_3229, %add3A_3393 : vector<16xi32>
    %and3A_3395 = arith.andi %eq3A_3390, %ne3A_3394 : vector<16xi1>
    %convert_element_type3A_3396 = arith.extui %and3A_3395 : vector<16xi1> to vector<16xi32>
    %broadcast_in_dim3A_3397 = arith.constant true
    %broadcast_in_dim3A_3398 = vector.broadcast %broadcast_in_dim3A_3397 : i1 to vector<16xi1>
    %masked_cumsum3A_3399 = tpu.scan <sum>, %convert_element_type3A_3396 masked %broadcast_in_dim3A_3398 : vector<16xi32>, vector<16xi1> -> vector<16xi32>
    %add3A_3400 = arith.addi %add3A_3198, %masked_cumsum3A_3399 : vector<16xi32>
    %sub3A_3401 = arith.constant 1 : i32
    %sub3A_3402 = vector.broadcast %sub3A_3401 : i32 to vector<16xi32>
    %sub3A_3403 = arith.subi %add3A_3400, %sub3A_3402 : vector<16xi32>
    %jit3A_3404 = arith.constant 0 : i32
    %broadcast_in_dim3A_3405 = vector.broadcast %jit3A_3404 : i32 to vector<16xi32>
    %select_n3A_3406 = arith.select %and3A_3395, %sub3A_3403, %broadcast_in_dim3A_3405 : vector<16xi1>, vector<16xi32>
    %add3A_3407 = arith.constant 6 : i32
    %add3A_3408 = vector.broadcast %add3A_3407 : i32 to vector<16xi32>
    %add3A_3409 = arith.addi %broadcast_in_dim3A_3, %add3A_3408 : vector<16xi32>
    tpu.vector_store_idx %arg8[%add3A_3409, %select_n3A_3406], %get3A_3389 masked %and3A_3395 : memref<8x256xf32, #tpu.memory_space<vmem>>[vector<16xi32>, vector<16xi32>], vector<16xf32>, vector<16xi1>
    %all_reduce_population_count3A_3410 = tpu.all_reduce %and3A_3395 {dim = 0 : i64, kind = #tpu.reduction_kind<sum>} : vector<16xi1> -> vector<16xi32>
    %add3A_3411 = arith.addi %add3A_3198, %all_reduce_population_count3A_3410 : vector<16xi32>
    %get3A_3412 = arith.constant 7 : i32
    %get3A_3413 = arith.index_cast %get3A_3412 : i32 to index
    %get3A_3414 = arith.constant 240 : index
    %get3A_3415 = tpu.vector_load %arg6[%get3A_3413, %get3A_3414] {strides = array<i32>} : memref<8x256xf32, #tpu.memory_space<vmem>>, vector<16xf32>,
    %eq3A_3416 = arith.cmpi eq, %get3A_3226, %gather3A_38 : vector<16xi32>
    %add3A_3417 = arith.constant 7 : i32
    %add3A_3418 = vector.broadcast %add3A_3417 : i32 to vector<16xi32>
    %add3A_3419 = arith.addi %add3A_5, %add3A_3418 : vector<16xi32>
    %ne3A_3420 = arith.cmpi ne, %add3A_3229, %add3A_3419 : vector<16xi32>
    %and3A_3421 = arith.andi %eq3A_3416, %ne3A_3420 : vector<16xi1>
    %convert_element_type3A_3422 = arith.extui %and3A_3421 : vector<16xi1> to vector<16xi32>
    %broadcast_in_dim3A_3423 = arith.constant true
    %broadcast_in_dim3A_3424 = vector.broadcast %broadcast_in_dim3A_3423 : i1 to vector<16xi1>
    %masked_cumsum3A_3425 = tpu.scan <sum>, %convert_element_type3A_3422 masked %broadcast_in_dim3A_3424 : vector<16xi32>, vector<16xi1> -> vector<16xi32>
    %add3A_3426 = arith.addi %add3A_3224, %masked_cumsum3A_3425 : vector<16xi32>
    %sub3A_3427 = arith.constant 1 : i32
    %sub3A_3428 = vector.broadcast %sub3A_3427 : i32 to vector<16xi32>
    %sub3A_3429 = arith.subi %add3A_3426, %sub3A_3428 : vector<16xi32>
    %jit3A_3430 = arith.constant 0 : i32
    %broadcast_in_dim3A_3431 = vector.broadcast %jit3A_3430 : i32 to vector<16xi32>
    %select_n3A_3432 = arith.select %and3A_3421, %sub3A_3429, %broadcast_in_dim3A_3431 : vector<16xi1>, vector<16xi32>
    %add3A_3433 = arith.constant 7 : i32
    %add3A_3434 = vector.broadcast %add3A_3433 : i32 to vector<16xi32>
    %add3A_3435 = arith.addi %broadcast_in_dim3A_3, %add3A_3434 : vector<16xi32>
    tpu.vector_store_idx %arg8[%add3A_3435, %select_n3A_3432], %get3A_3415 masked %and3A_3421 : memref<8x256xf32, #tpu.memory_space<vmem>>[vector<16xi32>, vector<16xi32>], vector<16xf32>, vector<16xi1>
    %all_reduce_population_count3A_3436 = tpu.all_reduce %and3A_3421 {dim = 0 : i64, kind = #tpu.reduction_kind<sum>} : vector<16xi1> -> vector<16xi32>
    %add3A_3437 = arith.addi %add3A_3224, %all_reduce_population_count3A_3436 : vector<16xi32>
    %add3A_3438 = arith.constant 0 : i32
    %add3A_3439 = vector.broadcast %add3A_3438 : i32 to vector<16xi32>
    %add3A_3440 = arith.addi %broadcast_in_dim3A_3, %add3A_3439 : vector<16xi32>
    tpu.vector_store_idx %arg9[%add3A_3440], %add3A_3255 masked %eq3A_7 : memref<8xi32, #tpu.memory_space<vmem>>[vector<16xi32>], vector<16xi32>, vector<16xi1>
    %add3A_3441 = arith.constant 1 : i32
    %add3A_3442 = vector.broadcast %add3A_3441 : i32 to vector<16xi32>
    %add3A_3443 = arith.addi %broadcast_in_dim3A_3, %add3A_3442 : vector<16xi32>
    tpu.vector_store_idx %arg9[%add3A_3443], %add3A_3281 masked %eq3A_7 : memref<8xi32, #tpu.memory_space<vmem>>[vector<16xi32>], vector<16xi32>, vector<16xi1>
    %add3A_3444 = arith.constant 2 : i32
    %add3A_3445 = vector.broadcast %add3A_3444 : i32 to vector<16xi32>
    %add3A_3446 = arith.addi %broadcast_in_dim3A_3, %add3A_3445 : vector<16xi32>
    tpu.vector_store_idx %arg9[%add3A_3446], %add3A_3307 masked %eq3A_7 : memref<8xi32, #tpu.memory_space<vmem>>[vector<16xi32>], vector<16xi32>, vector<16xi1>
    %add3A_3447 = arith.constant 3 : i32
    %add3A_3448 = vector.broadcast %add3A_3447 : i32 to vector<16xi32>
    %add3A_3449 = arith.addi %broadcast_in_dim3A_3, %add3A_3448 : vector<16xi32>
    tpu.vector_store_idx %arg9[%add3A_3449], %add3A_3333 masked %eq3A_7 : memref<8xi32, #tpu.memory_space<vmem>>[vector<16xi32>], vector<16xi32>, vector<16xi1>
    %add3A_3450 = arith.constant 4 : i32
    %add3A_3451 = vector.broadcast %add3A_3450 : i32 to vector<16xi32>
    %add3A_3452 = arith.addi %broadcast_in_dim3A_3, %add3A_3451 : vector<16xi32>
    tpu.vector_store_idx %arg9[%add3A_3452], %add3A_3359 masked %eq3A_7 : memref<8xi32, #tpu.memory_space<vmem>>[vector<16xi32>], vector<16xi32>, vector<16xi1>
    %add3A_3453 = arith.constant 5 : i32
    %add3A_3454 = vector.broadcast %add3A_3453 : i32 to vector<16xi32>
    %add3A_3455 = arith.addi %broadcast_in_dim3A_3, %add3A_3454 : vector<16xi32>
    tpu.vector_store_idx %arg9[%add3A_3455], %add3A_3385 masked %eq3A_7 : memref<8xi32, #tpu.memory_space<vmem>>[vector<16xi32>], vector<16xi32>, vector<16xi1>
    %add3A_3456 = arith.constant 6 : i32
    %add3A_3457 = vector.broadcast %add3A_3456 : i32 to vector<16xi32>
    %add3A_3458 = arith.addi %broadcast_in_dim3A_3, %add3A_3457 : vector<16xi32>
    tpu.vector_store_idx %arg9[%add3A_3458], %add3A_3411 masked %eq3A_7 : memref<8xi32, #tpu.memory_space<vmem>>[vector<16xi32>], vector<16xi32>, vector<16xi1>
    %add3A_3459 = arith.constant 7 : i32
    %add3A_3460 = vector.broadcast %add3A_3459 : i32 to vector<16xi32>
    %add3A_3461 = arith.addi %broadcast_in_dim3A_3, %add3A_3460 : vector<16xi32>
    tpu.vector_store_idx %arg9[%add3A_3461], %add3A_3437 masked %eq3A_7 : memref<8xi32, #tpu.memory_space<vmem>>[vector<16xi32>], vector<16xi32>, vector<16xi1>
    "tpu.region"() ({
      %run_scoped3A = tpu.sem_alloc : memref<!tpu.dma_semaphore, #tpu.memory_space<semaphore_mem>>
      %dma_start3A = arith.constant 0 : i32
      %dma_start3A_3462 = tpu.memref_slice %arg4[%mul3A_2, %dma_start3A] : memref<256x256xf32, #tpu.memory_space<hbm>> -> memref<8x256xf32, #tpu.memory_space<hbm>>
      %dma_start3A_3463 = arith.constant 0 : i32
      %dma_start3A_3464 = tpu.memref_slice %arg4[%mul3A_2, %dma_start3A_3463] : memref<256x256xf32, #tpu.memory_space<hbm>> -> memref<8x256xf32, #tpu.memory_space<hbm>>
      tpu.enqueue_dma source(%arg8 : memref<8x256xf32, #tpu.memory_space<vmem>>) target(%dma_start3A_3464 : memref<8x256xf32, #tpu.memory_space<hbm>>) target_semaphore(%run_scoped3A : memref<!tpu.dma_semaphore, #tpu.memory_space<semaphore_mem>>)
      %dma_wait3A = arith.constant 0 : i32
      %dma_wait3A_3465 = tpu.memref_slice %arg4[%mul3A_2, %dma_wait3A] : memref<256x256xf32, #tpu.memory_space<hbm>> -> memref<8x256xf32, #tpu.memory_space<hbm>>
      %dma_wait3A_3466 = arith.constant 0 : i32
      %dma_wait3A_3467 = tpu.memref_slice %arg4[%mul3A_2, %dma_wait3A_3466] : memref<256x256xf32, #tpu.memory_space<hbm>> -> memref<8x256xf32, #tpu.memory_space<hbm>>
      tpu.wait_dma2 semaphore(%run_scoped3A : memref<!tpu.dma_semaphore, #tpu.memory_space<semaphore_mem>>) src(%arg8 : memref<8x256xf32, #tpu.memory_space<vmem>>) dst(%dma_wait3A_3467 : memref<8x256xf32, #tpu.memory_space<hbm>>)
      tpu.yield
    }) : () -> ()
    "tpu.region"() ({
      %run_scoped3A = tpu.sem_alloc : memref<!tpu.dma_semaphore, #tpu.memory_space<semaphore_mem>>
      %dma_start3A = tpu.memref_slice %arg5[%mul3A_2] : memref<256xi32, #tpu.memory_space<hbm>> -> memref<8xi32, #tpu.memory_space<hbm>>
      %dma_start3A_3462 = tpu.memref_slice %arg5[%mul3A_2] : memref<256xi32, #tpu.memory_space<hbm>> -> memref<8xi32, #tpu.memory_space<hbm>>
      tpu.enqueue_dma source(%arg9 : memref<8xi32, #tpu.memory_space<vmem>>) target(%dma_start3A_3462 : memref<8xi32, #tpu.memory_space<hbm>>) target_semaphore(%run_scoped3A : memref<!tpu.dma_semaphore, #tpu.memory_space<semaphore_mem>>)
      %dma_wait3A = tpu.memref_slice %arg5[%mul3A_2] : memref<256xi32, #tpu.memory_space<hbm>> -> memref<8xi32, #tpu.memory_space<hbm>>
      %dma_wait3A_3463 = tpu.memref_slice %arg5[%mul3A_2] : memref<256xi32, #tpu.memory_space<hbm>> -> memref<8xi32, #tpu.memory_space<hbm>>
      tpu.wait_dma2 semaphore(%run_scoped3A : memref<!tpu.dma_semaphore, #tpu.memory_space<semaphore_mem>>) src(%arg9 : memref<8xi32, #tpu.memory_space<vmem>>) dst(%dma_wait3A_3463 : memref<8xi32, #tpu.memory_space<hbm>>)
      tpu.yield
    }) : () -> ()
    return
  }
}

module attributes {stable_mosaic.version = 14 : i64} {
  func.func @_dist_kernel(%arg0: memref<256x128xf32, #tpu.memory_space<vmem>>, %arg1: memref<256x256xf32, #tpu.memory_space<vmem>>) attributes {dimension_semantics = [], scalar_prefetch = 0 : i64, scratch_operands = 0 : i64, tpu.core_type = #tpu.core_type<tc>} {
    %get3A = arith.constant 0 : index
    %get3A_0 = arith.constant 0 : index
    %get3A_1 = vector.load %arg0[%get3A, %get3A_0] : memref<256x128xf32, #tpu.memory_space<vmem>>, vector<256x128xf32>
    %dot_general3A = arith.constant dense<0.000000e+00> : vector<256x256xf32>
    %dot_general3A_2 = tpu.matmul %get3A_1, %get3A_1, %dot_general3A {dimension_numbers = #tpu.dot_dimension_numbers<[1], [1], [0], [0], [0, 0, 1, 0], [], []>, transpose_lhs_hint = false} : vector<256x128xf32>, vector<256x128xf32>, vector<256x256xf32> -> vector<256x256xf32>
    %mul3A = arith.mulf %get3A_1, %get3A_1 : vector<256x128xf32>
    %reduce_sum3A = arith.constant dense<0.000000e+00> : vector<256xf32>
    %reduce_sum3A_3 = vector.multi_reduction <add>, %mul3A, %reduce_sum3A [1] : vector<256x128xf32> to vector<256xf32>
    %broadcast_in_dim3A = vector.shape_cast %reduce_sum3A_3 : vector<256xf32> to vector<256x1xf32>
    %broadcast_in_dim3A_4 = vector.shape_cast %reduce_sum3A_3 : vector<256xf32> to vector<1x256xf32>
    %add3A = vector.broadcast %broadcast_in_dim3A : vector<256x1xf32> to vector<256x256xf32>
    %add3A_5 = vector.broadcast %broadcast_in_dim3A_4 : vector<1x256xf32> to vector<256x256xf32>
    %add3A_6 = arith.addf %add3A, %add3A_5 : vector<256x256xf32>
    %mul3A_7 = arith.constant 2.000000e+00 : f32
    %mul3A_8 = vector.broadcast %mul3A_7 : f32 to vector<256x256xf32>
    %mul3A_9 = arith.mulf %mul3A_8, %dot_general3A_2 : vector<256x256xf32>
    %sub3A = arith.subf %add3A_6, %mul3A_9 : vector<256x256xf32>
    %max3A = arith.constant 9.99999996E-13 : f32
    %max3A_10 = vector.broadcast %max3A : f32 to vector<256x256xf32>
    %max3A_11 = arith.maximumf %sub3A, %max3A_10 : vector<256x256xf32>
    %sqrt3A = math.sqrt %max3A_11 : vector<256x256xf32>
    %swap3A = arith.constant 0 : index
    %swap3A_12 = arith.constant 0 : index
    %swap3A_13 = vector.load %arg1[%swap3A, %swap3A_12] : memref<256x256xf32, #tpu.memory_space<vmem>>, vector<256x256xf32>
    tpu.vector_store %arg1[%swap3A, %swap3A_12], %sqrt3A {strides = array<i32>} : memref<256x256xf32, #tpu.memory_space<vmem>>, vector<256x256xf32>,
    return
  }
}

module attributes {stable_mosaic.version = 14 : i64} {
  func.func @_hinge_kernel(%arg0: memref<256x256xf32, #tpu.memory_space<vmem>>, %arg1: memref<256x256xf32, #tpu.memory_space<vmem>>, %arg2: memref<256x1xi32, #tpu.memory_space<vmem>>, %arg3: memref<1x256xi32, #tpu.memory_space<vmem>>, %arg4: memref<1x256xi32, #tpu.memory_space<vmem>>, %arg5: memref<1x1xf32, #tpu.memory_space<smem>>, %arg6: memref<256x256xf32, #tpu.memory_space<vmem>>) attributes {dimension_semantics = [], scalar_prefetch = 0 : i64, scratch_operands = 1 : i64, tpu.core_type = #tpu.core_type<tc>} {
    %get3A = arith.constant 0 : index
    %get3A_0 = arith.constant 0 : index
    %get3A_1 = vector.load %arg0[%get3A, %get3A_0] : memref<256x256xf32, #tpu.memory_space<vmem>>, vector<256x256xf32>
    %get3A_2 = arith.constant 0 : index
    %get3A_3 = arith.constant 0 : index
    %get3A_4 = vector.load %arg2[%get3A_2, %get3A_3] : memref<256x1xi32, #tpu.memory_space<vmem>>, vector<256x1xi32>
    %get3A_5 = arith.constant 0 : index
    %get3A_6 = arith.constant 0 : index
    %get3A_7 = vector.load %arg3[%get3A_5, %get3A_6] : memref<1x256xi32, #tpu.memory_space<vmem>>, vector<1x256xi32>
    %eq3A = vector.broadcast %get3A_4 : vector<256x1xi32> to vector<256x256xi32>
    %eq3A_8 = vector.broadcast %get3A_7 : vector<1x256xi32> to vector<256x256xi32>
    %eq3A_9 = arith.cmpi eq, %eq3A, %eq3A_8 : vector<256x256xi32>
    %jit3A = arith.constant 1.000000e+30 : f32
    %broadcast_in_dim3A = vector.broadcast %jit3A : f32 to vector<256x256xf32>
    %select_n3A = arith.select %eq3A_9, %broadcast_in_dim3A, %get3A_1 : vector<256x256xi1>, vector<256x256xf32>
    %get3A_10 = arith.constant 0 : index
    %get3A_11 = arith.constant 0 : index
    %get3A_12 = vector.load %arg4[%get3A_10, %get3A_11] : memref<1x256xi32, #tpu.memory_space<vmem>>, vector<1x256xi32>
    %iota3A = tpu.iota {dimensions = array<i32: 1>} : vector<256x256xi32>
    %transpose3A = tpu.transpose %get3A_12, [1, 0] : vector<1x256xi32> -> vector<256x1xi32>
    %lt3A = vector.broadcast %transpose3A : vector<256x1xi32> to vector<256x256xi32>
    %lt3A_13 = arith.cmpi slt, %iota3A, %lt3A : vector<256x256xi32>
    %get3A_14 = arith.constant 0 : index
    %get3A_15 = arith.constant 0 : index
    %get3A_16 = vector.load %arg1[%get3A_14, %get3A_15] : memref<256x256xf32, #tpu.memory_space<vmem>>, vector<256x256xf32>
    %jit3A_17 = arith.constant -1.000000e+30 : f32
    %broadcast_in_dim3A_18 = vector.broadcast %jit3A_17 : f32 to vector<256x256xf32>
    %select_n3A_19 = arith.select %lt3A_13, %get3A_16, %broadcast_in_dim3A_18 : vector<256x256xi1>, vector<256x256xf32>
    %iota3A_20 = tpu.iota {dimensions = array<i32: 0>} : vector<256x256xi32>
    %iota3A_21 = tpu.iota {dimensions = array<i32: 1>} : vector<256x256xi32>
    %eq3A_22 = arith.cmpi eq, %iota3A_20, %iota3A_21 : vector<256x256xi32>
    %convert_element_type3A = arith.extui %eq3A_22 : vector<256x256xi1> to vector<256x256xi32>
    %convert_element_type3A_23 = arith.sitofp %convert_element_type3A : vector<256x256xi32> to vector<256x256xf32>
    %dot_general3A = arith.constant dense<0.000000e+00> : vector<256x256xf32>
    %dot_general3A_24 = tpu.matmul %select_n3A_19, %convert_element_type3A_23, %dot_general3A {dimension_numbers = #tpu.dot_dimension_numbers<[0], [0], [1], [1], [0, 1, 1, 1], [], []>, transpose_lhs_hint = false} : vector<256x256xf32>, vector<256x256xf32>, vector<256x256xf32> -> vector<256x256xf32>
    %swap3A = arith.constant 0 : index
    %swap3A_25 = arith.constant 0 : index
    %swap3A_26 = vector.load %arg6[%swap3A, %swap3A_25] : memref<256x256xf32, #tpu.memory_space<vmem>>, vector<256x256xf32>
    tpu.vector_store %arg6[%swap3A, %swap3A_25], %dot_general3A_24 {strides = array<i32>} : memref<256x256xf32, #tpu.memory_space<vmem>>, vector<256x256xf32>,
    %reduce_max3A = vector.shape_cast %get3A_12 : vector<1x256xi32> to vector<1x1x256xi32>
    %reduce_max3A_27 = arith.constant dense<-2147483648> : vector<1xi32>
    %reduce_max3A_28 = vector.multi_reduction <maxsi>, %reduce_max3A, %reduce_max3A_27 [1, 2] : vector<1x1x256xi32> to vector<1xi32>
    %reduce_max3A_29 = vector.shape_cast %reduce_max3A_28 : vector<1xi32> to vector<1x1x1xi32>
    %reduce_max3A_30 = vector.extract %reduce_max3A_29[0, 0, 0] : i32 from vector<1x1x1xi32>
    %broadcast_in_dim3A_31 = arith.constant 0.000000e+00 : f32
    %broadcast_in_dim3A_32 = vector.broadcast %broadcast_in_dim3A_31 : f32 to vector<256x256xf32>
    %while3A = arith.constant 0.199999988 : f32
    %while3A_33 = arith.constant 0 : i32
    %while3A_34 = arith.subi %reduce_max3A_30, %while3A_33 : i32
    %while3A_35 = arith.addi %while3A_33, %while3A_34 : i32
    %while3A_36 = arith.constant 1 : i32
    %while3A_37 = arith.divsi %while3A_34, %while3A_36 : i32
    %while3A_38 = arith.muli %while3A_37, %while3A_36 : i32
    %while3A_39 = arith.addi %while3A_33, %while3A_38 : i32
    %while3A_40 = arith.constant 1 : i32
    %while3A_41 = scf.for %while3A_61 = %while3A_33 to %while3A_39 step %while3A_40 iter_args(%while3A_62 = %broadcast_in_dim3A_32) -> (vector<256x256xf32>)  : i32 {
      %get3A_63 = arith.index_cast %while3A_61 : i32 to index
      %get3A_64 = arith.constant 0 : index
      %get3A_65 = vector.load %arg6[%get3A_63, %get3A_64] : memref<256x256xf32, #tpu.memory_space<vmem>>, vector<1x256xf32>
      %add3A_66 = vector.broadcast %while3A : f32 to vector<1x256xf32>
      %add3A_67 = arith.addf %get3A_65, %add3A_66 : vector<1x256xf32>
      %sub3A_68 = vector.broadcast %add3A_67 : vector<1x256xf32> to vector<256x256xf32>
      %sub3A_69 = arith.subf %sub3A_68, %select_n3A : vector<256x256xf32>
      %max3A = arith.constant 0.000000e+00 : f32
      %max3A_70 = vector.broadcast %max3A : f32 to vector<256x256xf32>
      %max3A_71 = arith.maximumf %sub3A_69, %max3A_70 : vector<256x256xf32>
      %add3A_72 = arith.addf %while3A_62, %max3A_71 : vector<256x256xf32>
      scf.yield %add3A_72 : vector<256x256xf32>
    }
    %while3A_42 = arith.constant 1 : i32
    %while3A_43 = scf.for %while3A_61 = %while3A_39 to %while3A_35 step %while3A_42 iter_args(%while3A_62 = %while3A_41) -> (vector<256x256xf32>)  : i32 {
      %get3A_63 = arith.index_cast %while3A_61 : i32 to index
      %get3A_64 = arith.constant 0 : index
      %get3A_65 = vector.load %arg6[%get3A_63, %get3A_64] : memref<256x256xf32, #tpu.memory_space<vmem>>, vector<1x256xf32>
      %add3A_66 = vector.broadcast %while3A : f32 to vector<1x256xf32>
      %add3A_67 = arith.addf %get3A_65, %add3A_66 : vector<1x256xf32>
      %sub3A_68 = vector.broadcast %add3A_67 : vector<1x256xf32> to vector<256x256xf32>
      %sub3A_69 = arith.subf %sub3A_68, %select_n3A : vector<256x256xf32>
      %max3A = arith.constant 0.000000e+00 : f32
      %max3A_70 = vector.broadcast %max3A : f32 to vector<256x256xf32>
      %max3A_71 = arith.maximumf %sub3A_69, %max3A_70 : vector<256x256xf32>
      %add3A_72 = arith.addf %while3A_62, %max3A_71 : vector<256x256xf32>
      scf.yield %add3A_72 : vector<256x256xf32>
    }
    %convert_element_type3A_44 = arith.sitofp %get3A_12 : vector<1x256xi32> to vector<1x256xf32>
    %reduce_sum3A = vector.shape_cast %while3A_43 : vector<256x256xf32> to vector<1x256x256xf32>
    %reduce_sum3A_45 = arith.constant dense<0.000000e+00> : vector<1xf32>
    %reduce_sum3A_46 = vector.multi_reduction <add>, %reduce_sum3A, %reduce_sum3A_45 [1, 2] : vector<1x256x256xf32> to vector<1xf32>
    %reduce_sum3A_47 = vector.shape_cast %reduce_sum3A_46 : vector<1xf32> to vector<1x1x1xf32>
    %reduce_sum3A_48 = vector.extract %reduce_sum3A_47[0, 0, 0] : f32 from vector<1x1x1xf32>
    %sub3A = arith.constant 2.550000e+02 : f32
    %sub3A_49 = vector.broadcast %sub3A : f32 to vector<1x256xf32>
    %sub3A_50 = arith.subf %sub3A_49, %convert_element_type3A_44 : vector<1x256xf32>
    %mul3A = arith.mulf %convert_element_type3A_44, %sub3A_50 : vector<1x256xf32>
    %reduce_sum3A_51 = vector.shape_cast %mul3A : vector<1x256xf32> to vector<1x1x256xf32>
    %reduce_sum3A_52 = arith.constant dense<0.000000e+00> : vector<1xf32>
    %reduce_sum3A_53 = vector.multi_reduction <add>, %reduce_sum3A_51, %reduce_sum3A_52 [1, 2] : vector<1x1x256xf32> to vector<1xf32>
    %reduce_sum3A_54 = vector.shape_cast %reduce_sum3A_53 : vector<1xf32> to vector<1x1x1xf32>
    %reduce_sum3A_55 = vector.extract %reduce_sum3A_54[0, 0, 0] : f32 from vector<1x1x1xf32>
    %mul3A_56 = arith.constant 9.99999993E-9 : f32
    %mul3A_57 = arith.mulf %mul3A_56, %reduce_sum3A_55 : f32
    %add3A = arith.addf %reduce_sum3A_48, %mul3A_57 : f32
    %swap3A_58 = arith.constant 0 : index
    %swap3A_59 = arith.constant 0 : index
    %swap3A_60 = memref.load %arg5[%swap3A_58, %swap3A_59] : memref<1x1xf32, #tpu.memory_space<smem>>
    memref.store %add3A, %arg5[%swap3A_58, %swap3A_59] : memref<1x1xf32, #tpu.memory_space<smem>>
    return
  }
}

</mosaic_0001>

<sc_bundles>
// kernel: kernel.5.cloned.1.call-start
scs
__scs_entry_jumppad:
0x0: {  	(pc) =	sbr.rel $0x88, $3  }
0x1: {  	(tag) =	ssettag $0x0;
	lr =	simm.s32 $0x1  }
0x2: {  	[smem:$0x3F9F] =	sst lr;
	_ =	strace $0xD0000000  }
0x3: {  	_ = 	snop  }
0x4: {  	_ = 	snop  }
0x5: {  	_ = 	snop  }
0x6: {  	_ = 	snop  }
0x7: {  	_ = 	snop  }
__scs_overlays_trampoline_lowered:
0x8: {  	[smem:$0x3FAE] =	sst s0  }
0x9: {  	[smem:$0x3FAF] =	sst s1  }
0xa: {  	[smem:$0x3FB0] =	sst s2  }
0xb: {  	[smem:$0x3FB1] =	sst s3  }
0xc: {  	[smem:$0x3FB2] =	sst s4  }
0xd: {  	[smem:$0x3FB3] =	sst s5  }
0xe: {  	[smem:$0x3FB4] =	sst s6  }
0xf: {  	[smem:$0x3FB5] =	sst s7  }
0x10: {  	[smem:$0x3FB6] =	sst s8  }
0x11: {  	[smem:$0x3FB7] =	sst s9;
	s0 =	simm.s32 @!p0 $0x0  }
0x12: {  	s1 =	sld [smem:$0x3F9D];
	s0 =	simm.s32 @p0 $0x1  }
0x13: {  	[smem:$0x3FB8] =	sst s0;
	s0 =	simm.s32 @!p1 $0x0  }
0x14: {  	s2 =	sld [smem:$0x3F9C];
	s0 =	simm.s32 @p1 $0x1  }
0x15: {  	[smem:$0x3FB9] =	sst s0;
	s0 =	simm.s32 @!p2 $0x0  }
0x16: {  	s3 =	sld [smem:$0x3FDB];
	s0 =	simm.s32 @p2 $0x1  }
0x17: {  	s4 =	simm.s32 $0x1BF5;
	[smem:$0x3FBB] =	sst s0  }
0x18: {  	s0 =	sld [smem:$0x3F9E];
	_ =	swait.ge [sflag:s4], $0x0  }
0x19: {  	s7 =	sld [smem:$0x3F9F]  }
0x1a: {  	s8 =	sadd.s32 $0xFFFFE003, lr  }
0x1b: {  	s9 =	sadd.s32 $0xFFFFFEF7, lr;
	s5 =	simm.s32 $0xFFFFFFFF;
	p2 =	slt.u32 s8, $0xFFFFF086  }
0x1c: {  	p1 =	slt.u32 s9, $0xF7A;
	s5 =	simm.s32 @!p2 $0x0  }
0x1d: {  	s5 =	simm.s32 @p1 $0x1;
	p0 =	seq.s32 s7, s2  }
0x1e: {  	s7 =	smul.u32 @!p0 $0xF7A, s2;
	p2 =	seq.s32 @!p0 s5, $0x0  }
0x1f: {  	s9 =	smul.u32 $0xF7A, s1;
	s8 =	simm.s32 @!p0 $0x1BF5;
	p2 =	por !p2, p0  }
0x20: {  	[sflag:s8] =	ssyncset.s32 @!p0 $0xFFFFF086;
	s6 =	sadd.s32 @!p0 s3, s7;
	s7 =	simm.s32 @!p0 $0x108  }
0x21: {  	s3 =	sadd.s32 s3, s9;
	s6 =	sadd.s32 @!p0 $0x88, s6;
	s7 =	simm.s32 @p2 $0x1082  }
0x22: {  	[simem:s7], [sflag:s8] =	dma.local @!p0 [hbm:s6], $0xF7A  }
0x23: {  	s9 =	sor.u32 $0xD0000000, s2;
	s6 =	simm.s32 $0x108;
	_ =	swait.ge @!p0 [sflag:s8], $0x0  }
0x24: {  	s3 =	sadd.s32 $0x88, s3;
	s6 =	simm.s32 @!p1 $0x1082;
	[sflag:s4] =	ssyncset.s32 $0xFFFFF086  }
0x25: {  	[simem:s6], [sflag:s4] =	dma.local [hbm:s3], $0xF7A  }
0x26: {  	[smem:$0x3F9F] =	sst s1;
	(tag) =	ssettag s2;
	_ =	strace s9  }
0x27: {  	s1 =	sld [smem:$0x3FAF]  }
0x28: {  	s2 =	sld [smem:$0x3FB0]  }
0x29: {  	s4 =	sld [smem:$0x3FB2]  }
0x2a: {  	p0 =	seq.s32 s5, $0x0;
	s5 =	sld [smem:$0x3FB3]  }
0x2b: {  	s6 =	sld [smem:$0x3FB4]  }
0x2c: {  	s7 =	sld [smem:$0x3FB5]  }
0x2d: {  	s3 =	simm.s32 $0x108;
	s8 =	sld [smem:$0x3FB6]  }
0x2e: {  	s3 =	simm.s32 @!p0 $0x1082;
	s9 =	sld [smem:$0x3FB7]  }
0x2f: {  	lr =	sadd.s32 s0, s3;
	s0 =	sld [smem:$0x3FAE]  }
0x30: {  	s3 =	sld [smem:$0x3FB1]  }
0x31: {  	[smem:$0x3FBA] =	sst s10  }
0x32: {  	s10 =	sld [smem:$0x3FB8];
	_ =	sdelay $0x3  }
0x33: {  	p0 =	seq.s32 s10, $0x1;
	s10 =	sld [smem:$0x3FBA];
	_ =	sdelay $0x3  }
0x34: {  	[smem:$0x3FBA] =	sst s10  }
0x35: {  	s10 =	sld [smem:$0x3FB9];
	_ =	sdelay $0x3  }
0x36: {  	p1 =	seq.s32 s10, $0x1;
	s10 =	sld [smem:$0x3FBA];
	_ =	sdelay $0x3  }
0x37: {  	[smem:$0x3FBA] =	sst s10  }
0x38: {  	s10 =	sld [smem:$0x3FBB]  }
0x39: {  	_ = 	snop;
	(pc) =	sbr.ind lr, $3  }
0x3a: {  	_ = 	snop  }
0x3b: {  	_ = 	snop  }
0x3c: {  	p2 =	seq.s32 s10, $0x1;
	s10 =	sld [smem:$0x3FBA]  }
0x3d: {  	_ =	shalt  }
0x3e: {  	_ =	shalt  }
0x3f: {  	_ =	shalt  }
0x40: {  	_ =	shalt  }
0x41: {  	_ =	shalt  }
0x42: {  	_ =	shalt  }
0x43: {  	_ =	shalt  }
0x44: {  	_ =	shalt  }
0x45: {  	_ =	shalt  }
0x46: {  	_ =	shalt  }
0x47: {  	_ =	shalt  }
0x48: {  	_ =	shalt  }
0x49: {  	_ =	shalt  }
0x4a: {  	_ =	shalt  }
0x4b: {  	_ =	shalt  }
0x4c: {  	_ =	shalt  }
0x4d: {  	_ =	shalt  }
0x4e: {  	_ =	shalt  }
0x4f: {  	_ =	shalt  }
0x50: {  	_ =	shalt  }
0x51: {  	_ =	shalt  }
0x52: {  	_ =	shalt  }
0x53: {  	_ =	shalt  }
0x54: {  	_ =	shalt  }
0x55: {  	_ =	shalt  }
0x56: {  	_ =	shalt  }
0x57: {  	_ =	shalt  }
0x58: {  	_ =	shalt  }
0x59: {  	_ =	shalt  }
0x5a: {  	_ =	shalt  }
0x5b: {  	_ =	shalt  }
0x5c: {  	_ =	shalt  }
0x5d: {  	_ =	shalt  }
0x5e: {  	_ =	shalt  }
0x5f: {  	_ =	shalt  }
0x60: {  	_ =	shalt  }
0x61: {  	_ =	shalt  }
0x62: {  	_ =	shalt  }
0x63: {  	_ =	shalt  }
0x64: {  	_ =	shalt  }
0x65: {  	_ =	shalt  }
0x66: {  	_ =	shalt  }
0x67: {  	_ =	shalt  }
0x68: {  	_ =	shalt  }
0x69: {  	_ =	shalt  }
0x6a: {  	_ =	shalt  }
0x6b: {  	_ =	shalt  }
0x6c: {  	_ =	shalt  }
0x6d: {  	_ =	shalt  }
0x6e: {  	_ =	shalt  }
0x6f: {  	_ =	shalt  }
0x70: {  	_ =	shalt  }
0x71: {  	_ =	shalt  }
0x72: {  	_ =	shalt  }
0x73: {  	_ =	shalt  }
0x74: {  	_ =	shalt  }
0x75: {  	_ =	shalt  }
0x76: {  	_ =	shalt  }
0x77: {  	_ =	shalt  }
0x78: {  	_ =	shalt  }
0x79: {  	_ =	shalt  }
0x7a: {  	_ =	shalt  }
0x7b: {  	_ =	shalt  }
0x7c: {  	_ =	shalt  }
0x7d: {  	_ =	shalt  }
0x7e: {  	_ =	shalt  }
0x7f: {  	_ =	shalt  }
0x80: {  	_ =	shalt  }
0x81: {  	_ =	shalt  }
0x82: {  	_ =	shalt  }
0x83: {  	_ =	shalt  }
0x84: {  	_ =	shalt  }
0x85: {  	_ =	shalt  }
0x86: {  	_ =	shalt  }
0x87: {  	_ =	shalt  }
.Lfunc_end0:
.L_simem_size_0:
called_computation_lowered:
.L_overlay_start_0:
0x88: {  	s2 =	sld [smem:$0x3FD9]  }
0x89: {  	s3 =	sld [smem:$0x3FFE];
	_ =	sdelay $0x1  }
0x8a: {  	s1 =	srdreg.scid  }
0x8b: {  	s0 =	sand.u32 $0x1, s1  }
0x8c: {  	s17 =	sshll.u32 s0, $0xA;
	s2 =	sadd.s32 s3, s2  }
0x8d: {  	s2 =	sadd.s32 s2, s17  }
0x8e: {  	[smem:$0x3FC6] =	sst s2  }
0x8f: {  	_ = 	snop  }
0x90: {  	s2 =	sld [smem:$0x3FC8];
	(tm) =	ssettm $0x1  }
0x91: {  	s18 =	sld [smem:$0x3FFB];
	_ =	sdelay $0x3  }
0x92: {  	_ =	strace s18  }
0x93: {  	s3 =	sld [smem:$0x3FFC];
	_ =	sdelay $0x3  }
0x94: {  	_ =	strace s3  }
0x95: {  	s3 =	sld [smem:$0x3FFD];
	_ =	sdelay $0x3  }
0x96: {  	_ =	strace s3  }
0x97: {  	_ =	strace $0x8FFFFFFF  }
0x98: {  	s19 =	sld [smem:$0x3FDB];
	_ =	sdelay $0x1  }
0x99: {  	s4 =	simm.s32 $_scs_section_size  }
0x9a: {  	s5 =	simm.s32 $_size__tile_overlayer_lowered;
	s6 =	simm.s32 $_tile_overlayer_lowered  }
0x9b: {  	s22 =	simm.s32 $0x1BFF;
	s21 =	sshll.u32 s6, $0x1;
	s3 =	sadd.s32 s4, s19  }
0x9c: {  	s7 =	simm.s32 $0x0;
	s20 =	sshll.u32 s5, $0x1;
	s5 =	sadd.s32 s21, s3  }
0x9d: {  	[timem:s7], [sflag:s22] =	dma.local [hbm:s5], s20  }
0x9e: {  	_ =	swait.ge [sflag:s22], s20  }
0x9f: {  	s4 =	ssub.s32 $0x0, s20;
	[sflag:s22] =	ssyncset.done $0x0  }
0xa0: {  	[sflag:s22] =	ssyncadd.s32 s4;
	_ =	sdelay $0x1  }
0xa1: {  	s23 =	simm.s32 $0x1B8B  }
0xa2: {  	_ =	swait.ge [sflag:s23], $0x1  }
0xa3: {  	[sflag:s23] =	ssyncset.done $0x0  }
0xa4: {  	s25 =	simm.s32 $0x1B8E;
	s24 =	sld [smem:$0x3FFE];
	[sflag:s23] =	ssyncadd.s32 $0xFFFFFFFF  }
0xa5: {  	s26 =	simm.s32 $execute0_lowered;
	[smem:$0x3FD2] =	sst s25  }
0xa6: {  	s5 =	sshll.u32 s26, $0x1;
	_ =	strace $0x80000046;
	[dreg:$0x1] =	wrdreg $0xFFFFFFFF  }
0xa7: {  	s28 =	simm.s32 $_size_execute0_lowered;
	s3 =	sadd.s32 s3, s5;
	[dreg:$0x0] =	wrdreg $0x0  }
0xa8: {  	s5 =	sshll.u32 s28, $0x1;
	[dreg:$0x2] =	wrdreg s3  }
0xa9: {  	[dreg:$0x3] =	wrdreg s5  }
0xaa: {  	[dreg:$0x4] =	wrdreg $0xC0  }
0xab: {  	_ =	task [dreg:s7], $0x5FFFF  }
0xac: {  	[dreg:$0x1] =	wrdreg $0xFFFFFFFF  }
0xad: {  	[dreg:$0x0] =	wrdreg $0x60  }
0xae: {  	[dreg:$0x2] =	wrdreg s24  }
0xaf: {  	[dreg:$0x3] =	wrdreg s2  }
0xb0: {  	[dreg:$0x4] =	wrdreg $0x9  }
0xb1: {  	_ =	task.clear_ibuf [dreg:s7], $0x5FFFF;
	_ =	strace $0x90000046  }
0xb2: {  	s29 =	simm.s32 $0x9;
	_ =	strace $0x80000048  }
0xb3: {  	_ =	swait.ge [sflag:s29], $0x1  }
0xb4: {  	[sflag:s29] =	ssyncadd.s32 $0xFFFFFFFF  }
0xb5: {  	_ =	strace $0x90000048  }
0xb6: {  	_ =	sfence  }
0xb7: {  	s30 =	sld [smem:$0x0];
	_ =	sdelay $0x2  }
0xb8: {  	s31 =	sshll.u32 s1, $0xD;
	s1 =	sshrl.u32 s1, $0x2  }
0xb9: {  	s3 =	sand.u32 $0x4000, s31;
	s1 =	sadd.s32 s1, s30  }
0xba: {  	s0 =	sor.u32 s3, s0;
	s1 =	sshll.u32 s1, $0x11  }
0xbb: {  	s0 =	sor.u32 s1, s0  }
0xbc: {  	s0 =	sadd.s32 $0x8F2B, s0  }
0xbd: {  	[sflag:s0] =	ssyncadd.remote.s32 $0x1  }
0xbe: {  	_ =	sfence.sel $0xFFFF  }
0xbf: {  	[dreg:$0x0] =	wrdreg $0xFFFFFFFF;
	(pc) =	sbr.abs _section_cstart, $3  }
0xc0: {  	[dreg:$0x1] =	wrdreg $0xFFFFFFFF  }
0xc1: {  	_ =	task.clear_ibuf [dreg:s7], $0x2FFFF;
	_ =	strace $0x9FFFFFFF  }
0xc2: {  	(tm) =	ssettm $0x7FFFFFFF  }
0xc3: {  	_ =	shalt  }
tec
execute0_lowered:
.L_overlay_start_1:
0x0: {  	(tag) =	ssettag $0x1  }
0x1: {  	s1 =	srdreg.scid  }
0x2: {  	s0 =	stileid.u32;
	s4 =	sand.u32 $0x1, s1  }
0x3: {  	s30 =	sshll.u32 s0, $0x4;
	s2 =	sshll.u32 s4, $0x3  }
0x4: {  	s5 =	sor.u32 s2, s30  }
0x5: {  	v6 =	vlaneseq.u32;
	v0 =	vmov s5  }
0x6: {  	v9 =	vor.u32 $0xF0, v6;
	v8 =	vor.u32 $0x7, v0  }
0x7: {  	v10 =	vimm.s32 $0x0;
	vm0 =	vne.s32 v8, v9  }
0x8: {  	v7 =	vor.u32 $0x6, v0;
	v10 =	vsel vm0, $0xFFFFFFFF, v10  }
0x9: {  	vm8 =	vne.s32 v7, v9;
	[tilespmem:$0x1FE30] =	vst v10;
	v10 =	vimm.s32 $0x0  }
0xa: {  	v5 =	vor.u32 $0x5, v0;
	v10 =	vsel vm8, $0xFFFFFFFF, v10  }
0xb: {  	vm9 =	vne.s32 v5, v9;
	[tilespmem:$0x1FE40] =	vst v10;
	v10 =	vimm.s32 $0x0  }
0xc: {  	v4 =	vor.u32 $0x4, v0;
	v10 =	vsel vm9, $0xFFFFFFFF, v10  }
0xd: {  	vm10 =	vne.s32 v4, v9;
	[tilespmem:$0x1FE50] =	vst v10;
	v10 =	vimm.s32 $0x0  }
0xe: {  	v3 =	vor.u32 $0x3, v0;
	v10 =	vsel vm10, $0xFFFFFFFF, v10  }
0xf: {  	v20 =	vimm.s32 $0x0;
	vm11 =	vne.s32 v3, v9;
	[tilespmem:$0x1FE60] =	vst v10;
	v10 =	vimm.s32 $0x0  }
0x10: {  	v1 =	vor.u32 $0x1, v0;
	v2 =	vor.u32 $0x2, v0;
	v10 =	vsel vm11, $0xFFFFFFFF, v10  }
0x11: {  	vm6 =	vne.s32 v0, v9;
	vm4 =	vne.s32 v2, v9;
	[tilespmem:$0x1FE70] =	vst v10;
	v10 =	vimm.s32 $0x0  }
0x12: {  	vm5 =	vne.s32 v1, v9;
	v9 =	vimm.s32 $0x0;
	v10 =	vsel vm4, $0xFFFFFFFF, v10  }
0x13: {  	v21 =	vimm.s32 $0x3;
	v9 =	vsel vm6, $0xFFFFFFFF, v9;
	[tilespmem:$0x1FE80] =	vst v10;
	v10 =	vimm.s32 $0x0  }
0x14: {  	v22 =	vimm.s32 $0x1;
	[tilespmem:$0x1FEA0] =	vst v9;
	v9 =	vor.u32 $0xE0, v6;
	v10 =	vsel vm5, $0xFFFFFFFF, v10  }
0x15: {  	v23 =	vimm.s32 $0x2;
	vm7 =	vne.s32 v8, v9;
	[tilespmem:$0x1FE90] =	vst v10;
	v10 =	vimm.s32 $0x0  }
0x16: {  	v24 =	vimm.s32 $0x4;
	v25 =	vimm.s32 $0x5;
	v10 =	vsel vm7, $0xFFFFFFFF, v10  }
0x17: {  	v26 =	vimm.s32 $0x6;
	vm8 =	vne.s32 v7, v9;
	[tilespmem:$0x1FEB0] =	vst v10;
	v10 =	vimm.s32 $0x0  }
0x18: {  	v27 =	vimm.s32 $0x7;
	v30 =	vimm.s32 $0x0;
	v10 =	vsel vm8, $0xFFFFFFFF, v10  }
0x19: {  	v58 =	vimm.s32 $0x0;
	vm9 =	vne.s32 v5, v9;
	[tilespmem:$0x1FEC0] =	vst v10;
	v10 =	vimm.s32 $0x0  }
0x1a: {  	v59 =	vimm.s32 $0x0;
	v60 =	vimm.s32 $0x0;
	v10 =	vsel vm9, $0xFFFFFFFF, v10  }
0x1b: {  	v61 =	vimm.s32 $0x0;
	vm10 =	vne.s32 v4, v9;
	[tilespmem:$0x1FED0] =	vst v10;
	v10 =	vimm.s32 $0x0  }
0x1c: {  	v28 =	vor.u32 $0xD0, v6;
	vm6 =	vne.s32 v0, v9;
	v10 =	vsel vm10, $0xFFFFFFFF, v10  }
0x1d: {  	vm11 =	vne.s32 v3, v9;
	vm4 =	vne.s32 v2, v9;
	[tilespmem:$0x1FEE0] =	vst v10;
	v10 =	vimm.s32 $0x0  }
0x1e: {  	vm5 =	vne.s32 v1, v9;
	v9 =	vimm.s32 $0x0;
	v10 =	vsel vm11, $0xFFFFFFFF, v10  }
0x1f: {  	v9 =	vsel vm6, $0xFFFFFFFF, v9;
	vm7 =	vne.s32 v8, v28;
	[tilespmem:$0x1FEF0] =	vst v10;
	v10 =	vimm.s32 $0x0  }
0x20: {  	vm6 =	vne.s32 v0, v28;
	v30 =	vsel vm7, $0xFFFFFFFF, v30;
	v10 =	vsel vm4, $0xFFFFFFFF, v10  }
0x21: {  	s6 =	rddreg [dreg:$0x0];
	vm8 =	vne.s32 v7, v28;
	vm9 =	vne.s32 v5, v28;
	[tilespmem:$0x1FF00] =	vst v10;
	v10 =	vimm.s32 $0x0  }
0x22: {  	s3 =	simm.s32 $0x0;
	s1 =	rddreg [dreg:$0x2];
	[tilespmem:$0x1FF20] =	vst v9;
	vm10 =	vne.s32 v4, v28;
	vm11 =	vne.s32 v3, v28;
	v10 =	vsel vm5, $0xFFFFFFFF, v10  }
0x23: {  	[smem:$0x7FF] =	sst s3;
	vm4 =	vne.s32 v2, v28;
	vm5 =	vne.s32 v1, v28;
	v28 =	vimm.s32 $0x0;
	[tilespmem:$0x1FF10] =	vst v10  }
0x24: {  	v62 =	vimm.s32 $0x0;
	v63 =	vimm.s32 $0x0;
	s2 =	rddreg [dreg:$0x1];
	v28 =	vsel vm6, $0xFFFFFFFF, v28;
	_ =	strace $0x80000047;
	[tilespmem:$0x1FF30] =	vst v30  }
0x25: {  	v29 =	vor.u32 $0xC0, v6;
	v11 =	vor.u32 $0x90, v6;
	v30 =	vsel vm8, $0xFFFFFFFF, v58;
	[tilespmem:$0x1FFA0] =	vst v28  }
0x26: {  	vm7 =	vne.s32 v8, v29;
	v28 =	vimm.s32 $0x0;
	[tilespmem:$0x1FF40] =	vst v30;
	v30 =	vsel vm9, $0xFFFFFFFF, v59  }
0x27: {  	v12 =	vor.u32 $0x80, v6;
	v13 =	vor.u32 $0x70, v6;
	v28 =	vsel vm7, $0xFFFFFFFF, v28;
	[tilespmem:$0x1FF50] =	vst v30  }
0x28: {  	vm8 =	vne.s32 v7, v29;
	v30 =	vsel vm10, $0xFFFFFFFF, v60;
	[tilespmem:$0x1FFB0] =	vst v28;
	v28 =	vimm.s32 $0x0  }
0x29: {  	v14 =	vor.u32 $0x60, v6;
	v15 =	vor.u32 $0x50, v6;
	[tilespmem:$0x1FF60] =	vst v30;
	v28 =	vsel vm8, $0xFFFFFFFF, v28  }
0x2a: {  	vm9 =	vne.s32 v5, v29;
	v30 =	vsel vm11, $0xFFFFFFFF, v61;
	[tilespmem:$0x1FFC0] =	vst v28;
	v28 =	vimm.s32 $0x0  }
0x2b: {  	v16 =	vor.u32 $0x40, v6;
	v17 =	vor.u32 $0x30, v6;
	[tilespmem:$0x1FF70] =	vst v30;
	v28 =	vsel vm9, $0xFFFFFFFF, v28  }
0x2c: {  	s9 =	simm.s32 $0x1;
	s10 =	simm.s32 $0x900;
	s4 =	ssub.s32 $0x2, s4;
	vm10 =	vne.s32 v4, v29;
	v30 =	vsel vm4, $0xFFFFFFFF, v62;
	[tilespmem:$0x1FFD0] =	vst v28;
	v28 =	vimm.s32 $0x0  }
0x2d: {  	s11 =	simm.s32 $0x1100;
	v18 =	vor.u32 $0x20, v6;
	v19 =	vor.u32 $0x10, v6;
	s31 =	sshrl.u32 s4, $0x1;
	s7 =	sshll.u32 s5, $0x5;
	[tilespmem:$0x1FF80] =	vst v30;
	v28 =	vsel vm10, $0xFFFFFFFF, v28  }
0x2e: {  	s5 =	sshrl.u32 s5, $0x3;
	s8 =	ssub.s32 s4, s31;
	s7 =	sadd.s32 s7, s6;
	vm11 =	vne.s32 v3, v29;
	v30 =	vsel vm5, $0xFFFFFFFF, v63;
	[tilespmem:$0x1FFE0] =	vst v28;
	v28 =	vimm.s32 $0x0  }
0x2f: {  	s6 =	sadd.s32 s5, s6;
	vm15 =	vne.s32 v0, v29;
	s4 =	sadd.s32 $0x1400, s7;
	s5 =	sadd.s32 $0x3600, s7;
	vm13 =	vne.s32 v2, v29;
	[tilespmem:$0x1FF90] =	vst v30;
	v28 =	vsel vm11, $0xFFFFFFFF, v28  }
0x30: {  	s6 =	sadd.s32 $0x3400, s6;
	s7 =	smax.u32 s8, $0x1;
	s8 =	simm.s32 $0x800;
	vm14 =	vne.s32 v1, v29;
	v9 =	vor.u32 $0xB0, v6;
	v10 =	vor.u32 $0xA0, v6;
	[tilespmem:$0x1FFF0] =	vst v28  }
.LBB2_1:
0x31: {  	[tilespmem:s8], [sflag:$0x1] =	stream.linear.gather [hbm4b:s2+s3], $0x100, $0x38;
	[tilespmem:$0x1180] =	vst v63  }
0x32: {  	_ =	swait.ge [sflag:s9], $0x100  }
0x33: {  	[sflag:s9] =	ssyncset.done $0x0  }
0x34: {  	[sflag:s9] =	ssyncadd.s32 $0xFFFFFF00  }
0x35: {  	[tilespmem:s3], [sflag:$0x1] =	stream.linear.gather [hbm4b:s4+s3], $0x800, $0x38;
	[tilespmem:$0x1180] =	vst v63  }
0x36: {  	_ =	swait.ge [sflag:s9], $0x800  }
0x37: {  	[sflag:s9] =	ssyncset.done $0x0  }
0x38: {  	[sflag:s9] =	ssyncadd.s32 $0xFFFFF800  }
0x39: {  	v35 =	vld.idx.msk [tilespmem:v0+s8+$0x0], $0xffff  }
0x3a: {  	v36 =	vld [tilespmem:$0x800];
	_ =	sdelay $0x3  }
0x3b: {  	v34 =	vld.idx.msk [tilespmem:v1+s8+$0x0], $0xffff  }
0x3c: {  	vm0 =	vne.s32 v0, v6;
	vm1 =	veq.s32 v36, v35  }
0x3d: {  	vm1 =	vmand vm0, vm1  }
0x3e: {  	v28 =	vsel vm1, $0x1, v20  }
0x3f: {  	(xrf0) =	vadd.scan.msk.s32 $0xffff, v28  }
0x40: {  	vm6 =	vne.s32 v1, v6;
	vm2 =	veq.s32 v36, v34  }
0x41: {  	vm8 =	vmand vm6, vm2  }
0x42: {  	v28 =	vsel vm8, $0x1, v20  }
0x43: {  	v33 =	vld.idx.msk [tilespmem:v2+s8+$0x0], $0xffff;
	_ =	sdelay $0x1  }
0x44: {  	(xrf0) =	vadd.scan.msk.s32 $0xffff, v28;
	v28, _, _ =	vpop (xrf0)  }
0x45: {  	v28 =	vadd.s32 $0xFFFFFFFF, v28  }
0x46: {  	vm7 =	vne.s32 v2, v6;
	v28 =	vnsel vm1, $0x0, v28  }
0x47: {  	vm9 =	veq.s32 v36, v33;
	v29 =	vshll.u32 v28, $0x3;
	v28 =	vand.u32 $0x7F, v28  }
0x48: {  	v32 =	vld.idx.msk [tilespmem:v3+s8+$0x0], $0xffff;
	vm0 =	vmand vm7, vm9  }
0x49: {  	v30 =	vsel vm0, $0x1, v20;
	v29 =	vand.u32 $0xFFFFFC00, v29  }
0x4a: {  	v37 =	vld [tilespmem:$0x0];
	v38 =	vor.u32 v28, v29;
	v28, _, _ =	vpop (xrf0);
	(xrf0) =	vadd.scan.msk.s32 $0xffff, v30  }
0x4b: {  	v28 =	vadd.s32 $0xFFFFFFFF, v28  }
0x4c: {  	v31 =	vld.idx.msk [tilespmem:v4+s8+$0x0], $0xffff;
	v39 =	vnsel vm8, $0x0, v28  }
0x4d: {  	vm10 =	vne.s32 v3, v6;
	vm3 =	veq.s32 v36, v32;
	v29 =	vld.idx.msk [tilespmem:v7+s8+$0x0], $0xffff;
	v40 =	vshll.u32 v39, $0x3  }
0x4e: {  	vm2 =	vmand vm10, vm3;
	v30 =	vld.idx.msk [tilespmem:v5+s8+$0x0], $0xffff;
	v39 =	vand.u32 $0x7F, v39;
	v40 =	vand.u32 $0xFFFFFC00, v40  }
0x4f: {  	v46 =	vsel vm2, $0x1, v20;
	v28 =	vld.idx.msk [tilespmem:v8+s8+$0x0], $0xffff;
	[tilespmem:v38+s10+$0x0] =	vst.idx.msk vm1, v37;
	v45 =	vor.u32 v40, v39  }
0x50: {  	v47 =	vld [tilespmem:$0x80];
	v37 =	vor.u32 $0x80, v45;
	v48, _, _ =	vpop (xrf0);
	(xrf0) =	vadd.scan.msk.s32 $0xffff, v46  }
0x51: {  	v49 =	vadd.s32 $0xFFFFFFFF, v48  }
0x52: {  	v38 =	vnsel vm0, $0x0, v49  }
0x53: {  	vm11 =	vne.s32 v4, v6;
	vm4 =	veq.s32 v36, v31;
	v50 =	vshll.u32 v38, $0x3  }
0x54: {  	vm3 =	vmand vm11, vm4;
	v38 =	vand.u32 $0x7F, v38;
	v40 =	vand.u32 $0xFFFFFC00, v50  }
0x55: {  	v52 =	vsel vm3, $0x1, v20;
	[tilespmem:v37+s10+$0x0] =	vst.idx.msk vm8, v47;
	v51 =	vor.u32 v40, v38  }
0x56: {  	v39 =	vld [tilespmem:$0x100];
	v37 =	vor.u32 $0x100, v51;
	v53, _, _ =	vpop (xrf0);
	(xrf0) =	vadd.scan.msk.s32 $0xffff, v52  }
0x57: {  	v54 =	vadd.s32 $0xFFFFFFFF, v53  }
0x58: {  	v38 =	vnsel vm2, $0x0, v54  }
0x59: {  	vm9 =	vne.s32 v5, v6;
	vm5 =	veq.s32 v36, v30;
	v55 =	vshll.u32 v38, $0x3  }
0x5a: {  	vm5 =	vmand vm9, vm5;
	v38 =	vand.u32 $0x7F, v38;
	v40 =	vand.u32 $0xFFFFFC00, v55  }
0x5b: {  	v57 =	vsel vm5, $0x1, v20;
	[tilespmem:v37+s10+$0x0] =	vst.idx.msk vm0, v39;
	v56 =	vor.u32 v40, v38  }
0x5c: {  	v39 =	vld [tilespmem:$0x180];
	v37 =	vor.u32 $0x180, v56;
	v58, _, _ =	vpop (xrf0);
	(xrf0) =	vadd.scan.msk.s32 $0xffff, v57  }
0x5d: {  	v59 =	vadd.s32 $0xFFFFFFFF, v58  }
0x5e: {  	v38 =	vnsel vm3, $0x0, v59  }
0x5f: {  	vm10 =	vne.s32 v7, v6;
	vm6 =	veq.s32 v36, v29;
	v60 =	vshll.u32 v38, $0x3  }
0x60: {  	vm7 =	vmand vm10, vm6;
	v38 =	vand.u32 $0x7F, v38;
	v40 =	vand.u32 $0xFFFFFC00, v60  }
0x61: {  	v62 =	vsel vm7, $0x1, v20;
	[tilespmem:v37+s10+$0x0] =	vst.idx.msk vm2, v39;
	v61 =	vor.u32 v40, v38  }
0x62: {  	v39 =	vld [tilespmem:$0x200];
	v37 =	vor.u32 $0x200, v61;
	v63, _, _ =	vpop (xrf0);
	(xrf0) =	vadd.scan.msk.s32 $0xffff, v62  }
0x63: {  	v44 =	vadd.s32 $0xFFFFFFFF, v63  }
0x64: {  	v38 =	vnsel vm5, $0x0, v44  }
0x65: {  	vm11 =	vne.s32 v8, v6;
	vm9 =	veq.s32 v36, v28;
	v45 =	vshll.u32 v38, $0x3  }
0x66: {  	vm6 =	vmand vm11, vm9;
	v46 =	vand.u32 $0x7F, v38;
	v47 =	vand.u32 $0xFFFFFC00, v45  }
0x67: {  	v48 =	vsel vm6, $0x1, v20;
	[tilespmem:v37+s10+$0x0] =	vst.idx.msk vm3, v39;
	v36 =	vor.u32 v47, v46  }
0x68: {  	v49 =	vld [tilespmem:$0x280];
	v36 =	vor.u32 $0x280, v36;
	v50, _, _ =	vpop (xrf0);
	(xrf0) =	vadd.scan.msk.s32 $0xffff, v48  }
0x69: {  	v51 =	vadd.s32 $0xFFFFFFFF, v50  }
0x6a: {  	v37 =	vnsel vm7, $0x0, v51  }
0x6b: {  	v52 =	vshll.u32 v37, $0x3  }
0x6c: {  	v37 =	vand.u32 $0x7F, v37;
	v39 =	vand.u32 $0xFFFFFC00, v52  }
0x6d: {  	[tilespmem:v36+s10+$0x0] =	vst.idx.msk vm5, v49;
	v53 =	vor.u32 v39, v37  }
0x6e: {  	v54 =	vld [tilespmem:$0x300];
	v36 =	vor.u32 $0x300, v53;
	v55, _, _ =	vpop (xrf0)  }
0x6f: {  	v38 =	vadd.s32 $0xFFFFFFFF, v55  }
0x70: {  	v38 =	vnsel vm6, $0x0, v38  }
0x71: {  	v56 =	vshll.u32 v38, $0x3  }
0x72: {  	v38 =	vand.u32 $0x7F, v38;
	v39 =	vand.u32 $0xFFFFFC00, v56  }
0x73: {  	[tilespmem:v36+s10+$0x0] =	vst.idx.msk vm7, v54;
	v57 =	vor.u32 v39, v38  }
0x74: {  	v37 =	vld [tilespmem:$0x380];
	v36 =	vor.u32 $0x380, v57;
	_ =	sdelay $0x4  }
0x75: {  	[tilespmem:v36+s10+$0x0] =	vst.idx.msk vm6, v37  }
0x76: {  	v36 =	vld [tilespmem:$0x810];
	_ =	sdelay $0x4  }
0x77: {  	vm4 =	vne.s32 v0, v19;
	vm9 =	veq.s32 v36, v35  }
0x78: {  	vm9 =	vmand vm4, vm9  }
0x79: {  	v58 =	vsel vm9, $0x1, v20  }
0x7a: {  	(xrf0) =	vadd.scan.msk.s32 $0xffff, v58;
	_ =	sdelay $0x2  }
0x7b: {  	vm10 =	veq.s32 v36, v34;
	vm4 =	vne.s32 v1, v19  }
0x7c: {  	vm4 =	vmand vm4, vm10  }
0x7d: {  	v40 =	vmpcnt.ones.xlane vm1;
	v59 =	vsel vm4, $0x1, v20  }
0x7e: {  	(xrf0) =	vadd.scan.msk.s32 $0xffff, v59;
	v60, _, _ =	vpop (xrf0)  }
0x7f: {  	v37 =	vadd.s32 v60, v40  }
0x80: {  	v41 =	vmpcnt.ones.xlane vm8;
	v37 =	vadd.s32 $0xFFFFFFFF, v37  }
0x81: {  	vm1 =	vne.s32 v2, v19;
	vm8 =	veq.s32 v36, v33;
	v37 =	vnsel vm9, $0x0, v37  }
0x82: {  	vm11 =	vmand vm1, vm8;
	v61 =	vshll.u32 v37, $0x3  }
0x83: {  	v46 =	vsel vm11, $0x1, v20;
	v37 =	vand.u32 $0x7F, v37;
	v38 =	vand.u32 $0xFFFFFC00, v61  }
0x84: {  	v42 =	vld [tilespmem:$0x10];
	v62, _, _ =	vpop (xrf0);
	(xrf0) =	vadd.scan.msk.s32 $0xffff, v46;
	v37 =	vor.u32 v37, v38  }
0x85: {  	v63 =	vadd.s32 v62, v41  }
0x86: {  	vm1 =	vne.s32 v3, v19;
	vm8 =	veq.s32 v36, v32;
	v38 =	vadd.s32 $0xFFFFFFFF, v63  }
0x87: {  	vm1 =	vmand vm1, vm8;
	v38 =	vnsel vm4, $0x0, v38  }
0x88: {  	v47 =	vsel vm1, $0x1, v20;
	v43 =	vshll.u32 v38, $0x3  }
0x89: {  	v38 =	vand.u32 $0x7F, v38;
	v39 =	vand.u32 $0xFFFFFC00, v43;
	[tilespmem:v37+s10+$0x0] =	vst.idx.msk vm9, v42;
	v42 =	vmpcnt.ones.xlane vm0  }
0x8a: {  	v48, _, _ =	vpop (xrf0);
	(xrf0) =	vadd.scan.msk.s32 $0xffff, v47;
	v44 =	vor.u32 v39, v38  }
0x8b: {  	v37 =	vor.u32 $0x80, v44;
	v45 =	vld [tilespmem:$0x90];
	v49 =	vadd.s32 v48, v42  }
0x8c: {  	v38 =	vadd.s32 $0xFFFFFFFF, v49  }
0x8d: {  	vm8 =	veq.s32 v36, v31;
	vm0 =	vne.s32 v4, v19;
	v38 =	vnsel vm11, $0x0, v38  }
0x8e: {  	v43 =	vmpcnt.ones.xlane vm2;
	vm2 =	vmand vm0, vm8;
	v50 =	vshll.u32 v38, $0x3  }
0x8f: {  	v44 =	vsel vm2, $0x1, v20;
	v38 =	vand.u32 $0x7F, v38;
	v39 =	vand.u32 $0xFFFFFC00, v50  }
0x90: {  	v51, _, _ =	vpop (xrf0);
	(xrf0) =	vadd.scan.msk.s32 $0xffff, v44;
	[tilespmem:v37+s10+$0x0] =	vst.idx.msk vm4, v45;
	v38 =	vor.u32 v39, v38  }
0x91: {  	v53 =	vadd.s32 v51, v43;
	v37 =	vld [tilespmem:$0x110];
	v52 =	vor.u32 $0x100, v38  }
0x92: {  	v38 =	vadd.s32 $0xFFFFFFFF, v53  }
0x93: {  	vm0 =	vne.s32 v5, v19;
	vm8 =	veq.s32 v36, v30;
	v54 =	vnsel vm1, $0x0, v38  }
0x94: {  	v38 =	vmpcnt.ones.xlane vm3;
	vm3 =	vmand vm0, vm8;
	v45 =	vshll.u32 v54, $0x3  }
0x95: {  	v39 =	vand.u32 $0x7F, v54;
	v46 =	vsel vm3, $0x1, v20;
	v45 =	vand.u32 $0xFFFFFC00, v45  }
0x96: {  	v56, _, _ =	vpop (xrf0);
	(xrf0) =	vadd.scan.msk.s32 $0xffff, v46;
	v55 =	vor.u32 v45, v39;
	[tilespmem:v52+s10+$0x0] =	vst.idx.msk vm11, v37  }
0x97: {  	v57 =	vadd.s32 v56, v38;
	v45 =	vor.u32 $0x180, v55;
	v44 =	vld [tilespmem:$0x190]  }
0x98: {  	v37 =	vadd.s32 $0xFFFFFFFF, v57  }
0x99: {  	vm0 =	vne.s32 v7, v19;
	vm8 =	veq.s32 v36, v29;
	v58 =	vnsel vm2, $0x0, v37  }
0x9a: {  	v37 =	vmpcnt.ones.xlane vm5;
	vm5 =	vmand vm0, vm8;
	v59 =	vshll.u32 v58, $0x3  }
0x9b: {  	v39 =	vand.u32 $0x7F, v58;
	v47 =	vsel vm5, $0x1, v20;
	v46 =	vand.u32 $0xFFFFFC00, v59  }
0x9c: {  	v39 =	vor.u32 v46, v39;
	v60, _, _ =	vpop (xrf0);
	(xrf0) =	vadd.scan.msk.s32 $0xffff, v47;
	[tilespmem:v45+s10+$0x0] =	vst.idx.msk vm1, v44  }
0x9d: {  	v39 =	vor.u32 $0x200, v39;
	v44 =	vadd.s32 v60, v37;
	v45 =	vld [tilespmem:$0x210]  }
0x9e: {  	v44 =	vadd.s32 $0xFFFFFFFF, v44  }
0x9f: {  	vm0 =	vne.s32 v8, v19;
	vm8 =	veq.s32 v36, v28;
	v44 =	vnsel vm3, $0x0, v44  }
0xa0: {  	v36 =	vmpcnt.ones.xlane vm7;
	vm7 =	vmand vm0, vm8;
	v61 =	vshll.u32 v44, $0x3  }
0xa1: {  	v62 =	vsel vm7, $0x1, v20;
	v44 =	vand.u32 $0x7F, v44;
	v46 =	vand.u32 $0xFFFFFC00, v61  }
0xa2: {  	v48, _, _ =	vpop (xrf0);
	(xrf0) =	vadd.scan.msk.s32 $0xffff, v62;
	v63 =	vor.u32 v46, v44;
	[tilespmem:v39+s10+$0x0] =	vst.idx.msk vm2, v45  }
0xa3: {  	v49 =	vadd.s32 v48, v36;
	v46 =	vor.u32 $0x280, v63;
	v45 =	vld [tilespmem:$0x290]  }
0xa4: {  	v39 =	vadd.s32 $0xFFFFFFFF, v49  }
0xa5: {  	v50 =	vnsel vm5, $0x0, v39  }
0xa6: {  	v51 =	vshll.u32 v50, $0x3  }
0xa7: {  	v39 =	vmpcnt.ones.xlane vm6;
	v44 =	vand.u32 $0x7F, v50;
	v47 =	vand.u32 $0xFFFFFC00, v51  }
0xa8: {  	v44 =	vor.u32 v47, v44;
	v52, _, _ =	vpop (xrf0);
	[tilespmem:v46+s10+$0x0] =	vst.idx.msk vm3, v45  }
0xa9: {  	v44 =	vor.u32 $0x300, v44;
	v45 =	vadd.s32 v52, v39;
	v46 =	vld [tilespmem:$0x310]  }
0xaa: {  	v45 =	vadd.s32 $0xFFFFFFFF, v45  }
0xab: {  	v45 =	vnsel vm7, $0x0, v45  }
0xac: {  	v53 =	vshll.u32 v45, $0x3  }
0xad: {  	v45 =	vand.u32 $0x7F, v45;
	v47 =	vand.u32 $0xFFFFFC00, v53  }
0xae: {  	v54 =	vor.u32 v47, v45;
	[tilespmem:v44+s10+$0x0] =	vst.idx.msk vm5, v46  }
0xaf: {  	v44 =	vor.u32 $0x380, v54;
	v55 =	vld [tilespmem:$0x390];
	_ =	sdelay $0x4  }
0xb0: {  	[tilespmem:v44+s10+$0x0] =	vst.idx.msk vm7, v55  }
0xb1: {  	v44 =	vld [tilespmem:$0x820];
	_ =	sdelay $0x4  }
0xb2: {  	vm0 =	vne.s32 v0, v18;
	vm10 =	veq.s32 v44, v35  }
0xb3: {  	vm10 =	vmand vm0, vm10  }
0xb4: {  	v56 =	vsel vm10, $0x1, v20  }
0xb5: {  	(xrf0) =	vadd.scan.msk.s32 $0xffff, v56  }
0xb6: {  	vm6 =	veq.s32 v44, v34;
	vm0 =	vne.s32 v1, v18  }
0xb7: {  	vm8 =	vmand vm0, vm6  }
0xb8: {  	v58 =	vsel vm8, $0x1, v20  }
0xb9: {  	v57 =	vmpcnt.ones.xlane vm9;
	(xrf0) =	vadd.scan.msk.s32 $0xffff, v58;
	_ =	sdelay $0x1  }
0xba: {  	v40 =	vadd.s32 v40, v57;
	v59, _, _ =	vpop (xrf0)  }
0xbb: {  	v45 =	vadd.s32 v59, v40  }
0xbc: {  	vm9 =	veq.s32 v44, v33;
	vm0 =	vne.s32 v2, v18;
	v45 =	vadd.s32 $0xFFFFFFFF, v45  }
0xbd: {  	v60 =	vmpcnt.ones.xlane vm4;
	vm4 =	vmand vm0, vm9;
	v45 =	vnsel vm10, $0x0, v45  }
0xbe: {  	v48 =	vsel vm4, $0x1, v20;
	v63, _, _ =	vpop (xrf0);
	v61 =	vshll.u32 v45, $0x3  }
0xbf: {  	v41 =	vadd.s32 v41, v60;
	(xrf0) =	vadd.scan.msk.s32 $0xffff, v48;
	v45 =	vand.u32 $0x7F, v45;
	v62 =	vand.u32 $0xFFFFFC00, v61  }
0xc0: {  	v51 =	vadd.s32 v63, v41;
	v48 =	vld [tilespmem:$0x20];
	v45 =	vor.u32 v45, v62  }
0xc1: {  	v46 =	vadd.s32 $0xFFFFFFFF, v51  }
0xc2: {  	vm0 =	vne.s32 v3, v18;
	vm9 =	veq.s32 v44, v32;
	v46 =	vnsel vm8, $0x0, v46  }
0xc3: {  	v52 =	vmpcnt.ones.xlane vm11;
	vm0 =	vmand vm0, vm9;
	v49 =	vshll.u32 v46, $0x3  }
0xc4: {  	v50 =	vsel vm0, $0x1, v20;
	v46 =	vand.u32 $0x7F, v46;
	v49 =	vand.u32 $0xFFFFFC00, v49  }
0xc5: {  	v42 =	vadd.s32 v42, v52;
	(xrf0) =	vadd.scan.msk.s32 $0xffff, v50;
	v53 =	vor.u32 v49, v46;
	v54, _, _ =	vpop (xrf0);
	[tilespmem:v45+s10+$0x0] =	vst.idx.msk vm10, v48  }
0xc6: {  	v46 =	vadd.s32 v54, v42;
	v45 =	vor.u32 $0x80, v53;
	v55 =	vld [tilespmem:$0xA0]  }
0xc7: {  	v46 =	vadd.s32 $0xFFFFFFFF, v46  }
0xc8: {  	vm6 =	vne.s32 v4, v18;
	vm9 =	veq.s32 v44, v31;
	v46 =	vnsel vm4, $0x0, v46  }
0xc9: {  	v56 =	vmpcnt.ones.xlane vm1;
	vm1 =	vmand vm6, vm9;
	v57 =	vshll.u32 v46, $0x3  }
0xca: {  	v58 =	vsel vm1, $0x1, v20;
	v46 =	vand.u32 $0x7F, v46;
	v49 =	vand.u32 $0xFFFFFC00, v57  }
0xcb: {  	v43 =	vadd.s32 v43, v56;
	v60, _, _ =	vpop (xrf0);
	(xrf0) =	vadd.scan.msk.s32 $0xffff, v58;
	v59 =	vor.u32 v49, v46;
	[tilespmem:v45+s10+$0x0] =	vst.idx.msk vm8, v55  }
0xcc: {  	v46 =	vadd.s32 v60, v43;
	v45 =	vor.u32 $0x100, v59;
	v47 =	vld [tilespmem:$0x120]  }
0xcd: {  	v46 =	vadd.s32 $0xFFFFFFFF, v46  }
0xce: {  	vm6 =	vne.s32 v5, v18;
	vm9 =	veq.s32 v44, v30;
	v46 =	vnsel vm0, $0x0, v46  }
0xcf: {  	v61 =	vmpcnt.ones.xlane vm2;
	vm2 =	vmand vm6, vm9;
	v62 =	vshll.u32 v46, $0x3  }
0xd0: {  	v63 =	vsel vm2, $0x1, v20;
	v46 =	vand.u32 $0x7F, v46;
	v49 =	vand.u32 $0xFFFFFC00, v62  }
0xd1: {  	v38 =	vadd.s32 v38, v61;
	v51, _, _ =	vpop (xrf0);
	(xrf0) =	vadd.scan.msk.s32 $0xffff, v63;
	v49 =	vor.u32 v49, v46;
	[tilespmem:v45+s10+$0x0] =	vst.idx.msk vm4, v47  }
0xd2: {  	v46 =	vadd.s32 v51, v38;
	v45 =	vor.u32 $0x180, v49;
	v47 =	vld [tilespmem:$0x1A0]  }
0xd3: {  	v46 =	vadd.s32 $0xFFFFFFFF, v46  }
0xd4: {  	vm6 =	vne.s32 v7, v18;
	vm9 =	veq.s32 v44, v29;
	v46 =	vnsel vm1, $0x0, v46  }
0xd5: {  	v52 =	vmpcnt.ones.xlane vm3;
	vm3 =	vmand vm6, vm9;
	v53 =	vshll.u32 v46, $0x3  }
0xd6: {  	v54 =	vsel vm3, $0x1, v20;
	v46 =	vand.u32 $0x7F, v46;
	v49 =	vand.u32 $0xFFFFFC00, v53  }
0xd7: {  	v37 =	vadd.s32 v37, v52;
	v56, _, _ =	vpop (xrf0);
	(xrf0) =	vadd.scan.msk.s32 $0xffff, v54;
	v55 =	vor.u32 v49, v46;
	[tilespmem:v45+s10+$0x0] =	vst.idx.msk vm0, v47  }
0xd8: {  	v46 =	vadd.s32 v56, v37;
	v45 =	vor.u32 $0x200, v55;
	v47 =	vld [tilespmem:$0x220]  }
0xd9: {  	v46 =	vadd.s32 $0xFFFFFFFF, v46  }
0xda: {  	vm6 =	vne.s32 v8, v18;
	vm9 =	veq.s32 v44, v28;
	v46 =	vnsel vm2, $0x0, v46  }
0xdb: {  	vm6 =	vmand vm6, vm9;
	v57 =	vmpcnt.ones.xlane vm5;
	v58 =	vshll.u32 v46, $0x3  }
0xdc: {  	v59 =	vsel vm6, $0x1, v20;
	v46 =	vand.u32 $0x7F, v46;
	v48 =	vand.u32 $0xFFFFFC00, v58  }
0xdd: {  	v36 =	vadd.s32 v36, v57;
	v61, _, _ =	vpop (xrf0);
	(xrf0) =	vadd.scan.msk.s32 $0xffff, v59;
	v60 =	vor.u32 v48, v46;
	[tilespmem:v45+s10+$0x0] =	vst.idx.msk vm1, v47  }
0xde: {  	v44 =	vor.u32 $0x280, v60;
	v45 =	vadd.s32 v61, v36;
	v62 =	vld [tilespmem:$0x2A0]  }
0xdf: {  	v45 =	vadd.s32 $0xFFFFFFFF, v45  }
0xe0: {  	v45 =	vnsel vm3, $0x0, v45  }
0xe1: {  	v63 =	vmpcnt.ones.xlane vm7;
	v52 =	vshll.u32 v45, $0x3  }
0xe2: {  	v45 =	vand.u32 $0x7F, v45;
	v48 =	vand.u32 $0xFFFFFC00, v52  }
0xe3: {  	v39 =	vadd.s32 v39, v63;
	v54, _, _ =	vpop (xrf0);
	v53 =	vor.u32 v48, v45;
	[tilespmem:v44+s10+$0x0] =	vst.idx.msk vm2, v62  }
0xe4: {  	v45 =	vadd.s32 v54, v39;
	v44 =	vor.u32 $0x300, v53;
	v46 =	vld [tilespmem:$0x320]  }
0xe5: {  	v45 =	vadd.s32 $0xFFFFFFFF, v45  }
0xe6: {  	v45 =	vnsel vm6, $0x0, v45  }
0xe7: {  	v55 =	vshll.u32 v45, $0x3  }
0xe8: {  	v45 =	vand.u32 $0x7F, v45;
	v47 =	vand.u32 $0xFFFFFC00, v55  }
0xe9: {  	v56 =	vor.u32 v47, v45;
	[tilespmem:v44+s10+$0x0] =	vst.idx.msk vm3, v46  }
0xea: {  	v44 =	vor.u32 $0x380, v56;
	v57 =	vld [tilespmem:$0x3A0];
	_ =	sdelay $0x4  }
0xeb: {  	[tilespmem:v44+s10+$0x0] =	vst.idx.msk vm6, v57  }
0xec: {  	v44 =	vld [tilespmem:$0x830];
	_ =	sdelay $0x4  }
0xed: {  	vm9 =	vne.s32 v0, v17;
	vm11 =	veq.s32 v44, v35  }
0xee: {  	vm11 =	vmand vm9, vm11  }
0xef: {  	v58 =	vsel vm11, $0x1, v20  }
0xf0: {  	(xrf0) =	vadd.scan.msk.s32 $0xffff, v58;
	_ =	sdelay $0x1  }
0xf1: {  	vm5 =	vne.s32 v1, v17;
	vm9 =	veq.s32 v44, v34  }
0xf2: {  	vm9 =	vmand vm5, vm9  }
0xf3: {  	v59 =	vmpcnt.ones.xlane vm10;
	v60 =	vsel vm9, $0x1, v20  }
0xf4: {  	(xrf0) =	vadd.scan.msk.s32 $0xffff, v60  }
0xf5: {  	v40 =	vadd.s32 v40, v59;
	v61, _, _ =	vpop (xrf0)  }
0xf6: {  	v45 =	vadd.s32 v61, v40  }
0xf7: {  	vm10 =	veq.s32 v44, v33;
	vm5 =	vne.s32 v2, v17;
	v45 =	vadd.s32 $0xFFFFFFFF, v45  }
0xf8: {  	v62 =	vmpcnt.ones.xlane vm8;
	vm5 =	vmand vm5, vm10;
	v45 =	vnsel vm11, $0x0, v45  }
0xf9: {  	v52 =	vsel vm5, $0x1, v20;
	v63 =	vshll.u32 v45, $0x3  }
0xfa: {  	v41 =	vadd.s32 v41, v62;
	v54, _, _ =	vpop (xrf0);
	(xrf0) =	vadd.scan.msk.s32 $0xffff, v52;
	v45 =	vand.u32 $0x7F, v45;
	v53 =	vand.u32 $0xFFFFFC00, v63  }
0xfb: {  	v55 =	vld [tilespmem:$0x30];
	v56 =	vadd.s32 v54, v41;
	v45 =	vor.u32 v45, v53  }
0xfc: {  	v46 =	vadd.s32 $0xFFFFFFFF, v56  }
0xfd: {  	vm7 =	vne.s32 v3, v17;
	vm8 =	veq.s32 v44, v32;
	v46 =	vnsel vm9, $0x0, v46  }
0xfe: {  	v57 =	vmpcnt.ones.xlane vm4;
	vm4 =	vmand vm7, vm8;
	v58 =	vshll.u32 v46, $0x3  }
0xff: {  	v59 =	vsel vm4, $0x1, v20;
	v46 =	vand.u32 $0x7F, v46;
	v49 =	vand.u32 $0xFFFFFC00, v58  }
0x100: {  	v42 =	vadd.s32 v42, v57;
	v60 =	vor.u32 v49, v46;
	v61, _, _ =	vpop (xrf0);
	(xrf0) =	vadd.scan.msk.s32 $0xffff, v59;
	[tilespmem:v45+s10+$0x0] =	vst.idx.msk vm11, v55  }
0x101: {  	v46 =	vadd.s32 v61, v42;
	v45 =	vor.u32 $0x80, v60;
	v62 =	vld [tilespmem:$0xB0]  }
0x102: {  	v46 =	vadd.s32 $0xFFFFFFFF, v46  }
0x103: {  	vm7 =	vne.s32 v4, v17;
	vm8 =	veq.s32 v44, v31;
	v46 =	vnsel vm5, $0x0, v46  }
0x104: {  	v63 =	vmpcnt.ones.xlane vm0;
	vm0 =	vmand vm7, vm8;
	v52 =	vshll.u32 v46, $0x3  }
0x105: {  	v53 =	vsel vm0, $0x1, v20;
	v46 =	vand.u32 $0x7F, v46;
	v49 =	vand.u32 $0xFFFFFC00, v52  }
0x106: {  	v43 =	vadd.s32 v43, v63;
	v54 =	vor.u32 v49, v46;
	v55, _, _ =	vpop (xrf0);
	(xrf0) =	vadd.scan.msk.s32 $0xffff, v53;
	[tilespmem:v45+s10+$0x0] =	vst.idx.msk vm9, v62  }
0x107: {  	v46 =	vadd.s32 v55, v43;
	v45 =	vor.u32 $0x100, v54;
	v47 =	vld [tilespmem:$0x130]  }
0x108: {  	v46 =	vadd.s32 $0xFFFFFFFF, v46  }
0x109: {  	vm7 =	vne.s32 v5, v17;
	vm8 =	veq.s32 v44, v30;
	v46 =	vnsel vm4, $0x0, v46  }
0x10a: {  	v56 =	vmpcnt.ones.xlane vm1;
	vm1 =	vmand vm7, vm8;
	v57 =	vshll.u32 v46, $0x3  }
0x10b: {  	v58 =	vsel vm1, $0x1, v20;
	v46 =	vand.u32 $0x7F, v46;
	v49 =	vand.u32 $0xFFFFFC00, v57  }
0x10c: {  	v38 =	vadd.s32 v38, v56;
	v59 =	vor.u32 v49, v46;
	v60, _, _ =	vpop (xrf0);
	(xrf0) =	vadd.scan.msk.s32 $0xffff, v58;
	[tilespmem:v45+s10+$0x0] =	vst.idx.msk vm5, v47  }
0x10d: {  	v46 =	vadd.s32 v60, v38;
	v45 =	vor.u32 $0x180, v59;
	v47 =	vld [tilespmem:$0x1B0]  }
0x10e: {  	v46 =	vadd.s32 $0xFFFFFFFF, v46  }
0x10f: {  	vm7 =	vne.s32 v7, v17;
	vm8 =	veq.s32 v44, v29;
	v46 =	vnsel vm0, $0x0, v46  }
0x110: {  	v61 =	vmpcnt.ones.xlane vm2;
	vm2 =	vmand vm7, vm8;
	v62 =	vshll.u32 v46, $0x3  }
0x111: {  	v63 =	vsel vm2, $0x1, v20;
	v46 =	vand.u32 $0x7F, v46;
	v49 =	vand.u32 $0xFFFFFC00, v62  }
0x112: {  	v37 =	vadd.s32 v37, v61;
	v52 =	vor.u32 v49, v46;
	v53, _, _ =	vpop (xrf0);
	(xrf0) =	vadd.scan.msk.s32 $0xffff, v63;
	[tilespmem:v45+s10+$0x0] =	vst.idx.msk vm4, v47  }
0x113: {  	v46 =	vadd.s32 v53, v37;
	v45 =	vor.u32 $0x200, v52;
	v47 =	vld [tilespmem:$0x230]  }
0x114: {  	v46 =	vadd.s32 $0xFFFFFFFF, v46  }
0x115: {  	vm7 =	vne.s32 v8, v17;
	vm8 =	veq.s32 v44, v28;
	v46 =	vnsel vm1, $0x0, v46  }
0x116: {  	vm7 =	vmand vm7, vm8;
	v54 =	vmpcnt.ones.xlane vm3;
	v55 =	vshll.u32 v46, $0x3  }
0x117: {  	v56 =	vsel vm7, $0x1, v20;
	v46 =	vand.u32 $0x7F, v46;
	v48 =	vand.u32 $0xFFFFFC00, v55  }
0x118: {  	v36 =	vadd.s32 v36, v54;
	v57 =	vor.u32 v48, v46;
	v58, _, _ =	vpop (xrf0);
	(xrf0) =	vadd.scan.msk.s32 $0xffff, v56;
	[tilespmem:v45+s10+$0x0] =	vst.idx.msk vm0, v47  }
0x119: {  	v44 =	vor.u32 $0x280, v57;
	v45 =	vadd.s32 v58, v36;
	v59 =	vld [tilespmem:$0x2B0]  }
0x11a: {  	v45 =	vadd.s32 $0xFFFFFFFF, v45  }
0x11b: {  	v45 =	vnsel vm2, $0x0, v45  }
0x11c: {  	v60 =	vmpcnt.ones.xlane vm6;
	v61 =	vshll.u32 v45, $0x3  }
0x11d: {  	v45 =	vand.u32 $0x7F, v45;
	v48 =	vand.u32 $0xFFFFFC00, v61  }
0x11e: {  	v39 =	vadd.s32 v39, v60;
	v63, _, _ =	vpop (xrf0);
	v62 =	vor.u32 v48, v45;
	[tilespmem:v44+s10+$0x0] =	vst.idx.msk vm1, v59  }
0x11f: {  	v45 =	vadd.s32 v63, v39;
	v44 =	vor.u32 $0x300, v62;
	v46 =	vld [tilespmem:$0x330]  }
0x120: {  	v45 =	vadd.s32 $0xFFFFFFFF, v45  }
0x121: {  	v45 =	vnsel vm7, $0x0, v45  }
0x122: {  	v48 =	vshll.u32 v45, $0x3  }
0x123: {  	v45 =	vand.u32 $0x7F, v45;
	v47 =	vand.u32 $0xFFFFFC00, v48  }
0x124: {  	v49 =	vor.u32 v47, v45;
	[tilespmem:v44+s10+$0x0] =	vst.idx.msk vm2, v46  }
0x125: {  	v44 =	vor.u32 $0x380, v49;
	v50 =	vld [tilespmem:$0x3B0];
	_ =	sdelay $0x4  }
0x126: {  	[tilespmem:v44+s10+$0x0] =	vst.idx.msk vm7, v50  }
0x127: {  	v44 =	vld [tilespmem:$0x840];
	_ =	sdelay $0x4  }
0x128: {  	vm3 =	vne.s32 v0, v16;
	vm10 =	veq.s32 v44, v35  }
0x129: {  	vm12 =	vmand vm3, vm10  }
0x12a: {  	v51 =	vsel vm12, $0x1, v20  }
0x12b: {  	(xrf0) =	vadd.scan.msk.s32 $0xffff, v51;
	_ =	sdelay $0x1  }
0x12c: {  	vm3 =	vne.s32 v1, v16;
	vm10 =	veq.s32 v44, v34  }
0x12d: {  	vm10 =	vmand vm3, vm10  }
0x12e: {  	v52 =	vmpcnt.ones.xlane vm11;
	v53 =	vsel vm10, $0x1, v20  }
0x12f: {  	(xrf0) =	vadd.scan.msk.s32 $0xffff, v53  }
0x130: {  	v40 =	vadd.s32 v40, v52;
	v54, _, _ =	vpop (xrf0)  }
0x131: {  	v45 =	vadd.s32 v54, v40  }
0x132: {  	vm11 =	veq.s32 v44, v33;
	vm3 =	vne.s32 v2, v16;
	v45 =	vadd.s32 $0xFFFFFFFF, v45  }
0x133: {  	v55 =	vmpcnt.ones.xlane vm9;
	vm6 =	vmand vm3, vm11;
	v45 =	vnsel vm12, $0x0, v45  }
0x134: {  	v57 =	vsel vm6, $0x1, v20;
	v56 =	vshll.u32 v45, $0x3  }
0x135: {  	v41 =	vadd.s32 v41, v55;
	v59, _, _ =	vpop (xrf0);
	(xrf0) =	vadd.scan.msk.s32 $0xffff, v57;
	v45 =	vand.u32 $0x7F, v45;
	v58 =	vand.u32 $0xFFFFFC00, v56  }
0x136: {  	v60 =	vld [tilespmem:$0x40];
	v61 =	vadd.s32 v59, v41;
	v45 =	vor.u32 v45, v58  }
0x137: {  	v46 =	vadd.s32 $0xFFFFFFFF, v61  }
0x138: {  	vm8 =	veq.s32 v44, v32;
	vm3 =	vne.s32 v3, v16;
	v46 =	vnsel vm10, $0x0, v46  }
0x139: {  	v62 =	vmpcnt.ones.xlane vm5;
	vm3 =	vmand vm3, vm8;
	v63 =	vshll.u32 v46, $0x3  }
0x13a: {  	v52 =	vsel vm3, $0x1, v20;
	v46 =	vand.u32 $0x7F, v46;
	v49 =	vand.u32 $0xFFFFFC00, v63  }
0x13b: {  	v42 =	vadd.s32 v42, v62;
	v53 =	vor.u32 v49, v46;
	v54, _, _ =	vpop (xrf0);
	(xrf0) =	vadd.scan.msk.s32 $0xffff, v52;
	[tilespmem:v45+s10+$0x0] =	vst.idx.msk vm12, v60  }
0x13c: {  	v46 =	vadd.s32 v54, v42;
	v45 =	vor.u32 $0x80, v53;
	v55 =	vld [tilespmem:$0xC0]  }
0x13d: {  	v46 =	vadd.s32 $0xFFFFFFFF, v46  }
0x13e: {  	vm5 =	vne.s32 v4, v16;
	vm8 =	veq.s32 v44, v31;
	v46 =	vnsel vm6, $0x0, v46  }
0x13f: {  	v56 =	vmpcnt.ones.xlane vm4;
	vm4 =	vmand vm5, vm8;
	v57 =	vshll.u32 v46, $0x3  }
0x140: {  	v58 =	vsel vm4, $0x1, v20;
	v46 =	vand.u32 $0x7F, v46;
	v49 =	vand.u32 $0xFFFFFC00, v57  }
0x141: {  	v43 =	vadd.s32 v43, v56;
	v59 =	vor.u32 v49, v46;
	v60, _, _ =	vpop (xrf0);
	(xrf0) =	vadd.scan.msk.s32 $0xffff, v58;
	[tilespmem:v45+s10+$0x0] =	vst.idx.msk vm10, v55  }
0x142: {  	v46 =	vadd.s32 v60, v43;
	v45 =	vor.u32 $0x100, v59;
	v47 =	vld [tilespmem:$0x140]  }
0x143: {  	v46 =	vadd.s32 $0xFFFFFFFF, v46  }
0x144: {  	vm5 =	vne.s32 v5, v16;
	vm8 =	veq.s32 v44, v30;
	v46 =	vnsel vm3, $0x0, v46  }
0x145: {  	v61 =	vmpcnt.ones.xlane vm0;
	vm0 =	vmand vm5, vm8;
	v62 =	vshll.u32 v46, $0x3  }
0x146: {  	v63 =	vsel vm0, $0x1, v20;
	v46 =	vand.u32 $0x7F, v46;
	v49 =	vand.u32 $0xFFFFFC00, v62  }
0x147: {  	v38 =	vadd.s32 v38, v61;
	v49 =	vor.u32 v49, v46;
	v51, _, _ =	vpop (xrf0);
	(xrf0) =	vadd.scan.msk.s32 $0xffff, v63;
	[tilespmem:v45+s10+$0x0] =	vst.idx.msk vm6, v47  }
0x148: {  	v46 =	vadd.s32 v51, v38;
	v45 =	vor.u32 $0x180, v49;
	v47 =	vld [tilespmem:$0x1C0]  }
0x149: {  	v46 =	vadd.s32 $0xFFFFFFFF, v46  }
0x14a: {  	vm5 =	vne.s32 v7, v16;
	vm8 =	veq.s32 v44, v29;
	v46 =	vnsel vm4, $0x0, v46  }
0x14b: {  	v52 =	vmpcnt.ones.xlane vm1;
	vm1 =	vmand vm5, vm8;
	v53 =	vshll.u32 v46, $0x3  }
0x14c: {  	v54 =	vsel vm1, $0x1, v20;
	v46 =	vand.u32 $0x7F, v46;
	v49 =	vand.u32 $0xFFFFFC00, v53  }
0x14d: {  	v37 =	vadd.s32 v37, v52;
	v55 =	vor.u32 v49, v46;
	v56, _, _ =	vpop (xrf0);
	(xrf0) =	vadd.scan.msk.s32 $0xffff, v54;
	[tilespmem:v45+s10+$0x0] =	vst.idx.msk vm3, v47  }
0x14e: {  	v46 =	vadd.s32 v56, v37;
	v45 =	vor.u32 $0x200, v55;
	v47 =	vld [tilespmem:$0x240]  }
0x14f: {  	v46 =	vadd.s32 $0xFFFFFFFF, v46  }
0x150: {  	vm5 =	vne.s32 v8, v16;
	vm8 =	veq.s32 v44, v28;
	v46 =	vnsel vm0, $0x0, v46  }
0x151: {  	vm8 =	vmand vm5, vm8;
	v57 =	vmpcnt.ones.xlane vm2;
	v58 =	vshll.u32 v46, $0x3  }
0x152: {  	v59 =	vsel vm8, $0x1, v20;
	v46 =	vand.u32 $0x7F, v46;
	v48 =	vand.u32 $0xFFFFFC00, v58  }
0x153: {  	v36 =	vadd.s32 v36, v57;
	v60 =	vor.u32 v48, v46;
	v61, _, _ =	vpop (xrf0);
	(xrf0) =	vadd.scan.msk.s32 $0xffff, v59;
	[tilespmem:v45+s10+$0x0] =	vst.idx.msk vm4, v47  }
0x154: {  	v44 =	vor.u32 $0x280, v60;
	v45 =	vadd.s32 v61, v36;
	v62 =	vld [tilespmem:$0x2C0]  }
0x155: {  	v45 =	vadd.s32 $0xFFFFFFFF, v45  }
0x156: {  	v45 =	vnsel vm1, $0x0, v45  }
0x157: {  	v63 =	vmpcnt.ones.xlane vm7;
	v52 =	vshll.u32 v45, $0x3  }
0x158: {  	v45 =	vand.u32 $0x7F, v45;
	v48 =	vand.u32 $0xFFFFFC00, v52  }
0x159: {  	v39 =	vadd.s32 v39, v63;
	v54, _, _ =	vpop (xrf0);
	v53 =	vor.u32 v48, v45;
	[tilespmem:v44+s10+$0x0] =	vst.idx.msk vm0, v62  }
0x15a: {  	v45 =	vadd.s32 v54, v39;
	v44 =	vor.u32 $0x300, v53;
	v46 =	vld [tilespmem:$0x340]  }
0x15b: {  	v45 =	vadd.s32 $0xFFFFFFFF, v45  }
0x15c: {  	v45 =	vnsel vm8, $0x0, v45  }
0x15d: {  	v55 =	vshll.u32 v45, $0x3  }
0x15e: {  	v45 =	vand.u32 $0x7F, v45;
	v47 =	vand.u32 $0xFFFFFC00, v55  }
0x15f: {  	v56 =	vor.u32 v47, v45;
	[tilespmem:v44+s10+$0x0] =	vst.idx.msk vm1, v46  }
0x160: {  	v44 =	vor.u32 $0x380, v56;
	v57 =	vld [tilespmem:$0x3C0];
	_ =	sdelay $0x4  }
0x161: {  	[tilespmem:v44+s10+$0x0] =	vst.idx.msk vm8, v57  }
0x162: {  	v44 =	vld [tilespmem:$0x850];
	_ =	sdelay $0x4  }
0x163: {  	vm9 =	vne.s32 v0, v15;
	vm11 =	veq.s32 v44, v35  }
0x164: {  	vm11 =	vmand vm9, vm11  }
0x165: {  	v58 =	vsel vm11, $0x1, v20  }
0x166: {  	(xrf0) =	vadd.scan.msk.s32 $0xffff, v58;
	_ =	sdelay $0x1  }
0x167: {  	vm2 =	vne.s32 v1, v15;
	vm9 =	veq.s32 v44, v34  }
0x168: {  	vm9 =	vmand vm2, vm9  }
0x169: {  	v59 =	vmpcnt.ones.xlane vm12;
	v60 =	vsel vm9, $0x1, v20  }
0x16a: {  	(xrf0) =	vadd.scan.msk.s32 $0xffff, v60  }
0x16b: {  	v40 =	vadd.s32 v40, v59;
	v61, _, _ =	vpop (xrf0)  }
0x16c: {  	v45 =	vadd.s32 v61, v40  }
0x16d: {  	vm5 =	veq.s32 v44, v33;
	vm2 =	vne.s32 v2, v15;
	v45 =	vadd.s32 $0xFFFFFFFF, v45  }
0x16e: {  	v62 =	vmpcnt.ones.xlane vm10;
	vm5 =	vmand vm2, vm5;
	v45 =	vnsel vm11, $0x0, v45  }
0x16f: {  	v52 =	vsel vm5, $0x1, v20;
	v63 =	vshll.u32 v45, $0x3  }
0x170: {  	v41 =	vadd.s32 v41, v62;
	v54, _, _ =	vpop (xrf0);
	(xrf0) =	vadd.scan.msk.s32 $0xffff, v52;
	v45 =	vand.u32 $0x7F, v45;
	v53 =	vand.u32 $0xFFFFFC00, v63  }
0x171: {  	v55 =	vld [tilespmem:$0x50];
	v56 =	vadd.s32 v54, v41;
	v45 =	vor.u32 v45, v53  }
0x172: {  	v46 =	vadd.s32 $0xFFFFFFFF, v56  }
0x173: {  	vm10 =	veq.s32 v44, v32;
	vm2 =	vne.s32 v3, v15;
	v46 =	vnsel vm9, $0x0, v46  }
0x174: {  	v57 =	vmpcnt.ones.xlane vm6;
	vm2 =	vmand vm2, vm10;
	v58 =	vshll.u32 v46, $0x3  }
0x175: {  	v59 =	vsel vm2, $0x1, v20;
	v46 =	vand.u32 $0x7F, v46;
	v49 =	vand.u32 $0xFFFFFC00, v58  }
0x176: {  	v42 =	vadd.s32 v42, v57;
	v60 =	vor.u32 v49, v46;
	v61, _, _ =	vpop (xrf0);
	(xrf0) =	vadd.scan.msk.s32 $0xffff, v59;
	[tilespmem:v45+s10+$0x0] =	vst.idx.msk vm11, v55  }
0x177: {  	v46 =	vadd.s32 v61, v42;
	v45 =	vor.u32 $0x80, v60;
	v62 =	vld [tilespmem:$0xD0]  }
0x178: {  	v46 =	vadd.s32 $0xFFFFFFFF, v46  }
0x179: {  	vm6 =	vne.s32 v4, v15;
	vm10 =	veq.s32 v44, v31;
	v46 =	vnsel vm5, $0x0, v46  }
0x17a: {  	v63 =	vmpcnt.ones.xlane vm3;
	vm3 =	vmand vm6, vm10;
	v52 =	vshll.u32 v46, $0x3  }
0x17b: {  	v53 =	vsel vm3, $0x1, v20;
	v46 =	vand.u32 $0x7F, v46;
	v49 =	vand.u32 $0xFFFFFC00, v52  }
0x17c: {  	v43 =	vadd.s32 v43, v63;
	v54 =	vor.u32 v49, v46;
	v55, _, _ =	vpop (xrf0);
	(xrf0) =	vadd.scan.msk.s32 $0xffff, v53;
	[tilespmem:v45+s10+$0x0] =	vst.idx.msk vm9, v62  }
0x17d: {  	v46 =	vadd.s32 v55, v43;
	v45 =	vor.u32 $0x100, v54;
	v47 =	vld [tilespmem:$0x150]  }
0x17e: {  	v46 =	vadd.s32 $0xFFFFFFFF, v46  }
0x17f: {  	vm6 =	vne.s32 v5, v15;
	vm10 =	veq.s32 v44, v30;
	v46 =	vnsel vm2, $0x0, v46  }
0x180: {  	v56 =	vmpcnt.ones.xlane vm4;
	vm4 =	vmand vm6, vm10;
	v57 =	vshll.u32 v46, $0x3  }
0x181: {  	v58 =	vsel vm4, $0x1, v20;
	v46 =	vand.u32 $0x7F, v46;
	v49 =	vand.u32 $0xFFFFFC00, v57  }
0x182: {  	v38 =	vadd.s32 v38, v56;
	v59 =	vor.u32 v49, v46;
	v60, _, _ =	vpop (xrf0);
	(xrf0) =	vadd.scan.msk.s32 $0xffff, v58;
	[tilespmem:v45+s10+$0x0] =	vst.idx.msk vm5, v47  }
0x183: {  	v46 =	vadd.s32 v60, v38;
	v45 =	vor.u32 $0x180, v59;
	v47 =	vld [tilespmem:$0x1D0]  }
0x184: {  	v46 =	vadd.s32 $0xFFFFFFFF, v46  }
0x185: {  	vm6 =	vne.s32 v7, v15;
	vm10 =	veq.s32 v44, v29;
	v46 =	vnsel vm3, $0x0, v46  }
0x186: {  	v61 =	vmpcnt.ones.xlane vm0;
	vm0 =	vmand vm6, vm10;
	v62 =	vshll.u32 v46, $0x3  }
0x187: {  	v63 =	vsel vm0, $0x1, v20;
	v46 =	vand.u32 $0x7F, v46;
	v49 =	vand.u32 $0xFFFFFC00, v62  }
0x188: {  	v37 =	vadd.s32 v37, v61;
	v52 =	vor.u32 v49, v46;
	v53, _, _ =	vpop (xrf0);
	(xrf0) =	vadd.scan.msk.s32 $0xffff, v63;
	[tilespmem:v45+s10+$0x0] =	vst.idx.msk vm2, v47  }
0x189: {  	v46 =	vadd.s32 v53, v37;
	v45 =	vor.u32 $0x200, v52;
	v47 =	vld [tilespmem:$0x250]  }
0x18a: {  	v46 =	vadd.s32 $0xFFFFFFFF, v46  }
0x18b: {  	vm6 =	vne.s32 v8, v15;
	vm10 =	veq.s32 v44, v28;
	v46 =	vnsel vm4, $0x0, v46  }
0x18c: {  	vm7 =	vmand vm6, vm10;
	v54 =	vmpcnt.ones.xlane vm1;
	v55 =	vshll.u32 v46, $0x3  }
0x18d: {  	v56 =	vsel vm7, $0x1, v20;
	v46 =	vand.u32 $0x7F, v46;
	v48 =	vand.u32 $0xFFFFFC00, v55  }
0x18e: {  	v36 =	vadd.s32 v36, v54;
	v57 =	vor.u32 v48, v46;
	v58, _, _ =	vpop (xrf0);
	(xrf0) =	vadd.scan.msk.s32 $0xffff, v56;
	[tilespmem:v45+s10+$0x0] =	vst.idx.msk vm3, v47  }
0x18f: {  	v44 =	vor.u32 $0x280, v57;
	v45 =	vadd.s32 v58, v36;
	v59 =	vld [tilespmem:$0x2D0]  }
0x190: {  	v45 =	vadd.s32 $0xFFFFFFFF, v45  }
0x191: {  	v45 =	vnsel vm0, $0x0, v45  }
0x192: {  	v60 =	vmpcnt.ones.xlane vm8;
	v61 =	vshll.u32 v45, $0x3  }
0x193: {  	v45 =	vand.u32 $0x7F, v45;
	v48 =	vand.u32 $0xFFFFFC00, v61  }
0x194: {  	v39 =	vadd.s32 v39, v60;
	v63, _, _ =	vpop (xrf0);
	v62 =	vor.u32 v48, v45;
	[tilespmem:v44+s10+$0x0] =	vst.idx.msk vm4, v59  }
0x195: {  	v45 =	vadd.s32 v63, v39;
	v44 =	vor.u32 $0x300, v62;
	v46 =	vld [tilespmem:$0x350]  }
0x196: {  	v45 =	vadd.s32 $0xFFFFFFFF, v45  }
0x197: {  	v45 =	vnsel vm7, $0x0, v45  }
0x198: {  	v48 =	vshll.u32 v45, $0x3  }
0x199: {  	v45 =	vand.u32 $0x7F, v45;
	v47 =	vand.u32 $0xFFFFFC00, v48  }
0x19a: {  	v49 =	vor.u32 v47, v45;
	[tilespmem:v44+s10+$0x0] =	vst.idx.msk vm0, v46  }
0x19b: {  	v44 =	vor.u32 $0x380, v49;
	v50 =	vld [tilespmem:$0x3D0];
	_ =	sdelay $0x4  }
0x19c: {  	[tilespmem:v44+s10+$0x0] =	vst.idx.msk vm7, v50  }
0x19d: {  	v44 =	vld [tilespmem:$0x860];
	_ =	sdelay $0x4  }
0x19e: {  	vm1 =	vne.s32 v0, v14;
	vm10 =	veq.s32 v44, v35  }
0x19f: {  	vm12 =	vmand vm1, vm10  }
0x1a0: {  	v51 =	vsel vm12, $0x1, v20  }
0x1a1: {  	(xrf0) =	vadd.scan.msk.s32 $0xffff, v51;
	_ =	sdelay $0x1  }
0x1a2: {  	vm1 =	vne.s32 v1, v14;
	vm10 =	veq.s32 v44, v34  }
0x1a3: {  	vm10 =	vmand vm1, vm10  }
0x1a4: {  	v52 =	vmpcnt.ones.xlane vm11;
	v53 =	vsel vm10, $0x1, v20  }
0x1a5: {  	(xrf0) =	vadd.scan.msk.s32 $0xffff, v53  }
0x1a6: {  	v40 =	vadd.s32 v40, v52;
	v54, _, _ =	vpop (xrf0)  }
0x1a7: {  	v45 =	vadd.s32 v54, v40  }
0x1a8: {  	vm11 =	veq.s32 v44, v33;
	vm1 =	vne.s32 v2, v14;
	v45 =	vadd.s32 $0xFFFFFFFF, v45  }
0x1a9: {  	v55 =	vmpcnt.ones.xlane vm9;
	vm6 =	vmand vm1, vm11;
	v45 =	vnsel vm12, $0x0, v45  }
0x1aa: {  	v57 =	vsel vm6, $0x1, v20;
	v56 =	vshll.u32 v45, $0x3  }
0x1ab: {  	v41 =	vadd.s32 v41, v55;
	v59, _, _ =	vpop (xrf0);
	(xrf0) =	vadd.scan.msk.s32 $0xffff, v57;
	v45 =	vand.u32 $0x7F, v45;
	v58 =	vand.u32 $0xFFFFFC00, v56  }
0x1ac: {  	v60 =	vld [tilespmem:$0x60];
	v61 =	vadd.s32 v59, v41;
	v45 =	vor.u32 v45, v58  }
0x1ad: {  	v46 =	vadd.s32 $0xFFFFFFFF, v61  }
0x1ae: {  	vm8 =	veq.s32 v44, v32;
	vm1 =	vne.s32 v3, v14;
	v46 =	vnsel vm10, $0x0, v46  }
0x1af: {  	v62 =	vmpcnt.ones.xlane vm5;
	vm1 =	vmand vm1, vm8;
	v63 =	vshll.u32 v46, $0x3  }
0x1b0: {  	v52 =	vsel vm1, $0x1, v20;
	v46 =	vand.u32 $0x7F, v46;
	v49 =	vand.u32 $0xFFFFFC00, v63  }
0x1b1: {  	v42 =	vadd.s32 v42, v62;
	v53 =	vor.u32 v49, v46;
	v54, _, _ =	vpop (xrf0);
	(xrf0) =	vadd.scan.msk.s32 $0xffff, v52;
	[tilespmem:v45+s10+$0x0] =	vst.idx.msk vm12, v60  }
0x1b2: {  	v46 =	vadd.s32 v54, v42;
	v45 =	vor.u32 $0x80, v53;
	v55 =	vld [tilespmem:$0xE0]  }
0x1b3: {  	v46 =	vadd.s32 $0xFFFFFFFF, v46  }
0x1b4: {  	vm5 =	vne.s32 v4, v14;
	vm8 =	veq.s32 v44, v31;
	v46 =	vnsel vm6, $0x0, v46  }
0x1b5: {  	v56 =	vmpcnt.ones.xlane vm2;
	vm2 =	vmand vm5, vm8;
	v57 =	vshll.u32 v46, $0x3  }
0x1b6: {  	v58 =	vsel vm2, $0x1, v20;
	v46 =	vand.u32 $0x7F, v46;
	v49 =	vand.u32 $0xFFFFFC00, v57  }
0x1b7: {  	v43 =	vadd.s32 v43, v56;
	v59 =	vor.u32 v49, v46;
	v60, _, _ =	vpop (xrf0);
	(xrf0) =	vadd.scan.msk.s32 $0xffff, v58;
	[tilespmem:v45+s10+$0x0] =	vst.idx.msk vm10, v55  }
0x1b8: {  	v46 =	vadd.s32 v60, v43;
	v45 =	vor.u32 $0x100, v59;
	v47 =	vld [tilespmem:$0x160]  }
0x1b9: {  	v46 =	vadd.s32 $0xFFFFFFFF, v46  }
0x1ba: {  	vm5 =	vne.s32 v5, v14;
	vm8 =	veq.s32 v44, v30;
	v46 =	vnsel vm1, $0x0, v46  }
0x1bb: {  	v61 =	vmpcnt.ones.xlane vm3;
	vm3 =	vmand vm5, vm8;
	v62 =	vshll.u32 v46, $0x3  }
0x1bc: {  	v63 =	vsel vm3, $0x1, v20;
	v46 =	vand.u32 $0x7F, v46;
	v49 =	vand.u32 $0xFFFFFC00, v62  }
0x1bd: {  	v38 =	vadd.s32 v38, v61;
	v49 =	vor.u32 v49, v46;
	v51, _, _ =	vpop (xrf0);
	(xrf0) =	vadd.scan.msk.s32 $0xffff, v63;
	[tilespmem:v45+s10+$0x0] =	vst.idx.msk vm6, v47  }
0x1be: {  	v46 =	vadd.s32 v51, v38;
	v45 =	vor.u32 $0x180, v49;
	v47 =	vld [tilespmem:$0x1E0]  }
0x1bf: {  	v46 =	vadd.s32 $0xFFFFFFFF, v46  }
0x1c0: {  	vm5 =	vne.s32 v7, v14;
	vm8 =	veq.s32 v44, v29;
	v46 =	vnsel vm2, $0x0, v46  }
0x1c1: {  	v52 =	vmpcnt.ones.xlane vm4;
	vm4 =	vmand vm5, vm8;
	v53 =	vshll.u32 v46, $0x3  }
0x1c2: {  	v54 =	vsel vm4, $0x1, v20;
	v46 =	vand.u32 $0x7F, v46;
	v49 =	vand.u32 $0xFFFFFC00, v53  }
0x1c3: {  	v37 =	vadd.s32 v37, v52;
	v55 =	vor.u32 v49, v46;
	v56, _, _ =	vpop (xrf0);
	(xrf0) =	vadd.scan.msk.s32 $0xffff, v54;
	[tilespmem:v45+s10+$0x0] =	vst.idx.msk vm1, v47  }
0x1c4: {  	v46 =	vadd.s32 v56, v37;
	v45 =	vor.u32 $0x200, v55;
	v47 =	vld [tilespmem:$0x260]  }
0x1c5: {  	v46 =	vadd.s32 $0xFFFFFFFF, v46  }
0x1c6: {  	vm5 =	vne.s32 v8, v14;
	vm8 =	veq.s32 v44, v28;
	v46 =	vnsel vm3, $0x0, v46  }
0x1c7: {  	vm8 =	vmand vm5, vm8;
	v57 =	vmpcnt.ones.xlane vm0;
	v58 =	vshll.u32 v46, $0x3  }
0x1c8: {  	v59 =	vsel vm8, $0x1, v20;
	v46 =	vand.u32 $0x7F, v46;
	v48 =	vand.u32 $0xFFFFFC00, v58  }
0x1c9: {  	v36 =	vadd.s32 v36, v57;
	v60 =	vor.u32 v48, v46;
	v61, _, _ =	vpop (xrf0);
	(xrf0) =	vadd.scan.msk.s32 $0xffff, v59;
	[tilespmem:v45+s10+$0x0] =	vst.idx.msk vm2, v47  }
0x1ca: {  	v44 =	vor.u32 $0x280, v60;
	v45 =	vadd.s32 v61, v36;
	v62 =	vld [tilespmem:$0x2E0]  }
0x1cb: {  	v45 =	vadd.s32 $0xFFFFFFFF, v45  }
0x1cc: {  	v45 =	vnsel vm4, $0x0, v45  }
0x1cd: {  	v63 =	vmpcnt.ones.xlane vm7;
	v52 =	vshll.u32 v45, $0x3  }
0x1ce: {  	v45 =	vand.u32 $0x7F, v45;
	v48 =	vand.u32 $0xFFFFFC00, v52  }
0x1cf: {  	v39 =	vadd.s32 v39, v63;
	v54, _, _ =	vpop (xrf0);
	v53 =	vor.u32 v48, v45;
	[tilespmem:v44+s10+$0x0] =	vst.idx.msk vm3, v62  }
0x1d0: {  	v45 =	vadd.s32 v54, v39;
	v44 =	vor.u32 $0x300, v53;
	v46 =	vld [tilespmem:$0x360]  }
0x1d1: {  	v45 =	vadd.s32 $0xFFFFFFFF, v45  }
0x1d2: {  	v45 =	vnsel vm8, $0x0, v45  }
0x1d3: {  	v55 =	vshll.u32 v45, $0x3  }
0x1d4: {  	v45 =	vand.u32 $0x7F, v45;
	v47 =	vand.u32 $0xFFFFFC00, v55  }
0x1d5: {  	v56 =	vor.u32 v47, v45;
	[tilespmem:v44+s10+$0x0] =	vst.idx.msk vm4, v46  }
0x1d6: {  	v44 =	vor.u32 $0x380, v56;
	v57 =	vld [tilespmem:$0x3E0];
	_ =	sdelay $0x4  }
0x1d7: {  	[tilespmem:v44+s10+$0x0] =	vst.idx.msk vm8, v57  }
0x1d8: {  	v44 =	vld [tilespmem:$0x870];
	_ =	sdelay $0x4  }
0x1d9: {  	vm9 =	vne.s32 v0, v13;
	vm11 =	veq.s32 v44, v35  }
0x1da: {  	vm11 =	vmand vm9, vm11  }
0x1db: {  	v58 =	vsel vm11, $0x1, v20  }
0x1dc: {  	(xrf0) =	vadd.scan.msk.s32 $0xffff, v58;
	_ =	sdelay $0x1  }
0x1dd: {  	vm0 =	vne.s32 v1, v13;
	vm9 =	veq.s32 v44, v34  }
0x1de: {  	vm9 =	vmand vm0, vm9  }
0x1df: {  	v59 =	vmpcnt.ones.xlane vm12;
	v60 =	vsel vm9, $0x1, v20  }
0x1e0: {  	(xrf0) =	vadd.scan.msk.s32 $0xffff, v60  }
0x1e1: {  	v40 =	vadd.s32 v40, v59;
	v61, _, _ =	vpop (xrf0)  }
0x1e2: {  	v45 =	vadd.s32 v61, v40  }
0x1e3: {  	vm5 =	veq.s32 v44, v33;
	vm0 =	vne.s32 v2, v13;
	v45 =	vadd.s32 $0xFFFFFFFF, v45  }
0x1e4: {  	v62 =	vmpcnt.ones.xlane vm10;
	vm5 =	vmand vm0, vm5;
	v45 =	vnsel vm11, $0x0, v45  }
0x1e5: {  	v52 =	vsel vm5, $0x1, v20;
	v63 =	vshll.u32 v45, $0x3  }
0x1e6: {  	v41 =	vadd.s32 v41, v62;
	v54, _, _ =	vpop (xrf0);
	(xrf0) =	vadd.scan.msk.s32 $0xffff, v52;
	v45 =	vand.u32 $0x7F, v45;
	v53 =	vand.u32 $0xFFFFFC00, v63  }
0x1e7: {  	v55 =	vld [tilespmem:$0x70];
	v56 =	vadd.s32 v54, v41;
	v45 =	vor.u32 v45, v53  }
0x1e8: {  	v46 =	vadd.s32 $0xFFFFFFFF, v56  }
0x1e9: {  	vm10 =	veq.s32 v44, v32;
	vm0 =	vne.s32 v3, v13;
	v46 =	vnsel vm9, $0x0, v46  }
0x1ea: {  	v57 =	vmpcnt.ones.xlane vm6;
	vm0 =	vmand vm0, vm10;
	v58 =	vshll.u32 v46, $0x3  }
0x1eb: {  	v59 =	vsel vm0, $0x1, v20;
	v46 =	vand.u32 $0x7F, v46;
	v49 =	vand.u32 $0xFFFFFC00, v58  }
0x1ec: {  	v42 =	vadd.s32 v42, v57;
	v60 =	vor.u32 v49, v46;
	v61, _, _ =	vpop (xrf0);
	(xrf0) =	vadd.scan.msk.s32 $0xffff, v59;
	[tilespmem:v45+s10+$0x0] =	vst.idx.msk vm11, v55  }
0x1ed: {  	v46 =	vadd.s32 v61, v42;
	v45 =	vor.u32 $0x80, v60;
	v62 =	vld [tilespmem:$0xF0]  }
0x1ee: {  	v46 =	vadd.s32 $0xFFFFFFFF, v46  }
0x1ef: {  	vm6 =	vne.s32 v4, v13;
	vm10 =	veq.s32 v44, v31;
	v46 =	vnsel vm5, $0x0, v46  }
0x1f0: {  	v63 =	vmpcnt.ones.xlane vm1;
	vm1 =	vmand vm6, vm10;
	v52 =	vshll.u32 v46, $0x3  }
0x1f1: {  	v53 =	vsel vm1, $0x1, v20;
	v46 =	vand.u32 $0x7F, v46;
	v49 =	vand.u32 $0xFFFFFC00, v52  }
0x1f2: {  	v43 =	vadd.s32 v43, v63;
	v54 =	vor.u32 v49, v46;
	v55, _, _ =	vpop (xrf0);
	(xrf0) =	vadd.scan.msk.s32 $0xffff, v53;
	[tilespmem:v45+s10+$0x0] =	vst.idx.msk vm9, v62  }
0x1f3: {  	v46 =	vadd.s32 v55, v43;
	v45 =	vor.u32 $0x100, v54;
	v47 =	vld [tilespmem:$0x170]  }
0x1f4: {  	v46 =	vadd.s32 $0xFFFFFFFF, v46  }
0x1f5: {  	vm6 =	vne.s32 v5, v13;
	vm10 =	veq.s32 v44, v30;
	v46 =	vnsel vm0, $0x0, v46  }
0x1f6: {  	v56 =	vmpcnt.ones.xlane vm2;
	vm2 =	vmand vm6, vm10;
	v57 =	vshll.u32 v46, $0x3  }
0x1f7: {  	v58 =	vsel vm2, $0x1, v20;
	v46 =	vand.u32 $0x7F, v46;
	v49 =	vand.u32 $0xFFFFFC00, v57  }
0x1f8: {  	v38 =	vadd.s32 v38, v56;
	v59 =	vor.u32 v49, v46;
	v60, _, _ =	vpop (xrf0);
	(xrf0) =	vadd.scan.msk.s32 $0xffff, v58;
	[tilespmem:v45+s10+$0x0] =	vst.idx.msk vm5, v47  }
0x1f9: {  	v46 =	vadd.s32 v60, v38;
	v45 =	vor.u32 $0x180, v59;
	v47 =	vld [tilespmem:$0x1F0]  }
0x1fa: {  	v46 =	vadd.s32 $0xFFFFFFFF, v46  }
0x1fb: {  	vm6 =	vne.s32 v7, v13;
	vm10 =	veq.s32 v44, v29;
	v46 =	vnsel vm1, $0x0, v46  }
0x1fc: {  	v61 =	vmpcnt.ones.xlane vm3;
	vm3 =	vmand vm6, vm10;
	v62 =	vshll.u32 v46, $0x3  }
0x1fd: {  	v63 =	vsel vm3, $0x1, v20;
	v46 =	vand.u32 $0x7F, v46;
	v49 =	vand.u32 $0xFFFFFC00, v62  }
0x1fe: {  	v37 =	vadd.s32 v37, v61;
	v52 =	vor.u32 v49, v46;
	v53, _, _ =	vpop (xrf0);
	(xrf0) =	vadd.scan.msk.s32 $0xffff, v63;
	[tilespmem:v45+s10+$0x0] =	vst.idx.msk vm0, v47  }
0x1ff: {  	v46 =	vadd.s32 v53, v37;
	v45 =	vor.u32 $0x200, v52;
	v47 =	vld [tilespmem:$0x270]  }
0x200: {  	v46 =	vadd.s32 $0xFFFFFFFF, v46  }
0x201: {  	vm6 =	vne.s32 v8, v13;
	vm10 =	veq.s32 v44, v28;
	v46 =	vnsel vm2, $0x0, v46  }
0x202: {  	vm7 =	vmand vm6, vm10;
	v54 =	vmpcnt.ones.xlane vm4;
	v55 =	vshll.u32 v46, $0x3  }
0x203: {  	v56 =	vsel vm7, $0x1, v20;
	v46 =	vand.u32 $0x7F, v46;
	v48 =	vand.u32 $0xFFFFFC00, v55  }
0x204: {  	v36 =	vadd.s32 v36, v54;
	v57 =	vor.u32 v48, v46;
	v58, _, _ =	vpop (xrf0);
	(xrf0) =	vadd.scan.msk.s32 $0xffff, v56;
	[tilespmem:v45+s10+$0x0] =	vst.idx.msk vm1, v47  }
0x205: {  	v44 =	vor.u32 $0x280, v57;
	v45 =	vadd.s32 v58, v36;
	v59 =	vld [tilespmem:$0x2F0]  }
0x206: {  	v45 =	vadd.s32 $0xFFFFFFFF, v45  }
0x207: {  	v45 =	vnsel vm3, $0x0, v45  }
0x208: {  	v60 =	vmpcnt.ones.xlane vm8;
	v61 =	vshll.u32 v45, $0x3  }
0x209: {  	v45 =	vand.u32 $0x7F, v45;
	v48 =	vand.u32 $0xFFFFFC00, v61  }
0x20a: {  	v39 =	vadd.s32 v39, v60;
	v63, _, _ =	vpop (xrf0);
	v62 =	vor.u32 v48, v45;
	[tilespmem:v44+s10+$0x0] =	vst.idx.msk vm2, v59  }
0x20b: {  	v45 =	vadd.s32 v63, v39;
	v44 =	vor.u32 $0x300, v62;
	v46 =	vld [tilespmem:$0x370]  }
0x20c: {  	v45 =	vadd.s32 $0xFFFFFFFF, v45  }
0x20d: {  	v45 =	vnsel vm7, $0x0, v45  }
0x20e: {  	v48 =	vshll.u32 v45, $0x3  }
0x20f: {  	v45 =	vand.u32 $0x7F, v45;
	v47 =	vand.u32 $0xFFFFFC00, v48  }
0x210: {  	v49 =	vor.u32 v47, v45;
	[tilespmem:v44+s10+$0x0] =	vst.idx.msk vm3, v46  }
0x211: {  	v44 =	vor.u32 $0x380, v49;
	v50 =	vld [tilespmem:$0x3F0];
	_ =	sdelay $0x4  }
0x212: {  	[tilespmem:v44+s10+$0x0] =	vst.idx.msk vm7, v50  }
0x213: {  	v44 =	vld [tilespmem:$0x880];
	_ =	sdelay $0x4  }
0x214: {  	vm4 =	vne.s32 v0, v12;
	vm10 =	veq.s32 v44, v35  }
0x215: {  	vm12 =	vmand vm4, vm10  }
0x216: {  	v51 =	vsel vm12, $0x1, v20  }
0x217: {  	(xrf0) =	vadd.scan.msk.s32 $0xffff, v51;
	_ =	sdelay $0x1  }
0x218: {  	vm4 =	vne.s32 v1, v12;
	vm10 =	veq.s32 v44, v34  }
0x219: {  	vm10 =	vmand vm4, vm10  }
0x21a: {  	v52 =	vmpcnt.ones.xlane vm11;
	v53 =	vsel vm10, $0x1, v20  }
0x21b: {  	(xrf0) =	vadd.scan.msk.s32 $0xffff, v53  }
0x21c: {  	v40 =	vadd.s32 v40, v52;
	v54, _, _ =	vpop (xrf0)  }
0x21d: {  	v45 =	vadd.s32 v54, v40  }
0x21e: {  	vm11 =	veq.s32 v44, v33;
	vm4 =	vne.s32 v2, v12;
	v45 =	vadd.s32 $0xFFFFFFFF, v45  }
0x21f: {  	v55 =	vmpcnt.ones.xlane vm9;
	vm6 =	vmand vm4, vm11;
	v45 =	vnsel vm12, $0x0, v45  }
0x220: {  	v57 =	vsel vm6, $0x1, v20;
	v56 =	vshll.u32 v45, $0x3  }
0x221: {  	v41 =	vadd.s32 v41, v55;
	v59, _, _ =	vpop (xrf0);
	(xrf0) =	vadd.scan.msk.s32 $0xffff, v57;
	v45 =	vand.u32 $0x7F, v45;
	v58 =	vand.u32 $0xFFFFFC00, v56  }
0x222: {  	v60 =	vld [tilespmem:$0x400];
	v61 =	vadd.s32 v59, v41;
	v45 =	vor.u32 v45, v58  }
0x223: {  	v46 =	vadd.s32 $0xFFFFFFFF, v61  }
0x224: {  	vm8 =	veq.s32 v44, v32;
	vm4 =	vne.s32 v3, v12;
	v46 =	vnsel vm10, $0x0, v46  }
0x225: {  	v62 =	vmpcnt.ones.xlane vm5;
	vm4 =	vmand vm4, vm8;
	v63 =	vshll.u32 v46, $0x3  }
0x226: {  	v52 =	vsel vm4, $0x1, v20;
	v46 =	vand.u32 $0x7F, v46;
	v49 =	vand.u32 $0xFFFFFC00, v63  }
0x227: {  	v42 =	vadd.s32 v42, v62;
	v53 =	vor.u32 v49, v46;
	v54, _, _ =	vpop (xrf0);
	(xrf0) =	vadd.scan.msk.s32 $0xffff, v52;
	[tilespmem:v45+s10+$0x0] =	vst.idx.msk vm12, v60  }
0x228: {  	v46 =	vadd.s32 v54, v42;
	v45 =	vor.u32 $0x80, v53;
	v55 =	vld [tilespmem:$0x480]  }
0x229: {  	v46 =	vadd.s32 $0xFFFFFFFF, v46  }
0x22a: {  	vm5 =	vne.s32 v4, v12;
	vm8 =	veq.s32 v44, v31;
	v46 =	vnsel vm6, $0x0, v46  }
0x22b: {  	v56 =	vmpcnt.ones.xlane vm0;
	vm0 =	vmand vm5, vm8;
	v57 =	vshll.u32 v46, $0x3  }
0x22c: {  	v58 =	vsel vm0, $0x1, v20;
	v46 =	vand.u32 $0x7F, v46;
	v49 =	vand.u32 $0xFFFFFC00, v57  }
0x22d: {  	v43 =	vadd.s32 v43, v56;
	v59 =	vor.u32 v49, v46;
	v60, _, _ =	vpop (xrf0);
	(xrf0) =	vadd.scan.msk.s32 $0xffff, v58;
	[tilespmem:v45+s10+$0x0] =	vst.idx.msk vm10, v55  }
0x22e: {  	v46 =	vadd.s32 v60, v43;
	v45 =	vor.u32 $0x100, v59;
	v47 =	vld [tilespmem:$0x500]  }
0x22f: {  	v46 =	vadd.s32 $0xFFFFFFFF, v46  }
0x230: {  	vm5 =	vne.s32 v5, v12;
	vm8 =	veq.s32 v44, v30;
	v46 =	vnsel vm4, $0x0, v46  }
0x231: {  	v61 =	vmpcnt.ones.xlane vm1;
	vm1 =	vmand vm5, vm8;
	v62 =	vshll.u32 v46, $0x3  }
0x232: {  	v63 =	vsel vm1, $0x1, v20;
	v46 =	vand.u32 $0x7F, v46;
	v49 =	vand.u32 $0xFFFFFC00, v62  }
0x233: {  	v38 =	vadd.s32 v38, v61;
	v49 =	vor.u32 v49, v46;
	v51, _, _ =	vpop (xrf0);
	(xrf0) =	vadd.scan.msk.s32 $0xffff, v63;
	[tilespmem:v45+s10+$0x0] =	vst.idx.msk vm6, v47  }
0x234: {  	v46 =	vadd.s32 v51, v38;
	v45 =	vor.u32 $0x180, v49;
	v47 =	vld [tilespmem:$0x580]  }
0x235: {  	v46 =	vadd.s32 $0xFFFFFFFF, v46  }
0x236: {  	vm5 =	vne.s32 v7, v12;
	vm8 =	veq.s32 v44, v29;
	v46 =	vnsel vm0, $0x0, v46  }
0x237: {  	v52 =	vmpcnt.ones.xlane vm2;
	vm2 =	vmand vm5, vm8;
	v53 =	vshll.u32 v46, $0x3  }
0x238: {  	v54 =	vsel vm2, $0x1, v20;
	v46 =	vand.u32 $0x7F, v46;
	v49 =	vand.u32 $0xFFFFFC00, v53  }
0x239: {  	v37 =	vadd.s32 v37, v52;
	v55 =	vor.u32 v49, v46;
	v56, _, _ =	vpop (xrf0);
	(xrf0) =	vadd.scan.msk.s32 $0xffff, v54;
	[tilespmem:v45+s10+$0x0] =	vst.idx.msk vm4, v47  }
0x23a: {  	v46 =	vadd.s32 v56, v37;
	v45 =	vor.u32 $0x200, v55;
	v47 =	vld [tilespmem:$0x600]  }
0x23b: {  	v46 =	vadd.s32 $0xFFFFFFFF, v46  }
0x23c: {  	vm5 =	vne.s32 v8, v12;
	vm8 =	veq.s32 v44, v28;
	v46 =	vnsel vm1, $0x0, v46  }
0x23d: {  	vm8 =	vmand vm5, vm8;
	v57 =	vmpcnt.ones.xlane vm3;
	v58 =	vshll.u32 v46, $0x3  }
0x23e: {  	v59 =	vsel vm8, $0x1, v20;
	v46 =	vand.u32 $0x7F, v46;
	v48 =	vand.u32 $0xFFFFFC00, v58  }
0x23f: {  	v36 =	vadd.s32 v36, v57;
	v60 =	vor.u32 v48, v46;
	v61, _, _ =	vpop (xrf0);
	(xrf0) =	vadd.scan.msk.s32 $0xffff, v59;
	[tilespmem:v45+s10+$0x0] =	vst.idx.msk vm0, v47  }
0x240: {  	v44 =	vor.u32 $0x280, v60;
	v45 =	vadd.s32 v61, v36;
	v62 =	vld [tilespmem:$0x680]  }
0x241: {  	v45 =	vadd.s32 $0xFFFFFFFF, v45  }
0x242: {  	v45 =	vnsel vm2, $0x0, v45  }
0x243: {  	v63 =	vmpcnt.ones.xlane vm7;
	v52 =	vshll.u32 v45, $0x3  }
0x244: {  	v45 =	vand.u32 $0x7F, v45;
	v48 =	vand.u32 $0xFFFFFC00, v52  }
0x245: {  	v39 =	vadd.s32 v39, v63;
	v54, _, _ =	vpop (xrf0);
	v53 =	vor.u32 v48, v45;
	[tilespmem:v44+s10+$0x0] =	vst.idx.msk vm1, v62  }
0x246: {  	v45 =	vadd.s32 v54, v39;
	v44 =	vor.u32 $0x300, v53;
	v46 =	vld [tilespmem:$0x700]  }
0x247: {  	v45 =	vadd.s32 $0xFFFFFFFF, v45  }
0x248: {  	v45 =	vnsel vm8, $0x0, v45  }
0x249: {  	v55 =	vshll.u32 v45, $0x3  }
0x24a: {  	v45 =	vand.u32 $0x7F, v45;
	v47 =	vand.u32 $0xFFFFFC00, v55  }
0x24b: {  	v56 =	vor.u32 v47, v45;
	[tilespmem:v44+s10+$0x0] =	vst.idx.msk vm2, v46  }
0x24c: {  	v44 =	vor.u32 $0x380, v56;
	v57 =	vld [tilespmem:$0x780];
	_ =	sdelay $0x4  }
0x24d: {  	[tilespmem:v44+s10+$0x0] =	vst.idx.msk vm8, v57  }
0x24e: {  	v44 =	vld [tilespmem:$0x890];
	_ =	sdelay $0x4  }
0x24f: {  	vm9 =	vne.s32 v0, v11;
	vm11 =	veq.s32 v44, v35  }
0x250: {  	vm11 =	vmand vm9, vm11  }
0x251: {  	v58 =	vsel vm11, $0x1, v20  }
0x252: {  	(xrf0) =	vadd.scan.msk.s32 $0xffff, v58;
	_ =	sdelay $0x1  }
0x253: {  	vm3 =	vne.s32 v1, v11;
	vm9 =	veq.s32 v44, v34  }
0x254: {  	vm9 =	vmand vm3, vm9  }
0x255: {  	v59 =	vmpcnt.ones.xlane vm12;
	v60 =	vsel vm9, $0x1, v20  }
0x256: {  	(xrf0) =	vadd.scan.msk.s32 $0xffff, v60  }
0x257: {  	v40 =	vadd.s32 v40, v59;
	v61, _, _ =	vpop (xrf0)  }
0x258: {  	v45 =	vadd.s32 v61, v40  }
0x259: {  	vm5 =	veq.s32 v44, v33;
	vm3 =	vne.s32 v2, v11;
	v45 =	vadd.s32 $0xFFFFFFFF, v45  }
0x25a: {  	v62 =	vmpcnt.ones.xlane vm10;
	vm5 =	vmand vm3, vm5;
	v45 =	vnsel vm11, $0x0, v45  }
0x25b: {  	v52 =	vsel vm5, $0x1, v20;
	v63 =	vshll.u32 v45, $0x3  }
0x25c: {  	v41 =	vadd.s32 v41, v62;
	v54, _, _ =	vpop (xrf0);
	(xrf0) =	vadd.scan.msk.s32 $0xffff, v52;
	v45 =	vand.u32 $0x7F, v45;
	v53 =	vand.u32 $0xFFFFFC00, v63  }
0x25d: {  	v55 =	vld [tilespmem:$0x410];
	v56 =	vadd.s32 v54, v41;
	v45 =	vor.u32 v45, v53  }
0x25e: {  	v46 =	vadd.s32 $0xFFFFFFFF, v56  }
0x25f: {  	vm10 =	veq.s32 v44, v32;
	vm3 =	vne.s32 v3, v11;
	v46 =	vnsel vm9, $0x0, v46  }
0x260: {  	v57 =	vmpcnt.ones.xlane vm6;
	vm3 =	vmand vm3, vm10;
	v58 =	vshll.u32 v46, $0x3  }
0x261: {  	v59 =	vsel vm3, $0x1, v20;
	v46 =	vand.u32 $0x7F, v46;
	v49 =	vand.u32 $0xFFFFFC00, v58  }
0x262: {  	v42 =	vadd.s32 v42, v57;
	v60 =	vor.u32 v49, v46;
	v61, _, _ =	vpop (xrf0);
	(xrf0) =	vadd.scan.msk.s32 $0xffff, v59;
	[tilespmem:v45+s10+$0x0] =	vst.idx.msk vm11, v55  }
0x263: {  	v46 =	vadd.s32 v61, v42;
	v45 =	vor.u32 $0x80, v60;
	v62 =	vld [tilespmem:$0x490]  }
0x264: {  	v46 =	vadd.s32 $0xFFFFFFFF, v46  }
0x265: {  	vm6 =	vne.s32 v4, v11;
	vm10 =	veq.s32 v44, v31;
	v46 =	vnsel vm5, $0x0, v46  }
0x266: {  	v63 =	vmpcnt.ones.xlane vm4;
	vm4 =	vmand vm6, vm10;
	v52 =	vshll.u32 v46, $0x3  }
0x267: {  	v53 =	vsel vm4, $0x1, v20;
	v46 =	vand.u32 $0x7F, v46;
	v49 =	vand.u32 $0xFFFFFC00, v52  }
0x268: {  	v43 =	vadd.s32 v43, v63;
	v54 =	vor.u32 v49, v46;
	v55, _, _ =	vpop (xrf0);
	(xrf0) =	vadd.scan.msk.s32 $0xffff, v53;
	[tilespmem:v45+s10+$0x0] =	vst.idx.msk vm9, v62  }
0x269: {  	v46 =	vadd.s32 v55, v43;
	v45 =	vor.u32 $0x100, v54;
	v47 =	vld [tilespmem:$0x510]  }
0x26a: {  	v46 =	vadd.s32 $0xFFFFFFFF, v46  }
0x26b: {  	vm6 =	vne.s32 v5, v11;
	vm10 =	veq.s32 v44, v30;
	v46 =	vnsel vm3, $0x0, v46  }
0x26c: {  	v56 =	vmpcnt.ones.xlane vm0;
	vm0 =	vmand vm6, vm10;
	v57 =	vshll.u32 v46, $0x3  }
0x26d: {  	v58 =	vsel vm0, $0x1, v20;
	v46 =	vand.u32 $0x7F, v46;
	v49 =	vand.u32 $0xFFFFFC00, v57  }
0x26e: {  	v38 =	vadd.s32 v38, v56;
	v59 =	vor.u32 v49, v46;
	v60, _, _ =	vpop (xrf0);
	(xrf0) =	vadd.scan.msk.s32 $0xffff, v58;
	[tilespmem:v45+s10+$0x0] =	vst.idx.msk vm5, v47  }
0x26f: {  	v46 =	vadd.s32 v60, v38;
	v45 =	vor.u32 $0x180, v59;
	v47 =	vld [tilespmem:$0x590]  }
0x270: {  	v46 =	vadd.s32 $0xFFFFFFFF, v46  }
0x271: {  	vm6 =	vne.s32 v7, v11;
	vm10 =	veq.s32 v44, v29;
	v46 =	vnsel vm4, $0x0, v46  }
0x272: {  	v61 =	vmpcnt.ones.xlane vm1;
	vm1 =	vmand vm6, vm10;
	v62 =	vshll.u32 v46, $0x3  }
0x273: {  	v63 =	vsel vm1, $0x1, v20;
	v46 =	vand.u32 $0x7F, v46;
	v49 =	vand.u32 $0xFFFFFC00, v62  }
0x274: {  	v37 =	vadd.s32 v37, v61;
	v52 =	vor.u32 v49, v46;
	v53, _, _ =	vpop (xrf0);
	(xrf0) =	vadd.scan.msk.s32 $0xffff, v63;
	[tilespmem:v45+s10+$0x0] =	vst.idx.msk vm3, v47  }
0x275: {  	v46 =	vadd.s32 v53, v37;
	v45 =	vor.u32 $0x200, v52;
	v47 =	vld [tilespmem:$0x610]  }
0x276: {  	v46 =	vadd.s32 $0xFFFFFFFF, v46  }
0x277: {  	vm6 =	vne.s32 v8, v11;
	vm10 =	veq.s32 v44, v28;
	v46 =	vnsel vm0, $0x0, v46  }
0x278: {  	vm7 =	vmand vm6, vm10;
	v54 =	vmpcnt.ones.xlane vm2;
	v55 =	vshll.u32 v46, $0x3  }
0x279: {  	v56 =	vsel vm7, $0x1, v20;
	v46 =	vand.u32 $0x7F, v46;
	v48 =	vand.u32 $0xFFFFFC00, v55  }
0x27a: {  	v36 =	vadd.s32 v36, v54;
	v57 =	vor.u32 v48, v46;
	v58, _, _ =	vpop (xrf0);
	(xrf0) =	vadd.scan.msk.s32 $0xffff, v56;
	[tilespmem:v45+s10+$0x0] =	vst.idx.msk vm4, v47  }
0x27b: {  	v44 =	vor.u32 $0x280, v57;
	v45 =	vadd.s32 v58, v36;
	v59 =	vld [tilespmem:$0x690]  }
0x27c: {  	v45 =	vadd.s32 $0xFFFFFFFF, v45  }
0x27d: {  	v45 =	vnsel vm1, $0x0, v45  }
0x27e: {  	v60 =	vmpcnt.ones.xlane vm8;
	v61 =	vshll.u32 v45, $0x3  }
0x27f: {  	v45 =	vand.u32 $0x7F, v45;
	v48 =	vand.u32 $0xFFFFFC00, v61  }
0x280: {  	v39 =	vadd.s32 v39, v60;
	v63, _, _ =	vpop (xrf0);
	v62 =	vor.u32 v48, v45;
	[tilespmem:v44+s10+$0x0] =	vst.idx.msk vm0, v59  }
0x281: {  	v45 =	vadd.s32 v63, v39;
	v44 =	vor.u32 $0x300, v62;
	v46 =	vld [tilespmem:$0x710]  }
0x282: {  	v45 =	vadd.s32 $0xFFFFFFFF, v45  }
0x283: {  	v45 =	vnsel vm7, $0x0, v45  }
0x284: {  	v48 =	vshll.u32 v45, $0x3  }
0x285: {  	v45 =	vand.u32 $0x7F, v45;
	v47 =	vand.u32 $0xFFFFFC00, v48  }
0x286: {  	v49 =	vor.u32 v47, v45;
	[tilespmem:v44+s10+$0x0] =	vst.idx.msk vm1, v46  }
0x287: {  	v44 =	vor.u32 $0x380, v49;
	v50 =	vld [tilespmem:$0x790];
	_ =	sdelay $0x4  }
0x288: {  	[tilespmem:v44+s10+$0x0] =	vst.idx.msk vm7, v50  }
0x289: {  	v44 =	vld [tilespmem:$0x8A0];
	_ =	sdelay $0x4  }
0x28a: {  	vm2 =	vne.s32 v0, v10;
	vm10 =	veq.s32 v44, v35  }
0x28b: {  	vm10 =	vmand vm2, vm10  }
0x28c: {  	v51 =	vsel vm10, $0x1, v20  }
0x28d: {  	(xrf0) =	vadd.scan.msk.s32 $0xffff, v51;
	_ =	sdelay $0x1  }
0x28e: {  	vm6 =	veq.s32 v44, v34;
	vm2 =	vne.s32 v1, v10  }
0x28f: {  	vm8 =	vmand vm2, vm6  }
0x290: {  	v52 =	vmpcnt.ones.xlane vm11;
	v53 =	vsel vm8, $0x1, v20  }
0x291: {  	(xrf0) =	vadd.scan.msk.s32 $0xffff, v53  }
0x292: {  	v40 =	vadd.s32 v40, v52;
	v54, _, _ =	vpop (xrf0)  }
0x293: {  	v45 =	vadd.s32 v54, v40  }
0x294: {  	vm11 =	veq.s32 v44, v33;
	vm2 =	vne.s32 v2, v10;
	v45 =	vadd.s32 $0xFFFFFFFF, v45  }
0x295: {  	v55 =	vmpcnt.ones.xlane vm9;
	vm6 =	vmand vm2, vm11;
	v45 =	vnsel vm10, $0x0, v45  }
0x296: {  	v57 =	vsel vm6, $0x1, v20;
	v56 =	vshll.u32 v45, $0x3  }
0x297: {  	v41 =	vadd.s32 v41, v55;
	v59, _, _ =	vpop (xrf0);
	(xrf0) =	vadd.scan.msk.s32 $0xffff, v57;
	v45 =	vand.u32 $0x7F, v45;
	v58 =	vand.u32 $0xFFFFFC00, v56  }
0x298: {  	v60 =	vld [tilespmem:$0x420];
	v61 =	vadd.s32 v59, v41;
	v45 =	vor.u32 v45, v58  }
0x299: {  	v46 =	vadd.s32 $0xFFFFFFFF, v61  }
0x29a: {  	vm9 =	veq.s32 v44, v32;
	vm2 =	vne.s32 v3, v10;
	v46 =	vnsel vm8, $0x0, v46  }
0x29b: {  	v62 =	vmpcnt.ones.xlane vm5;
	vm2 =	vmand vm2, vm9;
	v63 =	vshll.u32 v46, $0x3  }
0x29c: {  	v52 =	vsel vm2, $0x1, v20;
	v46 =	vand.u32 $0x7F, v46;
	v49 =	vand.u32 $0xFFFFFC00, v63  }
0x29d: {  	v42 =	vadd.s32 v42, v62;
	v53 =	vor.u32 v49, v46;
	v54, _, _ =	vpop (xrf0);
	(xrf0) =	vadd.scan.msk.s32 $0xffff, v52;
	[tilespmem:v45+s10+$0x0] =	vst.idx.msk vm10, v60  }
0x29e: {  	v46 =	vadd.s32 v54, v42;
	v45 =	vor.u32 $0x80, v53;
	v55 =	vld [tilespmem:$0x4A0]  }
0x29f: {  	v46 =	vadd.s32 $0xFFFFFFFF, v46  }
0x2a0: {  	vm5 =	vne.s32 v4, v10;
	vm9 =	veq.s32 v44, v31;
	v46 =	vnsel vm6, $0x0, v46  }
0x2a1: {  	v56 =	vmpcnt.ones.xlane vm3;
	vm3 =	vmand vm5, vm9;
	v57 =	vshll.u32 v46, $0x3  }
0x2a2: {  	v58 =	vsel vm3, $0x1, v20;
	v46 =	vand.u32 $0x7F, v46;
	v49 =	vand.u32 $0xFFFFFC00, v57  }
0x2a3: {  	v43 =	vadd.s32 v43, v56;
	v59 =	vor.u32 v49, v46;
	v60, _, _ =	vpop (xrf0);
	(xrf0) =	vadd.scan.msk.s32 $0xffff, v58;
	[tilespmem:v45+s10+$0x0] =	vst.idx.msk vm8, v55  }
0x2a4: {  	v46 =	vadd.s32 v60, v43;
	v45 =	vor.u32 $0x100, v59;
	v47 =	vld [tilespmem:$0x520]  }
0x2a5: {  	v46 =	vadd.s32 $0xFFFFFFFF, v46  }
0x2a6: {  	vm5 =	vne.s32 v5, v10;
	vm9 =	veq.s32 v44, v30;
	v46 =	vnsel vm2, $0x0, v46  }
0x2a7: {  	v61 =	vmpcnt.ones.xlane vm4;
	vm4 =	vmand vm5, vm9;
	v62 =	vshll.u32 v46, $0x3  }
0x2a8: {  	v63 =	vsel vm4, $0x1, v20;
	v46 =	vand.u32 $0x7F, v46;
	v49 =	vand.u32 $0xFFFFFC00, v62  }
0x2a9: {  	v38 =	vadd.s32 v38, v61;
	v49 =	vor.u32 v49, v46;
	v51, _, _ =	vpop (xrf0);
	(xrf0) =	vadd.scan.msk.s32 $0xffff, v63;
	[tilespmem:v45+s10+$0x0] =	vst.idx.msk vm6, v47  }
0x2aa: {  	v46 =	vadd.s32 v51, v38;
	v45 =	vor.u32 $0x180, v49;
	v47 =	vld [tilespmem:$0x5A0]  }
0x2ab: {  	v46 =	vadd.s32 $0xFFFFFFFF, v46  }
0x2ac: {  	vm5 =	vne.s32 v7, v10;
	vm9 =	veq.s32 v44, v29;
	v46 =	vnsel vm3, $0x0, v46  }
0x2ad: {  	v52 =	vmpcnt.ones.xlane vm0;
	vm0 =	vmand vm5, vm9;
	v53 =	vshll.u32 v46, $0x3  }
0x2ae: {  	v54 =	vsel vm0, $0x1, v20;
	v46 =	vand.u32 $0x7F, v46;
	v49 =	vand.u32 $0xFFFFFC00, v53  }
0x2af: {  	v37 =	vadd.s32 v37, v52;
	v55 =	vor.u32 v49, v46;
	v56, _, _ =	vpop (xrf0);
	(xrf0) =	vadd.scan.msk.s32 $0xffff, v54;
	[tilespmem:v45+s10+$0x0] =	vst.idx.msk vm2, v47  }
0x2b0: {  	v46 =	vadd.s32 v56, v37;
	v45 =	vor.u32 $0x200, v55;
	v47 =	vld [tilespmem:$0x620]  }
0x2b1: {  	v46 =	vadd.s32 $0xFFFFFFFF, v46  }
0x2b2: {  	vm5 =	vne.s32 v8, v10;
	vm9 =	veq.s32 v44, v28;
	v46 =	vnsel vm4, $0x0, v46  }
0x2b3: {  	v57 =	vmpcnt.ones.xlane vm1;
	vm1 =	vmand vm5, vm9;
	v58 =	vshll.u32 v46, $0x3  }
0x2b4: {  	v59 =	vsel vm1, $0x1, v20;
	v46 =	vand.u32 $0x7F, v46;
	v48 =	vand.u32 $0xFFFFFC00, v58  }
0x2b5: {  	v36 =	vadd.s32 v36, v57;
	v60 =	vor.u32 v48, v46;
	v61, _, _ =	vpop (xrf0);
	(xrf0) =	vadd.scan.msk.s32 $0xffff, v59;
	[tilespmem:v45+s10+$0x0] =	vst.idx.msk vm3, v47  }
0x2b6: {  	v44 =	vor.u32 $0x280, v60;
	v45 =	vadd.s32 v61, v36;
	v62 =	vld [tilespmem:$0x6A0]  }
0x2b7: {  	v45 =	vadd.s32 $0xFFFFFFFF, v45  }
0x2b8: {  	v45 =	vnsel vm0, $0x0, v45  }
0x2b9: {  	v63 =	vmpcnt.ones.xlane vm7;
	v52 =	vshll.u32 v45, $0x3  }
0x2ba: {  	v45 =	vand.u32 $0x7F, v45;
	v48 =	vand.u32 $0xFFFFFC00, v52  }
0x2bb: {  	v39 =	vadd.s32 v39, v63;
	v54, _, _ =	vpop (xrf0);
	v53 =	vor.u32 v48, v45;
	[tilespmem:v44+s10+$0x0] =	vst.idx.msk vm4, v62  }
0x2bc: {  	v45 =	vadd.s32 v54, v39;
	v44 =	vor.u32 $0x300, v53;
	v46 =	vld [tilespmem:$0x720]  }
0x2bd: {  	v45 =	vadd.s32 $0xFFFFFFFF, v45  }
0x2be: {  	v45 =	vnsel vm1, $0x0, v45  }
0x2bf: {  	v55 =	vshll.u32 v45, $0x3  }
0x2c0: {  	v45 =	vand.u32 $0x7F, v45;
	v47 =	vand.u32 $0xFFFFFC00, v55  }
0x2c1: {  	v56 =	vor.u32 v47, v45;
	[tilespmem:v44+s10+$0x0] =	vst.idx.msk vm0, v46  }
0x2c2: {  	v44 =	vor.u32 $0x380, v56;
	v57 =	vld [tilespmem:$0x7A0];
	_ =	sdelay $0x4  }
0x2c3: {  	[tilespmem:v44+s10+$0x0] =	vst.idx.msk vm1, v57  }
0x2c4: {  	v44 =	vld [tilespmem:$0x8B0];
	_ =	sdelay $0x4  }
0x2c5: {  	vm11 =	vne.s32 v0, v9;
	vm9 =	veq.s32 v44, v35  }
0x2c6: {  	vm9 =	vmand vm11, vm9  }
0x2c7: {  	v58 =	vsel vm9, $0x1, v20  }
0x2c8: {  	(xrf0) =	vadd.scan.msk.s32 $0xffff, v58;
	_ =	sdelay $0x1  }
0x2c9: {  	vm5 =	vne.s32 v1, v9;
	vm11 =	veq.s32 v44, v34  }
0x2ca: {  	vm7 =	vmand vm5, vm11  }
0x2cb: {  	v59 =	vmpcnt.ones.xlane vm10;
	v60 =	vsel vm7, $0x1, v20  }
0x2cc: {  	(xrf0) =	vadd.scan.msk.s32 $0xffff, v60  }
0x2cd: {  	v40 =	vadd.s32 v40, v59;
	v61, _, _ =	vpop (xrf0)  }
0x2ce: {  	v45 =	vadd.s32 v61, v40  }
0x2cf: {  	vm10 =	veq.s32 v44, v33;
	vm5 =	vne.s32 v2, v9;
	v45 =	vadd.s32 $0xFFFFFFFF, v45  }
0x2d0: {  	v62 =	vmpcnt.ones.xlane vm8;
	vm5 =	vmand vm5, vm10;
	v45 =	vnsel vm9, $0x0, v45  }
0x2d1: {  	v52 =	vsel vm5, $0x1, v20;
	v63 =	vshll.u32 v45, $0x3  }
0x2d2: {  	v41 =	vadd.s32 v41, v62;
	v54, _, _ =	vpop (xrf0);
	(xrf0) =	vadd.scan.msk.s32 $0xffff, v52;
	v45 =	vand.u32 $0x7F, v45;
	v53 =	vand.u32 $0xFFFFFC00, v63  }
0x2d3: {  	v55 =	vld [tilespmem:$0x430];
	v56 =	vadd.s32 v54, v41;
	v45 =	vor.u32 v45, v53  }
0x2d4: {  	v46 =	vadd.s32 $0xFFFFFFFF, v56  }
0x2d5: {  	vm8 =	vne.s32 v3, v9;
	vm10 =	veq.s32 v44, v32;
	v46 =	vnsel vm7, $0x0, v46  }
0x2d6: {  	v57 =	vmpcnt.ones.xlane vm6;
	vm6 =	vmand vm8, vm10;
	v58 =	vshll.u32 v46, $0x3  }
0x2d7: {  	v59 =	vsel vm6, $0x1, v20;
	v46 =	vand.u32 $0x7F, v46;
	v49 =	vand.u32 $0xFFFFFC00, v58  }
0x2d8: {  	v42 =	vadd.s32 v42, v57;
	v60 =	vor.u32 v49, v46;
	v61, _, _ =	vpop (xrf0);
	(xrf0) =	vadd.scan.msk.s32 $0xffff, v59;
	[tilespmem:v45+s10+$0x0] =	vst.idx.msk vm9, v55  }
0x2d9: {  	v46 =	vadd.s32 v61, v42;
	v45 =	vor.u32 $0x80, v60;
	v62 =	vld [tilespmem:$0x4B0]  }
0x2da: {  	v46 =	vadd.s32 $0xFFFFFFFF, v46  }
0x2db: {  	vm8 =	vne.s32 v4, v9;
	vm10 =	veq.s32 v44, v31;
	v46 =	vnsel vm5, $0x0, v46  }
0x2dc: {  	v63 =	vmpcnt.ones.xlane vm2;
	vm2 =	vmand vm8, vm10;
	v52 =	vshll.u32 v46, $0x3  }
0x2dd: {  	v53 =	vsel vm2, $0x1, v20;
	v46 =	vand.u32 $0x7F, v46;
	v49 =	vand.u32 $0xFFFFFC00, v52  }
0x2de: {  	v43 =	vadd.s32 v43, v63;
	v54 =	vor.u32 v49, v46;
	v55, _, _ =	vpop (xrf0);
	(xrf0) =	vadd.scan.msk.s32 $0xffff, v53;
	[tilespmem:v45+s10+$0x0] =	vst.idx.msk vm7, v62  }
0x2df: {  	v46 =	vadd.s32 v55, v43;
	v45 =	vor.u32 $0x100, v54;
	v47 =	vld [tilespmem:$0x530]  }
0x2e0: {  	v46 =	vadd.s32 $0xFFFFFFFF, v46  }
0x2e1: {  	vm8 =	vne.s32 v5, v9;
	vm10 =	veq.s32 v44, v30;
	v46 =	vnsel vm6, $0x0, v46  }
0x2e2: {  	v56 =	vmpcnt.ones.xlane vm3;
	vm3 =	vmand vm8, vm10;
	v57 =	vshll.u32 v46, $0x3  }
0x2e3: {  	v58 =	vsel vm3, $0x1, v20;
	v46 =	vand.u32 $0x7F, v46;
	v49 =	vand.u32 $0xFFFFFC00, v57  }
0x2e4: {  	v38 =	vadd.s32 v38, v56;
	v59 =	vor.u32 v49, v46;
	v60, _, _ =	vpop (xrf0);
	(xrf0) =	vadd.scan.msk.s32 $0xffff, v58;
	[tilespmem:v45+s10+$0x0] =	vst.idx.msk vm5, v47  }
0x2e5: {  	v46 =	vadd.s32 v60, v38;
	v45 =	vor.u32 $0x180, v59;
	v47 =	vld [tilespmem:$0x5B0]  }
0x2e6: {  	v46 =	vadd.s32 $0xFFFFFFFF, v46  }
0x2e7: {  	vm8 =	vne.s32 v7, v9;
	vm10 =	veq.s32 v44, v29;
	v46 =	vnsel vm2, $0x0, v46  }
0x2e8: {  	v61 =	vmpcnt.ones.xlane vm4;
	vm4 =	vmand vm8, vm10;
	v62 =	vshll.u32 v46, $0x3  }
0x2e9: {  	v63 =	vsel vm4, $0x1, v20;
	v46 =	vand.u32 $0x7F, v46;
	v49 =	vand.u32 $0xFFFFFC00, v62  }
0x2ea: {  	v37 =	vadd.s32 v37, v61;
	v49 =	vor.u32 v49, v46;
	v51, _, _ =	vpop (xrf0);
	(xrf0) =	vadd.scan.msk.s32 $0xffff, v63;
	[tilespmem:v45+s10+$0x0] =	vst.idx.msk vm6, v47  }
0x2eb: {  	v46 =	vadd.s32 v51, v37;
	v45 =	vor.u32 $0x200, v49;
	v47 =	vld [tilespmem:$0x630]  }
0x2ec: {  	v46 =	vadd.s32 $0xFFFFFFFF, v46  }
0x2ed: {  	vm8 =	vne.s32 v8, v9;
	vm10 =	veq.s32 v44, v28;
	v46 =	vnsel vm3, $0x0, v46  }
0x2ee: {  	vm8 =	vmand vm8, vm10;
	v52 =	vmpcnt.ones.xlane vm0;
	v53 =	vshll.u32 v46, $0x3  }
0x2ef: {  	v54 =	vsel vm8, $0x1, v20;
	v46 =	vand.u32 $0x7F, v46;
	v48 =	vand.u32 $0xFFFFFC00, v53  }
0x2f0: {  	v36 =	vadd.s32 v36, v52;
	v55 =	vor.u32 v48, v46;
	v56, _, _ =	vpop (xrf0);
	(xrf0) =	vadd.scan.msk.s32 $0xffff, v54;
	[tilespmem:v45+s10+$0x0] =	vst.idx.msk vm2, v47  }
0x2f1: {  	v44 =	vor.u32 $0x280, v55;
	v45 =	vadd.s32 v56, v36;
	v57 =	vld [tilespmem:$0x6B0]  }
0x2f2: {  	v45 =	vadd.s32 $0xFFFFFFFF, v45  }
0x2f3: {  	v45 =	vnsel vm4, $0x0, v45  }
0x2f4: {  	v58 =	vmpcnt.ones.xlane vm1;
	v59 =	vshll.u32 v45, $0x3  }
0x2f5: {  	v45 =	vand.u32 $0x7F, v45;
	v48 =	vand.u32 $0xFFFFFC00, v59  }
0x2f6: {  	v39 =	vadd.s32 v39, v58;
	v61, _, _ =	vpop (xrf0);
	v60 =	vor.u32 v48, v45;
	[tilespmem:v44+s10+$0x0] =	vst.idx.msk vm3, v57  }
0x2f7: {  	v45 =	vadd.s32 v61, v39;
	v44 =	vor.u32 $0x300, v60;
	v46 =	vld [tilespmem:$0x730]  }
0x2f8: {  	v45 =	vadd.s32 $0xFFFFFFFF, v45  }
0x2f9: {  	v45 =	vnsel vm8, $0x0, v45  }
0x2fa: {  	v62 =	vshll.u32 v45, $0x3  }
0x2fb: {  	v45 =	vand.u32 $0x7F, v45;
	v47 =	vand.u32 $0xFFFFFC00, v62  }
0x2fc: {  	v63 =	vor.u32 v47, v45;
	[tilespmem:v44+s10+$0x0] =	vst.idx.msk vm4, v46  }
0x2fd: {  	v44 =	vor.u32 $0x380, v63;
	v48 =	vld [tilespmem:$0x7B0];
	_ =	sdelay $0x4  }
0x2fe: {  	[tilespmem:v44+s10+$0x0] =	vst.idx.msk vm8, v48  }
0x2ff: {  	v44 =	vld [tilespmem:$0x8C0];
	_ =	sdelay $0x4  }
0x300: {  	vm11 =	veq.s32 v44, v35  }
0x301: {  	vm11 =	vmand vm15, vm11  }
0x302: {  	v49 =	vsel vm11, $0x1, v20  }
0x303: {  	(xrf0) =	vadd.scan.msk.s32 $0xffff, v49;
	_ =	sdelay $0x1  }
0x304: {  	vm10 =	veq.s32 v44, v34  }
0x305: {  	vm10 =	vmand vm14, vm10  }
0x306: {  	v50 =	vmpcnt.ones.xlane vm9;
	v51 =	vsel vm10, $0x1, v20  }
0x307: {  	(xrf0) =	vadd.scan.msk.s32 $0xffff, v51  }
0x308: {  	v40 =	vadd.s32 v40, v50;
	v52, _, _ =	vpop (xrf0)  }
0x309: {  	v45 =	vadd.s32 v52, v40  }
0x30a: {  	vm9 =	veq.s32 v44, v33;
	v45 =	vadd.s32 $0xFFFFFFFF, v45  }
0x30b: {  	v53 =	vmpcnt.ones.xlane vm7;
	v62 =	vld [tilespmem:$0x1FFF0];
	vm7 =	vmand vm13, vm9;
	v45 =	vnsel vm11, $0x0, v45  }
0x30c: {  	v55 =	vsel vm7, $0x1, v20;
	v54 =	vshll.u32 v45, $0x3  }
0x30d: {  	v41 =	vadd.s32 v41, v53;
	v57, _, _ =	vpop (xrf0);
	(xrf0) =	vadd.scan.msk.s32 $0xffff, v55;
	v45 =	vand.u32 $0x7F, v45;
	v56 =	vand.u32 $0xFFFFFC00, v54  }
0x30e: {  	v58 =	vld [tilespmem:$0x440];
	v59 =	vadd.s32 v57, v41;
	v45 =	vor.u32 v45, v56  }
0x30f: {  	v60 =	vmpcnt.ones.xlane vm5;
	v46 =	vadd.s32 $0xFFFFFFFF, v59  }
0x310: {  	vm5 =	vnez.u8 v62;
	vm9 =	veq.s32 v44, v32;
	v46 =	vnsel vm10, $0x0, v46  }
0x311: {  	vm0 =	vmand vm5, vm9;
	v61 =	vshll.u32 v46, $0x3;
	v56 =	vld [tilespmem:$0x1FFE0]  }
0x312: {  	v63 =	vsel vm0, $0x1, v20;
	v46 =	vand.u32 $0x7F, v46;
	v49 =	vand.u32 $0xFFFFFC00, v61  }
0x313: {  	v42 =	vadd.s32 v42, v60;
	v51 =	vor.u32 v49, v46;
	v52, _, _ =	vpop (xrf0);
	(xrf0) =	vadd.scan.msk.s32 $0xffff, v63;
	[tilespmem:v45+s10+$0x0] =	vst.idx.msk vm11, v58  }
0x314: {  	v46 =	vadd.s32 v52, v42;
	v45 =	vor.u32 $0x80, v51;
	v53 =	vld [tilespmem:$0x4C0]  }
0x315: {  	v46 =	vadd.s32 $0xFFFFFFFF, v46  }
0x316: {  	vm1 =	veq.s32 v44, v31;
	v46 =	vnsel vm7, $0x0, v46;
	vm9 =	vnez.u8 v56  }
0x317: {  	v62 =	vld [tilespmem:$0x1FFD0];
	v54 =	vmpcnt.ones.xlane vm6;
	v55 =	vshll.u32 v46, $0x3;
	vm1 =	vmand vm9, vm1  }
0x318: {  	v46 =	vand.u32 $0x7F, v46;
	v49 =	vand.u32 $0xFFFFFC00, v55;
	v57 =	vsel vm1, $0x1, v20  }
0x319: {  	v43 =	vadd.s32 v43, v54;
	v58 =	vor.u32 v49, v46;
	v59, _, _ =	vpop (xrf0);
	(xrf0) =	vadd.scan.msk.s32 $0xffff, v57;
	[tilespmem:v45+s10+$0x0] =	vst.idx.msk vm10, v53  }
0x31a: {  	v46 =	vadd.s32 v59, v43;
	v45 =	vor.u32 $0x100, v58;
	v47 =	vld [tilespmem:$0x540]  }
0x31b: {  	v46 =	vadd.s32 $0xFFFFFFFF, v46  }
0x31c: {  	vm6 =	vnez.u8 v62;
	vm9 =	veq.s32 v44, v30;
	v46 =	vnsel vm0, $0x0, v46  }
0x31d: {  	v60 =	vmpcnt.ones.xlane vm2;
	v56 =	vld [tilespmem:$0x1FFC0];
	vm2 =	vmand vm6, vm9;
	v61 =	vshll.u32 v46, $0x3  }
0x31e: {  	v63 =	vsel vm2, $0x1, v20;
	v46 =	vand.u32 $0x7F, v46;
	v49 =	vand.u32 $0xFFFFFC00, v61  }
0x31f: {  	v38 =	vadd.s32 v38, v60;
	v52 =	vor.u32 v49, v46;
	v53, _, _ =	vpop (xrf0);
	(xrf0) =	vadd.scan.msk.s32 $0xffff, v63;
	[tilespmem:v45+s10+$0x0] =	vst.idx.msk vm7, v47  }
0x320: {  	v46 =	vadd.s32 v53, v38;
	v45 =	vor.u32 $0x180, v52;
	v47 =	vld [tilespmem:$0x5C0]  }
0x321: {  	v46 =	vadd.s32 $0xFFFFFFFF, v46  }
0x322: {  	vm9 =	veq.s32 v44, v29;
	vm6 =	vnez.u8 v56;
	v46 =	vnsel vm1, $0x0, v46  }
0x323: {  	v62 =	vld [tilespmem:$0x1FFB0];
	v54 =	vmpcnt.ones.xlane vm3;
	vm3 =	vmand vm6, vm9;
	v55 =	vshll.u32 v46, $0x3  }
0x324: {  	v57 =	vsel vm3, $0x1, v20;
	v46 =	vand.u32 $0x7F, v46;
	v49 =	vand.u32 $0xFFFFFC00, v55  }
0x325: {  	v37 =	vadd.s32 v37, v54;
	v58 =	vor.u32 v49, v46;
	v59, _, _ =	vpop (xrf0);
	(xrf0) =	vadd.scan.msk.s32 $0xffff, v57;
	[tilespmem:v45+s10+$0x0] =	vst.idx.msk vm0, v47  }
0x326: {  	v46 =	vadd.s32 v59, v37;
	v45 =	vor.u32 $0x200, v58;
	v47 =	vld [tilespmem:$0x640]  }
0x327: {  	v46 =	vadd.s32 $0xFFFFFFFF, v46  }
0x328: {  	vm5 =	veq.s32 v44, v28;
	vm9 =	vnez.u8 v62;
	v46 =	vnsel vm2, $0x0, v46  }
0x329: {  	v60 =	vmpcnt.ones.xlane vm4;
	vm5 =	vmand vm9, vm5;
	v61 =	vshll.u32 v46, $0x3  }
0x32a: {  	v63 =	vsel vm5, $0x1, v20;
	v46 =	vand.u32 $0x7F, v46;
	v48 =	vand.u32 $0xFFFFFC00, v61  }
0x32b: {  	v36 =	vadd.s32 v36, v60;
	v52 =	vor.u32 v48, v46;
	v53, _, _ =	vpop (xrf0);
	(xrf0) =	vadd.scan.msk.s32 $0xffff, v63;
	[tilespmem:v45+s10+$0x0] =	vst.idx.msk vm1, v47  }
0x32c: {  	v44 =	vor.u32 $0x280, v52;
	v45 =	vadd.s32 v53, v36;
	v54 =	vld [tilespmem:$0x6C0]  }
0x32d: {  	v45 =	vadd.s32 $0xFFFFFFFF, v45  }
0x32e: {  	v45 =	vnsel vm3, $0x0, v45  }
0x32f: {  	v55 =	vmpcnt.ones.xlane vm8;
	v56 =	vshll.u32 v45, $0x3  }
0x330: {  	v45 =	vand.u32 $0x7F, v45;
	v48 =	vand.u32 $0xFFFFFC00, v56  }
0x331: {  	v39 =	vadd.s32 v39, v55;
	v58, _, _ =	vpop (xrf0);
	v57 =	vor.u32 v48, v45;
	[tilespmem:v44+s10+$0x0] =	vst.idx.msk vm2, v54  }
0x332: {  	v45 =	vadd.s32 v58, v39;
	v44 =	vor.u32 $0x300, v57;
	v46 =	vld [tilespmem:$0x740]  }
0x333: {  	v45 =	vadd.s32 $0xFFFFFFFF, v45  }
0x334: {  	v45 =	vnsel vm5, $0x0, v45  }
0x335: {  	v59 =	vshll.u32 v45, $0x3  }
0x336: {  	v45 =	vand.u32 $0x7F, v45;
	v47 =	vand.u32 $0xFFFFFC00, v59  }
0x337: {  	v60 =	vor.u32 v47, v45;
	[tilespmem:v44+s10+$0x0] =	vst.idx.msk vm3, v46  }
0x338: {  	v44 =	vor.u32 $0x380, v60;
	v61 =	vld [tilespmem:$0x7C0];
	_ =	sdelay $0x4  }
0x339: {  	v62 =	vld [tilespmem:$0x1FFA0];
	[tilespmem:v44+s10+$0x0] =	vst.idx.msk vm5, v61  }
0x33a: {  	v45 =	vld [tilespmem:$0x8D0];
	_ =	sdelay $0x4  }
0x33b: {  	vm9 =	vnez.u8 v62;
	v48 =	vld [tilespmem:$0x1FF90];
	vm4 =	veq.s32 v45, v35  }
0x33c: {  	vm12 =	vmand vm9, vm4  }
0x33d: {  	v63 =	vsel vm12, $0x1, v20  }
0x33e: {  	(xrf0) =	vadd.scan.msk.s32 $0xffff, v63;
	_ =	sdelay $0x1  }
0x33f: {  	vm4 =	veq.s32 v45, v34;
	vm9 =	vnez.u8 v48  }
0x340: {  	v53 =	vld [tilespmem:$0x1FF80];
	vm8 =	vmand vm9, vm4  }
0x341: {  	v49 =	vmpcnt.ones.xlane vm11;
	v50 =	vsel vm8, $0x1, v20  }
0x342: {  	(xrf0) =	vadd.scan.msk.s32 $0xffff, v50  }
0x343: {  	v40 =	vadd.s32 v40, v49;
	v51, _, _ =	vpop (xrf0)  }
0x344: {  	v52 =	vmpcnt.ones.xlane vm10;
	v44 =	vadd.s32 v51, v40  }
0x345: {  	vm10 =	vnez.u8 v53;
	vm9 =	veq.s32 v45, v33;
	v44 =	vadd.s32 $0xFFFFFFFF, v44  }
0x346: {  	v62 =	vld [tilespmem:$0x1FF70];
	vm6 =	vmand vm10, vm9;
	v44 =	vnsel vm12, $0x0, v44  }
0x347: {  	v55 =	vsel vm6, $0x1, v20;
	v54 =	vshll.u32 v44, $0x3  }
0x348: {  	v41 =	vadd.s32 v41, v52;
	v57, _, _ =	vpop (xrf0);
	(xrf0) =	vadd.scan.msk.s32 $0xffff, v55;
	v44 =	vand.u32 $0x7F, v44;
	v56 =	vand.u32 $0xFFFFFC00, v54  }
0x349: {  	v58 =	vld [tilespmem:$0x450];
	v59 =	vadd.s32 v57, v41;
	v44 =	vor.u32 v44, v56  }
0x34a: {  	v46 =	vadd.s32 $0xFFFFFFFF, v59  }
0x34b: {  	vm11 =	veq.s32 v45, v32;
	vm9 =	vnez.u8 v62;
	v46 =	vnsel vm8, $0x0, v46  }
0x34c: {  	v60 =	vmpcnt.ones.xlane vm7;
	vm4 =	vmand vm9, vm11;
	v61 =	vshll.u32 v46, $0x3;
	v56 =	vld [tilespmem:$0x1FF60]  }
0x34d: {  	v63 =	vsel vm4, $0x1, v20;
	v46 =	vand.u32 $0x7F, v46;
	v49 =	vand.u32 $0xFFFFFC00, v61  }
0x34e: {  	v42 =	vadd.s32 v42, v60;
	v51 =	vor.u32 v49, v46;
	v52, _, _ =	vpop (xrf0);
	(xrf0) =	vadd.scan.msk.s32 $0xffff, v63;
	[tilespmem:v44+s10+$0x0] =	vst.idx.msk vm12, v58  }
0x34f: {  	v46 =	vadd.s32 v52, v42;
	v44 =	vor.u32 $0x80, v51;
	v53 =	vld [tilespmem:$0x4D0]  }
0x350: {  	v46 =	vadd.s32 $0xFFFFFFFF, v46  }
0x351: {  	vm10 =	veq.s32 v45, v31;
	v46 =	vnsel vm6, $0x0, v46;
	vm11 =	vnez.u8 v56  }
0x352: {  	v62 =	vld [tilespmem:$0x1FF50];
	v54 =	vmpcnt.ones.xlane vm0;
	v55 =	vshll.u32 v46, $0x3;
	vm0 =	vmand vm11, vm10  }
0x353: {  	v46 =	vand.u32 $0x7F, v46;
	v49 =	vand.u32 $0xFFFFFC00, v55;
	v57 =	vsel vm0, $0x1, v20  }
0x354: {  	v43 =	vadd.s32 v43, v54;
	v58 =	vor.u32 v49, v46;
	v59, _, _ =	vpop (xrf0);
	(xrf0) =	vadd.scan.msk.s32 $0xffff, v57;
	[tilespmem:v44+s10+$0x0] =	vst.idx.msk vm8, v53  }
0x355: {  	v46 =	vadd.s32 v59, v43;
	v44 =	vor.u32 $0x100, v58;
	v47 =	vld [tilespmem:$0x550]  }
0x356: {  	v46 =	vadd.s32 $0xFFFFFFFF, v46  }
0x357: {  	vm9 =	veq.s32 v45, v30;
	vm10 =	vnez.u8 v62;
	v46 =	vnsel vm4, $0x0, v46  }
0x358: {  	v60 =	vmpcnt.ones.xlane vm1;
	vm1 =	vmand vm10, vm9;
	v61 =	vshll.u32 v46, $0x3;
	v58 =	vld [tilespmem:$0x1FF40]  }
0x359: {  	v63 =	vsel vm1, $0x1, v20;
	v46 =	vand.u32 $0x7F, v46;
	v49 =	vand.u32 $0xFFFFFC00, v61  }
0x35a: {  	v38 =	vadd.s32 v38, v60;
	v52 =	vor.u32 v49, v46;
	v53, _, _ =	vpop (xrf0);
	(xrf0) =	vadd.scan.msk.s32 $0xffff, v63;
	[tilespmem:v44+s10+$0x0] =	vst.idx.msk vm6, v47  }
0x35b: {  	v54 =	vor.u32 $0x180, v52;
	v55 =	vadd.s32 v53, v38;
	v47 =	vld [tilespmem:$0x5D0]  }
0x35c: {  	v44 =	vadd.s32 $0xFFFFFFFF, v55  }
0x35d: {  	vm11 =	veq.s32 v45, v29;
	vm9 =	vnez.u8 v58;
	v44 =	vnsel vm0, $0x0, v44  }
0x35e: {  	v56 =	vmpcnt.ones.xlane vm2;
	v52 =	vld [tilespmem:$0x1FF30];
	vm2 =	vmand vm9, vm11;
	v57 =	vshll.u32 v44, $0x3  }
0x35f: {  	v51 =	vsel vm2, $0x1, v20;
	v59 =	vand.u32 $0x7F, v44;
	v49 =	vand.u32 $0xFFFFFC00, v57  }
0x360: {  	v44 =	vadd.s32 v37, v56;
	v61, _, _ =	vpop (xrf0);
	(xrf0) =	vadd.scan.msk.s32 $0xffff, v51;
	v60 =	vor.u32 v49, v59;
	[tilespmem:v54+s10+$0x0] =	vst.idx.msk vm4, v47  }
0x361: {  	v46 =	vadd.s32 v61, v44;
	v37 =	vor.u32 $0x200, v60;
	v47 =	vld [tilespmem:$0x650]  }
0x362: {  	v46 =	vadd.s32 $0xFFFFFFFF, v46  }
0x363: {  	vm10 =	veq.s32 v45, v28;
	vm11 =	vnez.u8 v52;
	v46 =	vnsel vm1, $0x0, v46  }
0x364: {  	v62 =	vmpcnt.ones.xlane vm3;
	vm7 =	vmand vm11, vm10;
	v63 =	vshll.u32 v46, $0x3  }
0x365: {  	v53 =	vsel vm7, $0x1, v20;
	v46 =	vand.u32 $0x7F, v46;
	v48 =	vand.u32 $0xFFFFFC00, v63  }
0x366: {  	v36 =	vadd.s32 v36, v62;
	v54 =	vor.u32 v48, v46;
	v55, _, _ =	vpop (xrf0);
	(xrf0) =	vadd.scan.msk.s32 $0xffff, v53;
	[tilespmem:v37+s10+$0x0] =	vst.idx.msk vm0, v47  }
0x367: {  	v45 =	vadd.s32 v55, v36;
	v37 =	vor.u32 $0x280, v54;
	v56 =	vld [tilespmem:$0x6D0]  }
0x368: {  	v45 =	vadd.s32 $0xFFFFFFFF, v45  }
0x369: {  	v45 =	vnsel vm2, $0x0, v45  }
0x36a: {  	v57 =	vmpcnt.ones.xlane vm5;
	v58 =	vshll.u32 v45, $0x3  }
0x36b: {  	v45 =	vand.u32 $0x7F, v45;
	v48 =	vand.u32 $0xFFFFFC00, v58  }
0x36c: {  	v39 =	vadd.s32 v39, v57;
	v59 =	vor.u32 v48, v45;
	v60, _, _ =	vpop (xrf0);
	[tilespmem:v37+s10+$0x0] =	vst.idx.msk vm1, v56  }
0x36d: {  	v45 =	vadd.s32 v60, v39;
	v37 =	vor.u32 $0x300, v59;
	v46 =	vld [tilespmem:$0x750]  }
0x36e: {  	v45 =	vadd.s32 $0xFFFFFFFF, v45  }
0x36f: {  	v45 =	vnsel vm7, $0x0, v45  }
0x370: {  	v61 =	vshll.u32 v45, $0x3  }
0x371: {  	v45 =	vand.u32 $0x7F, v45;
	v47 =	vand.u32 $0xFFFFFC00, v61  }
0x372: {  	v62 =	vor.u32 v47, v45;
	[tilespmem:v37+s10+$0x0] =	vst.idx.msk vm2, v46  }
0x373: {  	v37 =	vor.u32 $0x380, v62;
	v63 =	vld [tilespmem:$0x7D0];
	_ =	sdelay $0x4  }
0x374: {  	v47 =	vld [tilespmem:$0x1FF20];
	[tilespmem:v37+s10+$0x0] =	vst.idx.msk vm7, v63  }
0x375: {  	v45 =	vld [tilespmem:$0x8E0];
	_ =	sdelay $0x4  }
0x376: {  	v49 =	vld [tilespmem:$0x1FF10];
	vm10 =	vnez.u8 v47;
	vm9 =	veq.s32 v45, v35  }
0x377: {  	vm10 =	vmand vm10, vm9  }
0x378: {  	v48 =	vsel vm10, $0x1, v20  }
0x379: {  	(xrf0) =	vadd.scan.msk.s32 $0xffff, v48;
	_ =	sdelay $0x1  }
0x37a: {  	vm11 =	veq.s32 v45, v34;
	vm9 =	vnez.u8 v49  }
0x37b: {  	v55 =	vld [tilespmem:$0x1FF00];
	vm9 =	vmand vm9, vm11  }
0x37c: {  	v50 =	vmpcnt.ones.xlane vm12;
	v51 =	vsel vm9, $0x1, v20  }
0x37d: {  	(xrf0) =	vadd.scan.msk.s32 $0xffff, v51  }
0x37e: {  	v37 =	vadd.s32 v40, v50;
	v52, _, _ =	vpop (xrf0)  }
0x37f: {  	v53 =	vmpcnt.ones.xlane vm8;
	v40 =	vadd.s32 v52, v37  }
0x380: {  	vm8 =	vnez.u8 v55;
	vm11 =	veq.s32 v45, v33;
	v40 =	vadd.s32 $0xFFFFFFFF, v40  }
0x381: {  	v55 =	vld [tilespmem:$0x1FEF0];
	vm5 =	vmand vm8, vm11;
	v54 =	vnsel vm10, $0x0, v40  }
0x382: {  	v57 =	vsel vm5, $0x1, v20;
	v56 =	vshll.u32 v54, $0x3  }
0x383: {  	v60, _, _ =	vpop (xrf0);
	(xrf0) =	vadd.scan.msk.s32 $0xffff, v57;
	v40 =	vadd.s32 v41, v53;
	v58 =	vand.u32 $0x7F, v54;
	v59 =	vand.u32 $0xFFFFFC00, v56  }
0x384: {  	v61 =	vld [tilespmem:$0x460];
	v62 =	vadd.s32 v60, v40;
	v46 =	vor.u32 v58, v59  }
0x385: {  	v41 =	vadd.s32 $0xFFFFFFFF, v62  }
0x386: {  	vm3 =	veq.s32 v45, v32;
	vm11 =	vnez.u8 v55;
	v41 =	vnsel vm9, $0x0, v41  }
0x387: {  	v63 =	vmpcnt.ones.xlane vm6;
	vm3 =	vmand vm11, vm3;
	v54 =	vshll.u32 v41, $0x3  }
0x388: {  	v57 =	vsel vm3, $0x1, v20;
	v56 =	vand.u32 $0x7F, v41;
	v49 =	vand.u32 $0xFFFFFC00, v54  }
0x389: {  	v53 =	vld [tilespmem:$0x1FEE0];
	v41 =	vadd.s32 v42, v63;
	v59, _, _ =	vpop (xrf0);
	(xrf0) =	vadd.scan.msk.s32 $0xffff, v57;
	v58 =	vor.u32 v49, v56;
	[tilespmem:v46+s10+$0x0] =	vst.idx.msk vm10, v61  }
0x38a: {  	v62 =	vadd.s32 v59, v41;
	v61 =	vor.u32 $0x80, v58;
	v60 =	vld [tilespmem:$0x4E0]  }
0x38b: {  	v42 =	vadd.s32 $0xFFFFFFFF, v62  }
0x38c: {  	v42 =	vnsel vm5, $0x0, v42  }
0x38d: {  	vm11 =	veq.s32 v45, v31;
	v63 =	vmpcnt.ones.xlane vm4;
	v52 =	vshll.u32 v42, $0x3  }
0x38e: {  	vm8 =	vnez.u8 v53;
	v54 =	vand.u32 $0x7F, v42;
	v49 =	vand.u32 $0xFFFFFC00, v52  }
0x38f: {  	vm4 =	vmand vm8, vm11;
	v62 =	vld [tilespmem:$0x1FED0];
	v42 =	vadd.s32 v43, v63;
	v56 =	vor.u32 v49, v54;
	v57, _, _ =	vpop (xrf0);
	[tilespmem:v61+s10+$0x0] =	vst.idx.msk vm9, v60  }
0x390: {  	v55 =	vsel vm4, $0x1, v20;
	v58 =	vor.u32 $0x100, v56;
	v59 =	vadd.s32 v57, v42;
	v47 =	vld [tilespmem:$0x560]  }
0x391: {  	(xrf0) =	vadd.scan.msk.s32 $0xffff, v55;
	v43 =	vadd.s32 $0xFFFFFFFF, v59  }
0x392: {  	v43 =	vnsel vm3, $0x0, v43  }
0x393: {  	vm11 =	veq.s32 v45, v30;
	v61 =	vshll.u32 v43, $0x3  }
0x394: {  	vm8 =	vnez.u8 v62;
	v63 =	vand.u32 $0x7F, v43;
	v49 =	vand.u32 $0xFFFFFC00, v61  }
0x395: {  	v60 =	vmpcnt.ones.xlane vm0;
	vm0 =	vmand vm8, vm11;
	v61 =	vld [tilespmem:$0x1FEC0];
	v55 =	vor.u32 v49, v63;
	[tilespmem:v58+s10+$0x0] =	vst.idx.msk vm5, v47  }
0x396: {  	v54 =	vsel vm0, $0x1, v20;
	v57 =	vor.u32 $0x180, v55;
	v47 =	vld [tilespmem:$0x5E0]  }
0x397: {  	v43 =	vadd.s32 v38, v60;
	v56, _, _ =	vpop (xrf0);
	(xrf0) =	vadd.scan.msk.s32 $0xffff, v54  }
0x398: {  	v58 =	vadd.s32 v56, v43  }
0x399: {  	v38 =	vadd.s32 $0xFFFFFFFF, v58  }
0x39a: {  	vm11 =	veq.s32 v45, v29;
	vm8 =	vnez.u8 v61;
	v38 =	vnsel vm4, $0x0, v38  }
0x39b: {  	v59 =	vmpcnt.ones.xlane vm1;
	vm1 =	vmand vm8, vm11;
	v60 =	vshll.u32 v38, $0x3;
	[tilespmem:v57+s10+$0x0] =	vst.idx.msk vm3, v47;
	v57 =	vld [tilespmem:$0x1FEB0]  }
0x39c: {  	v62 =	vand.u32 $0x7F, v38;
	v63 =	vsel vm1, $0x1, v20;
	v49 =	vand.u32 $0xFFFFFC00, v60  }
0x39d: {  	v38 =	vadd.s32 v44, v59;
	v54, _, _ =	vpop (xrf0);
	(xrf0) =	vadd.scan.msk.s32 $0xffff, v63;
	v53 =	vor.u32 v49, v62  }
0x39e: {  	v46 =	vadd.s32 v54, v38;
	v44 =	vor.u32 $0x200, v53;
	v47 =	vld [tilespmem:$0x660]  }
0x39f: {  	v46 =	vadd.s32 $0xFFFFFFFF, v46  }
0x3a0: {  	vm11 =	veq.s32 v45, v28;
	v46 =	vnsel vm0, $0x0, v46;
	vm8 =	vnez.u8 v57  }
0x3a1: {  	v55 =	vmpcnt.ones.xlane vm2;
	v56 =	vshll.u32 v46, $0x3;
	vm2 =	vmand vm8, vm11  }
0x3a2: {  	v46 =	vand.u32 $0x7F, v46;
	v48 =	vand.u32 $0xFFFFFC00, v56;
	v58 =	vsel vm2, $0x1, v20  }
0x3a3: {  	v36 =	vadd.s32 v36, v55;
	v59 =	vor.u32 v48, v46;
	v60, _, _ =	vpop (xrf0);
	[tilespmem:v44+s10+$0x0] =	vst.idx.msk vm4, v47;
	(xrf0) =	vadd.scan.msk.s32 $0xffff, v58  }
0x3a4: {  	v45 =	vadd.s32 v60, v36;
	v44 =	vor.u32 $0x280, v59;
	v61 =	vld [tilespmem:$0x6E0]  }
0x3a5: {  	v45 =	vadd.s32 $0xFFFFFFFF, v45  }
0x3a6: {  	v45 =	vnsel vm1, $0x0, v45  }
0x3a7: {  	v62 =	vmpcnt.ones.xlane vm7;
	v63 =	vshll.u32 v45, $0x3  }
0x3a8: {  	v45 =	vand.u32 $0x7F, v45;
	v48 =	vand.u32 $0xFFFFFC00, v63  }
0x3a9: {  	v39 =	vadd.s32 v39, v62;
	v52 =	vor.u32 v48, v45;
	[tilespmem:v44+s10+$0x0] =	vst.idx.msk vm0, v61;
	v53, _, _ =	vpop (xrf0)  }
0x3aa: {  	v44 =	vor.u32 $0x300, v52;
	v46 =	vld [tilespmem:$0x760];
	v45 =	vadd.s32 v53, v39  }
0x3ab: {  	v45 =	vadd.s32 $0xFFFFFFFF, v45  }
0x3ac: {  	v45 =	vnsel vm2, $0x0, v45  }
0x3ad: {  	v54 =	vshll.u32 v45, $0x3  }
0x3ae: {  	v45 =	vand.u32 $0x7F, v45;
	v47 =	vand.u32 $0xFFFFFC00, v54  }
0x3af: {  	[tilespmem:v44+s10+$0x0] =	vst.idx.msk vm1, v46;
	v55 =	vor.u32 v47, v45  }
0x3b0: {  	v56 =	vld [tilespmem:$0x7E0];
	v44 =	vor.u32 $0x380, v55;
	_ =	sdelay $0x4  }
0x3b1: {  	v57 =	vld [tilespmem:$0x1FEA0];
	[tilespmem:v44+s10+$0x0] =	vst.idx.msk vm2, v56  }
0x3b2: {  	v44 =	vld [tilespmem:$0x8F0];
	_ =	sdelay $0x4  }
0x3b3: {  	v59 =	vld [tilespmem:$0x1FE90];
	vm11 =	vnez.u8 v57;
	vm6 =	veq.s32 v44, v35  }
0x3b4: {  	vm6 =	vmand vm11, vm6  }
0x3b5: {  	v58 =	vsel vm6, $0x1, v20  }
0x3b6: {  	(xrf0) =	vadd.scan.msk.s32 $0xffff, v58;
	_ =	sdelay $0x1  }
0x3b7: {  	vm8 =	vnez.u8 v59;
	vm7 =	veq.s32 v44, v34  }
0x3b8: {  	v48 =	vld [tilespmem:$0x1FE80];
	vm7 =	vmand vm8, vm7  }
0x3b9: {  	v60 =	vmpcnt.ones.xlane vm10;
	v61 =	vsel vm7, $0x1, v20  }
0x3ba: {  	(xrf0) =	vadd.scan.msk.s32 $0xffff, v61  }
0x3bb: {  	v34 =	vadd.s32 v37, v60;
	v62, _, _ =	vpop (xrf0)  }
0x3bc: {  	v63 =	vmpcnt.ones.xlane vm9;
	v35 =	vadd.s32 v62, v34  }
0x3bd: {  	vm9 =	vnez.u8 v48;
	vm8 =	veq.s32 v44, v33;
	v35 =	vadd.s32 $0xFFFFFFFF, v35  }
0x3be: {  	v56 =	vld [tilespmem:$0x1FE70];
	vm8 =	vmand vm9, vm8;
	v35 =	vnsel vm6, $0x0, v35  }
0x3bf: {  	v50 =	vsel vm8, $0x1, v20;
	v49 =	vshll.u32 v35, $0x3  }
0x3c0: {  	v33 =	vadd.s32 v40, v63;
	(xrf0) =	vadd.scan.msk.s32 $0xffff, v50;
	v51, _, _ =	vpop (xrf0);
	v35 =	vand.u32 $0x7F, v35;
	v37 =	vand.u32 $0xFFFFFC00, v49  }
0x3c1: {  	v52 =	vld [tilespmem:$0x470];
	v53 =	vadd.s32 v51, v33;
	v35 =	vor.u32 v35, v37  }
0x3c2: {  	v37 =	vadd.s32 $0xFFFFFFFF, v53  }
0x3c3: {  	vm11 =	vnez.u8 v56;
	vm9 =	veq.s32 v44, v32;
	v37 =	vnsel vm7, $0x0, v37  }
0x3c4: {  	v54 =	vmpcnt.ones.xlane vm5;
	v63 =	vld [tilespmem:$0x1FE60];
	vm5 =	vmand vm11, vm9;
	v55 =	vshll.u32 v37, $0x3  }
0x3c5: {  	v57 =	vsel vm5, $0x1, v20;
	v37 =	vand.u32 $0x7F, v37;
	v40 =	vand.u32 $0xFFFFFC00, v55  }
0x3c6: {  	v32 =	vadd.s32 v41, v54;
	v59, _, _ =	vpop (xrf0);
	(xrf0) =	vadd.scan.msk.s32 $0xffff, v57;
	v58 =	vor.u32 v40, v37;
	[tilespmem:v35+s10+$0x0] =	vst.idx.msk vm6, v52  }
0x3c7: {  	v37 =	vadd.s32 v59, v32;
	v35 =	vor.u32 $0x80, v58;
	v60 =	vld [tilespmem:$0x4F0]  }
0x3c8: {  	v37 =	vadd.s32 $0xFFFFFFFF, v37  }
0x3c9: {  	vm9 =	veq.s32 v44, v31;
	vm10 =	vnez.u8 v63;
	v37 =	vnsel vm8, $0x0, v37  }
0x3ca: {  	v61 =	vmpcnt.ones.xlane vm3;
	vm3 =	vmand vm10, vm9;
	v53 =	vld [tilespmem:$0x1FE50];
	v62 =	vshll.u32 v37, $0x3  }
0x3cb: {  	v48 =	vsel vm3, $0x1, v20;
	v37 =	vand.u32 $0x7F, v37;
	v41 =	vand.u32 $0xFFFFFC00, v62  }
0x3cc: {  	v31 =	vadd.s32 v42, v61;
	v50, _, _ =	vpop (xrf0);
	(xrf0) =	vadd.scan.msk.s32 $0xffff, v48;
	v49 =	vor.u32 v41, v37;
	[tilespmem:v35+s10+$0x0] =	vst.idx.msk vm7, v60  }
0x3cd: {  	v37 =	vadd.s32 v50, v31;
	v35 =	vor.u32 $0x100, v49;
	v40 =	vld [tilespmem:$0x570]  }
0x3ce: {  	v37 =	vadd.s32 $0xFFFFFFFF, v37  }
0x3cf: {  	vm9 =	veq.s32 v44, v30;
	vm11 =	vnez.u8 v53;
	v37 =	vnsel vm5, $0x0, v37  }
0x3d0: {  	v51 =	vmpcnt.ones.xlane vm4;
	v58 =	vld [tilespmem:$0x1FE40];
	vm4 =	vmand vm11, vm9;
	v52 =	vshll.u32 v37, $0x3  }
0x3d1: {  	v54 =	vsel vm4, $0x1, v20;
	v37 =	vand.u32 $0x7F, v37;
	v41 =	vand.u32 $0xFFFFFC00, v52  }
0x3d2: {  	v30 =	vadd.s32 v43, v51;
	v56, _, _ =	vpop (xrf0);
	(xrf0) =	vadd.scan.msk.s32 $0xffff, v54;
	v55 =	vor.u32 v41, v37;
	[tilespmem:v35+s10+$0x0] =	vst.idx.msk vm8, v40  }
0x3d3: {  	v37 =	vadd.s32 v56, v30;
	v35 =	vor.u32 $0x180, v55;
	v40 =	vld [tilespmem:$0x5F0]  }
0x3d4: {  	vm9 =	veq.s32 v44, v29;
	v37 =	vadd.s32 $0xFFFFFFFF, v37  }
0x3d5: {  	v29 =	vmpcnt.ones.xlane vm0;
	vm10 =	vnez.u8 v58;
	v37 =	vnsel vm3, $0x0, v37  }
0x3d6: {  	vm0 =	vmand vm10, vm9;
	vm9 =	veq.s32 v44, v28;
	v44 =	vld [tilespmem:$0x1FE30];
	v57 =	vshll.u32 v37, $0x3  }
0x3d7: {  	v59 =	vsel vm0, $0x1, v20;
	v37 =	vand.u32 $0x7F, v37;
	v41 =	vand.u32 $0xFFFFFC00, v57  }
0x3d8: {  	v29 =	vadd.s32 v38, v29;
	v61, _, _ =	vpop (xrf0);
	(xrf0) =	vadd.scan.msk.s32 $0xffff, v59;
	v60 =	vor.u32 v41, v37;
	[tilespmem:v35+s10+$0x0] =	vst.idx.msk vm5, v40  }
0x3d9: {  	v37 =	vadd.s32 v61, v29;
	v35 =	vor.u32 $0x200, v60;
	v62 =	vld [tilespmem:$0x670]  }
0x3da: {  	v37 =	vadd.s32 $0xFFFFFFFF, v37  }
0x3db: {  	vm11 =	vnez.u8 v44;
	v37 =	vnsel vm4, $0x0, v37  }
0x3dc: {  	v28 =	vmpcnt.ones.xlane vm1;
	vm1 =	vmand vm11, vm9;
	v63 =	vshll.u32 v37, $0x3  }
0x3dd: {  	v45 =	vsel vm1, $0x1, v20;
	v37 =	vand.u32 $0x7F, v37;
	v40 =	vand.u32 $0xFFFFFC00, v63  }
0x3de: {  	v28 =	vadd.s32 v36, v28;
	v46 =	vor.u32 v40, v37;
	v47, _, _ =	vpop (xrf0);
	(xrf0) =	vadd.scan.msk.s32 $0xffff, v45;
	[tilespmem:v35+s10+$0x0] =	vst.idx.msk vm3, v62  }
0x3df: {  	v36 =	vadd.s32 v47, v28;
	v35 =	vor.u32 $0x280, v46;
	v48 =	vld [tilespmem:$0x6F0]  }
0x3e0: {  	v36 =	vadd.s32 $0xFFFFFFFF, v36  }
0x3e1: {  	v36 =	vnsel vm0, $0x0, v36  }
0x3e2: {  	v49 =	vmpcnt.ones.xlane vm2;
	v50 =	vshll.u32 v36, $0x3  }
0x3e3: {  	v36 =	vand.u32 $0x7F, v36;
	v40 =	vand.u32 $0xFFFFFC00, v50  }
0x3e4: {  	v38 =	vadd.s32 v39, v49;
	v51 =	vor.u32 v40, v36;
	v52, _, _ =	vpop (xrf0);
	[tilespmem:v35+s10+$0x0] =	vst.idx.msk vm4, v48  }
0x3e5: {  	v36 =	vadd.s32 v52, v38;
	v35 =	vor.u32 $0x300, v51;
	v37 =	vld [tilespmem:$0x770]  }
0x3e6: {  	v36 =	vadd.s32 $0xFFFFFFFF, v36  }
0x3e7: {  	v36 =	vnsel vm1, $0x0, v36  }
0x3e8: {  	v53 =	vshll.u32 v36, $0x3  }
0x3e9: {  	v36 =	vand.u32 $0x7F, v36;
	v39 =	vand.u32 $0xFFFFFC00, v53  }
0x3ea: {  	v54 =	vor.u32 v39, v36;
	[tilespmem:v35+s10+$0x0] =	vst.idx.msk vm0, v37  }
0x3eb: {  	v35 =	vor.u32 $0x380, v54;
	v55 =	vld [tilespmem:$0x7F0];
	_ =	sdelay $0x2  }
0x3ec: {  	v56 =	vmpcnt.ones.xlane vm6  }
0x3ed: {  	v57 =	vmpcnt.ones.xlane vm7  }
0x3ee: {  	v58 =	vmpcnt.ones.xlane vm8;
	v34 =	vadd.s32 v34, v56;
	[tilespmem:v35+s10+$0x0] =	vst.idx.msk vm1, v55  }
0x3ef: {  	v59 =	vmpcnt.ones.xlane vm5;
	v33 =	vadd.s32 v33, v57;
	[tilespmem:v20+s11+$0x0] =	vst.idx.msk $0x1, v34  }
0x3f0: {  	v32 =	vadd.s32 v32, v58;
	v60 =	vmpcnt.ones.xlane vm3;
	[tilespmem:v22+s11+$0x0] =	vst.idx.msk $0x1, v33  }
0x3f1: {  	v61 =	vmpcnt.ones.xlane vm4;
	v31 =	vadd.s32 v31, v59;
	[tilespmem:v23+s11+$0x0] =	vst.idx.msk $0x1, v32  }
0x3f2: {  	v30 =	vadd.s32 v30, v60;
	v62 =	vmpcnt.ones.xlane vm0;
	[tilespmem:v21+s11+$0x0] =	vst.idx.msk $0x1, v31  }
0x3f3: {  	v29 =	vadd.s32 v29, v61;
	v63 =	vmpcnt.ones.xlane vm1;
	[tilespmem:v24+s11+$0x0] =	vst.idx.msk $0x1, v30  }
0x3f4: {  	v28 =	vadd.s32 v28, v62;
	[tilespmem:v25+s11+$0x0] =	vst.idx.msk $0x1, v29  }
0x3f5: {  	v29 =	vadd.s32 v38, v63;
	[tilespmem:v26+s11+$0x0] =	vst.idx.msk $0x1, v28  }
0x3f6: {  	[tilespmem:v27+s11+$0x0] =	vst.idx.msk $0x1, v29  }
0x3f7: {  	[hbm4b:s5+s3] =	stream.linear.scatter [tilespmem:s10], [sflag:$0x1], $0x800, $0x38;
	[tilespmem:$0x1180] =	vst v63  }
0x3f8: {  	_ =	swait.ge [sflag:s9], $0x800  }
0x3f9: {  	p0 =	sne.s32 s7, $0x1;
	[sflag:s9] =	ssyncset.done $0x0  }
.Ltmp0:
0x3fa: {  	[sflag:s9] =	ssyncadd.s32 $0xFFFFF800;
	(pc) =	sbr.rel @p0 .LBB2_1-.Ltmp0, $4  }
0x3fb: {  	[hbm4b:s6+s3] =	stream.linear.scatter [tilespmem:s11], [sflag:$0x1], $0x8, $0x38;
	[tilespmem:$0x1180] =	vst v63  }
0x3fc: {  	_ =	swait.ge [sflag:s9], $0x8  }
0x3fd: {  	[sflag:s9] =	ssyncset.done $0x0  }
0x3fe: {  	s7 =	sadd.s32 $0xFFFFFFFF, s7;
	[sflag:s9] =	ssyncadd.s32 $0xFFFFFFF8  }
0x3ff: {  	_ =	sfence.sel $0x180000  }
0x400: {  	[bflag:$0x0] =	sbarrier.arrive $0xFFFF  }
0x401: {  	p0 =	sne.s32 s0, $0x0;
	_ =	strace $0x90000047  }
0x402: {  	s0 =	sadd.s32 @!p0 $0x100000, s1;
	[bflag:$0x2] =	sbarrier.arrive $0xFFFF  }
0x403: {  	[sflag:s0] =	ssyncadd.tile.s32 @!p0 $0x1;
	_ =	shalt  }
.Lfunc_end2:
_tile_overlayer_lowered:
.L_overlay_start_2:
0x404: {  	(tag) =	ssettag $0x2  }
0x405: {  	s0 =	rddreg [dreg:$0x0];
	s2 =	stileid.u32  }
0x406: {  	s1 =	rddreg [dreg:$0x1];
	p0 =	sne.s32 s2, $0x0  }
0x407: {  	s3 =	rddreg [dreg:$0x2];
	[bflag:$0x3] =	sbarrier.arrive $0xFFFF;
	s2 =	simm.s32 @!p0 $0x1C01  }
0x408: {  	[timem:s3], [sflag:s2] =	dma.local @!p0 [hbm:s0], s1  }
0x409: {  	s0 =	simm.s32 @!p0 $0x1  }
0x40a: {  	_ =	swait.ge @!p0 [sflag:s0], s1  }
0x40b: {  	s1 =	ssub.s32 @!p0 $0x0, s1;
	[sflag:s0] =	ssyncset.done @!p0 $0x0  }
0x40c: {  	[sflag:s0] =	ssyncadd.s32 @!p0 s1  }
0x40d: {  	[bflag:$0x3] =	sbarrier.arrive $0xFFFF  }
0x40e: {  	_ =	shalt  }

</sc_bundles>
